<compile_context>
chip_gen: v7x
topology: tpu7x:2x2x1
jax: 0.10.2.dev20260603
libtpu: 0.0.44.dev20260713+nightly
codegen_flags: <defaults>
</compile_context>

<pallas_src>
import dataclasses
import functools

import jax
import jax.numpy as jnp
from jax import lax
from jax.experimental import pallas as pl
from jax.experimental.pallas import tpu as pltpu
from jax.experimental.pallas import tpu_sc as plsc

N = 10000
E = 160000
D_IN = 256
H = 512
F = 128
NC = 2
NS = 16
NP = 10240
ROWS_PER_SUB = NP // NS
EP = 163840
CH = 128
NCH_D = EP // (NC * NS) // CH
NB = 10
BSH = 10
BR = 1 << BSH
AR = 1152
PCAP = 112
EPW = EP // (NC * NS)
VEC = 16

_mesh = plsc.VectorSubcoreMesh(
    core_axis_name="c", subcore_axis_name="s", num_cores=NC, num_subcores=NS
)

_cp = pltpu.CompilerParams()
if "needs_layout_passes" in pltpu.CompilerParams.__dataclass_fields__:
    _cp = dataclasses.replace(_cp, needs_layout_passes=False)


@functools.partial(
    pl.kernel,
    out_type=jax.ShapeDtypeStruct((NC, NP, F), jnp.float32),
    mesh=_mesh,
    scratch_types=[
        pltpu.VMEM((NCH_D, CH), jnp.int32),
        pltpu.VMEM((CH, F), jnp.float32),
        pltpu.VMEM_SHARED((NP, F), jnp.float32),
        pltpu.SemaphoreType.DMA,
    ],
)
def _sc_degree(dst_hbm, ones_hbm, zeros_hbm, out_hbm, dstm, onesv, acc, sem):
    c = lax.axis_index("c")
    s = lax.axis_index("s")
    pltpu.sync_copy(zeros_hbm, acc.at[pl.ds(s * ROWS_PER_SUB, ROWS_PER_SUB)])
    pltpu.sync_copy(ones_hbm, onesv)
    pltpu.sync_copy(dst_hbm.at[c * NS + s], dstm)
    plsc.subcore_barrier()
    @pl.loop(0, NCH_D)
    def _(i):
        pltpu.async_copy(onesv, acc.at[dstm.at[i]], sem, add=True)
    @pl.loop(0, NCH_D)
    def _(i):
        pltpu.make_async_copy(onesv, acc.at[dstm.at[i]], sem).wait()
    plsc.subcore_barrier()
    sl = pl.ds(s * ROWS_PER_SUB, ROWS_PER_SUB)
    pltpu.sync_copy(acc.at[sl], out_hbm.at[c].at[sl])


@functools.partial(
    pl.kernel,
    out_type=[
        jax.ShapeDtypeStruct((NC * NS, PCAP * CH), jnp.int32),
        jax.ShapeDtypeStruct((NC * NS, PCAP, CH), jnp.int32),
        jax.ShapeDtypeStruct((NC * NS, 2, VEC), jnp.int32),
    ],
    mesh=_mesh,
    scratch_types=[
        pltpu.VMEM((NCH_D, CH), jnp.int32),
        pltpu.VMEM((NCH_D, CH), jnp.int32),
        pltpu.VMEM((PCAP * CH,), jnp.int32),
        pltpu.VMEM((PCAP * CH,), jnp.int32),
        pltpu.VMEM((PCAP, CH), jnp.int32),
        pltpu.VMEM((2, VEC), jnp.int32),
        pltpu.VMEM((VEC,), jnp.int32),
        pltpu.VMEM((VEC,), jnp.int32),
    ],
    compiler_params=_cp,
)
def _sc_bin(src_hbm, dst_hbm, bsrc_hbm, brloc_hbm, meta_hbm,
            srcm, dstm, locs, locr, locr2, metav, cntv, curv):
    c = lax.axis_index("c")
    s = lax.axis_index("s")
    w = c * NS + s
    pltpu.sync_copy(src_hbm.at[w], srcm)
    pltpu.sync_copy(dst_hbm.at[w], dstm)
    lanes = lax.iota(jnp.int32, VEC)

    @pl.loop(0, PCAP * (CH // VEC))
    def _(i):
        locs.at[pl.ds(i * VEC, VEC)][...] = jnp.zeros((VEC,), jnp.int32)
        locr.at[pl.ds(i * VEC, VEC)][...] = BR + lanes

    cntv[...] = jnp.zeros((VEC,), jnp.int32)
    @pl.loop(0, EPW // VEC)
    def _(i):
        r = i // (CH // VEC)
        col = (i % (CH // VEC)) * VEC
        v = dstm.at[r, pl.ds(col, VEC)][...]
        b_of = lax.shift_right_logical(v, BSH)
        cnts = cntv[...]
        for b in range(NB):
            pop = plsc.all_reduce_population_count(b_of == b)
            cnts = jnp.where(lanes == b, cnts + pop, cnts)
        cntv[...] = cnts

    cnts = cntv[...]
    nch = lax.shift_right_logical(cnts + (CH - 1), 7)
    rnd8 = jnp.where(lanes < NB,
                     lax.shift_left(lax.shift_right_logical(nch + 7, 3), 3), 0)
    off8 = plsc.cumsum(rnd8) - rnd8
    metav.at[0, pl.ds(0, VEC)][...] = nch
    metav.at[1, pl.ds(0, VEC)][...] = off8
    curv[...] = jnp.where(lanes < NB, off8 * CH, 0)

    @pl.loop(0, EPW // VEC)
    def _(i):
        r = i // (CH // VEC)
        col = (i % (CH // VEC)) * VEC
        v = dstm.at[r, pl.ds(col, VEC)][...]
        sv = srcm.at[r, pl.ds(col, VEC)][...]
        b_of = lax.shift_right_logical(v, BSH)
        rloc = v - lax.shift_left(b_of, BSH)
        cur = curv[...]
        for b in range(NB):
            m = b_of == b
            base = jnp.max(jnp.where(lanes == b, cur, 0))
            cs = plsc.cumsum(m.astype(jnp.int32))
            idx = base + cs - 1
            plsc.store_scatter(locs, (idx,), sv, mask=m)
            plsc.store_scatter(locr, (idx,), rloc, mask=m)
            pop = plsc.all_reduce_population_count(m)
            cur = jnp.where(lanes == b, cur + pop, cur)
        curv[...] = cur

    @pl.loop(0, PCAP * (CH // VEC))
    def _(i):
        r = i // (CH // VEC)
        col = (i % (CH // VEC)) * VEC
        locr2.at[r, pl.ds(col, VEC)][...] = locr.at[pl.ds(i * VEC, VEC)][...]

    pltpu.sync_copy(locs, bsrc_hbm.at[w])
    pltpu.sync_copy(locr2, brloc_hbm.at[w])
    pltpu.sync_copy(metav, meta_hbm.at[w])


WIN = 8


@functools.partial(
    pl.kernel,
    out_type=jax.ShapeDtypeStruct((NC, NP, F), jnp.float32),
    mesh=_mesh,
    scratch_types=[
        pltpu.VMEM((WIN * CH,), jnp.int32),
        pltpu.VMEM((WIN, CH), jnp.int32),
        pltpu.VMEM((2, 2, VEC), jnp.int32),
        pltpu.VMEM((CH, F), jnp.float32),
        pltpu.VMEM((CH, F), jnp.float32),
        pltpu.VMEM_SHARED((NP, F), jnp.float32),
        pltpu.VMEM_SHARED((AR, F), jnp.float32),
        pltpu.SemaphoreType.DMA,
        pltpu.SemaphoreType.DMA,
    ],
    compiler_params=_cp,
)
def _sc_edge_pass(y_hbm, bsrc_hbm, brloc_hbm, meta_hbm, zeros_hbm, out_hbm,
                  srcw, rlocw, metv, rows0, rows1, ysp, acc, sem0, sem1):
    c = lax.axis_index("c")
    s = lax.axis_index("s")
    lanes = lax.iota(jnp.int32, VEC)

    sl = pl.ds(s * ROWS_PER_SUB, ROWS_PER_SUB)
    pltpu.sync_copy(y_hbm.at[c].at[sl], ysp.at[sl])
    pltpu.sync_copy(meta_hbm.at[pl.ds(2 * s, 2)], metv)

    @pl.loop(0, NB)
    def _(b):
        pltpu.sync_copy(zeros_hbm, acc.at[pl.ds(s * (AR // NS), AR // NS)])
        plsc.subcore_barrier()
        for pi in range(2):
            p = 2 * s + pi
            nchv = metv.at[pi, 0, pl.ds(0, VEC)][...]
            offv = metv.at[pi, 1, pl.ds(0, VEC)][...]
            nch = jnp.max(jnp.where(lanes == b, nchv, 0))
            offc = pl.multiple_of(jnp.max(jnp.where(lanes == b, offv, 0)), 8)
            @pl.loop(0, 5)
            def _(win):
                @pl.when(nch > win * WIN)
                def _():
                    pltpu.sync_copy(
                        bsrc_hbm.at[p].at[pl.ds((offc + win * WIN) * CH,
                                                WIN * CH)], srcw)
                    pltpu.sync_copy(
                        brloc_hbm.at[p].at[pl.ds(offc + win * WIN, WIN)],
                        rlocw)
                    cnt = jnp.minimum(nch - win * WIN, WIN)

                    def g_start(k, buf, sem):
                        pltpu.async_copy(
                            ysp.at[srcw.at[pl.ds(k * CH, CH)]], buf, sem)

                    def g_wait(k, buf, sem):
                        pltpu.make_async_copy(
                            ysp.at[srcw.at[pl.ds(k * CH, CH)]], buf,
                            sem).wait()

                    g_start(0, rows0, sem0)
                    @pl.loop(0, WIN // 2)
                    def _(j):
                        k = 2 * j
                        @pl.when(k < cnt)
                        def _():
                            @pl.when(k + 1 < cnt)
                            def _():
                                g_start(k + 1, rows1, sem1)
                            g_wait(k, rows0, sem0)
                            pltpu.sync_copy(rows0, acc.at[rlocw.at[k]],
                                            add=True)
                            @pl.when(k + 2 < cnt)
                            def _():
                                g_start(k + 2, rows0, sem0)
                            @pl.when(k + 1 < cnt)
                            def _():
                                g_wait(k + 1, rows1, sem1)
                                pltpu.sync_copy(rows1, acc.at[rlocw.at[k + 1]],
                                                add=True)
        plsc.subcore_barrier()
        rps = BR // NS
        pltpu.sync_copy(acc.at[pl.ds(s * rps, rps)],
                        out_hbm.at[c].at[pl.ds(pl.multiple_of(b * BR + s * rps, 8), rps)])
        plsc.subcore_barrier()


BN = BR


def _dinv_block(cnt_ref):
    deg = cnt_ref[0, :, 0] + cnt_ref[1, :, 0] + 2.0
    return lax.rsqrt(deg)[:, None]


def _tc_scale_body(cnt_ref, x_ref, y_ref):
    dinv = _dinv_block(cnt_ref)
    y_ref[0] = dinv * x_ref[:, :F]
    y_ref[1] = dinv * x_ref[:, F:]


def _tc_mid_body(cnt_ref, s1_ref, x_ref, w1_ref, b1_ref, w2_ref,
                 y2_ref, h2_ref):
    dinv = _dinv_block(cnt_ref)
    sfull = jnp.concatenate([s1_ref[0], s1_ref[1]], axis=1)
    xa = dinv * sfull + (2.0 * dinv * dinv) * x_ref[...]
    t = jnp.dot(xa.astype(jnp.bfloat16), w1_ref[...].astype(jnp.bfloat16),
                preferred_element_type=jnp.float32)
    t = t + b1_ref[...]
    t = jnp.where(t > 0.0, t, jnp.exp(jnp.minimum(t, 0.0)) - 1.0)
    h2 = jnp.dot(t.astype(jnp.bfloat16), w2_ref[...].astype(jnp.bfloat16),
                 preferred_element_type=jnp.float32)
    h2_ref[...] = h2
    y2 = dinv * h2
    y2_ref[0] = y2[:, :F]
    y2_ref[1] = y2[:, F:]


def _tc_final_body(cnt_ref, s2_ref, h2_ref, b2_ref, out_ref):
    dinv = _dinv_block(cnt_ref)
    sfull = jnp.concatenate([s2_ref[0], s2_ref[1]], axis=1)
    out_ref[...] = dinv * sfull + (2.0 * dinv * dinv) * h2_ref[...] + b2_ref[...]


def _cnt_spec():
    return pl.BlockSpec((NC, BN, F), lambda i: (0, i, 0))


def _s_spec():
    return pl.BlockSpec((NC, BN, F), lambda i: (0, i, 0))


@jax.jit
def kernel(x, edge_index, W1, b1, W2, b2):
    src = edge_index[0].astype(jnp.int32)
    dst = edge_index[1].astype(jnp.int32)
    pad = EP - E
    srcp = jnp.concatenate([src, jnp.zeros((pad,), jnp.int32)])
    junk = N + jnp.arange(pad, dtype=jnp.int32) % (NP - N)
    dstp = jnp.concatenate([dst, junk])
    src_d = srcp.reshape(NC * NS, NCH_D, CH)
    dst_d = dstp.reshape(NC * NS, NCH_D, CH)

    xp = jnp.zeros((NP, D_IN), x.dtype).at[:N].set(x)

    onesF = jnp.ones((CH, F), jnp.float32)
    zerosF = jnp.zeros((ROWS_PER_SUB, F), jnp.float32)
    zerosA = jnp.zeros((AR // NS, F), jnp.float32)

    cnt = _sc_degree(dst_d, onesF, zerosF)
    bsrc, brloc, meta = _sc_bin(src_d, dst_d)

    y = pl.pallas_call(
        _tc_scale_body,
        grid=(NB,),
        in_specs=[_cnt_spec(), pl.BlockSpec((BN, D_IN), lambda i: (i, 0))],
        out_specs=pl.BlockSpec((NC, BN, F), lambda i: (0, i, 0)),
        out_shape=jax.ShapeDtypeStruct((NC, NP, F), jnp.float32),
    )(cnt, xp)

    s1 = _sc_edge_pass(y, bsrc, brloc, meta, zerosA)

    y2, h2 = pl.pallas_call(
        _tc_mid_body,
        grid=(NB,),
        in_specs=[
            _cnt_spec(),
            _s_spec(),
            pl.BlockSpec((BN, D_IN), lambda i: (i, 0)),
            pl.BlockSpec((D_IN, H), lambda i: (0, 0)),
            pl.BlockSpec((1, H), lambda i: (0, 0)),
            pl.BlockSpec((H, D_IN), lambda i: (0, 0)),
        ],
        out_specs=[
            pl.BlockSpec((NC, BN, F), lambda i: (0, i, 0)),
            pl.BlockSpec((BN, D_IN), lambda i: (i, 0)),
        ],
        out_shape=[
            jax.ShapeDtypeStruct((NC, NP, F), jnp.float32),
            jax.ShapeDtypeStruct((NP, D_IN), jnp.float32),
        ],
    )(cnt, s1, xp, W1, b1.reshape(1, H), W2)

    s2 = _sc_edge_pass(y2, bsrc, brloc, meta, zerosA)

    out = pl.pallas_call(
        _tc_final_body,
        grid=(NB,),
        in_specs=[
            _cnt_spec(),
            _s_spec(),
            pl.BlockSpec((BN, D_IN), lambda i: (i, 0)),
            pl.BlockSpec((1, D_IN), lambda i: (0, 0)),
        ],
        out_specs=pl.BlockSpec((BN, D_IN), lambda i: (i, 0)),
        out_shape=jax.ShapeDtypeStruct((NP, D_IN), jnp.float32),
    )(cnt, s2, h2, b2.reshape(1, D_IN))
    return out[:N]

# --- scband reference (transcript-rebuilt; emitter-appended) ---
"""Pipeline reference for scband-gcn-3229815407222 (READ-ONLY COPY).

The authoritative reference and input builder live on the scoring server;
editing this copy changes nothing except your own understanding.
"""

import jax, jax.numpy as jnp
import numpy as np

N = 10000
E = 160000
D_IN = 256
H = 512
D_OUT = 256


def setup_inputs(seed: int = 0) -> dict:
    key = jax.random.key(seed)
    k1, k2, k3, k4 = jax.random.split(key, 4)
    x = jax.random.normal(k1, (N, D_IN), dtype=jnp.float32)
    edge_index = jax.random.randint(k2, (2, E), 0, N)
    W1 = jax.random.normal(k3, (D_IN, H), dtype=jnp.float32) * (1.0 / np.sqrt(D_IN))
    b1 = jnp.zeros((H,), dtype=jnp.float32)
    W2 = jax.random.normal(k4, (H, D_OUT), dtype=jnp.float32) * (1.0 / np.sqrt(H))
    b2 = jnp.zeros((D_OUT,), dtype=jnp.float32)
    return {"x": x, "edge_index": edge_index, "W1": W1, "b1": b1, "W2": W2, "b2": b2}


def _gcn_norm(edge_index, num_nodes):
    # GCNConv(improved=True): add self-loops with fill_value=2.0, symmetric normalization
    src, dst = edge_index[0], edge_index[1]
    loop = jnp.arange(num_nodes, dtype=src.dtype)
    src2 = jnp.concatenate([src, loop])
    dst2 = jnp.concatenate([dst, loop])
    ew = jnp.concatenate([jnp.ones((src.shape[0],), dtype=jnp.float32),
                          jnp.full((num_nodes,), 2.0, dtype=jnp.float32)])
    deg = jax.ops.segment_sum(ew, dst2, num_segments=num_nodes)
    deg_inv_sqrt = jnp.where(deg > 0, 1.0 / jnp.sqrt(deg), 0.0)
    norm = deg_inv_sqrt[src2] * ew * deg_inv_sqrt[dst2]
    return src2, dst2, norm


def _gcn_conv(x, src2, dst2, norm, W, b, num_nodes):
    h = x @ W
    msg = h[src2] * norm[:, None]
    out = jax.ops.segment_sum(msg, dst2, num_segments=num_nodes)
    return out + b


def reference(x, edge_index, W1, b1, W2, b2):
    num_nodes = x.shape[0]
    src2, dst2, norm = _gcn_norm(edge_index, num_nodes)
    h = _gcn_conv(x, src2, dst2, norm, W1, b1, num_nodes)
    h = jax.nn.elu(h)
    # dropout p=0.0 -> identity (eval semantics)
    out = _gcn_conv(h, src2, dst2, norm, W2, b2, num_nodes)
    return out

if __name__ == "__main__":
    import jax
    _d = setup_inputs()
    print(jax.jit(kernel)(*tuple(_d.values())))

</pallas_src>

<mosaic_0001>
#map = affine_map<(d0, d1) -> (0, 0, 0)>
#map1 = affine_map<(d0, d1) -> (0, 0)>
module attributes {stable_mosaic.version = 14 : i64} {
  func.func @_sc_degree(%arg0: i32, %arg1: i32, %arg2: memref<32x40x128xi32, #tpu.memory_space<hbm>>, %arg3: memref<128x128xf32, #tpu.memory_space<hbm>>, %arg4: memref<640x128xf32, #tpu.memory_space<hbm>>, %arg5: memref<2x10240x128xf32, #tpu.memory_space<hbm>>, %arg6: memref<40x128xi32, #tpu.memory_space<vmem>>, %arg7: memref<128x128xf32, #tpu.memory_space<vmem>>, %arg8: memref<10240x128xf32, #tpu.memory_space<vmem_shared>>, %arg9: memref<!tpu.dma_semaphore, #tpu.memory_space<semaphore_mem>>) attributes {dimension_semantics = [#tpu.dimension_semantics<core_parallel>, #tpu.dimension_semantics<subcore_parallel>], iteration_bounds = array<i64: 2, 16>, scalar_prefetch = 0 : i64, scratch_operands = 4 : i64, tpu.core_type = #tpu.core_type<sc_vector_subcore>, window_params = [{transform_indices = #map}, {transform_indices = #map1}, {transform_indices = #map1}, {transform_indices = #map}]} {
    %mul3A = arith.constant 640 : i32
    %mul3A_0 = arith.muli %arg1, %mul3A : i32
    "tpu.region"() ({
      %run_scoped3A = tpu.sem_alloc : memref<!tpu.dma_semaphore, #tpu.memory_space<semaphore_mem>>
      %dma_start3A = arith.constant 0 : i32
      %dma_start3A_15 = tpu.memref_slice %arg8[%mul3A_0, %dma_start3A] : memref<10240x128xf32, #tpu.memory_space<vmem_shared>> -> memref<640x128xf32, #tpu.memory_space<vmem_shared>>
      tpu.enqueue_dma source(%arg4 : memref<640x128xf32, #tpu.memory_space<hbm>>) target(%dma_start3A_15 : memref<640x128xf32, #tpu.memory_space<vmem_shared>>) target_semaphore(%run_scoped3A : memref<!tpu.dma_semaphore, #tpu.memory_space<semaphore_mem>>)
      %dma_wait3A = arith.constant 0 : i32
      %dma_wait3A_16 = tpu.memref_slice %arg8[%mul3A_0, %dma_wait3A] : memref<10240x128xf32, #tpu.memory_space<vmem_shared>> -> memref<640x128xf32, #tpu.memory_space<vmem_shared>>
      tpu.wait_dma2 semaphore(%run_scoped3A : memref<!tpu.dma_semaphore, #tpu.memory_space<semaphore_mem>>) src(%arg4 : memref<640x128xf32, #tpu.memory_space<hbm>>) dst(%dma_wait3A_16 : memref<640x128xf32, #tpu.memory_space<vmem_shared>>)
      tpu.yield
    }) : () -> ()
    "tpu.region"() ({
      %run_scoped3A = tpu.sem_alloc : memref<!tpu.dma_semaphore, #tpu.memory_space<semaphore_mem>>
      tpu.enqueue_dma source(%arg3 : memref<128x128xf32, #tpu.memory_space<hbm>>) target(%arg7 : memref<128x128xf32, #tpu.memory_space<vmem>>) target_semaphore(%run_scoped3A : memref<!tpu.dma_semaphore, #tpu.memory_space<semaphore_mem>>)
      tpu.wait_dma2 semaphore(%run_scoped3A : memref<!tpu.dma_semaphore, #tpu.memory_space<semaphore_mem>>) src(%arg3 : memref<128x128xf32, #tpu.memory_space<hbm>>) dst(%arg7 : memref<128x128xf32, #tpu.memory_space<vmem>>)
      tpu.yield
    }) : () -> ()
    %mul3A_1 = arith.constant 16 : i32
    %mul3A_2 = arith.muli %arg0, %mul3A_1 : i32
    %add3A = arith.addi %mul3A_2, %arg1 : i32
    "tpu.region"() ({
      %run_scoped3A = tpu.sem_alloc : memref<!tpu.dma_semaphore, #tpu.memory_space<semaphore_mem>>
      %dma_start3A = arith.constant 0 : i32
      %dma_start3A_15 = arith.constant 0 : i32
      %dma_start3A_16 = tpu.memref_slice %arg2[%add3A, %dma_start3A, %dma_start3A_15] : memref<32x40x128xi32, #tpu.memory_space<hbm>> -> memref<1x40x128xi32, #tpu.memory_space<hbm>>
      %dma_start3A_17 = tpu.memref_squeeze %dma_start3A_16 : memref<1x40x128xi32, #tpu.memory_space<hbm>> -> memref<40x128xi32, #tpu.memory_space<hbm>>
      %dma_start3A_18 = arith.constant 0 : i32
      %dma_start3A_19 = arith.constant 0 : i32
      %dma_start3A_20 = tpu.memref_slice %arg2[%add3A, %dma_start3A_18, %dma_start3A_19] : memref<32x40x128xi32, #tpu.memory_space<hbm>> -> memref<1x40x128xi32, #tpu.memory_space<hbm>>
      %dma_start3A_21 = tpu.memref_squeeze %dma_start3A_20 : memref<1x40x128xi32, #tpu.memory_space<hbm>> -> memref<40x128xi32, #tpu.memory_space<hbm>>
      tpu.enqueue_dma source(%dma_start3A_21 : memref<40x128xi32, #tpu.memory_space<hbm>>) target(%arg6 : memref<40x128xi32, #tpu.memory_space<vmem>>) target_semaphore(%run_scoped3A : memref<!tpu.dma_semaphore, #tpu.memory_space<semaphore_mem>>)
      %dma_wait3A = arith.constant 0 : i32
      %dma_wait3A_22 = arith.constant 0 : i32
      %dma_wait3A_23 = tpu.memref_slice %arg2[%add3A, %dma_wait3A, %dma_wait3A_22] : memref<32x40x128xi32, #tpu.memory_space<hbm>> -> memref<1x40x128xi32, #tpu.memory_space<hbm>>
      %dma_wait3A_24 = tpu.memref_squeeze %dma_wait3A_23 : memref<1x40x128xi32, #tpu.memory_space<hbm>> -> memref<40x128xi32, #tpu.memory_space<hbm>>
      %dma_wait3A_25 = arith.constant 0 : i32
      %dma_wait3A_26 = arith.constant 0 : i32
      %dma_wait3A_27 = tpu.memref_slice %arg2[%add3A, %dma_wait3A_25, %dma_wait3A_26] : memref<32x40x128xi32, #tpu.memory_space<hbm>> -> memref<1x40x128xi32, #tpu.memory_space<hbm>>
      %dma_wait3A_28 = tpu.memref_squeeze %dma_wait3A_27 : memref<1x40x128xi32, #tpu.memory_space<hbm>> -> memref<40x128xi32, #tpu.memory_space<hbm>>
      tpu.wait_dma2 semaphore(%run_scoped3A : memref<!tpu.dma_semaphore, #tpu.memory_space<semaphore_mem>>) src(%dma_wait3A_28 : memref<40x128xi32, #tpu.memory_space<hbm>>) dst(%arg6 : memref<40x128xi32, #tpu.memory_space<vmem>>)
      tpu.yield
    }) : () -> ()
    %barrier3A = arith.constant 0 : index
    tpu.barrier barrier_id(%barrier3A)
    %scan3A = arith.constant 0 : i32
    %scan3A_3 = arith.constant 40 : i32
    %scan3A_4 = arith.addi %scan3A, %scan3A_3 : i32
    %scan3A_5 = arith.constant 1 : i32
    scf.for %scan3A_15 = %scan3A to %scan3A_4 step %scan3A_5  : i32 {
      %mul3A_16 = arith.constant 1 : i32
      %mul3A_17 = arith.muli %scan3A_15, %mul3A_16 : i32
      %add3A_18 = arith.constant 0 : i32
      %add3A_19 = arith.addi %add3A_18, %mul3A_17 : i32
      %dma_start3A = arith.constant 0 : i32
      %dma_start3A_20 = tpu.memref_slice %arg6[%add3A_19, %dma_start3A] : memref<40x128xi32, #tpu.memory_space<vmem>> -> memref<1x128xi32, #tpu.memory_space<vmem>>
      %dma_start3A_21 = tpu.memref_squeeze %dma_start3A_20 : memref<1x128xi32, #tpu.memory_space<vmem>> -> memref<128xi32, #tpu.memory_space<vmem>>
      %dma_start3A_22 = arith.constant 0 : i32
      %dma_start3A_23 = arith.constant 0 : i32
      %dma_start3A_24 = tpu.memref_slice %arg8[%dma_start3A_22, %dma_start3A_23] : memref<10240x128xf32, #tpu.memory_space<vmem_shared>> -> memref<10240x128xf32, #tpu.memory_space<vmem_shared>>
      tpu.enqueue_indirect_dma source(%arg7 : memref<128x128xf32, #tpu.memory_space<vmem>>) target(%dma_start3A_24 : memref<10240x128xf32, #tpu.memory_space<vmem_shared>>) offsets(%dma_start3A_21 : memref<128xi32, #tpu.memory_space<vmem>>) semaphore(%arg9 : memref<!tpu.dma_semaphore, #tpu.memory_space<semaphore_mem>>) {add = true}
    }
    %scan3A_6 = arith.constant 40 : i32
    %scan3A_7 = arith.constant 0 : i32
    %scan3A_8 = arith.constant 40 : i32
    %scan3A_9 = arith.addi %scan3A_7, %scan3A_8 : i32
    %scan3A_10 = arith.constant 1 : i32
    scf.for %scan3A_15 = %scan3A_7 to %scan3A_9 step %scan3A_10  : i32 {
      %mul3A_16 = arith.constant 1 : i32
      %mul3A_17 = arith.muli %scan3A_15, %mul3A_16 : i32
      %add3A_18 = arith.constant 0 : i32
      %add3A_19 = arith.addi %add3A_18, %mul3A_17 : i32
      %dma_wait3A = arith.constant 0 : i32
      %dma_wait3A_20 = tpu.memref_slice %arg6[%add3A_19, %dma_wait3A] : memref<40x128xi32, #tpu.memory_space<vmem>> -> memref<1x128xi32, #tpu.memory_space<vmem>>
      %dma_wait3A_21 = tpu.memref_squeeze %dma_wait3A_20 : memref<1x128xi32, #tpu.memory_space<vmem>> -> memref<128xi32, #tpu.memory_space<vmem>>
      %dma_wait3A_22 = arith.constant 0 : i32
      %dma_wait3A_23 = arith.constant 0 : i32
      %dma_wait3A_24 = tpu.memref_slice %arg8[%dma_wait3A_22, %dma_wait3A_23] : memref<10240x128xf32, #tpu.memory_space<vmem_shared>> -> memref<10240x128xf32, #tpu.memory_space<vmem_shared>>
      tpu.wait_indirect_dma semaphore(%arg9 : memref<!tpu.dma_semaphore, #tpu.memory_space<semaphore_mem>>) src(%arg7 : memref<128x128xf32, #tpu.memory_space<vmem>>) dst(%dma_wait3A_24 : memref<10240x128xf32, #tpu.memory_space<vmem_shared>>)
    }
    %scan3A_11 = arith.constant 40 : i32
    %barrier3A_12 = arith.constant 0 : index
    tpu.barrier barrier_id(%barrier3A_12)
    %mul3A_13 = arith.constant 640 : i32
    %mul3A_14 = arith.muli %arg1, %mul3A_13 : i32
    "tpu.region"() ({
      %run_scoped3A = tpu.sem_alloc : memref<!tpu.dma_semaphore, #tpu.memory_space<semaphore_mem>>
      %dma_start3A = arith.constant 0 : i32
      %dma_start3A_15 = arith.constant 0 : i32
      %dma_start3A_16 = tpu.memref_slice %arg5[%arg0, %dma_start3A, %dma_start3A_15] : memref<2x10240x128xf32, #tpu.memory_space<hbm>> -> memref<1x10240x128xf32, #tpu.memory_space<hbm>>
      %dma_start3A_17 = tpu.memref_squeeze %dma_start3A_16 : memref<1x10240x128xf32, #tpu.memory_space<hbm>> -> memref<10240x128xf32, #tpu.memory_space<hbm>>
      %dma_start3A_18 = arith.constant 0 : i32
      %dma_start3A_19 = tpu.memref_slice %dma_start3A_17[%mul3A_14, %dma_start3A_18] : memref<10240x128xf32, #tpu.memory_space<hbm>> -> memref<640x128xf32, #tpu.memory_space<hbm>>
      %dma_start3A_20 = arith.constant 0 : i32
      %dma_start3A_21 = tpu.memref_slice %arg8[%mul3A_14, %dma_start3A_20] : memref<10240x128xf32, #tpu.memory_space<vmem_shared>> -> memref<640x128xf32, #tpu.memory_space<vmem_shared>>
      tpu.enqueue_dma source(%dma_start3A_21 : memref<640x128xf32, #tpu.memory_space<vmem_shared>>) target(%dma_start3A_19 : memref<640x128xf32, #tpu.memory_space<hbm>>) target_semaphore(%run_scoped3A : memref<!tpu.dma_semaphore, #tpu.memory_space<semaphore_mem>>)
      %dma_wait3A = arith.constant 0 : i32
      %dma_wait3A_22 = arith.constant 0 : i32
      %dma_wait3A_23 = tpu.memref_slice %arg5[%arg0, %dma_wait3A, %dma_wait3A_22] : memref<2x10240x128xf32, #tpu.memory_space<hbm>> -> memref<1x10240x128xf32, #tpu.memory_space<hbm>>
      %dma_wait3A_24 = tpu.memref_squeeze %dma_wait3A_23 : memref<1x10240x128xf32, #tpu.memory_space<hbm>> -> memref<10240x128xf32, #tpu.memory_space<hbm>>
      %dma_wait3A_25 = arith.constant 0 : i32
      %dma_wait3A_26 = tpu.memref_slice %dma_wait3A_24[%mul3A_14, %dma_wait3A_25] : memref<10240x128xf32, #tpu.memory_space<hbm>> -> memref<640x128xf32, #tpu.memory_space<hbm>>
      %dma_wait3A_27 = arith.constant 0 : i32
      %dma_wait3A_28 = tpu.memref_slice %arg8[%mul3A_14, %dma_wait3A_27] : memref<10240x128xf32, #tpu.memory_space<vmem_shared>> -> memref<640x128xf32, #tpu.memory_space<vmem_shared>>
      tpu.wait_dma2 semaphore(%run_scoped3A : memref<!tpu.dma_semaphore, #tpu.memory_space<semaphore_mem>>) src(%dma_wait3A_28 : memref<640x128xf32, #tpu.memory_space<vmem_shared>>) dst(%dma_wait3A_26 : memref<640x128xf32, #tpu.memory_space<hbm>>)
      tpu.yield
    }) : () -> ()
    return
  }
}

#map = affine_map<(d0, d1) -> (0, 0, 0)>
#map1 = affine_map<(d0, d1) -> (0, 0)>
module attributes {stable_mosaic.version = 14 : i64} {
  func.func @_sc_edge_pass(%arg0: i32, %arg1: i32, %arg2: memref<2x10240x128xf32, #tpu.memory_space<hbm>>, %arg3: memref<32x14336xi32, #tpu.memory_space<hbm>>, %arg4: memref<32x112x128xi32, #tpu.memory_space<hbm>>, %arg5: memref<32x2x16xi32, #tpu.memory_space<hbm>>, %arg6: memref<72x128xf32, #tpu.memory_space<hbm>>, %arg7: memref<2x10240x128xf32, #tpu.memory_space<hbm>>, %arg8: memref<1024xi32, #tpu.memory_space<vmem>>, %arg9: memref<8x128xi32, #tpu.memory_space<vmem>>, %arg10: memref<2x2x16xi32, #tpu.memory_space<vmem>>, %arg11: memref<128x128xf32, #tpu.memory_space<vmem>>, %arg12: memref<128x128xf32, #tpu.memory_space<vmem>>, %arg13: memref<10240x128xf32, #tpu.memory_space<vmem_shared>>, %arg14: memref<1152x128xf32, #tpu.memory_space<vmem_shared>>, %arg15: memref<!tpu.dma_semaphore, #tpu.memory_space<semaphore_mem>>, %arg16: memref<!tpu.dma_semaphore, #tpu.memory_space<semaphore_mem>>) attributes {dimension_semantics = [#tpu.dimension_semantics<core_parallel>, #tpu.dimension_semantics<subcore_parallel>], iteration_bounds = array<i64: 2, 16>, scalar_prefetch = 0 : i64, scratch_operands = 9 : i64, tpu.core_type = #tpu.core_type<sc_vector_subcore>, window_params = [{transform_indices = #map}, {transform_indices = #map1}, {transform_indices = #map}, {transform_indices = #map}, {transform_indices = #map1}, {transform_indices = #map}]} {
    %iota3A = tpu.iota {dimensions = array<i32: 0>} : vector<16xi32>
    %mul3A = arith.constant 640 : i32
    %mul3A_0 = arith.muli %arg1, %mul3A : i32
    "tpu.region"() ({
      %run_scoped3A = tpu.sem_alloc : memref<!tpu.dma_semaphore, #tpu.memory_space<semaphore_mem>>
      %dma_start3A = arith.constant 0 : i32
      %dma_start3A_7 = tpu.memref_slice %arg13[%mul3A_0, %dma_start3A] : memref<10240x128xf32, #tpu.memory_space<vmem_shared>> -> memref<640x128xf32, #tpu.memory_space<vmem_shared>>
      %dma_start3A_8 = arith.constant 0 : i32
      %dma_start3A_9 = arith.constant 0 : i32
      %dma_start3A_10 = tpu.memref_slice %arg2[%arg0, %dma_start3A_8, %dma_start3A_9] : memref<2x10240x128xf32, #tpu.memory_space<hbm>> -> memref<1x10240x128xf32, #tpu.memory_space<hbm>>
      %dma_start3A_11 = tpu.memref_squeeze %dma_start3A_10 : memref<1x10240x128xf32, #tpu.memory_space<hbm>> -> memref<10240x128xf32, #tpu.memory_space<hbm>>
      %dma_start3A_12 = arith.constant 0 : i32
      %dma_start3A_13 = tpu.memref_slice %dma_start3A_11[%mul3A_0, %dma_start3A_12] : memref<10240x128xf32, #tpu.memory_space<hbm>> -> memref<640x128xf32, #tpu.memory_space<hbm>>
      tpu.enqueue_dma source(%dma_start3A_13 : memref<640x128xf32, #tpu.memory_space<hbm>>) target(%dma_start3A_7 : memref<640x128xf32, #tpu.memory_space<vmem_shared>>) target_semaphore(%run_scoped3A : memref<!tpu.dma_semaphore, #tpu.memory_space<semaphore_mem>>)
      %dma_wait3A = arith.constant 0 : i32
      %dma_wait3A_14 = tpu.memref_slice %arg13[%mul3A_0, %dma_wait3A] : memref<10240x128xf32, #tpu.memory_space<vmem_shared>> -> memref<640x128xf32, #tpu.memory_space<vmem_shared>>
      %dma_wait3A_15 = arith.constant 0 : i32
      %dma_wait3A_16 = arith.constant 0 : i32
      %dma_wait3A_17 = tpu.memref_slice %arg2[%arg0, %dma_wait3A_15, %dma_wait3A_16] : memref<2x10240x128xf32, #tpu.memory_space<hbm>> -> memref<1x10240x128xf32, #tpu.memory_space<hbm>>
      %dma_wait3A_18 = tpu.memref_squeeze %dma_wait3A_17 : memref<1x10240x128xf32, #tpu.memory_space<hbm>> -> memref<10240x128xf32, #tpu.memory_space<hbm>>
      %dma_wait3A_19 = arith.constant 0 : i32
      %dma_wait3A_20 = tpu.memref_slice %dma_wait3A_18[%mul3A_0, %dma_wait3A_19] : memref<10240x128xf32, #tpu.memory_space<hbm>> -> memref<640x128xf32, #tpu.memory_space<hbm>>
      tpu.wait_dma2 semaphore(%run_scoped3A : memref<!tpu.dma_semaphore, #tpu.memory_space<semaphore_mem>>) src(%dma_wait3A_20 : memref<640x128xf32, #tpu.memory_space<hbm>>) dst(%dma_wait3A_14 : memref<640x128xf32, #tpu.memory_space<vmem_shared>>)
      tpu.yield
    }) : () -> ()
    %mul3A_1 = arith.constant 2 : i32
    %mul3A_2 = arith.muli %mul3A_1, %arg1 : i32
    "tpu.region"() ({
      %run_scoped3A = tpu.sem_alloc : memref<!tpu.dma_semaphore, #tpu.memory_space<semaphore_mem>>
      %dma_start3A = arith.constant 0 : i32
      %dma_start3A_7 = arith.constant 0 : i32
      %dma_start3A_8 = tpu.memref_slice %arg5[%mul3A_2, %dma_start3A, %dma_start3A_7] : memref<32x2x16xi32, #tpu.memory_space<hbm>> -> memref<2x2x16xi32, #tpu.memory_space<hbm>>
      %dma_start3A_9 = arith.constant 0 : i32
      %dma_start3A_10 = arith.constant 0 : i32
      %dma_start3A_11 = tpu.memref_slice %arg5[%mul3A_2, %dma_start3A_9, %dma_start3A_10] : memref<32x2x16xi32, #tpu.memory_space<hbm>> -> memref<2x2x16xi32, #tpu.memory_space<hbm>>
      tpu.enqueue_dma source(%dma_start3A_11 : memref<2x2x16xi32, #tpu.memory_space<hbm>>) target(%arg10 : memref<2x2x16xi32, #tpu.memory_space<vmem>>) target_semaphore(%run_scoped3A : memref<!tpu.dma_semaphore, #tpu.memory_space<semaphore_mem>>)
      %dma_wait3A = arith.constant 0 : i32
      %dma_wait3A_12 = arith.constant 0 : i32
      %dma_wait3A_13 = tpu.memref_slice %arg5[%mul3A_2, %dma_wait3A, %dma_wait3A_12] : memref<32x2x16xi32, #tpu.memory_space<hbm>> -> memref<2x2x16xi32, #tpu.memory_space<hbm>>
      %dma_wait3A_14 = arith.constant 0 : i32
      %dma_wait3A_15 = arith.constant 0 : i32
      %dma_wait3A_16 = tpu.memref_slice %arg5[%mul3A_2, %dma_wait3A_14, %dma_wait3A_15] : memref<32x2x16xi32, #tpu.memory_space<hbm>> -> memref<2x2x16xi32, #tpu.memory_space<hbm>>
      tpu.wait_dma2 semaphore(%run_scoped3A : memref<!tpu.dma_semaphore, #tpu.memory_space<semaphore_mem>>) src(%dma_wait3A_16 : memref<2x2x16xi32, #tpu.memory_space<hbm>>) dst(%arg10 : memref<2x2x16xi32, #tpu.memory_space<vmem>>)
      tpu.yield
    }) : () -> ()
    %scan3A = arith.constant 0 : i32
    %scan3A_3 = arith.constant 10 : i32
    %scan3A_4 = arith.addi %scan3A, %scan3A_3 : i32
    %scan3A_5 = arith.constant 1 : i32
    scf.for %scan3A_7 = %scan3A to %scan3A_4 step %scan3A_5  : i32 {
      %mul3A_8 = arith.constant 1 : i32
      %mul3A_9 = arith.muli %scan3A_7, %mul3A_8 : i32
      %add3A = arith.constant 0 : i32
      %add3A_10 = arith.addi %add3A, %mul3A_9 : i32
      %mul3A_11 = arith.constant 72 : i32
      %mul3A_12 = arith.muli %arg1, %mul3A_11 : i32
      "tpu.region"() ({
        %run_scoped3A = tpu.sem_alloc : memref<!tpu.dma_semaphore, #tpu.memory_space<semaphore_mem>>
        %dma_start3A = arith.constant 0 : i32
        %dma_start3A_112 = tpu.memref_slice %arg14[%mul3A_12, %dma_start3A] : memref<1152x128xf32, #tpu.memory_space<vmem_shared>> -> memref<72x128xf32, #tpu.memory_space<vmem_shared>>
        tpu.enqueue_dma source(%arg6 : memref<72x128xf32, #tpu.memory_space<hbm>>) target(%dma_start3A_112 : memref<72x128xf32, #tpu.memory_space<vmem_shared>>) target_semaphore(%run_scoped3A : memref<!tpu.dma_semaphore, #tpu.memory_space<semaphore_mem>>)
        %dma_wait3A = arith.constant 0 : i32
        %dma_wait3A_113 = tpu.memref_slice %arg14[%mul3A_12, %dma_wait3A] : memref<1152x128xf32, #tpu.memory_space<vmem_shared>> -> memref<72x128xf32, #tpu.memory_space<vmem_shared>>
        tpu.wait_dma2 semaphore(%run_scoped3A : memref<!tpu.dma_semaphore, #tpu.memory_space<semaphore_mem>>) src(%arg6 : memref<72x128xf32, #tpu.memory_space<hbm>>) dst(%dma_wait3A_113 : memref<72x128xf32, #tpu.memory_space<vmem_shared>>)
        tpu.yield
      }) : () -> ()
      %barrier3A = arith.constant 0 : index
      tpu.barrier barrier_id(%barrier3A)
      %mul3A_13 = arith.constant 2 : i32
      %mul3A_14 = arith.muli %mul3A_13, %arg1 : i32
      %add3A_15 = arith.constant 0 : i32
      %add3A_16 = arith.addi %mul3A_14, %add3A_15 : i32
      %get3A = arith.constant 0 : i32
      %get3A_17 = arith.constant 0 : i32
      %get3A_18 = arith.index_cast %get3A : i32 to index
      %get3A_19 = arith.index_cast %get3A_17 : i32 to index
      %get3A_20 = arith.constant 0 : index
      %get3A_21 = tpu.vector_load %arg10[%get3A_18, %get3A_19, %get3A_20] {strides = array<i32>} : memref<2x2x16xi32, #tpu.memory_space<vmem>>, vector<16xi32>,
      %get3A_22 = arith.constant 0 : i32
      %get3A_23 = arith.constant 1 : i32
      %get3A_24 = arith.index_cast %get3A_22 : i32 to index
      %get3A_25 = arith.index_cast %get3A_23 : i32 to index
      %get3A_26 = arith.constant 0 : index
      %get3A_27 = tpu.vector_load %arg10[%get3A_24, %get3A_25, %get3A_26] {strides = array<i32>} : memref<2x2x16xi32, #tpu.memory_space<vmem>>, vector<16xi32>,
      %eq3A = vector.broadcast %add3A_10 : i32 to vector<16xi32>
      %eq3A_28 = arith.cmpi eq, %iota3A, %eq3A : vector<16xi32>
      %jit3A = arith.constant 0 : i32
      %broadcast_in_dim3A = vector.broadcast %jit3A : i32 to vector<16xi32>
      %select_n3A = arith.select %eq3A_28, %get3A_21, %broadcast_in_dim3A : vector<16xi1>, vector<16xi32>
      %reduce_max3A = arith.constant true
      %reduce_max3A_29 = vector.broadcast %reduce_max3A : i1 to vector<16xi1>
      %reduce_max3A_30 = arith.constant -2147483648 : i32
      %reduce_max3A_31 = vector.broadcast %reduce_max3A_30 : i32 to vector<16xi32>
      %reduce_max3A_32 = arith.xori %select_n3A, %reduce_max3A_31 : vector<16xi32>
      %reduce_max3A_33 = tpu.scan <max>, %reduce_max3A_32 masked %reduce_max3A_29 : vector<16xi32>, vector<16xi1> -> vector<16xi32>
      %reduce_max3A_34 = arith.xori %reduce_max3A_33, %reduce_max3A_31 : vector<16xi32>
      %reduce_max3A_35 = vector.extract %reduce_max3A_34[15] : i32 from vector<16xi32>
      %eq3A_36 = vector.broadcast %add3A_10 : i32 to vector<16xi32>
      %eq3A_37 = arith.cmpi eq, %iota3A, %eq3A_36 : vector<16xi32>
      %jit3A_38 = arith.constant 0 : i32
      %broadcast_in_dim3A_39 = vector.broadcast %jit3A_38 : i32 to vector<16xi32>
      %select_n3A_40 = arith.select %eq3A_37, %get3A_27, %broadcast_in_dim3A_39 : vector<16xi1>, vector<16xi32>
      %reduce_max3A_41 = arith.constant true
      %reduce_max3A_42 = vector.broadcast %reduce_max3A_41 : i1 to vector<16xi1>
      %reduce_max3A_43 = arith.constant -2147483648 : i32
      %reduce_max3A_44 = vector.broadcast %reduce_max3A_43 : i32 to vector<16xi32>
      %reduce_max3A_45 = arith.xori %select_n3A_40, %reduce_max3A_44 : vector<16xi32>
      %reduce_max3A_46 = tpu.scan <max>, %reduce_max3A_45 masked %reduce_max3A_42 : vector<16xi32>, vector<16xi1> -> vector<16xi32>
      %reduce_max3A_47 = arith.xori %reduce_max3A_46, %reduce_max3A_44 : vector<16xi32>
      %reduce_max3A_48 = vector.extract %reduce_max3A_47[15] : i32 from vector<16xi32>
      %multiple_of3A = tpu.assume_multiple %reduce_max3A_48, 8 : i32
      %scan3A_49 = arith.constant 0 : i32
      %scan3A_50 = arith.constant 5 : i32
      %scan3A_51 = arith.addi %scan3A_49, %scan3A_50 : i32
      %scan3A_52 = arith.constant 1 : i32
      scf.for %scan3A_112 = %scan3A_49 to %scan3A_51 step %scan3A_52  : i32 {
        %mul3A_113 = arith.constant 1 : i32
        %mul3A_114 = arith.muli %scan3A_112, %mul3A_113 : i32
        %add3A_115 = arith.constant 0 : i32
        %add3A_116 = arith.addi %add3A_115, %mul3A_114 : i32
        %mul3A_117 = arith.constant 8 : i32
        %mul3A_118 = arith.muli %add3A_116, %mul3A_117 : i32
        %gt3A = arith.cmpi sgt, %reduce_max3A_35, %mul3A_118 : i32
        %convert_element_type3A = arith.extui %gt3A : i1 to i32
        %cond3A = arith.constant 0 : i32
        %cond3A_119 = arith.cmpi ne, %convert_element_type3A, %cond3A : i32
        scf.if %cond3A_119 {
          %mul3A_120 = arith.constant 8 : i32
          %mul3A_121 = arith.muli %add3A_116, %mul3A_120 : i32
          %add3A_122 = arith.addi %multiple_of3A, %mul3A_121 : i32
          %mul3A_123 = arith.constant 128 : i32
          %mul3A_124 = arith.muli %add3A_122, %mul3A_123 : i32
          "tpu.region"() ({
            %run_scoped3A = tpu.sem_alloc : memref<!tpu.dma_semaphore, #tpu.memory_space<semaphore_mem>>
            %dma_start3A_140 = arith.constant 0 : i32
            %dma_start3A_141 = tpu.memref_slice %arg3[%add3A_16, %dma_start3A_140] : memref<32x14336xi32, #tpu.memory_space<hbm>> -> memref<1x14336xi32, #tpu.memory_space<hbm>>
            %dma_start3A_142 = tpu.memref_squeeze %dma_start3A_141 : memref<1x14336xi32, #tpu.memory_space<hbm>> -> memref<14336xi32, #tpu.memory_space<hbm>>
            %dma_start3A_143 = tpu.memref_slice %dma_start3A_142[%mul3A_124] : memref<14336xi32, #tpu.memory_space<hbm>> -> memref<1024xi32, #tpu.memory_space<hbm>>
            %dma_start3A_144 = arith.constant 0 : i32
            %dma_start3A_145 = tpu.memref_slice %arg3[%add3A_16, %dma_start3A_144] : memref<32x14336xi32, #tpu.memory_space<hbm>> -> memref<1x14336xi32, #tpu.memory_space<hbm>>
            %dma_start3A_146 = tpu.memref_squeeze %dma_start3A_145 : memref<1x14336xi32, #tpu.memory_space<hbm>> -> memref<14336xi32, #tpu.memory_space<hbm>>
            %dma_start3A_147 = tpu.memref_slice %dma_start3A_146[%mul3A_124] : memref<14336xi32, #tpu.memory_space<hbm>> -> memref<1024xi32, #tpu.memory_space<hbm>>
            tpu.enqueue_dma source(%dma_start3A_147 : memref<1024xi32, #tpu.memory_space<hbm>>) target(%arg8 : memref<1024xi32, #tpu.memory_space<vmem>>) target_semaphore(%run_scoped3A : memref<!tpu.dma_semaphore, #tpu.memory_space<semaphore_mem>>)
            %dma_wait3A = arith.constant 0 : i32
            %dma_wait3A_148 = tpu.memref_slice %arg3[%add3A_16, %dma_wait3A] : memref<32x14336xi32, #tpu.memory_space<hbm>> -> memref<1x14336xi32, #tpu.memory_space<hbm>>
            %dma_wait3A_149 = tpu.memref_squeeze %dma_wait3A_148 : memref<1x14336xi32, #tpu.memory_space<hbm>> -> memref<14336xi32, #tpu.memory_space<hbm>>
            %dma_wait3A_150 = tpu.memref_slice %dma_wait3A_149[%mul3A_124] : memref<14336xi32, #tpu.memory_space<hbm>> -> memref<1024xi32, #tpu.memory_space<hbm>>
            %dma_wait3A_151 = arith.constant 0 : i32
            %dma_wait3A_152 = tpu.memref_slice %arg3[%add3A_16, %dma_wait3A_151] : memref<32x14336xi32, #tpu.memory_space<hbm>> -> memref<1x14336xi32, #tpu.memory_space<hbm>>
            %dma_wait3A_153 = tpu.memref_squeeze %dma_wait3A_152 : memref<1x14336xi32, #tpu.memory_space<hbm>> -> memref<14336xi32, #tpu.memory_space<hbm>>
            %dma_wait3A_154 = tpu.memref_slice %dma_wait3A_153[%mul3A_124] : memref<14336xi32, #tpu.memory_space<hbm>> -> memref<1024xi32, #tpu.memory_space<hbm>>
            tpu.wait_dma2 semaphore(%run_scoped3A : memref<!tpu.dma_semaphore, #tpu.memory_space<semaphore_mem>>) src(%dma_wait3A_154 : memref<1024xi32, #tpu.memory_space<hbm>>) dst(%arg8 : memref<1024xi32, #tpu.memory_space<vmem>>)
            tpu.yield
          }) : () -> ()
          %mul3A_125 = arith.constant 8 : i32
          %mul3A_126 = arith.muli %add3A_116, %mul3A_125 : i32
          %add3A_127 = arith.addi %multiple_of3A, %mul3A_126 : i32
          "tpu.region"() ({
            %run_scoped3A = tpu.sem_alloc : memref<!tpu.dma_semaphore, #tpu.memory_space<semaphore_mem>>
            %dma_start3A_140 = arith.constant 0 : i32
            %dma_start3A_141 = arith.constant 0 : i32
            %dma_start3A_142 = tpu.memref_slice %arg4[%add3A_16, %dma_start3A_140, %dma_start3A_141] : memref<32x112x128xi32, #tpu.memory_space<hbm>> -> memref<1x112x128xi32, #tpu.memory_space<hbm>>
            %dma_start3A_143 = tpu.memref_squeeze %dma_start3A_142 : memref<1x112x128xi32, #tpu.memory_space<hbm>> -> memref<112x128xi32, #tpu.memory_space<hbm>>
            %dma_start3A_144 = arith.constant 0 : i32
            %dma_start3A_145 = tpu.memref_slice %dma_start3A_143[%add3A_127, %dma_start3A_144] : memref<112x128xi32, #tpu.memory_space<hbm>> -> memref<8x128xi32, #tpu.memory_space<hbm>>
            %dma_start3A_146 = arith.constant 0 : i32
            %dma_start3A_147 = arith.constant 0 : i32
            %dma_start3A_148 = tpu.memref_slice %arg4[%add3A_16, %dma_start3A_146, %dma_start3A_147] : memref<32x112x128xi32, #tpu.memory_space<hbm>> -> memref<1x112x128xi32, #tpu.memory_space<hbm>>
            %dma_start3A_149 = tpu.memref_squeeze %dma_start3A_148 : memref<1x112x128xi32, #tpu.memory_space<hbm>> -> memref<112x128xi32, #tpu.memory_space<hbm>>
            %dma_start3A_150 = arith.constant 0 : i32
            %dma_start3A_151 = tpu.memref_slice %dma_start3A_149[%add3A_127, %dma_start3A_150] : memref<112x128xi32, #tpu.memory_space<hbm>> -> memref<8x128xi32, #tpu.memory_space<hbm>>
            tpu.enqueue_dma source(%dma_start3A_151 : memref<8x128xi32, #tpu.memory_space<hbm>>) target(%arg9 : memref<8x128xi32, #tpu.memory_space<vmem>>) target_semaphore(%run_scoped3A : memref<!tpu.dma_semaphore, #tpu.memory_space<semaphore_mem>>)
            %dma_wait3A = arith.constant 0 : i32
            %dma_wait3A_152 = arith.constant 0 : i32
            %dma_wait3A_153 = tpu.memref_slice %arg4[%add3A_16, %dma_wait3A, %dma_wait3A_152] : memref<32x112x128xi32, #tpu.memory_space<hbm>> -> memref<1x112x128xi32, #tpu.memory_space<hbm>>
            %dma_wait3A_154 = tpu.memref_squeeze %dma_wait3A_153 : memref<1x112x128xi32, #tpu.memory_space<hbm>> -> memref<112x128xi32, #tpu.memory_space<hbm>>
            %dma_wait3A_155 = arith.constant 0 : i32
            %dma_wait3A_156 = tpu.memref_slice %dma_wait3A_154[%add3A_127, %dma_wait3A_155] : memref<112x128xi32, #tpu.memory_space<hbm>> -> memref<8x128xi32, #tpu.memory_space<hbm>>
            %dma_wait3A_157 = arith.constant 0 : i32
            %dma_wait3A_158 = arith.constant 0 : i32
            %dma_wait3A_159 = tpu.memref_slice %arg4[%add3A_16, %dma_wait3A_157, %dma_wait3A_158] : memref<32x112x128xi32, #tpu.memory_space<hbm>> -> memref<1x112x128xi32, #tpu.memory_space<hbm>>
            %dma_wait3A_160 = tpu.memref_squeeze %dma_wait3A_159 : memref<1x112x128xi32, #tpu.memory_space<hbm>> -> memref<112x128xi32, #tpu.memory_space<hbm>>
            %dma_wait3A_161 = arith.constant 0 : i32
            %dma_wait3A_162 = tpu.memref_slice %dma_wait3A_160[%add3A_127, %dma_wait3A_161] : memref<112x128xi32, #tpu.memory_space<hbm>> -> memref<8x128xi32, #tpu.memory_space<hbm>>
            tpu.wait_dma2 semaphore(%run_scoped3A : memref<!tpu.dma_semaphore, #tpu.memory_space<semaphore_mem>>) src(%dma_wait3A_162 : memref<8x128xi32, #tpu.memory_space<hbm>>) dst(%arg9 : memref<8x128xi32, #tpu.memory_space<vmem>>)
            tpu.yield
          }) : () -> ()
          %mul3A_128 = arith.constant 8 : i32
          %mul3A_129 = arith.muli %add3A_116, %mul3A_128 : i32
          %sub3A = arith.subi %reduce_max3A_35, %mul3A_129 : i32
          %min3A = arith.constant 8 : i32
          %min3A_130 = arith.minsi %sub3A, %min3A : i32
          %dma_start3A = arith.constant 0 : i32
          %dma_start3A_131 = tpu.memref_slice %arg8[%dma_start3A] : memref<1024xi32, #tpu.memory_space<vmem>> -> memref<128xi32, #tpu.memory_space<vmem>>
          %dma_start3A_132 = arith.constant 0 : i32
          %dma_start3A_133 = arith.constant 0 : i32
          %dma_start3A_134 = tpu.memref_slice %arg13[%dma_start3A_132, %dma_start3A_133] : memref<10240x128xf32, #tpu.memory_space<vmem_shared>> -> memref<10240x128xf32, #tpu.memory_space<vmem_shared>>
          tpu.enqueue_indirect_dma source(%dma_start3A_134 : memref<10240x128xf32, #tpu.memory_space<vmem_shared>>) target(%arg11 : memref<128x128xf32, #tpu.memory_space<vmem>>) offsets(%dma_start3A_131 : memref<128xi32, #tpu.memory_space<vmem>>) semaphore(%arg15 : memref<!tpu.dma_semaphore, #tpu.memory_space<semaphore_mem>>)
          %scan3A_135 = arith.constant 0 : i32
          %scan3A_136 = arith.constant 4 : i32
          %scan3A_137 = arith.addi %scan3A_135, %scan3A_136 : i32
          %scan3A_138 = arith.constant 1 : i32
          scf.for %scan3A_140 = %scan3A_135 to %scan3A_137 step %scan3A_138  : i32 {
            %mul3A_141 = arith.constant 1 : i32
            %mul3A_142 = arith.muli %scan3A_140, %mul3A_141 : i32
            %add3A_143 = arith.constant 0 : i32
            %add3A_144 = arith.addi %add3A_143, %mul3A_142 : i32
            %mul3A_145 = arith.constant 2 : i32
            %mul3A_146 = arith.muli %mul3A_145, %add3A_144 : i32
            %lt3A = arith.cmpi slt, %mul3A_146, %min3A_130 : i32
            %convert_element_type3A_147 = arith.extui %lt3A : i1 to i32
            %cond3A_148 = arith.constant 0 : i32
            %cond3A_149 = arith.cmpi ne, %convert_element_type3A_147, %cond3A_148 : i32
            scf.if %cond3A_149 {
              %add3A_150 = arith.constant 1 : i32
              %add3A_151 = arith.addi %mul3A_146, %add3A_150 : i32
              %lt3A_152 = arith.cmpi slt, %add3A_151, %min3A_130 : i32
              %convert_element_type3A_153 = arith.extui %lt3A_152 : i1 to i32
              %cond3A_154 = arith.constant 0 : i32
              %cond3A_155 = arith.cmpi ne, %convert_element_type3A_153, %cond3A_154 : i32
              scf.if %cond3A_155 {
                %add3A_173 = arith.constant 1 : i32
                %add3A_174 = arith.addi %mul3A_146, %add3A_173 : i32
                %mul3A_175 = arith.constant 128 : i32
                %mul3A_176 = arith.muli %add3A_174, %mul3A_175 : i32
                %dma_start3A_177 = tpu.memref_slice %arg8[%mul3A_176] : memref<1024xi32, #tpu.memory_space<vmem>> -> memref<128xi32, #tpu.memory_space<vmem>>
                %dma_start3A_178 = arith.constant 0 : i32
                %dma_start3A_179 = arith.constant 0 : i32
                %dma_start3A_180 = tpu.memref_slice %arg13[%dma_start3A_178, %dma_start3A_179] : memref<10240x128xf32, #tpu.memory_space<vmem_shared>> -> memref<10240x128xf32, #tpu.memory_space<vmem_shared>>
                tpu.enqueue_indirect_dma source(%dma_start3A_180 : memref<10240x128xf32, #tpu.memory_space<vmem_shared>>) target(%arg12 : memref<128x128xf32, #tpu.memory_space<vmem>>) offsets(%dma_start3A_177 : memref<128xi32, #tpu.memory_space<vmem>>) semaphore(%arg16 : memref<!tpu.dma_semaphore, #tpu.memory_space<semaphore_mem>>)
              } else {
              }
              %mul3A_156 = arith.constant 128 : i32
              %mul3A_157 = arith.muli %mul3A_146, %mul3A_156 : i32
              %dma_wait3A = tpu.memref_slice %arg8[%mul3A_157] : memref<1024xi32, #tpu.memory_space<vmem>> -> memref<128xi32, #tpu.memory_space<vmem>>
              %dma_wait3A_158 = arith.constant 0 : i32
              %dma_wait3A_159 = arith.constant 0 : i32
              %dma_wait3A_160 = tpu.memref_slice %arg13[%dma_wait3A_158, %dma_wait3A_159] : memref<10240x128xf32, #tpu.memory_space<vmem_shared>> -> memref<10240x128xf32, #tpu.memory_space<vmem_shared>>
              tpu.wait_indirect_dma semaphore(%arg15 : memref<!tpu.dma_semaphore, #tpu.memory_space<semaphore_mem>>) src(%dma_wait3A_160 : memref<10240x128xf32, #tpu.memory_space<vmem_shared>>) dst(%arg11 : memref<128x128xf32, #tpu.memory_space<vmem>>)
              "tpu.region"() ({
                %run_scoped3A = tpu.sem_alloc : memref<!tpu.dma_semaphore, #tpu.memory_space<semaphore_mem>>
                %dma_start3A_173 = arith.constant 0 : i32
                %dma_start3A_174 = tpu.memref_slice %arg9[%mul3A_146, %dma_start3A_173] : memref<8x128xi32, #tpu.memory_space<vmem>> -> memref<1x128xi32, #tpu.memory_space<vmem>>
                %dma_start3A_175 = tpu.memref_squeeze %dma_start3A_174 : memref<1x128xi32, #tpu.memory_space<vmem>> -> memref<128xi32, #tpu.memory_space<vmem>>
                %dma_start3A_176 = arith.constant 0 : i32
                %dma_start3A_177 = arith.constant 0 : i32
                %dma_start3A_178 = tpu.memref_slice %arg14[%dma_start3A_176, %dma_start3A_177] : memref<1152x128xf32, #tpu.memory_space<vmem_shared>> -> memref<1152x128xf32, #tpu.memory_space<vmem_shared>>
                tpu.enqueue_indirect_dma source(%arg11 : memref<128x128xf32, #tpu.memory_space<vmem>>) target(%dma_start3A_178 : memref<1152x128xf32, #tpu.memory_space<vmem_shared>>) offsets(%dma_start3A_175 : memref<128xi32, #tpu.memory_space<vmem>>) semaphore(%run_scoped3A : memref<!tpu.dma_semaphore, #tpu.memory_space<semaphore_mem>>) {add = true}
                %dma_wait3A_179 = arith.constant 0 : i32
                %dma_wait3A_180 = tpu.memref_slice %arg9[%mul3A_146, %dma_wait3A_179] : memref<8x128xi32, #tpu.memory_space<vmem>> -> memref<1x128xi32, #tpu.memory_space<vmem>>
                %dma_wait3A_181 = tpu.memref_squeeze %dma_wait3A_180 : memref<1x128xi32, #tpu.memory_space<vmem>> -> memref<128xi32, #tpu.memory_space<vmem>>
                %dma_wait3A_182 = arith.constant 0 : i32
                %dma_wait3A_183 = arith.constant 0 : i32
                %dma_wait3A_184 = tpu.memref_slice %arg14[%dma_wait3A_182, %dma_wait3A_183] : memref<1152x128xf32, #tpu.memory_space<vmem_shared>> -> memref<1152x128xf32, #tpu.memory_space<vmem_shared>>
                tpu.wait_indirect_dma semaphore(%run_scoped3A : memref<!tpu.dma_semaphore, #tpu.memory_space<semaphore_mem>>) src(%arg11 : memref<128x128xf32, #tpu.memory_space<vmem>>) dst(%dma_wait3A_184 : memref<1152x128xf32, #tpu.memory_space<vmem_shared>>)
                tpu.yield
              }) : () -> ()
              %add3A_161 = arith.constant 2 : i32
              %add3A_162 = arith.addi %mul3A_146, %add3A_161 : i32
              %lt3A_163 = arith.cmpi slt, %add3A_162, %min3A_130 : i32
              %convert_element_type3A_164 = arith.extui %lt3A_163 : i1 to i32
              %cond3A_165 = arith.constant 0 : i32
              %cond3A_166 = arith.cmpi ne, %convert_element_type3A_164, %cond3A_165 : i32
              scf.if %cond3A_166 {
                %add3A_173 = arith.constant 2 : i32
                %add3A_174 = arith.addi %mul3A_146, %add3A_173 : i32
                %mul3A_175 = arith.constant 128 : i32
                %mul3A_176 = arith.muli %add3A_174, %mul3A_175 : i32
                %dma_start3A_177 = tpu.memref_slice %arg8[%mul3A_176] : memref<1024xi32, #tpu.memory_space<vmem>> -> memref<128xi32, #tpu.memory_space<vmem>>
                %dma_start3A_178 = arith.constant 0 : i32
                %dma_start3A_179 = arith.constant 0 : i32
                %dma_start3A_180 = tpu.memref_slice %arg13[%dma_start3A_178, %dma_start3A_179] : memref<10240x128xf32, #tpu.memory_space<vmem_shared>> -> memref<10240x128xf32, #tpu.memory_space<vmem_shared>>
                tpu.enqueue_indirect_dma source(%dma_start3A_180 : memref<10240x128xf32, #tpu.memory_space<vmem_shared>>) target(%arg11 : memref<128x128xf32, #tpu.memory_space<vmem>>) offsets(%dma_start3A_177 : memref<128xi32, #tpu.memory_space<vmem>>) semaphore(%arg15 : memref<!tpu.dma_semaphore, #tpu.memory_space<semaphore_mem>>)
              } else {
              }
              %add3A_167 = arith.constant 1 : i32
              %add3A_168 = arith.addi %mul3A_146, %add3A_167 : i32
              %lt3A_169 = arith.cmpi slt, %add3A_168, %min3A_130 : i32
              %convert_element_type3A_170 = arith.extui %lt3A_169 : i1 to i32
              %cond3A_171 = arith.constant 0 : i32
              %cond3A_172 = arith.cmpi ne, %convert_element_type3A_170, %cond3A_171 : i32
              scf.if %cond3A_172 {
                %add3A_173 = arith.constant 1 : i32
                %add3A_174 = arith.addi %mul3A_146, %add3A_173 : i32
                %mul3A_175 = arith.constant 128 : i32
                %mul3A_176 = arith.muli %add3A_174, %mul3A_175 : i32
                %dma_wait3A_177 = tpu.memref_slice %arg8[%mul3A_176] : memref<1024xi32, #tpu.memory_space<vmem>> -> memref<128xi32, #tpu.memory_space<vmem>>
                %dma_wait3A_178 = arith.constant 0 : i32
                %dma_wait3A_179 = arith.constant 0 : i32
                %dma_wait3A_180 = tpu.memref_slice %arg13[%dma_wait3A_178, %dma_wait3A_179] : memref<10240x128xf32, #tpu.memory_space<vmem_shared>> -> memref<10240x128xf32, #tpu.memory_space<vmem_shared>>
                tpu.wait_indirect_dma semaphore(%arg16 : memref<!tpu.dma_semaphore, #tpu.memory_space<semaphore_mem>>) src(%dma_wait3A_180 : memref<10240x128xf32, #tpu.memory_space<vmem_shared>>) dst(%arg12 : memref<128x128xf32, #tpu.memory_space<vmem>>)
                %add3A_181 = arith.constant 1 : i32
                %add3A_182 = arith.addi %mul3A_146, %add3A_181 : i32
                "tpu.region"() ({
                  %run_scoped3A = tpu.sem_alloc : memref<!tpu.dma_semaphore, #tpu.memory_space<semaphore_mem>>
                  %dma_start3A_183 = arith.constant 0 : i32
                  %dma_start3A_184 = tpu.memref_slice %arg9[%add3A_182, %dma_start3A_183] : memref<8x128xi32, #tpu.memory_space<vmem>> -> memref<1x128xi32, #tpu.memory_space<vmem>>
                  %dma_start3A_185 = tpu.memref_squeeze %dma_start3A_184 : memref<1x128xi32, #tpu.memory_space<vmem>> -> memref<128xi32, #tpu.memory_space<vmem>>
                  %dma_start3A_186 = arith.constant 0 : i32
                  %dma_start3A_187 = arith.constant 0 : i32
                  %dma_start3A_188 = tpu.memref_slice %arg14[%dma_start3A_186, %dma_start3A_187] : memref<1152x128xf32, #tpu.memory_space<vmem_shared>> -> memref<1152x128xf32, #tpu.memory_space<vmem_shared>>
                  tpu.enqueue_indirect_dma source(%arg12 : memref<128x128xf32, #tpu.memory_space<vmem>>) target(%dma_start3A_188 : memref<1152x128xf32, #tpu.memory_space<vmem_shared>>) offsets(%dma_start3A_185 : memref<128xi32, #tpu.memory_space<vmem>>) semaphore(%run_scoped3A : memref<!tpu.dma_semaphore, #tpu.memory_space<semaphore_mem>>) {add = true}
                  %dma_wait3A_189 = arith.constant 0 : i32
                  %dma_wait3A_190 = tpu.memref_slice %arg9[%add3A_182, %dma_wait3A_189] : memref<8x128xi32, #tpu.memory_space<vmem>> -> memref<1x128xi32, #tpu.memory_space<vmem>>
                  %dma_wait3A_191 = tpu.memref_squeeze %dma_wait3A_190 : memref<1x128xi32, #tpu.memory_space<vmem>> -> memref<128xi32, #tpu.memory_space<vmem>>
                  %dma_wait3A_192 = arith.constant 0 : i32
                  %dma_wait3A_193 = arith.constant 0 : i32
                  %dma_wait3A_194 = tpu.memref_slice %arg14[%dma_wait3A_192, %dma_wait3A_193] : memref<1152x128xf32, #tpu.memory_space<vmem_shared>> -> memref<1152x128xf32, #tpu.memory_space<vmem_shared>>
                  tpu.wait_indirect_dma semaphore(%run_scoped3A : memref<!tpu.dma_semaphore, #tpu.memory_space<semaphore_mem>>) src(%arg12 : memref<128x128xf32, #tpu.memory_space<vmem>>) dst(%dma_wait3A_194 : memref<1152x128xf32, #tpu.memory_space<vmem_shared>>)
                  tpu.yield
                }) : () -> ()
              } else {
              }
            } else {
            }
          }
          %scan3A_139 = arith.constant 4 : i32
        } else {
        }
      }
      %scan3A_53 = arith.constant 5 : i32
      %mul3A_54 = arith.constant 2 : i32
      %mul3A_55 = arith.muli %mul3A_54, %arg1 : i32
      %add3A_56 = arith.constant 1 : i32
      %add3A_57 = arith.addi %mul3A_55, %add3A_56 : i32
      %get3A_58 = arith.constant 1 : i32
      %get3A_59 = arith.constant 0 : i32
      %get3A_60 = arith.index_cast %get3A_58 : i32 to index
      %get3A_61 = arith.index_cast %get3A_59 : i32 to index
      %get3A_62 = arith.constant 0 : index
      %get3A_63 = tpu.vector_load %arg10[%get3A_60, %get3A_61, %get3A_62] {strides = array<i32>} : memref<2x2x16xi32, #tpu.memory_space<vmem>>, vector<16xi32>,
      %get3A_64 = arith.constant 1 : i32
      %get3A_65 = arith.constant 1 : i32
      %get3A_66 = arith.index_cast %get3A_64 : i32 to index
      %get3A_67 = arith.index_cast %get3A_65 : i32 to index
      %get3A_68 = arith.constant 0 : index
      %get3A_69 = tpu.vector_load %arg10[%get3A_66, %get3A_67, %get3A_68] {strides = array<i32>} : memref<2x2x16xi32, #tpu.memory_space<vmem>>, vector<16xi32>,
      %eq3A_70 = vector.broadcast %add3A_10 : i32 to vector<16xi32>
      %eq3A_71 = arith.cmpi eq, %iota3A, %eq3A_70 : vector<16xi32>
      %jit3A_72 = arith.constant 0 : i32
      %broadcast_in_dim3A_73 = vector.broadcast %jit3A_72 : i32 to vector<16xi32>
      %select_n3A_74 = arith.select %eq3A_71, %get3A_63, %broadcast_in_dim3A_73 : vector<16xi1>, vector<16xi32>
      %reduce_max3A_75 = arith.constant true
      %reduce_max3A_76 = vector.broadcast %reduce_max3A_75 : i1 to vector<16xi1>
      %reduce_max3A_77 = arith.constant -2147483648 : i32
      %reduce_max3A_78 = vector.broadcast %reduce_max3A_77 : i32 to vector<16xi32>
      %reduce_max3A_79 = arith.xori %select_n3A_74, %reduce_max3A_78 : vector<16xi32>
      %reduce_max3A_80 = tpu.scan <max>, %reduce_max3A_79 masked %reduce_max3A_76 : vector<16xi32>, vector<16xi1> -> vector<16xi32>
      %reduce_max3A_81 = arith.xori %reduce_max3A_80, %reduce_max3A_78 : vector<16xi32>
      %reduce_max3A_82 = vector.extract %reduce_max3A_81[15] : i32 from vector<16xi32>
      %eq3A_83 = vector.broadcast %add3A_10 : i32 to vector<16xi32>
      %eq3A_84 = arith.cmpi eq, %iota3A, %eq3A_83 : vector<16xi32>
      %jit3A_85 = arith.constant 0 : i32
      %broadcast_in_dim3A_86 = vector.broadcast %jit3A_85 : i32 to vector<16xi32>
      %select_n3A_87 = arith.select %eq3A_84, %get3A_69, %broadcast_in_dim3A_86 : vector<16xi1>, vector<16xi32>
      %reduce_max3A_88 = arith.constant true
      %reduce_max3A_89 = vector.broadcast %reduce_max3A_88 : i1 to vector<16xi1>
      %reduce_max3A_90 = arith.constant -2147483648 : i32
      %reduce_max3A_91 = vector.broadcast %reduce_max3A_90 : i32 to vector<16xi32>
      %reduce_max3A_92 = arith.xori %select_n3A_87, %reduce_max3A_91 : vector<16xi32>
      %reduce_max3A_93 = tpu.scan <max>, %reduce_max3A_92 masked %reduce_max3A_89 : vector<16xi32>, vector<16xi1> -> vector<16xi32>
      %reduce_max3A_94 = arith.xori %reduce_max3A_93, %reduce_max3A_91 : vector<16xi32>
      %reduce_max3A_95 = vector.extract %reduce_max3A_94[15] : i32 from vector<16xi32>
      %multiple_of3A_96 = tpu.assume_multiple %reduce_max3A_95, 8 : i32
      %scan3A_97 = arith.constant 0 : i32
      %scan3A_98 = arith.constant 5 : i32
      %scan3A_99 = arith.addi %scan3A_97, %scan3A_98 : i32
      %scan3A_100 = arith.constant 1 : i32
      scf.for %scan3A_112 = %scan3A_97 to %scan3A_99 step %scan3A_100  : i32 {
        %mul3A_113 = arith.constant 1 : i32
        %mul3A_114 = arith.muli %scan3A_112, %mul3A_113 : i32
        %add3A_115 = arith.constant 0 : i32
        %add3A_116 = arith.addi %add3A_115, %mul3A_114 : i32
        %mul3A_117 = arith.constant 8 : i32
        %mul3A_118 = arith.muli %add3A_116, %mul3A_117 : i32
        %gt3A = arith.cmpi sgt, %reduce_max3A_82, %mul3A_118 : i32
        %convert_element_type3A = arith.extui %gt3A : i1 to i32
        %cond3A = arith.constant 0 : i32
        %cond3A_119 = arith.cmpi ne, %convert_element_type3A, %cond3A : i32
        scf.if %cond3A_119 {
          %mul3A_120 = arith.constant 8 : i32
          %mul3A_121 = arith.muli %add3A_116, %mul3A_120 : i32
          %add3A_122 = arith.addi %multiple_of3A_96, %mul3A_121 : i32
          %mul3A_123 = arith.constant 128 : i32
          %mul3A_124 = arith.muli %add3A_122, %mul3A_123 : i32
          "tpu.region"() ({
            %run_scoped3A = tpu.sem_alloc : memref<!tpu.dma_semaphore, #tpu.memory_space<semaphore_mem>>
            %dma_start3A_140 = arith.constant 0 : i32
            %dma_start3A_141 = tpu.memref_slice %arg3[%add3A_57, %dma_start3A_140] : memref<32x14336xi32, #tpu.memory_space<hbm>> -> memref<1x14336xi32, #tpu.memory_space<hbm>>
            %dma_start3A_142 = tpu.memref_squeeze %dma_start3A_141 : memref<1x14336xi32, #tpu.memory_space<hbm>> -> memref<14336xi32, #tpu.memory_space<hbm>>
            %dma_start3A_143 = tpu.memref_slice %dma_start3A_142[%mul3A_124] : memref<14336xi32, #tpu.memory_space<hbm>> -> memref<1024xi32, #tpu.memory_space<hbm>>
            %dma_start3A_144 = arith.constant 0 : i32
            %dma_start3A_145 = tpu.memref_slice %arg3[%add3A_57, %dma_start3A_144] : memref<32x14336xi32, #tpu.memory_space<hbm>> -> memref<1x14336xi32, #tpu.memory_space<hbm>>
            %dma_start3A_146 = tpu.memref_squeeze %dma_start3A_145 : memref<1x14336xi32, #tpu.memory_space<hbm>> -> memref<14336xi32, #tpu.memory_space<hbm>>
            %dma_start3A_147 = tpu.memref_slice %dma_start3A_146[%mul3A_124] : memref<14336xi32, #tpu.memory_space<hbm>> -> memref<1024xi32, #tpu.memory_space<hbm>>
            tpu.enqueue_dma source(%dma_start3A_147 : memref<1024xi32, #tpu.memory_space<hbm>>) target(%arg8 : memref<1024xi32, #tpu.memory_space<vmem>>) target_semaphore(%run_scoped3A : memref<!tpu.dma_semaphore, #tpu.memory_space<semaphore_mem>>)
            %dma_wait3A = arith.constant 0 : i32
            %dma_wait3A_148 = tpu.memref_slice %arg3[%add3A_57, %dma_wait3A] : memref<32x14336xi32, #tpu.memory_space<hbm>> -> memref<1x14336xi32, #tpu.memory_space<hbm>>
            %dma_wait3A_149 = tpu.memref_squeeze %dma_wait3A_148 : memref<1x14336xi32, #tpu.memory_space<hbm>> -> memref<14336xi32, #tpu.memory_space<hbm>>
            %dma_wait3A_150 = tpu.memref_slice %dma_wait3A_149[%mul3A_124] : memref<14336xi32, #tpu.memory_space<hbm>> -> memref<1024xi32, #tpu.memory_space<hbm>>
            %dma_wait3A_151 = arith.constant 0 : i32
            %dma_wait3A_152 = tpu.memref_slice %arg3[%add3A_57, %dma_wait3A_151] : memref<32x14336xi32, #tpu.memory_space<hbm>> -> memref<1x14336xi32, #tpu.memory_space<hbm>>
            %dma_wait3A_153 = tpu.memref_squeeze %dma_wait3A_152 : memref<1x14336xi32, #tpu.memory_space<hbm>> -> memref<14336xi32, #tpu.memory_space<hbm>>
            %dma_wait3A_154 = tpu.memref_slice %dma_wait3A_153[%mul3A_124] : memref<14336xi32, #tpu.memory_space<hbm>> -> memref<1024xi32, #tpu.memory_space<hbm>>
            tpu.wait_dma2 semaphore(%run_scoped3A : memref<!tpu.dma_semaphore, #tpu.memory_space<semaphore_mem>>) src(%dma_wait3A_154 : memref<1024xi32, #tpu.memory_space<hbm>>) dst(%arg8 : memref<1024xi32, #tpu.memory_space<vmem>>)
            tpu.yield
          }) : () -> ()
          %mul3A_125 = arith.constant 8 : i32
          %mul3A_126 = arith.muli %add3A_116, %mul3A_125 : i32
          %add3A_127 = arith.addi %multiple_of3A_96, %mul3A_126 : i32
          "tpu.region"() ({
            %run_scoped3A = tpu.sem_alloc : memref<!tpu.dma_semaphore, #tpu.memory_space<semaphore_mem>>
            %dma_start3A_140 = arith.constant 0 : i32
            %dma_start3A_141 = arith.constant 0 : i32
            %dma_start3A_142 = tpu.memref_slice %arg4[%add3A_57, %dma_start3A_140, %dma_start3A_141] : memref<32x112x128xi32, #tpu.memory_space<hbm>> -> memref<1x112x128xi32, #tpu.memory_space<hbm>>
            %dma_start3A_143 = tpu.memref_squeeze %dma_start3A_142 : memref<1x112x128xi32, #tpu.memory_space<hbm>> -> memref<112x128xi32, #tpu.memory_space<hbm>>
            %dma_start3A_144 = arith.constant 0 : i32
            %dma_start3A_145 = tpu.memref_slice %dma_start3A_143[%add3A_127, %dma_start3A_144] : memref<112x128xi32, #tpu.memory_space<hbm>> -> memref<8x128xi32, #tpu.memory_space<hbm>>
            %dma_start3A_146 = arith.constant 0 : i32
            %dma_start3A_147 = arith.constant 0 : i32
            %dma_start3A_148 = tpu.memref_slice %arg4[%add3A_57, %dma_start3A_146, %dma_start3A_147] : memref<32x112x128xi32, #tpu.memory_space<hbm>> -> memref<1x112x128xi32, #tpu.memory_space<hbm>>
            %dma_start3A_149 = tpu.memref_squeeze %dma_start3A_148 : memref<1x112x128xi32, #tpu.memory_space<hbm>> -> memref<112x128xi32, #tpu.memory_space<hbm>>
            %dma_start3A_150 = arith.constant 0 : i32
            %dma_start3A_151 = tpu.memref_slice %dma_start3A_149[%add3A_127, %dma_start3A_150] : memref<112x128xi32, #tpu.memory_space<hbm>> -> memref<8x128xi32, #tpu.memory_space<hbm>>
            tpu.enqueue_dma source(%dma_start3A_151 : memref<8x128xi32, #tpu.memory_space<hbm>>) target(%arg9 : memref<8x128xi32, #tpu.memory_space<vmem>>) target_semaphore(%run_scoped3A : memref<!tpu.dma_semaphore, #tpu.memory_space<semaphore_mem>>)
            %dma_wait3A = arith.constant 0 : i32
            %dma_wait3A_152 = arith.constant 0 : i32
            %dma_wait3A_153 = tpu.memref_slice %arg4[%add3A_57, %dma_wait3A, %dma_wait3A_152] : memref<32x112x128xi32, #tpu.memory_space<hbm>> -> memref<1x112x128xi32, #tpu.memory_space<hbm>>
            %dma_wait3A_154 = tpu.memref_squeeze %dma_wait3A_153 : memref<1x112x128xi32, #tpu.memory_space<hbm>> -> memref<112x128xi32, #tpu.memory_space<hbm>>
            %dma_wait3A_155 = arith.constant 0 : i32
            %dma_wait3A_156 = tpu.memref_slice %dma_wait3A_154[%add3A_127, %dma_wait3A_155] : memref<112x128xi32, #tpu.memory_space<hbm>> -> memref<8x128xi32, #tpu.memory_space<hbm>>
            %dma_wait3A_157 = arith.constant 0 : i32
            %dma_wait3A_158 = arith.constant 0 : i32
            %dma_wait3A_159 = tpu.memref_slice %arg4[%add3A_57, %dma_wait3A_157, %dma_wait3A_158] : memref<32x112x128xi32, #tpu.memory_space<hbm>> -> memref<1x112x128xi32, #tpu.memory_space<hbm>>
            %dma_wait3A_160 = tpu.memref_squeeze %dma_wait3A_159 : memref<1x112x128xi32, #tpu.memory_space<hbm>> -> memref<112x128xi32, #tpu.memory_space<hbm>>
            %dma_wait3A_161 = arith.constant 0 : i32
            %dma_wait3A_162 = tpu.memref_slice %dma_wait3A_160[%add3A_127, %dma_wait3A_161] : memref<112x128xi32, #tpu.memory_space<hbm>> -> memref<8x128xi32, #tpu.memory_space<hbm>>
            tpu.wait_dma2 semaphore(%run_scoped3A : memref<!tpu.dma_semaphore, #tpu.memory_space<semaphore_mem>>) src(%dma_wait3A_162 : memref<8x128xi32, #tpu.memory_space<hbm>>) dst(%arg9 : memref<8x128xi32, #tpu.memory_space<vmem>>)
            tpu.yield
          }) : () -> ()
          %mul3A_128 = arith.constant 8 : i32
          %mul3A_129 = arith.muli %add3A_116, %mul3A_128 : i32
          %sub3A = arith.subi %reduce_max3A_82, %mul3A_129 : i32
          %min3A = arith.constant 8 : i32
          %min3A_130 = arith.minsi %sub3A, %min3A : i32
          %dma_start3A = arith.constant 0 : i32
          %dma_start3A_131 = tpu.memref_slice %arg8[%dma_start3A] : memref<1024xi32, #tpu.memory_space<vmem>> -> memref<128xi32, #tpu.memory_space<vmem>>
          %dma_start3A_132 = arith.constant 0 : i32
          %dma_start3A_133 = arith.constant 0 : i32
          %dma_start3A_134 = tpu.memref_slice %arg13[%dma_start3A_132, %dma_start3A_133] : memref<10240x128xf32, #tpu.memory_space<vmem_shared>> -> memref<10240x128xf32, #tpu.memory_space<vmem_shared>>
          tpu.enqueue_indirect_dma source(%dma_start3A_134 : memref<10240x128xf32, #tpu.memory_space<vmem_shared>>) target(%arg11 : memref<128x128xf32, #tpu.memory_space<vmem>>) offsets(%dma_start3A_131 : memref<128xi32, #tpu.memory_space<vmem>>) semaphore(%arg15 : memref<!tpu.dma_semaphore, #tpu.memory_space<semaphore_mem>>)
          %scan3A_135 = arith.constant 0 : i32
          %scan3A_136 = arith.constant 4 : i32
          %scan3A_137 = arith.addi %scan3A_135, %scan3A_136 : i32
          %scan3A_138 = arith.constant 1 : i32
          scf.for %scan3A_140 = %scan3A_135 to %scan3A_137 step %scan3A_138  : i32 {
            %mul3A_141 = arith.constant 1 : i32
            %mul3A_142 = arith.muli %scan3A_140, %mul3A_141 : i32
            %add3A_143 = arith.constant 0 : i32
            %add3A_144 = arith.addi %add3A_143, %mul3A_142 : i32
            %mul3A_145 = arith.constant 2 : i32
            %mul3A_146 = arith.muli %mul3A_145, %add3A_144 : i32
            %lt3A = arith.cmpi slt, %mul3A_146, %min3A_130 : i32
            %convert_element_type3A_147 = arith.extui %lt3A : i1 to i32
            %cond3A_148 = arith.constant 0 : i32
            %cond3A_149 = arith.cmpi ne, %convert_element_type3A_147, %cond3A_148 : i32
            scf.if %cond3A_149 {
              %add3A_150 = arith.constant 1 : i32
              %add3A_151 = arith.addi %mul3A_146, %add3A_150 : i32
              %lt3A_152 = arith.cmpi slt, %add3A_151, %min3A_130 : i32
              %convert_element_type3A_153 = arith.extui %lt3A_152 : i1 to i32
              %cond3A_154 = arith.constant 0 : i32
              %cond3A_155 = arith.cmpi ne, %convert_element_type3A_153, %cond3A_154 : i32
              scf.if %cond3A_155 {
                %add3A_173 = arith.constant 1 : i32
                %add3A_174 = arith.addi %mul3A_146, %add3A_173 : i32
                %mul3A_175 = arith.constant 128 : i32
                %mul3A_176 = arith.muli %add3A_174, %mul3A_175 : i32
                %dma_start3A_177 = tpu.memref_slice %arg8[%mul3A_176] : memref<1024xi32, #tpu.memory_space<vmem>> -> memref<128xi32, #tpu.memory_space<vmem>>
                %dma_start3A_178 = arith.constant 0 : i32
                %dma_start3A_179 = arith.constant 0 : i32
                %dma_start3A_180 = tpu.memref_slice %arg13[%dma_start3A_178, %dma_start3A_179] : memref<10240x128xf32, #tpu.memory_space<vmem_shared>> -> memref<10240x128xf32, #tpu.memory_space<vmem_shared>>
                tpu.enqueue_indirect_dma source(%dma_start3A_180 : memref<10240x128xf32, #tpu.memory_space<vmem_shared>>) target(%arg12 : memref<128x128xf32, #tpu.memory_space<vmem>>) offsets(%dma_start3A_177 : memref<128xi32, #tpu.memory_space<vmem>>) semaphore(%arg16 : memref<!tpu.dma_semaphore, #tpu.memory_space<semaphore_mem>>)
              } else {
              }
              %mul3A_156 = arith.constant 128 : i32
              %mul3A_157 = arith.muli %mul3A_146, %mul3A_156 : i32
              %dma_wait3A = tpu.memref_slice %arg8[%mul3A_157] : memref<1024xi32, #tpu.memory_space<vmem>> -> memref<128xi32, #tpu.memory_space<vmem>>
              %dma_wait3A_158 = arith.constant 0 : i32
              %dma_wait3A_159 = arith.constant 0 : i32
              %dma_wait3A_160 = tpu.memref_slice %arg13[%dma_wait3A_158, %dma_wait3A_159] : memref<10240x128xf32, #tpu.memory_space<vmem_shared>> -> memref<10240x128xf32, #tpu.memory_space<vmem_shared>>
              tpu.wait_indirect_dma semaphore(%arg15 : memref<!tpu.dma_semaphore, #tpu.memory_space<semaphore_mem>>) src(%dma_wait3A_160 : memref<10240x128xf32, #tpu.memory_space<vmem_shared>>) dst(%arg11 : memref<128x128xf32, #tpu.memory_space<vmem>>)
              "tpu.region"() ({
                %run_scoped3A = tpu.sem_alloc : memref<!tpu.dma_semaphore, #tpu.memory_space<semaphore_mem>>
                %dma_start3A_173 = arith.constant 0 : i32
                %dma_start3A_174 = tpu.memref_slice %arg9[%mul3A_146, %dma_start3A_173] : memref<8x128xi32, #tpu.memory_space<vmem>> -> memref<1x128xi32, #tpu.memory_space<vmem>>
                %dma_start3A_175 = tpu.memref_squeeze %dma_start3A_174 : memref<1x128xi32, #tpu.memory_space<vmem>> -> memref<128xi32, #tpu.memory_space<vmem>>
                %dma_start3A_176 = arith.constant 0 : i32
                %dma_start3A_177 = arith.constant 0 : i32
                %dma_start3A_178 = tpu.memref_slice %arg14[%dma_start3A_176, %dma_start3A_177] : memref<1152x128xf32, #tpu.memory_space<vmem_shared>> -> memref<1152x128xf32, #tpu.memory_space<vmem_shared>>
                tpu.enqueue_indirect_dma source(%arg11 : memref<128x128xf32, #tpu.memory_space<vmem>>) target(%dma_start3A_178 : memref<1152x128xf32, #tpu.memory_space<vmem_shared>>) offsets(%dma_start3A_175 : memref<128xi32, #tpu.memory_space<vmem>>) semaphore(%run_scoped3A : memref<!tpu.dma_semaphore, #tpu.memory_space<semaphore_mem>>) {add = true}
                %dma_wait3A_179 = arith.constant 0 : i32
                %dma_wait3A_180 = tpu.memref_slice %arg9[%mul3A_146, %dma_wait3A_179] : memref<8x128xi32, #tpu.memory_space<vmem>> -> memref<1x128xi32, #tpu.memory_space<vmem>>
                %dma_wait3A_181 = tpu.memref_squeeze %dma_wait3A_180 : memref<1x128xi32, #tpu.memory_space<vmem>> -> memref<128xi32, #tpu.memory_space<vmem>>
                %dma_wait3A_182 = arith.constant 0 : i32
                %dma_wait3A_183 = arith.constant 0 : i32
                %dma_wait3A_184 = tpu.memref_slice %arg14[%dma_wait3A_182, %dma_wait3A_183] : memref<1152x128xf32, #tpu.memory_space<vmem_shared>> -> memref<1152x128xf32, #tpu.memory_space<vmem_shared>>
                tpu.wait_indirect_dma semaphore(%run_scoped3A : memref<!tpu.dma_semaphore, #tpu.memory_space<semaphore_mem>>) src(%arg11 : memref<128x128xf32, #tpu.memory_space<vmem>>) dst(%dma_wait3A_184 : memref<1152x128xf32, #tpu.memory_space<vmem_shared>>)
                tpu.yield
              }) : () -> ()
              %add3A_161 = arith.constant 2 : i32
              %add3A_162 = arith.addi %mul3A_146, %add3A_161 : i32
              %lt3A_163 = arith.cmpi slt, %add3A_162, %min3A_130 : i32
              %convert_element_type3A_164 = arith.extui %lt3A_163 : i1 to i32
              %cond3A_165 = arith.constant 0 : i32
              %cond3A_166 = arith.cmpi ne, %convert_element_type3A_164, %cond3A_165 : i32
              scf.if %cond3A_166 {
                %add3A_173 = arith.constant 2 : i32
                %add3A_174 = arith.addi %mul3A_146, %add3A_173 : i32
                %mul3A_175 = arith.constant 128 : i32
                %mul3A_176 = arith.muli %add3A_174, %mul3A_175 : i32
                %dma_start3A_177 = tpu.memref_slice %arg8[%mul3A_176] : memref<1024xi32, #tpu.memory_space<vmem>> -> memref<128xi32, #tpu.memory_space<vmem>>
                %dma_start3A_178 = arith.constant 0 : i32
                %dma_start3A_179 = arith.constant 0 : i32
                %dma_start3A_180 = tpu.memref_slice %arg13[%dma_start3A_178, %dma_start3A_179] : memref<10240x128xf32, #tpu.memory_space<vmem_shared>> -> memref<10240x128xf32, #tpu.memory_space<vmem_shared>>
                tpu.enqueue_indirect_dma source(%dma_start3A_180 : memref<10240x128xf32, #tpu.memory_space<vmem_shared>>) target(%arg11 : memref<128x128xf32, #tpu.memory_space<vmem>>) offsets(%dma_start3A_177 : memref<128xi32, #tpu.memory_space<vmem>>) semaphore(%arg15 : memref<!tpu.dma_semaphore, #tpu.memory_space<semaphore_mem>>)
              } else {
              }
              %add3A_167 = arith.constant 1 : i32
              %add3A_168 = arith.addi %mul3A_146, %add3A_167 : i32
              %lt3A_169 = arith.cmpi slt, %add3A_168, %min3A_130 : i32
              %convert_element_type3A_170 = arith.extui %lt3A_169 : i1 to i32
              %cond3A_171 = arith.constant 0 : i32
              %cond3A_172 = arith.cmpi ne, %convert_element_type3A_170, %cond3A_171 : i32
              scf.if %cond3A_172 {
                %add3A_173 = arith.constant 1 : i32
                %add3A_174 = arith.addi %mul3A_146, %add3A_173 : i32
                %mul3A_175 = arith.constant 128 : i32
                %mul3A_176 = arith.muli %add3A_174, %mul3A_175 : i32
                %dma_wait3A_177 = tpu.memref_slice %arg8[%mul3A_176] : memref<1024xi32, #tpu.memory_space<vmem>> -> memref<128xi32, #tpu.memory_space<vmem>>
                %dma_wait3A_178 = arith.constant 0 : i32
                %dma_wait3A_179 = arith.constant 0 : i32
                %dma_wait3A_180 = tpu.memref_slice %arg13[%dma_wait3A_178, %dma_wait3A_179] : memref<10240x128xf32, #tpu.memory_space<vmem_shared>> -> memref<10240x128xf32, #tpu.memory_space<vmem_shared>>
                tpu.wait_indirect_dma semaphore(%arg16 : memref<!tpu.dma_semaphore, #tpu.memory_space<semaphore_mem>>) src(%dma_wait3A_180 : memref<10240x128xf32, #tpu.memory_space<vmem_shared>>) dst(%arg12 : memref<128x128xf32, #tpu.memory_space<vmem>>)
                %add3A_181 = arith.constant 1 : i32
                %add3A_182 = arith.addi %mul3A_146, %add3A_181 : i32
                "tpu.region"() ({
                  %run_scoped3A = tpu.sem_alloc : memref<!tpu.dma_semaphore, #tpu.memory_space<semaphore_mem>>
                  %dma_start3A_183 = arith.constant 0 : i32
                  %dma_start3A_184 = tpu.memref_slice %arg9[%add3A_182, %dma_start3A_183] : memref<8x128xi32, #tpu.memory_space<vmem>> -> memref<1x128xi32, #tpu.memory_space<vmem>>
                  %dma_start3A_185 = tpu.memref_squeeze %dma_start3A_184 : memref<1x128xi32, #tpu.memory_space<vmem>> -> memref<128xi32, #tpu.memory_space<vmem>>
                  %dma_start3A_186 = arith.constant 0 : i32
                  %dma_start3A_187 = arith.constant 0 : i32
                  %dma_start3A_188 = tpu.memref_slice %arg14[%dma_start3A_186, %dma_start3A_187] : memref<1152x128xf32, #tpu.memory_space<vmem_shared>> -> memref<1152x128xf32, #tpu.memory_space<vmem_shared>>
                  tpu.enqueue_indirect_dma source(%arg12 : memref<128x128xf32, #tpu.memory_space<vmem>>) target(%dma_start3A_188 : memref<1152x128xf32, #tpu.memory_space<vmem_shared>>) offsets(%dma_start3A_185 : memref<128xi32, #tpu.memory_space<vmem>>) semaphore(%run_scoped3A : memref<!tpu.dma_semaphore, #tpu.memory_space<semaphore_mem>>) {add = true}
                  %dma_wait3A_189 = arith.constant 0 : i32
                  %dma_wait3A_190 = tpu.memref_slice %arg9[%add3A_182, %dma_wait3A_189] : memref<8x128xi32, #tpu.memory_space<vmem>> -> memref<1x128xi32, #tpu.memory_space<vmem>>
                  %dma_wait3A_191 = tpu.memref_squeeze %dma_wait3A_190 : memref<1x128xi32, #tpu.memory_space<vmem>> -> memref<128xi32, #tpu.memory_space<vmem>>
                  %dma_wait3A_192 = arith.constant 0 : i32
                  %dma_wait3A_193 = arith.constant 0 : i32
                  %dma_wait3A_194 = tpu.memref_slice %arg14[%dma_wait3A_192, %dma_wait3A_193] : memref<1152x128xf32, #tpu.memory_space<vmem_shared>> -> memref<1152x128xf32, #tpu.memory_space<vmem_shared>>
                  tpu.wait_indirect_dma semaphore(%run_scoped3A : memref<!tpu.dma_semaphore, #tpu.memory_space<semaphore_mem>>) src(%arg12 : memref<128x128xf32, #tpu.memory_space<vmem>>) dst(%dma_wait3A_194 : memref<1152x128xf32, #tpu.memory_space<vmem_shared>>)
                  tpu.yield
                }) : () -> ()
              } else {
              }
            } else {
            }
          }
          %scan3A_139 = arith.constant 4 : i32
        } else {
        }
      }
      %scan3A_101 = arith.constant 5 : i32
      %barrier3A_102 = arith.constant 0 : index
      tpu.barrier barrier_id(%barrier3A_102)
      %mul3A_103 = arith.constant 64 : i32
      %mul3A_104 = arith.muli %arg1, %mul3A_103 : i32
      %mul3A_105 = arith.constant 1024 : i32
      %mul3A_106 = arith.muli %add3A_10, %mul3A_105 : i32
      %mul3A_107 = arith.constant 64 : i32
      %mul3A_108 = arith.muli %arg1, %mul3A_107 : i32
      %add3A_109 = arith.addi %mul3A_106, %mul3A_108 : i32
      %multiple_of3A_110 = tpu.assume_multiple %add3A_109, 8 : i32
      "tpu.region"() ({
        %run_scoped3A = tpu.sem_alloc : memref<!tpu.dma_semaphore, #tpu.memory_space<semaphore_mem>>
        %dma_start3A = arith.constant 0 : i32
        %dma_start3A_112 = arith.constant 0 : i32
        %dma_start3A_113 = tpu.memref_slice %arg7[%arg0, %dma_start3A, %dma_start3A_112] : memref<2x10240x128xf32, #tpu.memory_space<hbm>> -> memref<1x10240x128xf32, #tpu.memory_space<hbm>>
        %dma_start3A_114 = tpu.memref_squeeze %dma_start3A_113 : memref<1x10240x128xf32, #tpu.memory_space<hbm>> -> memref<10240x128xf32, #tpu.memory_space<hbm>>
        %dma_start3A_115 = arith.constant 0 : i32
        %dma_start3A_116 = tpu.memref_slice %dma_start3A_114[%multiple_of3A_110, %dma_start3A_115] : memref<10240x128xf32, #tpu.memory_space<hbm>> -> memref<64x128xf32, #tpu.memory_space<hbm>>
        %dma_start3A_117 = arith.constant 0 : i32
        %dma_start3A_118 = tpu.memref_slice %arg14[%mul3A_104, %dma_start3A_117] : memref<1152x128xf32, #tpu.memory_space<vmem_shared>> -> memref<64x128xf32, #tpu.memory_space<vmem_shared>>
        tpu.enqueue_dma source(%dma_start3A_118 : memref<64x128xf32, #tpu.memory_space<vmem_shared>>) target(%dma_start3A_116 : memref<64x128xf32, #tpu.memory_space<hbm>>) target_semaphore(%run_scoped3A : memref<!tpu.dma_semaphore, #tpu.memory_space<semaphore_mem>>)
        %dma_wait3A = arith.constant 0 : i32
        %dma_wait3A_119 = arith.constant 0 : i32
        %dma_wait3A_120 = tpu.memref_slice %arg7[%arg0, %dma_wait3A, %dma_wait3A_119] : memref<2x10240x128xf32, #tpu.memory_space<hbm>> -> memref<1x10240x128xf32, #tpu.memory_space<hbm>>
        %dma_wait3A_121 = tpu.memref_squeeze %dma_wait3A_120 : memref<1x10240x128xf32, #tpu.memory_space<hbm>> -> memref<10240x128xf32, #tpu.memory_space<hbm>>
        %dma_wait3A_122 = arith.constant 0 : i32
        %dma_wait3A_123 = tpu.memref_slice %dma_wait3A_121[%multiple_of3A_110, %dma_wait3A_122] : memref<10240x128xf32, #tpu.memory_space<hbm>> -> memref<64x128xf32, #tpu.memory_space<hbm>>
        %dma_wait3A_124 = arith.constant 0 : i32
        %dma_wait3A_125 = tpu.memref_slice %arg14[%mul3A_104, %dma_wait3A_124] : memref<1152x128xf32, #tpu.memory_space<vmem_shared>> -> memref<64x128xf32, #tpu.memory_space<vmem_shared>>
        tpu.wait_dma2 semaphore(%run_scoped3A : memref<!tpu.dma_semaphore, #tpu.memory_space<semaphore_mem>>) src(%dma_wait3A_125 : memref<64x128xf32, #tpu.memory_space<vmem_shared>>) dst(%dma_wait3A_123 : memref<64x128xf32, #tpu.memory_space<hbm>>)
        tpu.yield
      }) : () -> ()
      %barrier3A_111 = arith.constant 0 : index
      tpu.barrier barrier_id(%barrier3A_111)
    }
    %scan3A_6 = arith.constant 10 : i32
    return
  }
}

#map = affine_map<(d0, d1) -> (0, 0, 0)>
#map1 = affine_map<(d0, d1) -> (0, 0)>
module attributes {stable_mosaic.version = 14 : i64} {
  func.func @_sc_edge_pass(%arg0: i32, %arg1: i32, %arg2: memref<2x10240x128xf32, #tpu.memory_space<hbm>>, %arg3: memref<32x14336xi32, #tpu.memory_space<hbm>>, %arg4: memref<32x112x128xi32, #tpu.memory_space<hbm>>, %arg5: memref<32x2x16xi32, #tpu.memory_space<hbm>>, %arg6: memref<72x128xf32, #tpu.memory_space<hbm>>, %arg7: memref<2x10240x128xf32, #tpu.memory_space<hbm>>, %arg8: memref<1024xi32, #tpu.memory_space<vmem>>, %arg9: memref<8x128xi32, #tpu.memory_space<vmem>>, %arg10: memref<2x2x16xi32, #tpu.memory_space<vmem>>, %arg11: memref<128x128xf32, #tpu.memory_space<vmem>>, %arg12: memref<128x128xf32, #tpu.memory_space<vmem>>, %arg13: memref<10240x128xf32, #tpu.memory_space<vmem_shared>>, %arg14: memref<1152x128xf32, #tpu.memory_space<vmem_shared>>, %arg15: memref<!tpu.dma_semaphore, #tpu.memory_space<semaphore_mem>>, %arg16: memref<!tpu.dma_semaphore, #tpu.memory_space<semaphore_mem>>) attributes {dimension_semantics = [#tpu.dimension_semantics<core_parallel>, #tpu.dimension_semantics<subcore_parallel>], iteration_bounds = array<i64: 2, 16>, scalar_prefetch = 0 : i64, scratch_operands = 9 : i64, tpu.core_type = #tpu.core_type<sc_vector_subcore>, window_params = [{transform_indices = #map}, {transform_indices = #map1}, {transform_indices = #map}, {transform_indices = #map}, {transform_indices = #map1}, {transform_indices = #map}]} {
    %iota3A = tpu.iota {dimensions = array<i32: 0>} : vector<16xi32>
    %mul3A = arith.constant 640 : i32
    %mul3A_0 = arith.muli %arg1, %mul3A : i32
    "tpu.region"() ({
      %run_scoped3A = tpu.sem_alloc : memref<!tpu.dma_semaphore, #tpu.memory_space<semaphore_mem>>
      %dma_start3A = arith.constant 0 : i32
      %dma_start3A_7 = tpu.memref_slice %arg13[%mul3A_0, %dma_start3A] : memref<10240x128xf32, #tpu.memory_space<vmem_shared>> -> memref<640x128xf32, #tpu.memory_space<vmem_shared>>
      %dma_start3A_8 = arith.constant 0 : i32
      %dma_start3A_9 = arith.constant 0 : i32
      %dma_start3A_10 = tpu.memref_slice %arg2[%arg0, %dma_start3A_8, %dma_start3A_9] : memref<2x10240x128xf32, #tpu.memory_space<hbm>> -> memref<1x10240x128xf32, #tpu.memory_space<hbm>>
      %dma_start3A_11 = tpu.memref_squeeze %dma_start3A_10 : memref<1x10240x128xf32, #tpu.memory_space<hbm>> -> memref<10240x128xf32, #tpu.memory_space<hbm>>
      %dma_start3A_12 = arith.constant 0 : i32
      %dma_start3A_13 = tpu.memref_slice %dma_start3A_11[%mul3A_0, %dma_start3A_12] : memref<10240x128xf32, #tpu.memory_space<hbm>> -> memref<640x128xf32, #tpu.memory_space<hbm>>
      tpu.enqueue_dma source(%dma_start3A_13 : memref<640x128xf32, #tpu.memory_space<hbm>>) target(%dma_start3A_7 : memref<640x128xf32, #tpu.memory_space<vmem_shared>>) target_semaphore(%run_scoped3A : memref<!tpu.dma_semaphore, #tpu.memory_space<semaphore_mem>>)
      %dma_wait3A = arith.constant 0 : i32
      %dma_wait3A_14 = tpu.memref_slice %arg13[%mul3A_0, %dma_wait3A] : memref<10240x128xf32, #tpu.memory_space<vmem_shared>> -> memref<640x128xf32, #tpu.memory_space<vmem_shared>>
      %dma_wait3A_15 = arith.constant 0 : i32
      %dma_wait3A_16 = arith.constant 0 : i32
      %dma_wait3A_17 = tpu.memref_slice %arg2[%arg0, %dma_wait3A_15, %dma_wait3A_16] : memref<2x10240x128xf32, #tpu.memory_space<hbm>> -> memref<1x10240x128xf32, #tpu.memory_space<hbm>>
      %dma_wait3A_18 = tpu.memref_squeeze %dma_wait3A_17 : memref<1x10240x128xf32, #tpu.memory_space<hbm>> -> memref<10240x128xf32, #tpu.memory_space<hbm>>
      %dma_wait3A_19 = arith.constant 0 : i32
      %dma_wait3A_20 = tpu.memref_slice %dma_wait3A_18[%mul3A_0, %dma_wait3A_19] : memref<10240x128xf32, #tpu.memory_space<hbm>> -> memref<640x128xf32, #tpu.memory_space<hbm>>
      tpu.wait_dma2 semaphore(%run_scoped3A : memref<!tpu.dma_semaphore, #tpu.memory_space<semaphore_mem>>) src(%dma_wait3A_20 : memref<640x128xf32, #tpu.memory_space<hbm>>) dst(%dma_wait3A_14 : memref<640x128xf32, #tpu.memory_space<vmem_shared>>)
      tpu.yield
    }) : () -> ()
    %mul3A_1 = arith.constant 2 : i32
    %mul3A_2 = arith.muli %mul3A_1, %arg1 : i32
    "tpu.region"() ({
      %run_scoped3A = tpu.sem_alloc : memref<!tpu.dma_semaphore, #tpu.memory_space<semaphore_mem>>
      %dma_start3A = arith.constant 0 : i32
      %dma_start3A_7 = arith.constant 0 : i32
      %dma_start3A_8 = tpu.memref_slice %arg5[%mul3A_2, %dma_start3A, %dma_start3A_7] : memref<32x2x16xi32, #tpu.memory_space<hbm>> -> memref<2x2x16xi32, #tpu.memory_space<hbm>>
      %dma_start3A_9 = arith.constant 0 : i32
      %dma_start3A_10 = arith.constant 0 : i32
      %dma_start3A_11 = tpu.memref_slice %arg5[%mul3A_2, %dma_start3A_9, %dma_start3A_10] : memref<32x2x16xi32, #tpu.memory_space<hbm>> -> memref<2x2x16xi32, #tpu.memory_space<hbm>>
      tpu.enqueue_dma source(%dma_start3A_11 : memref<2x2x16xi32, #tpu.memory_space<hbm>>) target(%arg10 : memref<2x2x16xi32, #tpu.memory_space<vmem>>) target_semaphore(%run_scoped3A : memref<!tpu.dma_semaphore, #tpu.memory_space<semaphore_mem>>)
      %dma_wait3A = arith.constant 0 : i32
      %dma_wait3A_12 = arith.constant 0 : i32
      %dma_wait3A_13 = tpu.memref_slice %arg5[%mul3A_2, %dma_wait3A, %dma_wait3A_12] : memref<32x2x16xi32, #tpu.memory_space<hbm>> -> memref<2x2x16xi32, #tpu.memory_space<hbm>>
      %dma_wait3A_14 = arith.constant 0 : i32
      %dma_wait3A_15 = arith.constant 0 : i32
      %dma_wait3A_16 = tpu.memref_slice %arg5[%mul3A_2, %dma_wait3A_14, %dma_wait3A_15] : memref<32x2x16xi32, #tpu.memory_space<hbm>> -> memref<2x2x16xi32, #tpu.memory_space<hbm>>
      tpu.wait_dma2 semaphore(%run_scoped3A : memref<!tpu.dma_semaphore, #tpu.memory_space<semaphore_mem>>) src(%dma_wait3A_16 : memref<2x2x16xi32, #tpu.memory_space<hbm>>) dst(%arg10 : memref<2x2x16xi32, #tpu.memory_space<vmem>>)
      tpu.yield
    }) : () -> ()
    %scan3A = arith.constant 0 : i32
    %scan3A_3 = arith.constant 10 : i32
    %scan3A_4 = arith.addi %scan3A, %scan3A_3 : i32
    %scan3A_5 = arith.constant 1 : i32
    scf.for %scan3A_7 = %scan3A to %scan3A_4 step %scan3A_5  : i32 {
      %mul3A_8 = arith.constant 1 : i32
      %mul3A_9 = arith.muli %scan3A_7, %mul3A_8 : i32
      %add3A = arith.constant 0 : i32
      %add3A_10 = arith.addi %add3A, %mul3A_9 : i32
      %mul3A_11 = arith.constant 72 : i32
      %mul3A_12 = arith.muli %arg1, %mul3A_11 : i32
      "tpu.region"() ({
        %run_scoped3A = tpu.sem_alloc : memref<!tpu.dma_semaphore, #tpu.memory_space<semaphore_mem>>
        %dma_start3A = arith.constant 0 : i32
        %dma_start3A_112 = tpu.memref_slice %arg14[%mul3A_12, %dma_start3A] : memref<1152x128xf32, #tpu.memory_space<vmem_shared>> -> memref<72x128xf32, #tpu.memory_space<vmem_shared>>
        tpu.enqueue_dma source(%arg6 : memref<72x128xf32, #tpu.memory_space<hbm>>) target(%dma_start3A_112 : memref<72x128xf32, #tpu.memory_space<vmem_shared>>) target_semaphore(%run_scoped3A : memref<!tpu.dma_semaphore, #tpu.memory_space<semaphore_mem>>)
        %dma_wait3A = arith.constant 0 : i32
        %dma_wait3A_113 = tpu.memref_slice %arg14[%mul3A_12, %dma_wait3A] : memref<1152x128xf32, #tpu.memory_space<vmem_shared>> -> memref<72x128xf32, #tpu.memory_space<vmem_shared>>
        tpu.wait_dma2 semaphore(%run_scoped3A : memref<!tpu.dma_semaphore, #tpu.memory_space<semaphore_mem>>) src(%arg6 : memref<72x128xf32, #tpu.memory_space<hbm>>) dst(%dma_wait3A_113 : memref<72x128xf32, #tpu.memory_space<vmem_shared>>)
        tpu.yield
      }) : () -> ()
      %barrier3A = arith.constant 0 : index
      tpu.barrier barrier_id(%barrier3A)
      %mul3A_13 = arith.constant 2 : i32
      %mul3A_14 = arith.muli %mul3A_13, %arg1 : i32
      %add3A_15 = arith.constant 0 : i32
      %add3A_16 = arith.addi %mul3A_14, %add3A_15 : i32
      %get3A = arith.constant 0 : i32
      %get3A_17 = arith.constant 0 : i32
      %get3A_18 = arith.index_cast %get3A : i32 to index
      %get3A_19 = arith.index_cast %get3A_17 : i32 to index
      %get3A_20 = arith.constant 0 : index
      %get3A_21 = tpu.vector_load %arg10[%get3A_18, %get3A_19, %get3A_20] {strides = array<i32>} : memref<2x2x16xi32, #tpu.memory_space<vmem>>, vector<16xi32>,
      %get3A_22 = arith.constant 0 : i32
      %get3A_23 = arith.constant 1 : i32
      %get3A_24 = arith.index_cast %get3A_22 : i32 to index
      %get3A_25 = arith.index_cast %get3A_23 : i32 to index
      %get3A_26 = arith.constant 0 : index
      %get3A_27 = tpu.vector_load %arg10[%get3A_24, %get3A_25, %get3A_26] {strides = array<i32>} : memref<2x2x16xi32, #tpu.memory_space<vmem>>, vector<16xi32>,
      %eq3A = vector.broadcast %add3A_10 : i32 to vector<16xi32>
      %eq3A_28 = arith.cmpi eq, %iota3A, %eq3A : vector<16xi32>
      %jit3A = arith.constant 0 : i32
      %broadcast_in_dim3A = vector.broadcast %jit3A : i32 to vector<16xi32>
      %select_n3A = arith.select %eq3A_28, %get3A_21, %broadcast_in_dim3A : vector<16xi1>, vector<16xi32>
      %reduce_max3A = arith.constant true
      %reduce_max3A_29 = vector.broadcast %reduce_max3A : i1 to vector<16xi1>
      %reduce_max3A_30 = arith.constant -2147483648 : i32
      %reduce_max3A_31 = vector.broadcast %reduce_max3A_30 : i32 to vector<16xi32>
      %reduce_max3A_32 = arith.xori %select_n3A, %reduce_max3A_31 : vector<16xi32>
      %reduce_max3A_33 = tpu.scan <max>, %reduce_max3A_32 masked %reduce_max3A_29 : vector<16xi32>, vector<16xi1> -> vector<16xi32>
      %reduce_max3A_34 = arith.xori %reduce_max3A_33, %reduce_max3A_31 : vector<16xi32>
      %reduce_max3A_35 = vector.extract %reduce_max3A_34[15] : i32 from vector<16xi32>
      %eq3A_36 = vector.broadcast %add3A_10 : i32 to vector<16xi32>
      %eq3A_37 = arith.cmpi eq, %iota3A, %eq3A_36 : vector<16xi32>
      %jit3A_38 = arith.constant 0 : i32
      %broadcast_in_dim3A_39 = vector.broadcast %jit3A_38 : i32 to vector<16xi32>
      %select_n3A_40 = arith.select %eq3A_37, %get3A_27, %broadcast_in_dim3A_39 : vector<16xi1>, vector<16xi32>
      %reduce_max3A_41 = arith.constant true
      %reduce_max3A_42 = vector.broadcast %reduce_max3A_41 : i1 to vector<16xi1>
      %reduce_max3A_43 = arith.constant -2147483648 : i32
      %reduce_max3A_44 = vector.broadcast %reduce_max3A_43 : i32 to vector<16xi32>
      %reduce_max3A_45 = arith.xori %select_n3A_40, %reduce_max3A_44 : vector<16xi32>
      %reduce_max3A_46 = tpu.scan <max>, %reduce_max3A_45 masked %reduce_max3A_42 : vector<16xi32>, vector<16xi1> -> vector<16xi32>
      %reduce_max3A_47 = arith.xori %reduce_max3A_46, %reduce_max3A_44 : vector<16xi32>
      %reduce_max3A_48 = vector.extract %reduce_max3A_47[15] : i32 from vector<16xi32>
      %multiple_of3A = tpu.assume_multiple %reduce_max3A_48, 8 : i32
      %scan3A_49 = arith.constant 0 : i32
      %scan3A_50 = arith.constant 5 : i32
      %scan3A_51 = arith.addi %scan3A_49, %scan3A_50 : i32
      %scan3A_52 = arith.constant 1 : i32
      scf.for %scan3A_112 = %scan3A_49 to %scan3A_51 step %scan3A_52  : i32 {
        %mul3A_113 = arith.constant 1 : i32
        %mul3A_114 = arith.muli %scan3A_112, %mul3A_113 : i32
        %add3A_115 = arith.constant 0 : i32
        %add3A_116 = arith.addi %add3A_115, %mul3A_114 : i32
        %mul3A_117 = arith.constant 8 : i32
        %mul3A_118 = arith.muli %add3A_116, %mul3A_117 : i32
        %gt3A = arith.cmpi sgt, %reduce_max3A_35, %mul3A_118 : i32
        %convert_element_type3A = arith.extui %gt3A : i1 to i32
        %cond3A = arith.constant 0 : i32
        %cond3A_119 = arith.cmpi ne, %convert_element_type3A, %cond3A : i32
        scf.if %cond3A_119 {
          %mul3A_120 = arith.constant 8 : i32
          %mul3A_121 = arith.muli %add3A_116, %mul3A_120 : i32
          %add3A_122 = arith.addi %multiple_of3A, %mul3A_121 : i32
          %mul3A_123 = arith.constant 128 : i32
          %mul3A_124 = arith.muli %add3A_122, %mul3A_123 : i32
          "tpu.region"() ({
            %run_scoped3A = tpu.sem_alloc : memref<!tpu.dma_semaphore, #tpu.memory_space<semaphore_mem>>
            %dma_start3A_140 = arith.constant 0 : i32
            %dma_start3A_141 = tpu.memref_slice %arg3[%add3A_16, %dma_start3A_140] : memref<32x14336xi32, #tpu.memory_space<hbm>> -> memref<1x14336xi32, #tpu.memory_space<hbm>>
            %dma_start3A_142 = tpu.memref_squeeze %dma_start3A_141 : memref<1x14336xi32, #tpu.memory_space<hbm>> -> memref<14336xi32, #tpu.memory_space<hbm>>
            %dma_start3A_143 = tpu.memref_slice %dma_start3A_142[%mul3A_124] : memref<14336xi32, #tpu.memory_space<hbm>> -> memref<1024xi32, #tpu.memory_space<hbm>>
            %dma_start3A_144 = arith.constant 0 : i32
            %dma_start3A_145 = tpu.memref_slice %arg3[%add3A_16, %dma_start3A_144] : memref<32x14336xi32, #tpu.memory_space<hbm>> -> memref<1x14336xi32, #tpu.memory_space<hbm>>
            %dma_start3A_146 = tpu.memref_squeeze %dma_start3A_145 : memref<1x14336xi32, #tpu.memory_space<hbm>> -> memref<14336xi32, #tpu.memory_space<hbm>>
            %dma_start3A_147 = tpu.memref_slice %dma_start3A_146[%mul3A_124] : memref<14336xi32, #tpu.memory_space<hbm>> -> memref<1024xi32, #tpu.memory_space<hbm>>
            tpu.enqueue_dma source(%dma_start3A_147 : memref<1024xi32, #tpu.memory_space<hbm>>) target(%arg8 : memref<1024xi32, #tpu.memory_space<vmem>>) target_semaphore(%run_scoped3A : memref<!tpu.dma_semaphore, #tpu.memory_space<semaphore_mem>>)
            %dma_wait3A = arith.constant 0 : i32
            %dma_wait3A_148 = tpu.memref_slice %arg3[%add3A_16, %dma_wait3A] : memref<32x14336xi32, #tpu.memory_space<hbm>> -> memref<1x14336xi32, #tpu.memory_space<hbm>>
            %dma_wait3A_149 = tpu.memref_squeeze %dma_wait3A_148 : memref<1x14336xi32, #tpu.memory_space<hbm>> -> memref<14336xi32, #tpu.memory_space<hbm>>
            %dma_wait3A_150 = tpu.memref_slice %dma_wait3A_149[%mul3A_124] : memref<14336xi32, #tpu.memory_space<hbm>> -> memref<1024xi32, #tpu.memory_space<hbm>>
            %dma_wait3A_151 = arith.constant 0 : i32
            %dma_wait3A_152 = tpu.memref_slice %arg3[%add3A_16, %dma_wait3A_151] : memref<32x14336xi32, #tpu.memory_space<hbm>> -> memref<1x14336xi32, #tpu.memory_space<hbm>>
            %dma_wait3A_153 = tpu.memref_squeeze %dma_wait3A_152 : memref<1x14336xi32, #tpu.memory_space<hbm>> -> memref<14336xi32, #tpu.memory_space<hbm>>
            %dma_wait3A_154 = tpu.memref_slice %dma_wait3A_153[%mul3A_124] : memref<14336xi32, #tpu.memory_space<hbm>> -> memref<1024xi32, #tpu.memory_space<hbm>>
            tpu.wait_dma2 semaphore(%run_scoped3A : memref<!tpu.dma_semaphore, #tpu.memory_space<semaphore_mem>>) src(%dma_wait3A_154 : memref<1024xi32, #tpu.memory_space<hbm>>) dst(%arg8 : memref<1024xi32, #tpu.memory_space<vmem>>)
            tpu.yield
          }) : () -> ()
          %mul3A_125 = arith.constant 8 : i32
          %mul3A_126 = arith.muli %add3A_116, %mul3A_125 : i32
          %add3A_127 = arith.addi %multiple_of3A, %mul3A_126 : i32
          "tpu.region"() ({
            %run_scoped3A = tpu.sem_alloc : memref<!tpu.dma_semaphore, #tpu.memory_space<semaphore_mem>>
            %dma_start3A_140 = arith.constant 0 : i32
            %dma_start3A_141 = arith.constant 0 : i32
            %dma_start3A_142 = tpu.memref_slice %arg4[%add3A_16, %dma_start3A_140, %dma_start3A_141] : memref<32x112x128xi32, #tpu.memory_space<hbm>> -> memref<1x112x128xi32, #tpu.memory_space<hbm>>
            %dma_start3A_143 = tpu.memref_squeeze %dma_start3A_142 : memref<1x112x128xi32, #tpu.memory_space<hbm>> -> memref<112x128xi32, #tpu.memory_space<hbm>>
            %dma_start3A_144 = arith.constant 0 : i32
            %dma_start3A_145 = tpu.memref_slice %dma_start3A_143[%add3A_127, %dma_start3A_144] : memref<112x128xi32, #tpu.memory_space<hbm>> -> memref<8x128xi32, #tpu.memory_space<hbm>>
            %dma_start3A_146 = arith.constant 0 : i32
            %dma_start3A_147 = arith.constant 0 : i32
            %dma_start3A_148 = tpu.memref_slice %arg4[%add3A_16, %dma_start3A_146, %dma_start3A_147] : memref<32x112x128xi32, #tpu.memory_space<hbm>> -> memref<1x112x128xi32, #tpu.memory_space<hbm>>
            %dma_start3A_149 = tpu.memref_squeeze %dma_start3A_148 : memref<1x112x128xi32, #tpu.memory_space<hbm>> -> memref<112x128xi32, #tpu.memory_space<hbm>>
            %dma_start3A_150 = arith.constant 0 : i32
            %dma_start3A_151 = tpu.memref_slice %dma_start3A_149[%add3A_127, %dma_start3A_150] : memref<112x128xi32, #tpu.memory_space<hbm>> -> memref<8x128xi32, #tpu.memory_space<hbm>>
            tpu.enqueue_dma source(%dma_start3A_151 : memref<8x128xi32, #tpu.memory_space<hbm>>) target(%arg9 : memref<8x128xi32, #tpu.memory_space<vmem>>) target_semaphore(%run_scoped3A : memref<!tpu.dma_semaphore, #tpu.memory_space<semaphore_mem>>)
            %dma_wait3A = arith.constant 0 : i32
            %dma_wait3A_152 = arith.constant 0 : i32
            %dma_wait3A_153 = tpu.memref_slice %arg4[%add3A_16, %dma_wait3A, %dma_wait3A_152] : memref<32x112x128xi32, #tpu.memory_space<hbm>> -> memref<1x112x128xi32, #tpu.memory_space<hbm>>
            %dma_wait3A_154 = tpu.memref_squeeze %dma_wait3A_153 : memref<1x112x128xi32, #tpu.memory_space<hbm>> -> memref<112x128xi32, #tpu.memory_space<hbm>>
            %dma_wait3A_155 = arith.constant 0 : i32
            %dma_wait3A_156 = tpu.memref_slice %dma_wait3A_154[%add3A_127, %dma_wait3A_155] : memref<112x128xi32, #tpu.memory_space<hbm>> -> memref<8x128xi32, #tpu.memory_space<hbm>>
            %dma_wait3A_157 = arith.constant 0 : i32
            %dma_wait3A_158 = arith.constant 0 : i32
            %dma_wait3A_159 = tpu.memref_slice %arg4[%add3A_16, %dma_wait3A_157, %dma_wait3A_158] : memref<32x112x128xi32, #tpu.memory_space<hbm>> -> memref<1x112x128xi32, #tpu.memory_space<hbm>>
            %dma_wait3A_160 = tpu.memref_squeeze %dma_wait3A_159 : memref<1x112x128xi32, #tpu.memory_space<hbm>> -> memref<112x128xi32, #tpu.memory_space<hbm>>
            %dma_wait3A_161 = arith.constant 0 : i32
            %dma_wait3A_162 = tpu.memref_slice %dma_wait3A_160[%add3A_127, %dma_wait3A_161] : memref<112x128xi32, #tpu.memory_space<hbm>> -> memref<8x128xi32, #tpu.memory_space<hbm>>
            tpu.wait_dma2 semaphore(%run_scoped3A : memref<!tpu.dma_semaphore, #tpu.memory_space<semaphore_mem>>) src(%dma_wait3A_162 : memref<8x128xi32, #tpu.memory_space<hbm>>) dst(%arg9 : memref<8x128xi32, #tpu.memory_space<vmem>>)
            tpu.yield
          }) : () -> ()
          %mul3A_128 = arith.constant 8 : i32
          %mul3A_129 = arith.muli %add3A_116, %mul3A_128 : i32
          %sub3A = arith.subi %reduce_max3A_35, %mul3A_129 : i32
          %min3A = arith.constant 8 : i32
          %min3A_130 = arith.minsi %sub3A, %min3A : i32
          %dma_start3A = arith.constant 0 : i32
          %dma_start3A_131 = tpu.memref_slice %arg8[%dma_start3A] : memref<1024xi32, #tpu.memory_space<vmem>> -> memref<128xi32, #tpu.memory_space<vmem>>
          %dma_start3A_132 = arith.constant 0 : i32
          %dma_start3A_133 = arith.constant 0 : i32
          %dma_start3A_134 = tpu.memref_slice %arg13[%dma_start3A_132, %dma_start3A_133] : memref<10240x128xf32, #tpu.memory_space<vmem_shared>> -> memref<10240x128xf32, #tpu.memory_space<vmem_shared>>
          tpu.enqueue_indirect_dma source(%dma_start3A_134 : memref<10240x128xf32, #tpu.memory_space<vmem_shared>>) target(%arg11 : memref<128x128xf32, #tpu.memory_space<vmem>>) offsets(%dma_start3A_131 : memref<128xi32, #tpu.memory_space<vmem>>) semaphore(%arg15 : memref<!tpu.dma_semaphore, #tpu.memory_space<semaphore_mem>>)
          %scan3A_135 = arith.constant 0 : i32
          %scan3A_136 = arith.constant 4 : i32
          %scan3A_137 = arith.addi %scan3A_135, %scan3A_136 : i32
          %scan3A_138 = arith.constant 1 : i32
          scf.for %scan3A_140 = %scan3A_135 to %scan3A_137 step %scan3A_138  : i32 {
            %mul3A_141 = arith.constant 1 : i32
            %mul3A_142 = arith.muli %scan3A_140, %mul3A_141 : i32
            %add3A_143 = arith.constant 0 : i32
            %add3A_144 = arith.addi %add3A_143, %mul3A_142 : i32
            %mul3A_145 = arith.constant 2 : i32
            %mul3A_146 = arith.muli %mul3A_145, %add3A_144 : i32
            %lt3A = arith.cmpi slt, %mul3A_146, %min3A_130 : i32
            %convert_element_type3A_147 = arith.extui %lt3A : i1 to i32
            %cond3A_148 = arith.constant 0 : i32
            %cond3A_149 = arith.cmpi ne, %convert_element_type3A_147, %cond3A_148 : i32
            scf.if %cond3A_149 {
              %add3A_150 = arith.constant 1 : i32
              %add3A_151 = arith.addi %mul3A_146, %add3A_150 : i32
              %lt3A_152 = arith.cmpi slt, %add3A_151, %min3A_130 : i32
              %convert_element_type3A_153 = arith.extui %lt3A_152 : i1 to i32
              %cond3A_154 = arith.constant 0 : i32
              %cond3A_155 = arith.cmpi ne, %convert_element_type3A_153, %cond3A_154 : i32
              scf.if %cond3A_155 {
                %add3A_173 = arith.constant 1 : i32
                %add3A_174 = arith.addi %mul3A_146, %add3A_173 : i32
                %mul3A_175 = arith.constant 128 : i32
                %mul3A_176 = arith.muli %add3A_174, %mul3A_175 : i32
                %dma_start3A_177 = tpu.memref_slice %arg8[%mul3A_176] : memref<1024xi32, #tpu.memory_space<vmem>> -> memref<128xi32, #tpu.memory_space<vmem>>
                %dma_start3A_178 = arith.constant 0 : i32
                %dma_start3A_179 = arith.constant 0 : i32
                %dma_start3A_180 = tpu.memref_slice %arg13[%dma_start3A_178, %dma_start3A_179] : memref<10240x128xf32, #tpu.memory_space<vmem_shared>> -> memref<10240x128xf32, #tpu.memory_space<vmem_shared>>
                tpu.enqueue_indirect_dma source(%dma_start3A_180 : memref<10240x128xf32, #tpu.memory_space<vmem_shared>>) target(%arg12 : memref<128x128xf32, #tpu.memory_space<vmem>>) offsets(%dma_start3A_177 : memref<128xi32, #tpu.memory_space<vmem>>) semaphore(%arg16 : memref<!tpu.dma_semaphore, #tpu.memory_space<semaphore_mem>>)
              } else {
              }
              %mul3A_156 = arith.constant 128 : i32
              %mul3A_157 = arith.muli %mul3A_146, %mul3A_156 : i32
              %dma_wait3A = tpu.memref_slice %arg8[%mul3A_157] : memref<1024xi32, #tpu.memory_space<vmem>> -> memref<128xi32, #tpu.memory_space<vmem>>
              %dma_wait3A_158 = arith.constant 0 : i32
              %dma_wait3A_159 = arith.constant 0 : i32
              %dma_wait3A_160 = tpu.memref_slice %arg13[%dma_wait3A_158, %dma_wait3A_159] : memref<10240x128xf32, #tpu.memory_space<vmem_shared>> -> memref<10240x128xf32, #tpu.memory_space<vmem_shared>>
              tpu.wait_indirect_dma semaphore(%arg15 : memref<!tpu.dma_semaphore, #tpu.memory_space<semaphore_mem>>) src(%dma_wait3A_160 : memref<10240x128xf32, #tpu.memory_space<vmem_shared>>) dst(%arg11 : memref<128x128xf32, #tpu.memory_space<vmem>>)
              "tpu.region"() ({
                %run_scoped3A = tpu.sem_alloc : memref<!tpu.dma_semaphore, #tpu.memory_space<semaphore_mem>>
                %dma_start3A_173 = arith.constant 0 : i32
                %dma_start3A_174 = tpu.memref_slice %arg9[%mul3A_146, %dma_start3A_173] : memref<8x128xi32, #tpu.memory_space<vmem>> -> memref<1x128xi32, #tpu.memory_space<vmem>>
                %dma_start3A_175 = tpu.memref_squeeze %dma_start3A_174 : memref<1x128xi32, #tpu.memory_space<vmem>> -> memref<128xi32, #tpu.memory_space<vmem>>
                %dma_start3A_176 = arith.constant 0 : i32
                %dma_start3A_177 = arith.constant 0 : i32
                %dma_start3A_178 = tpu.memref_slice %arg14[%dma_start3A_176, %dma_start3A_177] : memref<1152x128xf32, #tpu.memory_space<vmem_shared>> -> memref<1152x128xf32, #tpu.memory_space<vmem_shared>>
                tpu.enqueue_indirect_dma source(%arg11 : memref<128x128xf32, #tpu.memory_space<vmem>>) target(%dma_start3A_178 : memref<1152x128xf32, #tpu.memory_space<vmem_shared>>) offsets(%dma_start3A_175 : memref<128xi32, #tpu.memory_space<vmem>>) semaphore(%run_scoped3A : memref<!tpu.dma_semaphore, #tpu.memory_space<semaphore_mem>>) {add = true}
                %dma_wait3A_179 = arith.constant 0 : i32
                %dma_wait3A_180 = tpu.memref_slice %arg9[%mul3A_146, %dma_wait3A_179] : memref<8x128xi32, #tpu.memory_space<vmem>> -> memref<1x128xi32, #tpu.memory_space<vmem>>
                %dma_wait3A_181 = tpu.memref_squeeze %dma_wait3A_180 : memref<1x128xi32, #tpu.memory_space<vmem>> -> memref<128xi32, #tpu.memory_space<vmem>>
                %dma_wait3A_182 = arith.constant 0 : i32
                %dma_wait3A_183 = arith.constant 0 : i32
                %dma_wait3A_184 = tpu.memref_slice %arg14[%dma_wait3A_182, %dma_wait3A_183] : memref<1152x128xf32, #tpu.memory_space<vmem_shared>> -> memref<1152x128xf32, #tpu.memory_space<vmem_shared>>
                tpu.wait_indirect_dma semaphore(%run_scoped3A : memref<!tpu.dma_semaphore, #tpu.memory_space<semaphore_mem>>) src(%arg11 : memref<128x128xf32, #tpu.memory_space<vmem>>) dst(%dma_wait3A_184 : memref<1152x128xf32, #tpu.memory_space<vmem_shared>>)
                tpu.yield
              }) : () -> ()
              %add3A_161 = arith.constant 2 : i32
              %add3A_162 = arith.addi %mul3A_146, %add3A_161 : i32
              %lt3A_163 = arith.cmpi slt, %add3A_162, %min3A_130 : i32
              %convert_element_type3A_164 = arith.extui %lt3A_163 : i1 to i32
              %cond3A_165 = arith.constant 0 : i32
              %cond3A_166 = arith.cmpi ne, %convert_element_type3A_164, %cond3A_165 : i32
              scf.if %cond3A_166 {
                %add3A_173 = arith.constant 2 : i32
                %add3A_174 = arith.addi %mul3A_146, %add3A_173 : i32
                %mul3A_175 = arith.constant 128 : i32
                %mul3A_176 = arith.muli %add3A_174, %mul3A_175 : i32
                %dma_start3A_177 = tpu.memref_slice %arg8[%mul3A_176] : memref<1024xi32, #tpu.memory_space<vmem>> -> memref<128xi32, #tpu.memory_space<vmem>>
                %dma_start3A_178 = arith.constant 0 : i32
                %dma_start3A_179 = arith.constant 0 : i32
                %dma_start3A_180 = tpu.memref_slice %arg13[%dma_start3A_178, %dma_start3A_179] : memref<10240x128xf32, #tpu.memory_space<vmem_shared>> -> memref<10240x128xf32, #tpu.memory_space<vmem_shared>>
                tpu.enqueue_indirect_dma source(%dma_start3A_180 : memref<10240x128xf32, #tpu.memory_space<vmem_shared>>) target(%arg11 : memref<128x128xf32, #tpu.memory_space<vmem>>) offsets(%dma_start3A_177 : memref<128xi32, #tpu.memory_space<vmem>>) semaphore(%arg15 : memref<!tpu.dma_semaphore, #tpu.memory_space<semaphore_mem>>)
              } else {
              }
              %add3A_167 = arith.constant 1 : i32
              %add3A_168 = arith.addi %mul3A_146, %add3A_167 : i32
              %lt3A_169 = arith.cmpi slt, %add3A_168, %min3A_130 : i32
              %convert_element_type3A_170 = arith.extui %lt3A_169 : i1 to i32
              %cond3A_171 = arith.constant 0 : i32
              %cond3A_172 = arith.cmpi ne, %convert_element_type3A_170, %cond3A_171 : i32
              scf.if %cond3A_172 {
                %add3A_173 = arith.constant 1 : i32
                %add3A_174 = arith.addi %mul3A_146, %add3A_173 : i32
                %mul3A_175 = arith.constant 128 : i32
                %mul3A_176 = arith.muli %add3A_174, %mul3A_175 : i32
                %dma_wait3A_177 = tpu.memref_slice %arg8[%mul3A_176] : memref<1024xi32, #tpu.memory_space<vmem>> -> memref<128xi32, #tpu.memory_space<vmem>>
                %dma_wait3A_178 = arith.constant 0 : i32
                %dma_wait3A_179 = arith.constant 0 : i32
                %dma_wait3A_180 = tpu.memref_slice %arg13[%dma_wait3A_178, %dma_wait3A_179] : memref<10240x128xf32, #tpu.memory_space<vmem_shared>> -> memref<10240x128xf32, #tpu.memory_space<vmem_shared>>
                tpu.wait_indirect_dma semaphore(%arg16 : memref<!tpu.dma_semaphore, #tpu.memory_space<semaphore_mem>>) src(%dma_wait3A_180 : memref<10240x128xf32, #tpu.memory_space<vmem_shared>>) dst(%arg12 : memref<128x128xf32, #tpu.memory_space<vmem>>)
                %add3A_181 = arith.constant 1 : i32
                %add3A_182 = arith.addi %mul3A_146, %add3A_181 : i32
                "tpu.region"() ({
                  %run_scoped3A = tpu.sem_alloc : memref<!tpu.dma_semaphore, #tpu.memory_space<semaphore_mem>>
                  %dma_start3A_183 = arith.constant 0 : i32
                  %dma_start3A_184 = tpu.memref_slice %arg9[%add3A_182, %dma_start3A_183] : memref<8x128xi32, #tpu.memory_space<vmem>> -> memref<1x128xi32, #tpu.memory_space<vmem>>
                  %dma_start3A_185 = tpu.memref_squeeze %dma_start3A_184 : memref<1x128xi32, #tpu.memory_space<vmem>> -> memref<128xi32, #tpu.memory_space<vmem>>
                  %dma_start3A_186 = arith.constant 0 : i32
                  %dma_start3A_187 = arith.constant 0 : i32
                  %dma_start3A_188 = tpu.memref_slice %arg14[%dma_start3A_186, %dma_start3A_187] : memref<1152x128xf32, #tpu.memory_space<vmem_shared>> -> memref<1152x128xf32, #tpu.memory_space<vmem_shared>>
                  tpu.enqueue_indirect_dma source(%arg12 : memref<128x128xf32, #tpu.memory_space<vmem>>) target(%dma_start3A_188 : memref<1152x128xf32, #tpu.memory_space<vmem_shared>>) offsets(%dma_start3A_185 : memref<128xi32, #tpu.memory_space<vmem>>) semaphore(%run_scoped3A : memref<!tpu.dma_semaphore, #tpu.memory_space<semaphore_mem>>) {add = true}
                  %dma_wait3A_189 = arith.constant 0 : i32
                  %dma_wait3A_190 = tpu.memref_slice %arg9[%add3A_182, %dma_wait3A_189] : memref<8x128xi32, #tpu.memory_space<vmem>> -> memref<1x128xi32, #tpu.memory_space<vmem>>
                  %dma_wait3A_191 = tpu.memref_squeeze %dma_wait3A_190 : memref<1x128xi32, #tpu.memory_space<vmem>> -> memref<128xi32, #tpu.memory_space<vmem>>
                  %dma_wait3A_192 = arith.constant 0 : i32
                  %dma_wait3A_193 = arith.constant 0 : i32
                  %dma_wait3A_194 = tpu.memref_slice %arg14[%dma_wait3A_192, %dma_wait3A_193] : memref<1152x128xf32, #tpu.memory_space<vmem_shared>> -> memref<1152x128xf32, #tpu.memory_space<vmem_shared>>
                  tpu.wait_indirect_dma semaphore(%run_scoped3A : memref<!tpu.dma_semaphore, #tpu.memory_space<semaphore_mem>>) src(%arg12 : memref<128x128xf32, #tpu.memory_space<vmem>>) dst(%dma_wait3A_194 : memref<1152x128xf32, #tpu.memory_space<vmem_shared>>)
                  tpu.yield
                }) : () -> ()
              } else {
              }
            } else {
            }
          }
          %scan3A_139 = arith.constant 4 : i32
        } else {
        }
      }
      %scan3A_53 = arith.constant 5 : i32
      %mul3A_54 = arith.constant 2 : i32
      %mul3A_55 = arith.muli %mul3A_54, %arg1 : i32
      %add3A_56 = arith.constant 1 : i32
      %add3A_57 = arith.addi %mul3A_55, %add3A_56 : i32
      %get3A_58 = arith.constant 1 : i32
      %get3A_59 = arith.constant 0 : i32
      %get3A_60 = arith.index_cast %get3A_58 : i32 to index
      %get3A_61 = arith.index_cast %get3A_59 : i32 to index
      %get3A_62 = arith.constant 0 : index
      %get3A_63 = tpu.vector_load %arg10[%get3A_60, %get3A_61, %get3A_62] {strides = array<i32>} : memref<2x2x16xi32, #tpu.memory_space<vmem>>, vector<16xi32>,
      %get3A_64 = arith.constant 1 : i32
      %get3A_65 = arith.constant 1 : i32
      %get3A_66 = arith.index_cast %get3A_64 : i32 to index
      %get3A_67 = arith.index_cast %get3A_65 : i32 to index
      %get3A_68 = arith.constant 0 : index
      %get3A_69 = tpu.vector_load %arg10[%get3A_66, %get3A_67, %get3A_68] {strides = array<i32>} : memref<2x2x16xi32, #tpu.memory_space<vmem>>, vector<16xi32>,
      %eq3A_70 = vector.broadcast %add3A_10 : i32 to vector<16xi32>
      %eq3A_71 = arith.cmpi eq, %iota3A, %eq3A_70 : vector<16xi32>
      %jit3A_72 = arith.constant 0 : i32
      %broadcast_in_dim3A_73 = vector.broadcast %jit3A_72 : i32 to vector<16xi32>
      %select_n3A_74 = arith.select %eq3A_71, %get3A_63, %broadcast_in_dim3A_73 : vector<16xi1>, vector<16xi32>
      %reduce_max3A_75 = arith.constant true
      %reduce_max3A_76 = vector.broadcast %reduce_max3A_75 : i1 to vector<16xi1>
      %reduce_max3A_77 = arith.constant -2147483648 : i32
      %reduce_max3A_78 = vector.broadcast %reduce_max3A_77 : i32 to vector<16xi32>
      %reduce_max3A_79 = arith.xori %select_n3A_74, %reduce_max3A_78 : vector<16xi32>
      %reduce_max3A_80 = tpu.scan <max>, %reduce_max3A_79 masked %reduce_max3A_76 : vector<16xi32>, vector<16xi1> -> vector<16xi32>
      %reduce_max3A_81 = arith.xori %reduce_max3A_80, %reduce_max3A_78 : vector<16xi32>
      %reduce_max3A_82 = vector.extract %reduce_max3A_81[15] : i32 from vector<16xi32>
      %eq3A_83 = vector.broadcast %add3A_10 : i32 to vector<16xi32>
      %eq3A_84 = arith.cmpi eq, %iota3A, %eq3A_83 : vector<16xi32>
      %jit3A_85 = arith.constant 0 : i32
      %broadcast_in_dim3A_86 = vector.broadcast %jit3A_85 : i32 to vector<16xi32>
      %select_n3A_87 = arith.select %eq3A_84, %get3A_69, %broadcast_in_dim3A_86 : vector<16xi1>, vector<16xi32>
      %reduce_max3A_88 = arith.constant true
      %reduce_max3A_89 = vector.broadcast %reduce_max3A_88 : i1 to vector<16xi1>
      %reduce_max3A_90 = arith.constant -2147483648 : i32
      %reduce_max3A_91 = vector.broadcast %reduce_max3A_90 : i32 to vector<16xi32>
      %reduce_max3A_92 = arith.xori %select_n3A_87, %reduce_max3A_91 : vector<16xi32>
      %reduce_max3A_93 = tpu.scan <max>, %reduce_max3A_92 masked %reduce_max3A_89 : vector<16xi32>, vector<16xi1> -> vector<16xi32>
      %reduce_max3A_94 = arith.xori %reduce_max3A_93, %reduce_max3A_91 : vector<16xi32>
      %reduce_max3A_95 = vector.extract %reduce_max3A_94[15] : i32 from vector<16xi32>
      %multiple_of3A_96 = tpu.assume_multiple %reduce_max3A_95, 8 : i32
      %scan3A_97 = arith.constant 0 : i32
      %scan3A_98 = arith.constant 5 : i32
      %scan3A_99 = arith.addi %scan3A_97, %scan3A_98 : i32
      %scan3A_100 = arith.constant 1 : i32
      scf.for %scan3A_112 = %scan3A_97 to %scan3A_99 step %scan3A_100  : i32 {
        %mul3A_113 = arith.constant 1 : i32
        %mul3A_114 = arith.muli %scan3A_112, %mul3A_113 : i32
        %add3A_115 = arith.constant 0 : i32
        %add3A_116 = arith.addi %add3A_115, %mul3A_114 : i32
        %mul3A_117 = arith.constant 8 : i32
        %mul3A_118 = arith.muli %add3A_116, %mul3A_117 : i32
        %gt3A = arith.cmpi sgt, %reduce_max3A_82, %mul3A_118 : i32
        %convert_element_type3A = arith.extui %gt3A : i1 to i32
        %cond3A = arith.constant 0 : i32
        %cond3A_119 = arith.cmpi ne, %convert_element_type3A, %cond3A : i32
        scf.if %cond3A_119 {
          %mul3A_120 = arith.constant 8 : i32
          %mul3A_121 = arith.muli %add3A_116, %mul3A_120 : i32
          %add3A_122 = arith.addi %multiple_of3A_96, %mul3A_121 : i32
          %mul3A_123 = arith.constant 128 : i32
          %mul3A_124 = arith.muli %add3A_122, %mul3A_123 : i32
          "tpu.region"() ({
            %run_scoped3A = tpu.sem_alloc : memref<!tpu.dma_semaphore, #tpu.memory_space<semaphore_mem>>
            %dma_start3A_140 = arith.constant 0 : i32
            %dma_start3A_141 = tpu.memref_slice %arg3[%add3A_57, %dma_start3A_140] : memref<32x14336xi32, #tpu.memory_space<hbm>> -> memref<1x14336xi32, #tpu.memory_space<hbm>>
            %dma_start3A_142 = tpu.memref_squeeze %dma_start3A_141 : memref<1x14336xi32, #tpu.memory_space<hbm>> -> memref<14336xi32, #tpu.memory_space<hbm>>
            %dma_start3A_143 = tpu.memref_slice %dma_start3A_142[%mul3A_124] : memref<14336xi32, #tpu.memory_space<hbm>> -> memref<1024xi32, #tpu.memory_space<hbm>>
            %dma_start3A_144 = arith.constant 0 : i32
            %dma_start3A_145 = tpu.memref_slice %arg3[%add3A_57, %dma_start3A_144] : memref<32x14336xi32, #tpu.memory_space<hbm>> -> memref<1x14336xi32, #tpu.memory_space<hbm>>
            %dma_start3A_146 = tpu.memref_squeeze %dma_start3A_145 : memref<1x14336xi32, #tpu.memory_space<hbm>> -> memref<14336xi32, #tpu.memory_space<hbm>>
            %dma_start3A_147 = tpu.memref_slice %dma_start3A_146[%mul3A_124] : memref<14336xi32, #tpu.memory_space<hbm>> -> memref<1024xi32, #tpu.memory_space<hbm>>
            tpu.enqueue_dma source(%dma_start3A_147 : memref<1024xi32, #tpu.memory_space<hbm>>) target(%arg8 : memref<1024xi32, #tpu.memory_space<vmem>>) target_semaphore(%run_scoped3A : memref<!tpu.dma_semaphore, #tpu.memory_space<semaphore_mem>>)
            %dma_wait3A = arith.constant 0 : i32
            %dma_wait3A_148 = tpu.memref_slice %arg3[%add3A_57, %dma_wait3A] : memref<32x14336xi32, #tpu.memory_space<hbm>> -> memref<1x14336xi32, #tpu.memory_space<hbm>>
            %dma_wait3A_149 = tpu.memref_squeeze %dma_wait3A_148 : memref<1x14336xi32, #tpu.memory_space<hbm>> -> memref<14336xi32, #tpu.memory_space<hbm>>
            %dma_wait3A_150 = tpu.memref_slice %dma_wait3A_149[%mul3A_124] : memref<14336xi32, #tpu.memory_space<hbm>> -> memref<1024xi32, #tpu.memory_space<hbm>>
            %dma_wait3A_151 = arith.constant 0 : i32
            %dma_wait3A_152 = tpu.memref_slice %arg3[%add3A_57, %dma_wait3A_151] : memref<32x14336xi32, #tpu.memory_space<hbm>> -> memref<1x14336xi32, #tpu.memory_space<hbm>>
            %dma_wait3A_153 = tpu.memref_squeeze %dma_wait3A_152 : memref<1x14336xi32, #tpu.memory_space<hbm>> -> memref<14336xi32, #tpu.memory_space<hbm>>
            %dma_wait3A_154 = tpu.memref_slice %dma_wait3A_153[%mul3A_124] : memref<14336xi32, #tpu.memory_space<hbm>> -> memref<1024xi32, #tpu.memory_space<hbm>>
            tpu.wait_dma2 semaphore(%run_scoped3A : memref<!tpu.dma_semaphore, #tpu.memory_space<semaphore_mem>>) src(%dma_wait3A_154 : memref<1024xi32, #tpu.memory_space<hbm>>) dst(%arg8 : memref<1024xi32, #tpu.memory_space<vmem>>)
            tpu.yield
          }) : () -> ()
          %mul3A_125 = arith.constant 8 : i32
          %mul3A_126 = arith.muli %add3A_116, %mul3A_125 : i32
          %add3A_127 = arith.addi %multiple_of3A_96, %mul3A_126 : i32
          "tpu.region"() ({
            %run_scoped3A = tpu.sem_alloc : memref<!tpu.dma_semaphore, #tpu.memory_space<semaphore_mem>>
            %dma_start3A_140 = arith.constant 0 : i32
            %dma_start3A_141 = arith.constant 0 : i32
            %dma_start3A_142 = tpu.memref_slice %arg4[%add3A_57, %dma_start3A_140, %dma_start3A_141] : memref<32x112x128xi32, #tpu.memory_space<hbm>> -> memref<1x112x128xi32, #tpu.memory_space<hbm>>
            %dma_start3A_143 = tpu.memref_squeeze %dma_start3A_142 : memref<1x112x128xi32, #tpu.memory_space<hbm>> -> memref<112x128xi32, #tpu.memory_space<hbm>>
            %dma_start3A_144 = arith.constant 0 : i32
            %dma_start3A_145 = tpu.memref_slice %dma_start3A_143[%add3A_127, %dma_start3A_144] : memref<112x128xi32, #tpu.memory_space<hbm>> -> memref<8x128xi32, #tpu.memory_space<hbm>>
            %dma_start3A_146 = arith.constant 0 : i32
            %dma_start3A_147 = arith.constant 0 : i32
            %dma_start3A_148 = tpu.memref_slice %arg4[%add3A_57, %dma_start3A_146, %dma_start3A_147] : memref<32x112x128xi32, #tpu.memory_space<hbm>> -> memref<1x112x128xi32, #tpu.memory_space<hbm>>
            %dma_start3A_149 = tpu.memref_squeeze %dma_start3A_148 : memref<1x112x128xi32, #tpu.memory_space<hbm>> -> memref<112x128xi32, #tpu.memory_space<hbm>>
            %dma_start3A_150 = arith.constant 0 : i32
            %dma_start3A_151 = tpu.memref_slice %dma_start3A_149[%add3A_127, %dma_start3A_150] : memref<112x128xi32, #tpu.memory_space<hbm>> -> memref<8x128xi32, #tpu.memory_space<hbm>>
            tpu.enqueue_dma source(%dma_start3A_151 : memref<8x128xi32, #tpu.memory_space<hbm>>) target(%arg9 : memref<8x128xi32, #tpu.memory_space<vmem>>) target_semaphore(%run_scoped3A : memref<!tpu.dma_semaphore, #tpu.memory_space<semaphore_mem>>)
            %dma_wait3A = arith.constant 0 : i32
            %dma_wait3A_152 = arith.constant 0 : i32
            %dma_wait3A_153 = tpu.memref_slice %arg4[%add3A_57, %dma_wait3A, %dma_wait3A_152] : memref<32x112x128xi32, #tpu.memory_space<hbm>> -> memref<1x112x128xi32, #tpu.memory_space<hbm>>
            %dma_wait3A_154 = tpu.memref_squeeze %dma_wait3A_153 : memref<1x112x128xi32, #tpu.memory_space<hbm>> -> memref<112x128xi32, #tpu.memory_space<hbm>>
            %dma_wait3A_155 = arith.constant 0 : i32
            %dma_wait3A_156 = tpu.memref_slice %dma_wait3A_154[%add3A_127, %dma_wait3A_155] : memref<112x128xi32, #tpu.memory_space<hbm>> -> memref<8x128xi32, #tpu.memory_space<hbm>>
            %dma_wait3A_157 = arith.constant 0 : i32
            %dma_wait3A_158 = arith.constant 0 : i32
            %dma_wait3A_159 = tpu.memref_slice %arg4[%add3A_57, %dma_wait3A_157, %dma_wait3A_158] : memref<32x112x128xi32, #tpu.memory_space<hbm>> -> memref<1x112x128xi32, #tpu.memory_space<hbm>>
            %dma_wait3A_160 = tpu.memref_squeeze %dma_wait3A_159 : memref<1x112x128xi32, #tpu.memory_space<hbm>> -> memref<112x128xi32, #tpu.memory_space<hbm>>
            %dma_wait3A_161 = arith.constant 0 : i32
            %dma_wait3A_162 = tpu.memref_slice %dma_wait3A_160[%add3A_127, %dma_wait3A_161] : memref<112x128xi32, #tpu.memory_space<hbm>> -> memref<8x128xi32, #tpu.memory_space<hbm>>
            tpu.wait_dma2 semaphore(%run_scoped3A : memref<!tpu.dma_semaphore, #tpu.memory_space<semaphore_mem>>) src(%dma_wait3A_162 : memref<8x128xi32, #tpu.memory_space<hbm>>) dst(%arg9 : memref<8x128xi32, #tpu.memory_space<vmem>>)
            tpu.yield
          }) : () -> ()
          %mul3A_128 = arith.constant 8 : i32
          %mul3A_129 = arith.muli %add3A_116, %mul3A_128 : i32
          %sub3A = arith.subi %reduce_max3A_82, %mul3A_129 : i32
          %min3A = arith.constant 8 : i32
          %min3A_130 = arith.minsi %sub3A, %min3A : i32
          %dma_start3A = arith.constant 0 : i32
          %dma_start3A_131 = tpu.memref_slice %arg8[%dma_start3A] : memref<1024xi32, #tpu.memory_space<vmem>> -> memref<128xi32, #tpu.memory_space<vmem>>
          %dma_start3A_132 = arith.constant 0 : i32
          %dma_start3A_133 = arith.constant 0 : i32
          %dma_start3A_134 = tpu.memref_slice %arg13[%dma_start3A_132, %dma_start3A_133] : memref<10240x128xf32, #tpu.memory_space<vmem_shared>> -> memref<10240x128xf32, #tpu.memory_space<vmem_shared>>
          tpu.enqueue_indirect_dma source(%dma_start3A_134 : memref<10240x128xf32, #tpu.memory_space<vmem_shared>>) target(%arg11 : memref<128x128xf32, #tpu.memory_space<vmem>>) offsets(%dma_start3A_131 : memref<128xi32, #tpu.memory_space<vmem>>) semaphore(%arg15 : memref<!tpu.dma_semaphore, #tpu.memory_space<semaphore_mem>>)
          %scan3A_135 = arith.constant 0 : i32
          %scan3A_136 = arith.constant 4 : i32
          %scan3A_137 = arith.addi %scan3A_135, %scan3A_136 : i32
          %scan3A_138 = arith.constant 1 : i32
          scf.for %scan3A_140 = %scan3A_135 to %scan3A_137 step %scan3A_138  : i32 {
            %mul3A_141 = arith.constant 1 : i32
            %mul3A_142 = arith.muli %scan3A_140, %mul3A_141 : i32
            %add3A_143 = arith.constant 0 : i32
            %add3A_144 = arith.addi %add3A_143, %mul3A_142 : i32
            %mul3A_145 = arith.constant 2 : i32
            %mul3A_146 = arith.muli %mul3A_145, %add3A_144 : i32
            %lt3A = arith.cmpi slt, %mul3A_146, %min3A_130 : i32
            %convert_element_type3A_147 = arith.extui %lt3A : i1 to i32
            %cond3A_148 = arith.constant 0 : i32
            %cond3A_149 = arith.cmpi ne, %convert_element_type3A_147, %cond3A_148 : i32
            scf.if %cond3A_149 {
              %add3A_150 = arith.constant 1 : i32
              %add3A_151 = arith.addi %mul3A_146, %add3A_150 : i32
              %lt3A_152 = arith.cmpi slt, %add3A_151, %min3A_130 : i32
              %convert_element_type3A_153 = arith.extui %lt3A_152 : i1 to i32
              %cond3A_154 = arith.constant 0 : i32
              %cond3A_155 = arith.cmpi ne, %convert_element_type3A_153, %cond3A_154 : i32
              scf.if %cond3A_155 {
                %add3A_173 = arith.constant 1 : i32
                %add3A_174 = arith.addi %mul3A_146, %add3A_173 : i32
                %mul3A_175 = arith.constant 128 : i32
                %mul3A_176 = arith.muli %add3A_174, %mul3A_175 : i32
                %dma_start3A_177 = tpu.memref_slice %arg8[%mul3A_176] : memref<1024xi32, #tpu.memory_space<vmem>> -> memref<128xi32, #tpu.memory_space<vmem>>
                %dma_start3A_178 = arith.constant 0 : i32
                %dma_start3A_179 = arith.constant 0 : i32
                %dma_start3A_180 = tpu.memref_slice %arg13[%dma_start3A_178, %dma_start3A_179] : memref<10240x128xf32, #tpu.memory_space<vmem_shared>> -> memref<10240x128xf32, #tpu.memory_space<vmem_shared>>
                tpu.enqueue_indirect_dma source(%dma_start3A_180 : memref<10240x128xf32, #tpu.memory_space<vmem_shared>>) target(%arg12 : memref<128x128xf32, #tpu.memory_space<vmem>>) offsets(%dma_start3A_177 : memref<128xi32, #tpu.memory_space<vmem>>) semaphore(%arg16 : memref<!tpu.dma_semaphore, #tpu.memory_space<semaphore_mem>>)
              } else {
              }
              %mul3A_156 = arith.constant 128 : i32
              %mul3A_157 = arith.muli %mul3A_146, %mul3A_156 : i32
              %dma_wait3A = tpu.memref_slice %arg8[%mul3A_157] : memref<1024xi32, #tpu.memory_space<vmem>> -> memref<128xi32, #tpu.memory_space<vmem>>
              %dma_wait3A_158 = arith.constant 0 : i32
              %dma_wait3A_159 = arith.constant 0 : i32
              %dma_wait3A_160 = tpu.memref_slice %arg13[%dma_wait3A_158, %dma_wait3A_159] : memref<10240x128xf32, #tpu.memory_space<vmem_shared>> -> memref<10240x128xf32, #tpu.memory_space<vmem_shared>>
              tpu.wait_indirect_dma semaphore(%arg15 : memref<!tpu.dma_semaphore, #tpu.memory_space<semaphore_mem>>) src(%dma_wait3A_160 : memref<10240x128xf32, #tpu.memory_space<vmem_shared>>) dst(%arg11 : memref<128x128xf32, #tpu.memory_space<vmem>>)
              "tpu.region"() ({
                %run_scoped3A = tpu.sem_alloc : memref<!tpu.dma_semaphore, #tpu.memory_space<semaphore_mem>>
                %dma_start3A_173 = arith.constant 0 : i32
                %dma_start3A_174 = tpu.memref_slice %arg9[%mul3A_146, %dma_start3A_173] : memref<8x128xi32, #tpu.memory_space<vmem>> -> memref<1x128xi32, #tpu.memory_space<vmem>>
                %dma_start3A_175 = tpu.memref_squeeze %dma_start3A_174 : memref<1x128xi32, #tpu.memory_space<vmem>> -> memref<128xi32, #tpu.memory_space<vmem>>
                %dma_start3A_176 = arith.constant 0 : i32
                %dma_start3A_177 = arith.constant 0 : i32
                %dma_start3A_178 = tpu.memref_slice %arg14[%dma_start3A_176, %dma_start3A_177] : memref<1152x128xf32, #tpu.memory_space<vmem_shared>> -> memref<1152x128xf32, #tpu.memory_space<vmem_shared>>
                tpu.enqueue_indirect_dma source(%arg11 : memref<128x128xf32, #tpu.memory_space<vmem>>) target(%dma_start3A_178 : memref<1152x128xf32, #tpu.memory_space<vmem_shared>>) offsets(%dma_start3A_175 : memref<128xi32, #tpu.memory_space<vmem>>) semaphore(%run_scoped3A : memref<!tpu.dma_semaphore, #tpu.memory_space<semaphore_mem>>) {add = true}
                %dma_wait3A_179 = arith.constant 0 : i32
                %dma_wait3A_180 = tpu.memref_slice %arg9[%mul3A_146, %dma_wait3A_179] : memref<8x128xi32, #tpu.memory_space<vmem>> -> memref<1x128xi32, #tpu.memory_space<vmem>>
                %dma_wait3A_181 = tpu.memref_squeeze %dma_wait3A_180 : memref<1x128xi32, #tpu.memory_space<vmem>> -> memref<128xi32, #tpu.memory_space<vmem>>
                %dma_wait3A_182 = arith.constant 0 : i32
                %dma_wait3A_183 = arith.constant 0 : i32
                %dma_wait3A_184 = tpu.memref_slice %arg14[%dma_wait3A_182, %dma_wait3A_183] : memref<1152x128xf32, #tpu.memory_space<vmem_shared>> -> memref<1152x128xf32, #tpu.memory_space<vmem_shared>>
                tpu.wait_indirect_dma semaphore(%run_scoped3A : memref<!tpu.dma_semaphore, #tpu.memory_space<semaphore_mem>>) src(%arg11 : memref<128x128xf32, #tpu.memory_space<vmem>>) dst(%dma_wait3A_184 : memref<1152x128xf32, #tpu.memory_space<vmem_shared>>)
                tpu.yield
              }) : () -> ()
              %add3A_161 = arith.constant 2 : i32
              %add3A_162 = arith.addi %mul3A_146, %add3A_161 : i32
              %lt3A_163 = arith.cmpi slt, %add3A_162, %min3A_130 : i32
              %convert_element_type3A_164 = arith.extui %lt3A_163 : i1 to i32
              %cond3A_165 = arith.constant 0 : i32
              %cond3A_166 = arith.cmpi ne, %convert_element_type3A_164, %cond3A_165 : i32
              scf.if %cond3A_166 {
                %add3A_173 = arith.constant 2 : i32
                %add3A_174 = arith.addi %mul3A_146, %add3A_173 : i32
                %mul3A_175 = arith.constant 128 : i32
                %mul3A_176 = arith.muli %add3A_174, %mul3A_175 : i32
                %dma_start3A_177 = tpu.memref_slice %arg8[%mul3A_176] : memref<1024xi32, #tpu.memory_space<vmem>> -> memref<128xi32, #tpu.memory_space<vmem>>
                %dma_start3A_178 = arith.constant 0 : i32
                %dma_start3A_179 = arith.constant 0 : i32
                %dma_start3A_180 = tpu.memref_slice %arg13[%dma_start3A_178, %dma_start3A_179] : memref<10240x128xf32, #tpu.memory_space<vmem_shared>> -> memref<10240x128xf32, #tpu.memory_space<vmem_shared>>
                tpu.enqueue_indirect_dma source(%dma_start3A_180 : memref<10240x128xf32, #tpu.memory_space<vmem_shared>>) target(%arg11 : memref<128x128xf32, #tpu.memory_space<vmem>>) offsets(%dma_start3A_177 : memref<128xi32, #tpu.memory_space<vmem>>) semaphore(%arg15 : memref<!tpu.dma_semaphore, #tpu.memory_space<semaphore_mem>>)
              } else {
              }
              %add3A_167 = arith.constant 1 : i32
              %add3A_168 = arith.addi %mul3A_146, %add3A_167 : i32
              %lt3A_169 = arith.cmpi slt, %add3A_168, %min3A_130 : i32
              %convert_element_type3A_170 = arith.extui %lt3A_169 : i1 to i32
              %cond3A_171 = arith.constant 0 : i32
              %cond3A_172 = arith.cmpi ne, %convert_element_type3A_170, %cond3A_171 : i32
              scf.if %cond3A_172 {
                %add3A_173 = arith.constant 1 : i32
                %add3A_174 = arith.addi %mul3A_146, %add3A_173 : i32
                %mul3A_175 = arith.constant 128 : i32
                %mul3A_176 = arith.muli %add3A_174, %mul3A_175 : i32
                %dma_wait3A_177 = tpu.memref_slice %arg8[%mul3A_176] : memref<1024xi32, #tpu.memory_space<vmem>> -> memref<128xi32, #tpu.memory_space<vmem>>
                %dma_wait3A_178 = arith.constant 0 : i32
                %dma_wait3A_179 = arith.constant 0 : i32
                %dma_wait3A_180 = tpu.memref_slice %arg13[%dma_wait3A_178, %dma_wait3A_179] : memref<10240x128xf32, #tpu.memory_space<vmem_shared>> -> memref<10240x128xf32, #tpu.memory_space<vmem_shared>>
                tpu.wait_indirect_dma semaphore(%arg16 : memref<!tpu.dma_semaphore, #tpu.memory_space<semaphore_mem>>) src(%dma_wait3A_180 : memref<10240x128xf32, #tpu.memory_space<vmem_shared>>) dst(%arg12 : memref<128x128xf32, #tpu.memory_space<vmem>>)
                %add3A_181 = arith.constant 1 : i32
                %add3A_182 = arith.addi %mul3A_146, %add3A_181 : i32
                "tpu.region"() ({
                  %run_scoped3A = tpu.sem_alloc : memref<!tpu.dma_semaphore, #tpu.memory_space<semaphore_mem>>
                  %dma_start3A_183 = arith.constant 0 : i32
                  %dma_start3A_184 = tpu.memref_slice %arg9[%add3A_182, %dma_start3A_183] : memref<8x128xi32, #tpu.memory_space<vmem>> -> memref<1x128xi32, #tpu.memory_space<vmem>>
                  %dma_start3A_185 = tpu.memref_squeeze %dma_start3A_184 : memref<1x128xi32, #tpu.memory_space<vmem>> -> memref<128xi32, #tpu.memory_space<vmem>>
                  %dma_start3A_186 = arith.constant 0 : i32
                  %dma_start3A_187 = arith.constant 0 : i32
                  %dma_start3A_188 = tpu.memref_slice %arg14[%dma_start3A_186, %dma_start3A_187] : memref<1152x128xf32, #tpu.memory_space<vmem_shared>> -> memref<1152x128xf32, #tpu.memory_space<vmem_shared>>
                  tpu.enqueue_indirect_dma source(%arg12 : memref<128x128xf32, #tpu.memory_space<vmem>>) target(%dma_start3A_188 : memref<1152x128xf32, #tpu.memory_space<vmem_shared>>) offsets(%dma_start3A_185 : memref<128xi32, #tpu.memory_space<vmem>>) semaphore(%run_scoped3A : memref<!tpu.dma_semaphore, #tpu.memory_space<semaphore_mem>>) {add = true}
                  %dma_wait3A_189 = arith.constant 0 : i32
                  %dma_wait3A_190 = tpu.memref_slice %arg9[%add3A_182, %dma_wait3A_189] : memref<8x128xi32, #tpu.memory_space<vmem>> -> memref<1x128xi32, #tpu.memory_space<vmem>>
                  %dma_wait3A_191 = tpu.memref_squeeze %dma_wait3A_190 : memref<1x128xi32, #tpu.memory_space<vmem>> -> memref<128xi32, #tpu.memory_space<vmem>>
                  %dma_wait3A_192 = arith.constant 0 : i32
                  %dma_wait3A_193 = arith.constant 0 : i32
                  %dma_wait3A_194 = tpu.memref_slice %arg14[%dma_wait3A_192, %dma_wait3A_193] : memref<1152x128xf32, #tpu.memory_space<vmem_shared>> -> memref<1152x128xf32, #tpu.memory_space<vmem_shared>>
                  tpu.wait_indirect_dma semaphore(%run_scoped3A : memref<!tpu.dma_semaphore, #tpu.memory_space<semaphore_mem>>) src(%arg12 : memref<128x128xf32, #tpu.memory_space<vmem>>) dst(%dma_wait3A_194 : memref<1152x128xf32, #tpu.memory_space<vmem_shared>>)
                  tpu.yield
                }) : () -> ()
              } else {
              }
            } else {
            }
          }
          %scan3A_139 = arith.constant 4 : i32
        } else {
        }
      }
      %scan3A_101 = arith.constant 5 : i32
      %barrier3A_102 = arith.constant 0 : index
      tpu.barrier barrier_id(%barrier3A_102)
      %mul3A_103 = arith.constant 64 : i32
      %mul3A_104 = arith.muli %arg1, %mul3A_103 : i32
      %mul3A_105 = arith.constant 1024 : i32
      %mul3A_106 = arith.muli %add3A_10, %mul3A_105 : i32
      %mul3A_107 = arith.constant 64 : i32
      %mul3A_108 = arith.muli %arg1, %mul3A_107 : i32
      %add3A_109 = arith.addi %mul3A_106, %mul3A_108 : i32
      %multiple_of3A_110 = tpu.assume_multiple %add3A_109, 8 : i32
      "tpu.region"() ({
        %run_scoped3A = tpu.sem_alloc : memref<!tpu.dma_semaphore, #tpu.memory_space<semaphore_mem>>
        %dma_start3A = arith.constant 0 : i32
        %dma_start3A_112 = arith.constant 0 : i32
        %dma_start3A_113 = tpu.memref_slice %arg7[%arg0, %dma_start3A, %dma_start3A_112] : memref<2x10240x128xf32, #tpu.memory_space<hbm>> -> memref<1x10240x128xf32, #tpu.memory_space<hbm>>
        %dma_start3A_114 = tpu.memref_squeeze %dma_start3A_113 : memref<1x10240x128xf32, #tpu.memory_space<hbm>> -> memref<10240x128xf32, #tpu.memory_space<hbm>>
        %dma_start3A_115 = arith.constant 0 : i32
        %dma_start3A_116 = tpu.memref_slice %dma_start3A_114[%multiple_of3A_110, %dma_start3A_115] : memref<10240x128xf32, #tpu.memory_space<hbm>> -> memref<64x128xf32, #tpu.memory_space<hbm>>
        %dma_start3A_117 = arith.constant 0 : i32
        %dma_start3A_118 = tpu.memref_slice %arg14[%mul3A_104, %dma_start3A_117] : memref<1152x128xf32, #tpu.memory_space<vmem_shared>> -> memref<64x128xf32, #tpu.memory_space<vmem_shared>>
        tpu.enqueue_dma source(%dma_start3A_118 : memref<64x128xf32, #tpu.memory_space<vmem_shared>>) target(%dma_start3A_116 : memref<64x128xf32, #tpu.memory_space<hbm>>) target_semaphore(%run_scoped3A : memref<!tpu.dma_semaphore, #tpu.memory_space<semaphore_mem>>)
        %dma_wait3A = arith.constant 0 : i32
        %dma_wait3A_119 = arith.constant 0 : i32
        %dma_wait3A_120 = tpu.memref_slice %arg7[%arg0, %dma_wait3A, %dma_wait3A_119] : memref<2x10240x128xf32, #tpu.memory_space<hbm>> -> memref<1x10240x128xf32, #tpu.memory_space<hbm>>
        %dma_wait3A_121 = tpu.memref_squeeze %dma_wait3A_120 : memref<1x10240x128xf32, #tpu.memory_space<hbm>> -> memref<10240x128xf32, #tpu.memory_space<hbm>>
        %dma_wait3A_122 = arith.constant 0 : i32
        %dma_wait3A_123 = tpu.memref_slice %dma_wait3A_121[%multiple_of3A_110, %dma_wait3A_122] : memref<10240x128xf32, #tpu.memory_space<hbm>> -> memref<64x128xf32, #tpu.memory_space<hbm>>
        %dma_wait3A_124 = arith.constant 0 : i32
        %dma_wait3A_125 = tpu.memref_slice %arg14[%mul3A_104, %dma_wait3A_124] : memref<1152x128xf32, #tpu.memory_space<vmem_shared>> -> memref<64x128xf32, #tpu.memory_space<vmem_shared>>
        tpu.wait_dma2 semaphore(%run_scoped3A : memref<!tpu.dma_semaphore, #tpu.memory_space<semaphore_mem>>) src(%dma_wait3A_125 : memref<64x128xf32, #tpu.memory_space<vmem_shared>>) dst(%dma_wait3A_123 : memref<64x128xf32, #tpu.memory_space<hbm>>)
        tpu.yield
      }) : () -> ()
      %barrier3A_111 = arith.constant 0 : index
      tpu.barrier barrier_id(%barrier3A_111)
    }
    %scan3A_6 = arith.constant 10 : i32
    return
  }
}

#map = affine_map<(d0, d1) -> (0, 0, 0)>
#map1 = affine_map<(d0, d1) -> (0, 0)>
module attributes {stable_mosaic.version = 14 : i64} {
  func.func @_sc_bin(%arg0: i32, %arg1: i32, %arg2: memref<32x40x128xi32, #tpu.memory_space<hbm>>, %arg3: memref<32x40x128xi32, #tpu.memory_space<hbm>>, %arg4: memref<32x14336xi32, #tpu.memory_space<hbm>>, %arg5: memref<32x112x128xi32, #tpu.memory_space<hbm>>, %arg6: memref<32x2x16xi32, #tpu.memory_space<hbm>>, %arg7: memref<40x128xi32, #tpu.memory_space<vmem>>, %arg8: memref<40x128xi32, #tpu.memory_space<vmem>>, %arg9: memref<14336xi32, #tpu.memory_space<vmem>>, %arg10: memref<14336xi32, #tpu.memory_space<vmem>>, %arg11: memref<112x128xi32, #tpu.memory_space<vmem>>, %arg12: memref<2x16xi32, #tpu.memory_space<vmem>>, %arg13: memref<16xi32, #tpu.memory_space<vmem>>, %arg14: memref<16xi32, #tpu.memory_space<vmem>>) attributes {dimension_semantics = [#tpu.dimension_semantics<core_parallel>, #tpu.dimension_semantics<subcore_parallel>], iteration_bounds = array<i64: 2, 16>, scalar_prefetch = 0 : i64, scratch_operands = 8 : i64, tpu.core_type = #tpu.core_type<sc_vector_subcore>, window_params = [{transform_indices = #map}, {transform_indices = #map}, {transform_indices = #map1}, {transform_indices = #map}, {transform_indices = #map}]} {
    %mul3A = arith.constant 16 : i32
    %mul3A_0 = arith.muli %arg0, %mul3A : i32
    %add3A = arith.addi %mul3A_0, %arg1 : i32
    "tpu.region"() ({
      %run_scoped3A = tpu.sem_alloc : memref<!tpu.dma_semaphore, #tpu.memory_space<semaphore_mem>>
      %dma_start3A = arith.constant 0 : i32
      %dma_start3A_60 = arith.constant 0 : i32
      %dma_start3A_61 = tpu.memref_slice %arg2[%add3A, %dma_start3A, %dma_start3A_60] : memref<32x40x128xi32, #tpu.memory_space<hbm>> -> memref<1x40x128xi32, #tpu.memory_space<hbm>>
      %dma_start3A_62 = tpu.memref_squeeze %dma_start3A_61 : memref<1x40x128xi32, #tpu.memory_space<hbm>> -> memref<40x128xi32, #tpu.memory_space<hbm>>
      %dma_start3A_63 = arith.constant 0 : i32
      %dma_start3A_64 = arith.constant 0 : i32
      %dma_start3A_65 = tpu.memref_slice %arg2[%add3A, %dma_start3A_63, %dma_start3A_64] : memref<32x40x128xi32, #tpu.memory_space<hbm>> -> memref<1x40x128xi32, #tpu.memory_space<hbm>>
      %dma_start3A_66 = tpu.memref_squeeze %dma_start3A_65 : memref<1x40x128xi32, #tpu.memory_space<hbm>> -> memref<40x128xi32, #tpu.memory_space<hbm>>
      tpu.enqueue_dma source(%dma_start3A_66 : memref<40x128xi32, #tpu.memory_space<hbm>>) target(%arg7 : memref<40x128xi32, #tpu.memory_space<vmem>>) target_semaphore(%run_scoped3A : memref<!tpu.dma_semaphore, #tpu.memory_space<semaphore_mem>>)
      %dma_wait3A = arith.constant 0 : i32
      %dma_wait3A_67 = arith.constant 0 : i32
      %dma_wait3A_68 = tpu.memref_slice %arg2[%add3A, %dma_wait3A, %dma_wait3A_67] : memref<32x40x128xi32, #tpu.memory_space<hbm>> -> memref<1x40x128xi32, #tpu.memory_space<hbm>>
      %dma_wait3A_69 = tpu.memref_squeeze %dma_wait3A_68 : memref<1x40x128xi32, #tpu.memory_space<hbm>> -> memref<40x128xi32, #tpu.memory_space<hbm>>
      %dma_wait3A_70 = arith.constant 0 : i32
      %dma_wait3A_71 = arith.constant 0 : i32
      %dma_wait3A_72 = tpu.memref_slice %arg2[%add3A, %dma_wait3A_70, %dma_wait3A_71] : memref<32x40x128xi32, #tpu.memory_space<hbm>> -> memref<1x40x128xi32, #tpu.memory_space<hbm>>
      %dma_wait3A_73 = tpu.memref_squeeze %dma_wait3A_72 : memref<1x40x128xi32, #tpu.memory_space<hbm>> -> memref<40x128xi32, #tpu.memory_space<hbm>>
      tpu.wait_dma2 semaphore(%run_scoped3A : memref<!tpu.dma_semaphore, #tpu.memory_space<semaphore_mem>>) src(%dma_wait3A_73 : memref<40x128xi32, #tpu.memory_space<hbm>>) dst(%arg7 : memref<40x128xi32, #tpu.memory_space<vmem>>)
      tpu.yield
    }) : () -> ()
    "tpu.region"() ({
      %run_scoped3A = tpu.sem_alloc : memref<!tpu.dma_semaphore, #tpu.memory_space<semaphore_mem>>
      %dma_start3A = arith.constant 0 : i32
      %dma_start3A_60 = arith.constant 0 : i32
      %dma_start3A_61 = tpu.memref_slice %arg3[%add3A, %dma_start3A, %dma_start3A_60] : memref<32x40x128xi32, #tpu.memory_space<hbm>> -> memref<1x40x128xi32, #tpu.memory_space<hbm>>
      %dma_start3A_62 = tpu.memref_squeeze %dma_start3A_61 : memref<1x40x128xi32, #tpu.memory_space<hbm>> -> memref<40x128xi32, #tpu.memory_space<hbm>>
      %dma_start3A_63 = arith.constant 0 : i32
      %dma_start3A_64 = arith.constant 0 : i32
      %dma_start3A_65 = tpu.memref_slice %arg3[%add3A, %dma_start3A_63, %dma_start3A_64] : memref<32x40x128xi32, #tpu.memory_space<hbm>> -> memref<1x40x128xi32, #tpu.memory_space<hbm>>
      %dma_start3A_66 = tpu.memref_squeeze %dma_start3A_65 : memref<1x40x128xi32, #tpu.memory_space<hbm>> -> memref<40x128xi32, #tpu.memory_space<hbm>>
      tpu.enqueue_dma source(%dma_start3A_66 : memref<40x128xi32, #tpu.memory_space<hbm>>) target(%arg8 : memref<40x128xi32, #tpu.memory_space<vmem>>) target_semaphore(%run_scoped3A : memref<!tpu.dma_semaphore, #tpu.memory_space<semaphore_mem>>)
      %dma_wait3A = arith.constant 0 : i32
      %dma_wait3A_67 = arith.constant 0 : i32
      %dma_wait3A_68 = tpu.memref_slice %arg3[%add3A, %dma_wait3A, %dma_wait3A_67] : memref<32x40x128xi32, #tpu.memory_space<hbm>> -> memref<1x40x128xi32, #tpu.memory_space<hbm>>
      %dma_wait3A_69 = tpu.memref_squeeze %dma_wait3A_68 : memref<1x40x128xi32, #tpu.memory_space<hbm>> -> memref<40x128xi32, #tpu.memory_space<hbm>>
      %dma_wait3A_70 = arith.constant 0 : i32
      %dma_wait3A_71 = arith.constant 0 : i32
      %dma_wait3A_72 = tpu.memref_slice %arg3[%add3A, %dma_wait3A_70, %dma_wait3A_71] : memref<32x40x128xi32, #tpu.memory_space<hbm>> -> memref<1x40x128xi32, #tpu.memory_space<hbm>>
      %dma_wait3A_73 = tpu.memref_squeeze %dma_wait3A_72 : memref<1x40x128xi32, #tpu.memory_space<hbm>> -> memref<40x128xi32, #tpu.memory_space<hbm>>
      tpu.wait_dma2 semaphore(%run_scoped3A : memref<!tpu.dma_semaphore, #tpu.memory_space<semaphore_mem>>) src(%dma_wait3A_73 : memref<40x128xi32, #tpu.memory_space<hbm>>) dst(%arg8 : memref<40x128xi32, #tpu.memory_space<vmem>>)
      tpu.yield
    }) : () -> ()
    %iota3A = tpu.iota {dimensions = array<i32: 0>} : vector<16xi32>
    %scan3A = arith.constant 0 : i32
    %scan3A_1 = arith.constant 896 : i32
    %scan3A_2 = arith.addi %scan3A, %scan3A_1 : i32
    %scan3A_3 = arith.constant 1 : i32
    scf.for %scan3A_60 = %scan3A to %scan3A_2 step %scan3A_3  : i32 {
      %mul3A_61 = arith.constant 1 : i32
      %mul3A_62 = arith.muli %scan3A_60, %mul3A_61 : i32
      %add3A_63 = arith.constant 0 : i32
      %add3A_64 = arith.addi %add3A_63, %mul3A_62 : i32
      %broadcast_in_dim3A_65 = arith.constant 0 : i32
      %broadcast_in_dim3A_66 = vector.broadcast %broadcast_in_dim3A_65 : i32 to vector<16xi32>
      %mul3A_67 = arith.constant 16 : i32
      %mul3A_68 = arith.muli %add3A_64, %mul3A_67 : i32
      %swap3A_69 = arith.index_cast %mul3A_68 : i32 to index
      %swap3A_70 = tpu.vector_load %arg9[%swap3A_69] {strides = array<i32>} : memref<14336xi32, #tpu.memory_space<vmem>>, vector<16xi32>,
      tpu.vector_store %arg9[%swap3A_69], %broadcast_in_dim3A_66 {strides = array<i32>} : memref<14336xi32, #tpu.memory_space<vmem>>, vector<16xi32>,
      %add3A_71 = arith.constant 1024 : i32
      %add3A_72 = vector.broadcast %add3A_71 : i32 to vector<16xi32>
      %add3A_73 = arith.addi %add3A_72, %iota3A : vector<16xi32>
      %mul3A_74 = arith.constant 16 : i32
      %mul3A_75 = arith.muli %add3A_64, %mul3A_74 : i32
      %swap3A_76 = arith.index_cast %mul3A_75 : i32 to index
      %swap3A_77 = tpu.vector_load %arg10[%swap3A_76] {strides = array<i32>} : memref<14336xi32, #tpu.memory_space<vmem>>, vector<16xi32>,
      tpu.vector_store %arg10[%swap3A_76], %add3A_73 {strides = array<i32>} : memref<14336xi32, #tpu.memory_space<vmem>>, vector<16xi32>,
    }
    %scan3A_4 = arith.constant 896 : i32
    %broadcast_in_dim3A = arith.constant 0 : i32
    %broadcast_in_dim3A_5 = vector.broadcast %broadcast_in_dim3A : i32 to vector<16xi32>
    %swap3A = arith.constant 0 : index
    %swap3A_6 = tpu.vector_load %arg13[%swap3A] {strides = array<i32>} : memref<16xi32, #tpu.memory_space<vmem>>, vector<16xi32>,
    tpu.vector_store %arg13[%swap3A], %broadcast_in_dim3A_5 {strides = array<i32>} : memref<16xi32, #tpu.memory_space<vmem>>, vector<16xi32>,
    %scan3A_7 = arith.constant 0 : i32
    %scan3A_8 = arith.constant 320 : i32
    %scan3A_9 = arith.addi %scan3A_7, %scan3A_8 : i32
    %scan3A_10 = arith.constant 1 : i32
    scf.for %scan3A_60 = %scan3A_7 to %scan3A_9 step %scan3A_10  : i32 {
      %mul3A_61 = arith.constant 1 : i32
      %mul3A_62 = arith.muli %scan3A_60, %mul3A_61 : i32
      %add3A_63 = arith.constant 0 : i32
      %add3A_64 = arith.addi %add3A_63, %mul3A_62 : i32
      %jit3A_65 = arith.constant 8 : i32
      %div3A = arith.divsi %add3A_64, %jit3A_65 : i32
      %sign3A = arith.constant 0 : i32
      %sign3A_66 = arith.cmpi sgt, %add3A_64, %sign3A : i32
      %sign3A_67 = arith.extui %sign3A_66 : i1 to i32
      %sign3A_68 = arith.constant 0 : i32
      %sign3A_69 = arith.cmpi slt, %add3A_64, %sign3A_68 : i32
      %sign3A_70 = arith.extui %sign3A_69 : i1 to i32
      %sign3A_71 = arith.subi %sign3A_67, %sign3A_70 : i32
      %sign3A_72 = arith.constant 0 : i32
      %sign3A_73 = arith.cmpi sgt, %jit3A_65, %sign3A_72 : i32
      %sign3A_74 = arith.extui %sign3A_73 : i1 to i32
      %sign3A_75 = arith.constant 0 : i32
      %sign3A_76 = arith.cmpi slt, %jit3A_65, %sign3A_75 : i32
      %sign3A_77 = arith.extui %sign3A_76 : i1 to i32
      %sign3A_78 = arith.subi %sign3A_74, %sign3A_77 : i32
      %ne3A = arith.cmpi ne, %sign3A_71, %sign3A_78 : i32
      %rem3A = arith.remsi %add3A_64, %jit3A_65 : i32
      %ne3A_79 = arith.constant 0 : i32
      %ne3A_80 = arith.cmpi ne, %rem3A, %ne3A_79 : i32
      %and3A = arith.andi %ne3A, %ne3A_80 : i1
      %sub3A_81 = arith.constant 1 : i32
      %sub3A_82 = arith.subi %div3A, %sub3A_81 : i32
      %select_n3A_83 = arith.select %and3A, %sub3A_82, %div3A : i32
      %jit3A_84 = arith.constant 8 : i32
      %eq3A = arith.constant 0 : i32
      %eq3A_85 = arith.cmpi eq, %jit3A_84, %eq3A : i32
      %jit3A_86 = arith.constant 1 : i32
      %select_n3A_87 = arith.select %eq3A_85, %jit3A_86, %jit3A_84 : i32
      %rem3A_88 = arith.remsi %add3A_64, %select_n3A_87 : i32
      %ne3A_89 = arith.constant 0 : i32
      %ne3A_90 = arith.cmpi ne, %rem3A_88, %ne3A_89 : i32
      %lt3A_91 = arith.constant 0 : i32
      %lt3A_92 = arith.cmpi slt, %rem3A_88, %lt3A_91 : i32
      %lt3A_93 = arith.constant 0 : i32
      %lt3A_94 = arith.cmpi slt, %select_n3A_87, %lt3A_93 : i32
      %ne3A_95 = arith.xori %lt3A_92, %lt3A_94 : i1
      %and3A_96 = arith.andi %ne3A_95, %ne3A_90 : i1
      %add3A_97 = arith.addi %rem3A_88, %select_n3A_87 : i32
      %select_n3A_98 = arith.select %and3A_96, %add3A_97, %rem3A_88 : i32
      %mul3A_99 = arith.constant 16 : i32
      %mul3A_100 = arith.muli %select_n3A_98, %mul3A_99 : i32
      %get3A_101 = arith.index_cast %select_n3A_83 : i32 to index
      %get3A_102 = arith.index_cast %mul3A_100 : i32 to index
      %get3A_103 = tpu.vector_load %arg8[%get3A_101, %get3A_102] {strides = array<i32>} : memref<40x128xi32, #tpu.memory_space<vmem>>, vector<16xi32>,
      %shift_right_logical3A_104 = arith.constant 10 : i32
      %shift_right_logical3A_105 = vector.broadcast %shift_right_logical3A_104 : i32 to vector<16xi32>
      %shift_right_logical3A_106 = arith.shrui %get3A_103, %shift_right_logical3A_105 : vector<16xi32>
      %get3A_107 = arith.constant 0 : index
      %get3A_108 = tpu.vector_load %arg13[%get3A_107] {strides = array<i32>} : memref<16xi32, #tpu.memory_space<vmem>>, vector<16xi32>,
      %eq3A_109 = arith.constant 0 : i32
      %eq3A_110 = vector.broadcast %eq3A_109 : i32 to vector<16xi32>
      %eq3A_111 = arith.cmpi eq, %shift_right_logical3A_106, %eq3A_110 : vector<16xi32>
      %all_reduce_population_count3A = tpu.all_reduce %eq3A_111 {dim = 0 : i64, kind = #tpu.reduction_kind<sum>} : vector<16xi1> -> vector<16xi32>
      %eq3A_112 = arith.constant 0 : i32
      %eq3A_113 = vector.broadcast %eq3A_112 : i32 to vector<16xi32>
      %eq3A_114 = arith.cmpi eq, %iota3A, %eq3A_113 : vector<16xi32>
      %add3A_115 = arith.addi %get3A_108, %all_reduce_population_count3A : vector<16xi32>
      %select_n3A_116 = arith.select %eq3A_114, %add3A_115, %get3A_108 : vector<16xi1>, vector<16xi32>
      %eq3A_117 = arith.constant 1 : i32
      %eq3A_118 = vector.broadcast %eq3A_117 : i32 to vector<16xi32>
      %eq3A_119 = arith.cmpi eq, %shift_right_logical3A_106, %eq3A_118 : vector<16xi32>
      %all_reduce_population_count3A_120 = tpu.all_reduce %eq3A_119 {dim = 0 : i64, kind = #tpu.reduction_kind<sum>} : vector<16xi1> -> vector<16xi32>
      %eq3A_121 = arith.constant 1 : i32
      %eq3A_122 = vector.broadcast %eq3A_121 : i32 to vector<16xi32>
      %eq3A_123 = arith.cmpi eq, %iota3A, %eq3A_122 : vector<16xi32>
      %add3A_124 = arith.addi %select_n3A_116, %all_reduce_population_count3A_120 : vector<16xi32>
      %select_n3A_125 = arith.select %eq3A_123, %add3A_124, %select_n3A_116 : vector<16xi1>, vector<16xi32>
      %eq3A_126 = arith.constant 2 : i32
      %eq3A_127 = vector.broadcast %eq3A_126 : i32 to vector<16xi32>
      %eq3A_128 = arith.cmpi eq, %shift_right_logical3A_106, %eq3A_127 : vector<16xi32>
      %all_reduce_population_count3A_129 = tpu.all_reduce %eq3A_128 {dim = 0 : i64, kind = #tpu.reduction_kind<sum>} : vector<16xi1> -> vector<16xi32>
      %eq3A_130 = arith.constant 2 : i32
      %eq3A_131 = vector.broadcast %eq3A_130 : i32 to vector<16xi32>
      %eq3A_132 = arith.cmpi eq, %iota3A, %eq3A_131 : vector<16xi32>
      %add3A_133 = arith.addi %select_n3A_125, %all_reduce_population_count3A_129 : vector<16xi32>
      %select_n3A_134 = arith.select %eq3A_132, %add3A_133, %select_n3A_125 : vector<16xi1>, vector<16xi32>
      %eq3A_135 = arith.constant 3 : i32
      %eq3A_136 = vector.broadcast %eq3A_135 : i32 to vector<16xi32>
      %eq3A_137 = arith.cmpi eq, %shift_right_logical3A_106, %eq3A_136 : vector<16xi32>
      %all_reduce_population_count3A_138 = tpu.all_reduce %eq3A_137 {dim = 0 : i64, kind = #tpu.reduction_kind<sum>} : vector<16xi1> -> vector<16xi32>
      %eq3A_139 = arith.constant 3 : i32
      %eq3A_140 = vector.broadcast %eq3A_139 : i32 to vector<16xi32>
      %eq3A_141 = arith.cmpi eq, %iota3A, %eq3A_140 : vector<16xi32>
      %add3A_142 = arith.addi %select_n3A_134, %all_reduce_population_count3A_138 : vector<16xi32>
      %select_n3A_143 = arith.select %eq3A_141, %add3A_142, %select_n3A_134 : vector<16xi1>, vector<16xi32>
      %eq3A_144 = arith.constant 4 : i32
      %eq3A_145 = vector.broadcast %eq3A_144 : i32 to vector<16xi32>
      %eq3A_146 = arith.cmpi eq, %shift_right_logical3A_106, %eq3A_145 : vector<16xi32>
      %all_reduce_population_count3A_147 = tpu.all_reduce %eq3A_146 {dim = 0 : i64, kind = #tpu.reduction_kind<sum>} : vector<16xi1> -> vector<16xi32>
      %eq3A_148 = arith.constant 4 : i32
      %eq3A_149 = vector.broadcast %eq3A_148 : i32 to vector<16xi32>
      %eq3A_150 = arith.cmpi eq, %iota3A, %eq3A_149 : vector<16xi32>
      %add3A_151 = arith.addi %select_n3A_143, %all_reduce_population_count3A_147 : vector<16xi32>
      %select_n3A_152 = arith.select %eq3A_150, %add3A_151, %select_n3A_143 : vector<16xi1>, vector<16xi32>
      %eq3A_153 = arith.constant 5 : i32
      %eq3A_154 = vector.broadcast %eq3A_153 : i32 to vector<16xi32>
      %eq3A_155 = arith.cmpi eq, %shift_right_logical3A_106, %eq3A_154 : vector<16xi32>
      %all_reduce_population_count3A_156 = tpu.all_reduce %eq3A_155 {dim = 0 : i64, kind = #tpu.reduction_kind<sum>} : vector<16xi1> -> vector<16xi32>
      %eq3A_157 = arith.constant 5 : i32
      %eq3A_158 = vector.broadcast %eq3A_157 : i32 to vector<16xi32>
      %eq3A_159 = arith.cmpi eq, %iota3A, %eq3A_158 : vector<16xi32>
      %add3A_160 = arith.addi %select_n3A_152, %all_reduce_population_count3A_156 : vector<16xi32>
      %select_n3A_161 = arith.select %eq3A_159, %add3A_160, %select_n3A_152 : vector<16xi1>, vector<16xi32>
      %eq3A_162 = arith.constant 6 : i32
      %eq3A_163 = vector.broadcast %eq3A_162 : i32 to vector<16xi32>
      %eq3A_164 = arith.cmpi eq, %shift_right_logical3A_106, %eq3A_163 : vector<16xi32>
      %all_reduce_population_count3A_165 = tpu.all_reduce %eq3A_164 {dim = 0 : i64, kind = #tpu.reduction_kind<sum>} : vector<16xi1> -> vector<16xi32>
      %eq3A_166 = arith.constant 6 : i32
      %eq3A_167 = vector.broadcast %eq3A_166 : i32 to vector<16xi32>
      %eq3A_168 = arith.cmpi eq, %iota3A, %eq3A_167 : vector<16xi32>
      %add3A_169 = arith.addi %select_n3A_161, %all_reduce_population_count3A_165 : vector<16xi32>
      %select_n3A_170 = arith.select %eq3A_168, %add3A_169, %select_n3A_161 : vector<16xi1>, vector<16xi32>
      %eq3A_171 = arith.constant 7 : i32
      %eq3A_172 = vector.broadcast %eq3A_171 : i32 to vector<16xi32>
      %eq3A_173 = arith.cmpi eq, %shift_right_logical3A_106, %eq3A_172 : vector<16xi32>
      %all_reduce_population_count3A_174 = tpu.all_reduce %eq3A_173 {dim = 0 : i64, kind = #tpu.reduction_kind<sum>} : vector<16xi1> -> vector<16xi32>
      %eq3A_175 = arith.constant 7 : i32
      %eq3A_176 = vector.broadcast %eq3A_175 : i32 to vector<16xi32>
      %eq3A_177 = arith.cmpi eq, %iota3A, %eq3A_176 : vector<16xi32>
      %add3A_178 = arith.addi %select_n3A_170, %all_reduce_population_count3A_174 : vector<16xi32>
      %select_n3A_179 = arith.select %eq3A_177, %add3A_178, %select_n3A_170 : vector<16xi1>, vector<16xi32>
      %eq3A_180 = arith.constant 8 : i32
      %eq3A_181 = vector.broadcast %eq3A_180 : i32 to vector<16xi32>
      %eq3A_182 = arith.cmpi eq, %shift_right_logical3A_106, %eq3A_181 : vector<16xi32>
      %all_reduce_population_count3A_183 = tpu.all_reduce %eq3A_182 {dim = 0 : i64, kind = #tpu.reduction_kind<sum>} : vector<16xi1> -> vector<16xi32>
      %eq3A_184 = arith.constant 8 : i32
      %eq3A_185 = vector.broadcast %eq3A_184 : i32 to vector<16xi32>
      %eq3A_186 = arith.cmpi eq, %iota3A, %eq3A_185 : vector<16xi32>
      %add3A_187 = arith.addi %select_n3A_179, %all_reduce_population_count3A_183 : vector<16xi32>
      %select_n3A_188 = arith.select %eq3A_186, %add3A_187, %select_n3A_179 : vector<16xi1>, vector<16xi32>
      %eq3A_189 = arith.constant 9 : i32
      %eq3A_190 = vector.broadcast %eq3A_189 : i32 to vector<16xi32>
      %eq3A_191 = arith.cmpi eq, %shift_right_logical3A_106, %eq3A_190 : vector<16xi32>
      %all_reduce_population_count3A_192 = tpu.all_reduce %eq3A_191 {dim = 0 : i64, kind = #tpu.reduction_kind<sum>} : vector<16xi1> -> vector<16xi32>
      %eq3A_193 = arith.constant 9 : i32
      %eq3A_194 = vector.broadcast %eq3A_193 : i32 to vector<16xi32>
      %eq3A_195 = arith.cmpi eq, %iota3A, %eq3A_194 : vector<16xi32>
      %add3A_196 = arith.addi %select_n3A_188, %all_reduce_population_count3A_192 : vector<16xi32>
      %select_n3A_197 = arith.select %eq3A_195, %add3A_196, %select_n3A_188 : vector<16xi1>, vector<16xi32>
      %swap3A_198 = arith.constant 0 : index
      %swap3A_199 = tpu.vector_load %arg13[%swap3A_198] {strides = array<i32>} : memref<16xi32, #tpu.memory_space<vmem>>, vector<16xi32>,
      tpu.vector_store %arg13[%swap3A_198], %select_n3A_197 {strides = array<i32>} : memref<16xi32, #tpu.memory_space<vmem>>, vector<16xi32>,
    }
    %scan3A_11 = arith.constant 320 : i32
    %get3A = arith.constant 0 : index
    %get3A_12 = tpu.vector_load %arg13[%get3A] {strides = array<i32>} : memref<16xi32, #tpu.memory_space<vmem>>, vector<16xi32>,
    %add3A_13 = arith.constant 127 : i32
    %add3A_14 = vector.broadcast %add3A_13 : i32 to vector<16xi32>
    %add3A_15 = arith.addi %get3A_12, %add3A_14 : vector<16xi32>
    %shift_right_logical3A = arith.constant 7 : i32
    %shift_right_logical3A_16 = vector.broadcast %shift_right_logical3A : i32 to vector<16xi32>
    %shift_right_logical3A_17 = arith.shrui %add3A_15, %shift_right_logical3A_16 : vector<16xi32>
    %lt3A = arith.constant 10 : i32
    %lt3A_18 = vector.broadcast %lt3A : i32 to vector<16xi32>
    %lt3A_19 = arith.cmpi slt, %iota3A, %lt3A_18 : vector<16xi32>
    %add3A_20 = arith.constant 7 : i32
    %add3A_21 = vector.broadcast %add3A_20 : i32 to vector<16xi32>
    %add3A_22 = arith.addi %shift_right_logical3A_17, %add3A_21 : vector<16xi32>
    %shift_right_logical3A_23 = arith.constant 3 : i32
    %shift_right_logical3A_24 = vector.broadcast %shift_right_logical3A_23 : i32 to vector<16xi32>
    %shift_right_logical3A_25 = arith.shrui %add3A_22, %shift_right_logical3A_24 : vector<16xi32>
    %shift_left3A = arith.constant 3 : i32
    %shift_left3A_26 = vector.broadcast %shift_left3A : i32 to vector<16xi32>
    %shift_left3A_27 = arith.shli %shift_right_logical3A_25, %shift_left3A_26 : vector<16xi32>
    %jit3A = arith.constant 0 : i32
    %broadcast_in_dim3A_28 = vector.broadcast %jit3A : i32 to vector<16xi32>
    %select_n3A = arith.select %lt3A_19, %shift_left3A_27, %broadcast_in_dim3A_28 : vector<16xi1>, vector<16xi32>
    %broadcast_in_dim3A_29 = arith.constant true
    %broadcast_in_dim3A_30 = vector.broadcast %broadcast_in_dim3A_29 : i1 to vector<16xi1>
    %masked_cumsum3A = tpu.scan <sum>, %select_n3A masked %broadcast_in_dim3A_30 : vector<16xi32>, vector<16xi1> -> vector<16xi32>
    %sub3A = arith.subi %masked_cumsum3A, %select_n3A : vector<16xi32>
    %swap3A_31 = arith.constant 0 : i32
    %swap3A_32 = arith.index_cast %swap3A_31 : i32 to index
    %swap3A_33 = arith.constant 0 : index
    %swap3A_34 = tpu.vector_load %arg12[%swap3A_32, %swap3A_33] {strides = array<i32>} : memref<2x16xi32, #tpu.memory_space<vmem>>, vector<16xi32>,
    tpu.vector_store %arg12[%swap3A_32, %swap3A_33], %shift_right_logical3A_17 {strides = array<i32>} : memref<2x16xi32, #tpu.memory_space<vmem>>, vector<16xi32>,
    %swap3A_35 = arith.constant 1 : i32
    %swap3A_36 = arith.index_cast %swap3A_35 : i32 to index
    %swap3A_37 = arith.constant 0 : index
    %swap3A_38 = tpu.vector_load %arg12[%swap3A_36, %swap3A_37] {strides = array<i32>} : memref<2x16xi32, #tpu.memory_space<vmem>>, vector<16xi32>,
    tpu.vector_store %arg12[%swap3A_36, %swap3A_37], %sub3A {strides = array<i32>} : memref<2x16xi32, #tpu.memory_space<vmem>>, vector<16xi32>,
    %lt3A_39 = arith.constant 10 : i32
    %lt3A_40 = vector.broadcast %lt3A_39 : i32 to vector<16xi32>
    %lt3A_41 = arith.cmpi slt, %iota3A, %lt3A_40 : vector<16xi32>
    %mul3A_42 = arith.constant 128 : i32
    %mul3A_43 = vector.broadcast %mul3A_42 : i32 to vector<16xi32>
    %mul3A_44 = arith.muli %sub3A, %mul3A_43 : vector<16xi32>
    %jit3A_45 = arith.constant 0 : i32
    %broadcast_in_dim3A_46 = vector.broadcast %jit3A_45 : i32 to vector<16xi32>
    %select_n3A_47 = arith.select %lt3A_41, %mul3A_44, %broadcast_in_dim3A_46 : vector<16xi1>, vector<16xi32>
    %swap3A_48 = arith.constant 0 : index
    %swap3A_49 = tpu.vector_load %arg14[%swap3A_48] {strides = array<i32>} : memref<16xi32, #tpu.memory_space<vmem>>, vector<16xi32>,
    tpu.vector_store %arg14[%swap3A_48], %select_n3A_47 {strides = array<i32>} : memref<16xi32, #tpu.memory_space<vmem>>, vector<16xi32>,
    %scan3A_50 = arith.constant 0 : i32
    %scan3A_51 = arith.constant 320 : i32
    %scan3A_52 = arith.addi %scan3A_50, %scan3A_51 : i32
    %scan3A_53 = arith.constant 1 : i32
    scf.for %scan3A_60 = %scan3A_50 to %scan3A_52 step %scan3A_53  : i32 {
      %mul3A_61 = arith.constant 1 : i32
      %mul3A_62 = arith.muli %scan3A_60, %mul3A_61 : i32
      %add3A_63 = arith.constant 0 : i32
      %add3A_64 = arith.addi %add3A_63, %mul3A_62 : i32
      %jit3A_65 = arith.constant 8 : i32
      %div3A = arith.divsi %add3A_64, %jit3A_65 : i32
      %sign3A = arith.constant 0 : i32
      %sign3A_66 = arith.cmpi sgt, %add3A_64, %sign3A : i32
      %sign3A_67 = arith.extui %sign3A_66 : i1 to i32
      %sign3A_68 = arith.constant 0 : i32
      %sign3A_69 = arith.cmpi slt, %add3A_64, %sign3A_68 : i32
      %sign3A_70 = arith.extui %sign3A_69 : i1 to i32
      %sign3A_71 = arith.subi %sign3A_67, %sign3A_70 : i32
      %sign3A_72 = arith.constant 0 : i32
      %sign3A_73 = arith.cmpi sgt, %jit3A_65, %sign3A_72 : i32
      %sign3A_74 = arith.extui %sign3A_73 : i1 to i32
      %sign3A_75 = arith.constant 0 : i32
      %sign3A_76 = arith.cmpi slt, %jit3A_65, %sign3A_75 : i32
      %sign3A_77 = arith.extui %sign3A_76 : i1 to i32
      %sign3A_78 = arith.subi %sign3A_74, %sign3A_77 : i32
      %ne3A = arith.cmpi ne, %sign3A_71, %sign3A_78 : i32
      %rem3A = arith.remsi %add3A_64, %jit3A_65 : i32
      %ne3A_79 = arith.constant 0 : i32
      %ne3A_80 = arith.cmpi ne, %rem3A, %ne3A_79 : i32
      %and3A = arith.andi %ne3A, %ne3A_80 : i1
      %sub3A_81 = arith.constant 1 : i32
      %sub3A_82 = arith.subi %div3A, %sub3A_81 : i32
      %select_n3A_83 = arith.select %and3A, %sub3A_82, %div3A : i32
      %jit3A_84 = arith.constant 8 : i32
      %eq3A = arith.constant 0 : i32
      %eq3A_85 = arith.cmpi eq, %jit3A_84, %eq3A : i32
      %jit3A_86 = arith.constant 1 : i32
      %select_n3A_87 = arith.select %eq3A_85, %jit3A_86, %jit3A_84 : i32
      %rem3A_88 = arith.remsi %add3A_64, %select_n3A_87 : i32
      %ne3A_89 = arith.constant 0 : i32
      %ne3A_90 = arith.cmpi ne, %rem3A_88, %ne3A_89 : i32
      %lt3A_91 = arith.constant 0 : i32
      %lt3A_92 = arith.cmpi slt, %rem3A_88, %lt3A_91 : i32
      %lt3A_93 = arith.constant 0 : i32
      %lt3A_94 = arith.cmpi slt, %select_n3A_87, %lt3A_93 : i32
      %ne3A_95 = arith.xori %lt3A_92, %lt3A_94 : i1
      %and3A_96 = arith.andi %ne3A_95, %ne3A_90 : i1
      %add3A_97 = arith.addi %rem3A_88, %select_n3A_87 : i32
      %select_n3A_98 = arith.select %and3A_96, %add3A_97, %rem3A_88 : i32
      %mul3A_99 = arith.constant 16 : i32
      %mul3A_100 = arith.muli %select_n3A_98, %mul3A_99 : i32
      %get3A_101 = arith.index_cast %select_n3A_83 : i32 to index
      %get3A_102 = arith.index_cast %mul3A_100 : i32 to index
      %get3A_103 = tpu.vector_load %arg8[%get3A_101, %get3A_102] {strides = array<i32>} : memref<40x128xi32, #tpu.memory_space<vmem>>, vector<16xi32>,
      %get3A_104 = arith.index_cast %select_n3A_83 : i32 to index
      %get3A_105 = arith.index_cast %mul3A_100 : i32 to index
      %get3A_106 = tpu.vector_load %arg7[%get3A_104, %get3A_105] {strides = array<i32>} : memref<40x128xi32, #tpu.memory_space<vmem>>, vector<16xi32>,
      %shift_right_logical3A_107 = arith.constant 10 : i32
      %shift_right_logical3A_108 = vector.broadcast %shift_right_logical3A_107 : i32 to vector<16xi32>
      %shift_right_logical3A_109 = arith.shrui %get3A_103, %shift_right_logical3A_108 : vector<16xi32>
      %shift_left3A_110 = arith.constant 10 : i32
      %shift_left3A_111 = vector.broadcast %shift_left3A_110 : i32 to vector<16xi32>
      %shift_left3A_112 = arith.shli %shift_right_logical3A_109, %shift_left3A_111 : vector<16xi32>
      %sub3A_113 = arith.subi %get3A_103, %shift_left3A_112 : vector<16xi32>
      %get3A_114 = arith.constant 0 : index
      %get3A_115 = tpu.vector_load %arg14[%get3A_114] {strides = array<i32>} : memref<16xi32, #tpu.memory_space<vmem>>, vector<16xi32>,
      %eq3A_116 = arith.constant 0 : i32
      %eq3A_117 = vector.broadcast %eq3A_116 : i32 to vector<16xi32>
      %eq3A_118 = arith.cmpi eq, %shift_right_logical3A_109, %eq3A_117 : vector<16xi32>
      %eq3A_119 = arith.constant 0 : i32
      %eq3A_120 = vector.broadcast %eq3A_119 : i32 to vector<16xi32>
      %eq3A_121 = arith.cmpi eq, %iota3A, %eq3A_120 : vector<16xi32>
      %jit3A_122 = arith.constant 0 : i32
      %broadcast_in_dim3A_123 = vector.broadcast %jit3A_122 : i32 to vector<16xi32>
      %select_n3A_124 = arith.select %eq3A_121, %get3A_115, %broadcast_in_dim3A_123 : vector<16xi1>, vector<16xi32>
      %reduce_max3A = arith.constant true
      %reduce_max3A_125 = vector.broadcast %reduce_max3A : i1 to vector<16xi1>
      %reduce_max3A_126 = arith.constant -2147483648 : i32
      %reduce_max3A_127 = vector.broadcast %reduce_max3A_126 : i32 to vector<16xi32>
      %reduce_max3A_128 = arith.xori %select_n3A_124, %reduce_max3A_127 : vector<16xi32>
      %reduce_max3A_129 = tpu.scan <max>, %reduce_max3A_128 masked %reduce_max3A_125 : vector<16xi32>, vector<16xi1> -> vector<16xi32>
      %reduce_max3A_130 = arith.xori %reduce_max3A_129, %reduce_max3A_127 : vector<16xi32>
      %reduce_max3A_131 = vector.extract %reduce_max3A_130[15] : i32 from vector<16xi32>
      %convert_element_type3A = arith.extui %eq3A_118 : vector<16xi1> to vector<16xi32>
      %broadcast_in_dim3A_132 = arith.constant true
      %broadcast_in_dim3A_133 = vector.broadcast %broadcast_in_dim3A_132 : i1 to vector<16xi1>
      %masked_cumsum3A_134 = tpu.scan <sum>, %convert_element_type3A masked %broadcast_in_dim3A_133 : vector<16xi32>, vector<16xi1> -> vector<16xi32>
      %add3A_135 = vector.broadcast %reduce_max3A_131 : i32 to vector<16xi32>
      %add3A_136 = arith.addi %add3A_135, %masked_cumsum3A_134 : vector<16xi32>
      %sub3A_137 = arith.constant 1 : i32
      %sub3A_138 = vector.broadcast %sub3A_137 : i32 to vector<16xi32>
      %sub3A_139 = arith.subi %add3A_136, %sub3A_138 : vector<16xi32>
      tpu.vector_store_idx %arg9[%sub3A_139], %get3A_106 masked %eq3A_118 : memref<14336xi32, #tpu.memory_space<vmem>>[vector<16xi32>], vector<16xi32>, vector<16xi1>
      tpu.vector_store_idx %arg10[%sub3A_139], %sub3A_113 masked %eq3A_118 : memref<14336xi32, #tpu.memory_space<vmem>>[vector<16xi32>], vector<16xi32>, vector<16xi1>
      %all_reduce_population_count3A = tpu.all_reduce %eq3A_118 {dim = 0 : i64, kind = #tpu.reduction_kind<sum>} : vector<16xi1> -> vector<16xi32>
      %eq3A_140 = arith.constant 0 : i32
      %eq3A_141 = vector.broadcast %eq3A_140 : i32 to vector<16xi32>
      %eq3A_142 = arith.cmpi eq, %iota3A, %eq3A_141 : vector<16xi32>
      %add3A_143 = arith.addi %get3A_115, %all_reduce_population_count3A : vector<16xi32>
      %select_n3A_144 = arith.select %eq3A_142, %add3A_143, %get3A_115 : vector<16xi1>, vector<16xi32>
      %eq3A_145 = arith.constant 1 : i32
      %eq3A_146 = vector.broadcast %eq3A_145 : i32 to vector<16xi32>
      %eq3A_147 = arith.cmpi eq, %shift_right_logical3A_109, %eq3A_146 : vector<16xi32>
      %eq3A_148 = arith.constant 1 : i32
      %eq3A_149 = vector.broadcast %eq3A_148 : i32 to vector<16xi32>
      %eq3A_150 = arith.cmpi eq, %iota3A, %eq3A_149 : vector<16xi32>
      %jit3A_151 = arith.constant 0 : i32
      %broadcast_in_dim3A_152 = vector.broadcast %jit3A_151 : i32 to vector<16xi32>
      %select_n3A_153 = arith.select %eq3A_150, %select_n3A_144, %broadcast_in_dim3A_152 : vector<16xi1>, vector<16xi32>
      %reduce_max3A_154 = arith.constant true
      %reduce_max3A_155 = vector.broadcast %reduce_max3A_154 : i1 to vector<16xi1>
      %reduce_max3A_156 = arith.constant -2147483648 : i32
      %reduce_max3A_157 = vector.broadcast %reduce_max3A_156 : i32 to vector<16xi32>
      %reduce_max3A_158 = arith.xori %select_n3A_153, %reduce_max3A_157 : vector<16xi32>
      %reduce_max3A_159 = tpu.scan <max>, %reduce_max3A_158 masked %reduce_max3A_155 : vector<16xi32>, vector<16xi1> -> vector<16xi32>
      %reduce_max3A_160 = arith.xori %reduce_max3A_159, %reduce_max3A_157 : vector<16xi32>
      %reduce_max3A_161 = vector.extract %reduce_max3A_160[15] : i32 from vector<16xi32>
      %convert_element_type3A_162 = arith.extui %eq3A_147 : vector<16xi1> to vector<16xi32>
      %broadcast_in_dim3A_163 = arith.constant true
      %broadcast_in_dim3A_164 = vector.broadcast %broadcast_in_dim3A_163 : i1 to vector<16xi1>
      %masked_cumsum3A_165 = tpu.scan <sum>, %convert_element_type3A_162 masked %broadcast_in_dim3A_164 : vector<16xi32>, vector<16xi1> -> vector<16xi32>
      %add3A_166 = vector.broadcast %reduce_max3A_161 : i32 to vector<16xi32>
      %add3A_167 = arith.addi %add3A_166, %masked_cumsum3A_165 : vector<16xi32>
      %sub3A_168 = arith.constant 1 : i32
      %sub3A_169 = vector.broadcast %sub3A_168 : i32 to vector<16xi32>
      %sub3A_170 = arith.subi %add3A_167, %sub3A_169 : vector<16xi32>
      tpu.vector_store_idx %arg9[%sub3A_170], %get3A_106 masked %eq3A_147 : memref<14336xi32, #tpu.memory_space<vmem>>[vector<16xi32>], vector<16xi32>, vector<16xi1>
      tpu.vector_store_idx %arg10[%sub3A_170], %sub3A_113 masked %eq3A_147 : memref<14336xi32, #tpu.memory_space<vmem>>[vector<16xi32>], vector<16xi32>, vector<16xi1>
      %all_reduce_population_count3A_171 = tpu.all_reduce %eq3A_147 {dim = 0 : i64, kind = #tpu.reduction_kind<sum>} : vector<16xi1> -> vector<16xi32>
      %eq3A_172 = arith.constant 1 : i32
      %eq3A_173 = vector.broadcast %eq3A_172 : i32 to vector<16xi32>
      %eq3A_174 = arith.cmpi eq, %iota3A, %eq3A_173 : vector<16xi32>
      %add3A_175 = arith.addi %select_n3A_144, %all_reduce_population_count3A_171 : vector<16xi32>
      %select_n3A_176 = arith.select %eq3A_174, %add3A_175, %select_n3A_144 : vector<16xi1>, vector<16xi32>
      %eq3A_177 = arith.constant 2 : i32
      %eq3A_178 = vector.broadcast %eq3A_177 : i32 to vector<16xi32>
      %eq3A_179 = arith.cmpi eq, %shift_right_logical3A_109, %eq3A_178 : vector<16xi32>
      %eq3A_180 = arith.constant 2 : i32
      %eq3A_181 = vector.broadcast %eq3A_180 : i32 to vector<16xi32>
      %eq3A_182 = arith.cmpi eq, %iota3A, %eq3A_181 : vector<16xi32>
      %jit3A_183 = arith.constant 0 : i32
      %broadcast_in_dim3A_184 = vector.broadcast %jit3A_183 : i32 to vector<16xi32>
      %select_n3A_185 = arith.select %eq3A_182, %select_n3A_176, %broadcast_in_dim3A_184 : vector<16xi1>, vector<16xi32>
      %reduce_max3A_186 = arith.constant true
      %reduce_max3A_187 = vector.broadcast %reduce_max3A_186 : i1 to vector<16xi1>
      %reduce_max3A_188 = arith.constant -2147483648 : i32
      %reduce_max3A_189 = vector.broadcast %reduce_max3A_188 : i32 to vector<16xi32>
      %reduce_max3A_190 = arith.xori %select_n3A_185, %reduce_max3A_189 : vector<16xi32>
      %reduce_max3A_191 = tpu.scan <max>, %reduce_max3A_190 masked %reduce_max3A_187 : vector<16xi32>, vector<16xi1> -> vector<16xi32>
      %reduce_max3A_192 = arith.xori %reduce_max3A_191, %reduce_max3A_189 : vector<16xi32>
      %reduce_max3A_193 = vector.extract %reduce_max3A_192[15] : i32 from vector<16xi32>
      %convert_element_type3A_194 = arith.extui %eq3A_179 : vector<16xi1> to vector<16xi32>
      %broadcast_in_dim3A_195 = arith.constant true
      %broadcast_in_dim3A_196 = vector.broadcast %broadcast_in_dim3A_195 : i1 to vector<16xi1>
      %masked_cumsum3A_197 = tpu.scan <sum>, %convert_element_type3A_194 masked %broadcast_in_dim3A_196 : vector<16xi32>, vector<16xi1> -> vector<16xi32>
      %add3A_198 = vector.broadcast %reduce_max3A_193 : i32 to vector<16xi32>
      %add3A_199 = arith.addi %add3A_198, %masked_cumsum3A_197 : vector<16xi32>
      %sub3A_200 = arith.constant 1 : i32
      %sub3A_201 = vector.broadcast %sub3A_200 : i32 to vector<16xi32>
      %sub3A_202 = arith.subi %add3A_199, %sub3A_201 : vector<16xi32>
      tpu.vector_store_idx %arg9[%sub3A_202], %get3A_106 masked %eq3A_179 : memref<14336xi32, #tpu.memory_space<vmem>>[vector<16xi32>], vector<16xi32>, vector<16xi1>
      tpu.vector_store_idx %arg10[%sub3A_202], %sub3A_113 masked %eq3A_179 : memref<14336xi32, #tpu.memory_space<vmem>>[vector<16xi32>], vector<16xi32>, vector<16xi1>
      %all_reduce_population_count3A_203 = tpu.all_reduce %eq3A_179 {dim = 0 : i64, kind = #tpu.reduction_kind<sum>} : vector<16xi1> -> vector<16xi32>
      %eq3A_204 = arith.constant 2 : i32
      %eq3A_205 = vector.broadcast %eq3A_204 : i32 to vector<16xi32>
      %eq3A_206 = arith.cmpi eq, %iota3A, %eq3A_205 : vector<16xi32>
      %add3A_207 = arith.addi %select_n3A_176, %all_reduce_population_count3A_203 : vector<16xi32>
      %select_n3A_208 = arith.select %eq3A_206, %add3A_207, %select_n3A_176 : vector<16xi1>, vector<16xi32>
      %eq3A_209 = arith.constant 3 : i32
      %eq3A_210 = vector.broadcast %eq3A_209 : i32 to vector<16xi32>
      %eq3A_211 = arith.cmpi eq, %shift_right_logical3A_109, %eq3A_210 : vector<16xi32>
      %eq3A_212 = arith.constant 3 : i32
      %eq3A_213 = vector.broadcast %eq3A_212 : i32 to vector<16xi32>
      %eq3A_214 = arith.cmpi eq, %iota3A, %eq3A_213 : vector<16xi32>
      %jit3A_215 = arith.constant 0 : i32
      %broadcast_in_dim3A_216 = vector.broadcast %jit3A_215 : i32 to vector<16xi32>
      %select_n3A_217 = arith.select %eq3A_214, %select_n3A_208, %broadcast_in_dim3A_216 : vector<16xi1>, vector<16xi32>
      %reduce_max3A_218 = arith.constant true
      %reduce_max3A_219 = vector.broadcast %reduce_max3A_218 : i1 to vector<16xi1>
      %reduce_max3A_220 = arith.constant -2147483648 : i32
      %reduce_max3A_221 = vector.broadcast %reduce_max3A_220 : i32 to vector<16xi32>
      %reduce_max3A_222 = arith.xori %select_n3A_217, %reduce_max3A_221 : vector<16xi32>
      %reduce_max3A_223 = tpu.scan <max>, %reduce_max3A_222 masked %reduce_max3A_219 : vector<16xi32>, vector<16xi1> -> vector<16xi32>
      %reduce_max3A_224 = arith.xori %reduce_max3A_223, %reduce_max3A_221 : vector<16xi32>
      %reduce_max3A_225 = vector.extract %reduce_max3A_224[15] : i32 from vector<16xi32>
      %convert_element_type3A_226 = arith.extui %eq3A_211 : vector<16xi1> to vector<16xi32>
      %broadcast_in_dim3A_227 = arith.constant true
      %broadcast_in_dim3A_228 = vector.broadcast %broadcast_in_dim3A_227 : i1 to vector<16xi1>
      %masked_cumsum3A_229 = tpu.scan <sum>, %convert_element_type3A_226 masked %broadcast_in_dim3A_228 : vector<16xi32>, vector<16xi1> -> vector<16xi32>
      %add3A_230 = vector.broadcast %reduce_max3A_225 : i32 to vector<16xi32>
      %add3A_231 = arith.addi %add3A_230, %masked_cumsum3A_229 : vector<16xi32>
      %sub3A_232 = arith.constant 1 : i32
      %sub3A_233 = vector.broadcast %sub3A_232 : i32 to vector<16xi32>
      %sub3A_234 = arith.subi %add3A_231, %sub3A_233 : vector<16xi32>
      tpu.vector_store_idx %arg9[%sub3A_234], %get3A_106 masked %eq3A_211 : memref<14336xi32, #tpu.memory_space<vmem>>[vector<16xi32>], vector<16xi32>, vector<16xi1>
      tpu.vector_store_idx %arg10[%sub3A_234], %sub3A_113 masked %eq3A_211 : memref<14336xi32, #tpu.memory_space<vmem>>[vector<16xi32>], vector<16xi32>, vector<16xi1>
      %all_reduce_population_count3A_235 = tpu.all_reduce %eq3A_211 {dim = 0 : i64, kind = #tpu.reduction_kind<sum>} : vector<16xi1> -> vector<16xi32>
      %eq3A_236 = arith.constant 3 : i32
      %eq3A_237 = vector.broadcast %eq3A_236 : i32 to vector<16xi32>
      %eq3A_238 = arith.cmpi eq, %iota3A, %eq3A_237 : vector<16xi32>
      %add3A_239 = arith.addi %select_n3A_208, %all_reduce_population_count3A_235 : vector<16xi32>
      %select_n3A_240 = arith.select %eq3A_238, %add3A_239, %select_n3A_208 : vector<16xi1>, vector<16xi32>
      %eq3A_241 = arith.constant 4 : i32
      %eq3A_242 = vector.broadcast %eq3A_241 : i32 to vector<16xi32>
      %eq3A_243 = arith.cmpi eq, %shift_right_logical3A_109, %eq3A_242 : vector<16xi32>
      %eq3A_244 = arith.constant 4 : i32
      %eq3A_245 = vector.broadcast %eq3A_244 : i32 to vector<16xi32>
      %eq3A_246 = arith.cmpi eq, %iota3A, %eq3A_245 : vector<16xi32>
      %jit3A_247 = arith.constant 0 : i32
      %broadcast_in_dim3A_248 = vector.broadcast %jit3A_247 : i32 to vector<16xi32>
      %select_n3A_249 = arith.select %eq3A_246, %select_n3A_240, %broadcast_in_dim3A_248 : vector<16xi1>, vector<16xi32>
      %reduce_max3A_250 = arith.constant true
      %reduce_max3A_251 = vector.broadcast %reduce_max3A_250 : i1 to vector<16xi1>
      %reduce_max3A_252 = arith.constant -2147483648 : i32
      %reduce_max3A_253 = vector.broadcast %reduce_max3A_252 : i32 to vector<16xi32>
      %reduce_max3A_254 = arith.xori %select_n3A_249, %reduce_max3A_253 : vector<16xi32>
      %reduce_max3A_255 = tpu.scan <max>, %reduce_max3A_254 masked %reduce_max3A_251 : vector<16xi32>, vector<16xi1> -> vector<16xi32>
      %reduce_max3A_256 = arith.xori %reduce_max3A_255, %reduce_max3A_253 : vector<16xi32>
      %reduce_max3A_257 = vector.extract %reduce_max3A_256[15] : i32 from vector<16xi32>
      %convert_element_type3A_258 = arith.extui %eq3A_243 : vector<16xi1> to vector<16xi32>
      %broadcast_in_dim3A_259 = arith.constant true
      %broadcast_in_dim3A_260 = vector.broadcast %broadcast_in_dim3A_259 : i1 to vector<16xi1>
      %masked_cumsum3A_261 = tpu.scan <sum>, %convert_element_type3A_258 masked %broadcast_in_dim3A_260 : vector<16xi32>, vector<16xi1> -> vector<16xi32>
      %add3A_262 = vector.broadcast %reduce_max3A_257 : i32 to vector<16xi32>
      %add3A_263 = arith.addi %add3A_262, %masked_cumsum3A_261 : vector<16xi32>
      %sub3A_264 = arith.constant 1 : i32
      %sub3A_265 = vector.broadcast %sub3A_264 : i32 to vector<16xi32>
      %sub3A_266 = arith.subi %add3A_263, %sub3A_265 : vector<16xi32>
      tpu.vector_store_idx %arg9[%sub3A_266], %get3A_106 masked %eq3A_243 : memref<14336xi32, #tpu.memory_space<vmem>>[vector<16xi32>], vector<16xi32>, vector<16xi1>
      tpu.vector_store_idx %arg10[%sub3A_266], %sub3A_113 masked %eq3A_243 : memref<14336xi32, #tpu.memory_space<vmem>>[vector<16xi32>], vector<16xi32>, vector<16xi1>
      %all_reduce_population_count3A_267 = tpu.all_reduce %eq3A_243 {dim = 0 : i64, kind = #tpu.reduction_kind<sum>} : vector<16xi1> -> vector<16xi32>
      %eq3A_268 = arith.constant 4 : i32
      %eq3A_269 = vector.broadcast %eq3A_268 : i32 to vector<16xi32>
      %eq3A_270 = arith.cmpi eq, %iota3A, %eq3A_269 : vector<16xi32>
      %add3A_271 = arith.addi %select_n3A_240, %all_reduce_population_count3A_267 : vector<16xi32>
      %select_n3A_272 = arith.select %eq3A_270, %add3A_271, %select_n3A_240 : vector<16xi1>, vector<16xi32>
      %eq3A_273 = arith.constant 5 : i32
      %eq3A_274 = vector.broadcast %eq3A_273 : i32 to vector<16xi32>
      %eq3A_275 = arith.cmpi eq, %shift_right_logical3A_109, %eq3A_274 : vector<16xi32>
      %eq3A_276 = arith.constant 5 : i32
      %eq3A_277 = vector.broadcast %eq3A_276 : i32 to vector<16xi32>
      %eq3A_278 = arith.cmpi eq, %iota3A, %eq3A_277 : vector<16xi32>
      %jit3A_279 = arith.constant 0 : i32
      %broadcast_in_dim3A_280 = vector.broadcast %jit3A_279 : i32 to vector<16xi32>
      %select_n3A_281 = arith.select %eq3A_278, %select_n3A_272, %broadcast_in_dim3A_280 : vector<16xi1>, vector<16xi32>
      %reduce_max3A_282 = arith.constant true
      %reduce_max3A_283 = vector.broadcast %reduce_max3A_282 : i1 to vector<16xi1>
      %reduce_max3A_284 = arith.constant -2147483648 : i32
      %reduce_max3A_285 = vector.broadcast %reduce_max3A_284 : i32 to vector<16xi32>
      %reduce_max3A_286 = arith.xori %select_n3A_281, %reduce_max3A_285 : vector<16xi32>
      %reduce_max3A_287 = tpu.scan <max>, %reduce_max3A_286 masked %reduce_max3A_283 : vector<16xi32>, vector<16xi1> -> vector<16xi32>
      %reduce_max3A_288 = arith.xori %reduce_max3A_287, %reduce_max3A_285 : vector<16xi32>
      %reduce_max3A_289 = vector.extract %reduce_max3A_288[15] : i32 from vector<16xi32>
      %convert_element_type3A_290 = arith.extui %eq3A_275 : vector<16xi1> to vector<16xi32>
      %broadcast_in_dim3A_291 = arith.constant true
      %broadcast_in_dim3A_292 = vector.broadcast %broadcast_in_dim3A_291 : i1 to vector<16xi1>
      %masked_cumsum3A_293 = tpu.scan <sum>, %convert_element_type3A_290 masked %broadcast_in_dim3A_292 : vector<16xi32>, vector<16xi1> -> vector<16xi32>
      %add3A_294 = vector.broadcast %reduce_max3A_289 : i32 to vector<16xi32>
      %add3A_295 = arith.addi %add3A_294, %masked_cumsum3A_293 : vector<16xi32>
      %sub3A_296 = arith.constant 1 : i32
      %sub3A_297 = vector.broadcast %sub3A_296 : i32 to vector<16xi32>
      %sub3A_298 = arith.subi %add3A_295, %sub3A_297 : vector<16xi32>
      tpu.vector_store_idx %arg9[%sub3A_298], %get3A_106 masked %eq3A_275 : memref<14336xi32, #tpu.memory_space<vmem>>[vector<16xi32>], vector<16xi32>, vector<16xi1>
      tpu.vector_store_idx %arg10[%sub3A_298], %sub3A_113 masked %eq3A_275 : memref<14336xi32, #tpu.memory_space<vmem>>[vector<16xi32>], vector<16xi32>, vector<16xi1>
      %all_reduce_population_count3A_299 = tpu.all_reduce %eq3A_275 {dim = 0 : i64, kind = #tpu.reduction_kind<sum>} : vector<16xi1> -> vector<16xi32>
      %eq3A_300 = arith.constant 5 : i32
      %eq3A_301 = vector.broadcast %eq3A_300 : i32 to vector<16xi32>
      %eq3A_302 = arith.cmpi eq, %iota3A, %eq3A_301 : vector<16xi32>
      %add3A_303 = arith.addi %select_n3A_272, %all_reduce_population_count3A_299 : vector<16xi32>
      %select_n3A_304 = arith.select %eq3A_302, %add3A_303, %select_n3A_272 : vector<16xi1>, vector<16xi32>
      %eq3A_305 = arith.constant 6 : i32
      %eq3A_306 = vector.broadcast %eq3A_305 : i32 to vector<16xi32>
      %eq3A_307 = arith.cmpi eq, %shift_right_logical3A_109, %eq3A_306 : vector<16xi32>
      %eq3A_308 = arith.constant 6 : i32
      %eq3A_309 = vector.broadcast %eq3A_308 : i32 to vector<16xi32>
      %eq3A_310 = arith.cmpi eq, %iota3A, %eq3A_309 : vector<16xi32>
      %jit3A_311 = arith.constant 0 : i32
      %broadcast_in_dim3A_312 = vector.broadcast %jit3A_311 : i32 to vector<16xi32>
      %select_n3A_313 = arith.select %eq3A_310, %select_n3A_304, %broadcast_in_dim3A_312 : vector<16xi1>, vector<16xi32>
      %reduce_max3A_314 = arith.constant true
      %reduce_max3A_315 = vector.broadcast %reduce_max3A_314 : i1 to vector<16xi1>
      %reduce_max3A_316 = arith.constant -2147483648 : i32
      %reduce_max3A_317 = vector.broadcast %reduce_max3A_316 : i32 to vector<16xi32>
      %reduce_max3A_318 = arith.xori %select_n3A_313, %reduce_max3A_317 : vector<16xi32>
      %reduce_max3A_319 = tpu.scan <max>, %reduce_max3A_318 masked %reduce_max3A_315 : vector<16xi32>, vector<16xi1> -> vector<16xi32>
      %reduce_max3A_320 = arith.xori %reduce_max3A_319, %reduce_max3A_317 : vector<16xi32>
      %reduce_max3A_321 = vector.extract %reduce_max3A_320[15] : i32 from vector<16xi32>
      %convert_element_type3A_322 = arith.extui %eq3A_307 : vector<16xi1> to vector<16xi32>
      %broadcast_in_dim3A_323 = arith.constant true
      %broadcast_in_dim3A_324 = vector.broadcast %broadcast_in_dim3A_323 : i1 to vector<16xi1>
      %masked_cumsum3A_325 = tpu.scan <sum>, %convert_element_type3A_322 masked %broadcast_in_dim3A_324 : vector<16xi32>, vector<16xi1> -> vector<16xi32>
      %add3A_326 = vector.broadcast %reduce_max3A_321 : i32 to vector<16xi32>
      %add3A_327 = arith.addi %add3A_326, %masked_cumsum3A_325 : vector<16xi32>
      %sub3A_328 = arith.constant 1 : i32
      %sub3A_329 = vector.broadcast %sub3A_328 : i32 to vector<16xi32>
      %sub3A_330 = arith.subi %add3A_327, %sub3A_329 : vector<16xi32>
      tpu.vector_store_idx %arg9[%sub3A_330], %get3A_106 masked %eq3A_307 : memref<14336xi32, #tpu.memory_space<vmem>>[vector<16xi32>], vector<16xi32>, vector<16xi1>
      tpu.vector_store_idx %arg10[%sub3A_330], %sub3A_113 masked %eq3A_307 : memref<14336xi32, #tpu.memory_space<vmem>>[vector<16xi32>], vector<16xi32>, vector<16xi1>
      %all_reduce_population_count3A_331 = tpu.all_reduce %eq3A_307 {dim = 0 : i64, kind = #tpu.reduction_kind<sum>} : vector<16xi1> -> vector<16xi32>
      %eq3A_332 = arith.constant 6 : i32
      %eq3A_333 = vector.broadcast %eq3A_332 : i32 to vector<16xi32>
      %eq3A_334 = arith.cmpi eq, %iota3A, %eq3A_333 : vector<16xi32>
      %add3A_335 = arith.addi %select_n3A_304, %all_reduce_population_count3A_331 : vector<16xi32>
      %select_n3A_336 = arith.select %eq3A_334, %add3A_335, %select_n3A_304 : vector<16xi1>, vector<16xi32>
      %eq3A_337 = arith.constant 7 : i32
      %eq3A_338 = vector.broadcast %eq3A_337 : i32 to vector<16xi32>
      %eq3A_339 = arith.cmpi eq, %shift_right_logical3A_109, %eq3A_338 : vector<16xi32>
      %eq3A_340 = arith.constant 7 : i32
      %eq3A_341 = vector.broadcast %eq3A_340 : i32 to vector<16xi32>
      %eq3A_342 = arith.cmpi eq, %iota3A, %eq3A_341 : vector<16xi32>
      %jit3A_343 = arith.constant 0 : i32
      %broadcast_in_dim3A_344 = vector.broadcast %jit3A_343 : i32 to vector<16xi32>
      %select_n3A_345 = arith.select %eq3A_342, %select_n3A_336, %broadcast_in_dim3A_344 : vector<16xi1>, vector<16xi32>
      %reduce_max3A_346 = arith.constant true
      %reduce_max3A_347 = vector.broadcast %reduce_max3A_346 : i1 to vector<16xi1>
      %reduce_max3A_348 = arith.constant -2147483648 : i32
      %reduce_max3A_349 = vector.broadcast %reduce_max3A_348 : i32 to vector<16xi32>
      %reduce_max3A_350 = arith.xori %select_n3A_345, %reduce_max3A_349 : vector<16xi32>
      %reduce_max3A_351 = tpu.scan <max>, %reduce_max3A_350 masked %reduce_max3A_347 : vector<16xi32>, vector<16xi1> -> vector<16xi32>
      %reduce_max3A_352 = arith.xori %reduce_max3A_351, %reduce_max3A_349 : vector<16xi32>
      %reduce_max3A_353 = vector.extract %reduce_max3A_352[15] : i32 from vector<16xi32>
      %convert_element_type3A_354 = arith.extui %eq3A_339 : vector<16xi1> to vector<16xi32>
      %broadcast_in_dim3A_355 = arith.constant true
      %broadcast_in_dim3A_356 = vector.broadcast %broadcast_in_dim3A_355 : i1 to vector<16xi1>
      %masked_cumsum3A_357 = tpu.scan <sum>, %convert_element_type3A_354 masked %broadcast_in_dim3A_356 : vector<16xi32>, vector<16xi1> -> vector<16xi32>
      %add3A_358 = vector.broadcast %reduce_max3A_353 : i32 to vector<16xi32>
      %add3A_359 = arith.addi %add3A_358, %masked_cumsum3A_357 : vector<16xi32>
      %sub3A_360 = arith.constant 1 : i32
      %sub3A_361 = vector.broadcast %sub3A_360 : i32 to vector<16xi32>
      %sub3A_362 = arith.subi %add3A_359, %sub3A_361 : vector<16xi32>
      tpu.vector_store_idx %arg9[%sub3A_362], %get3A_106 masked %eq3A_339 : memref<14336xi32, #tpu.memory_space<vmem>>[vector<16xi32>], vector<16xi32>, vector<16xi1>
      tpu.vector_store_idx %arg10[%sub3A_362], %sub3A_113 masked %eq3A_339 : memref<14336xi32, #tpu.memory_space<vmem>>[vector<16xi32>], vector<16xi32>, vector<16xi1>
      %all_reduce_population_count3A_363 = tpu.all_reduce %eq3A_339 {dim = 0 : i64, kind = #tpu.reduction_kind<sum>} : vector<16xi1> -> vector<16xi32>
      %eq3A_364 = arith.constant 7 : i32
      %eq3A_365 = vector.broadcast %eq3A_364 : i32 to vector<16xi32>
      %eq3A_366 = arith.cmpi eq, %iota3A, %eq3A_365 : vector<16xi32>
      %add3A_367 = arith.addi %select_n3A_336, %all_reduce_population_count3A_363 : vector<16xi32>
      %select_n3A_368 = arith.select %eq3A_366, %add3A_367, %select_n3A_336 : vector<16xi1>, vector<16xi32>
      %eq3A_369 = arith.constant 8 : i32
      %eq3A_370 = vector.broadcast %eq3A_369 : i32 to vector<16xi32>
      %eq3A_371 = arith.cmpi eq, %shift_right_logical3A_109, %eq3A_370 : vector<16xi32>
      %eq3A_372 = arith.constant 8 : i32
      %eq3A_373 = vector.broadcast %eq3A_372 : i32 to vector<16xi32>
      %eq3A_374 = arith.cmpi eq, %iota3A, %eq3A_373 : vector<16xi32>
      %jit3A_375 = arith.constant 0 : i32
      %broadcast_in_dim3A_376 = vector.broadcast %jit3A_375 : i32 to vector<16xi32>
      %select_n3A_377 = arith.select %eq3A_374, %select_n3A_368, %broadcast_in_dim3A_376 : vector<16xi1>, vector<16xi32>
      %reduce_max3A_378 = arith.constant true
      %reduce_max3A_379 = vector.broadcast %reduce_max3A_378 : i1 to vector<16xi1>
      %reduce_max3A_380 = arith.constant -2147483648 : i32
      %reduce_max3A_381 = vector.broadcast %reduce_max3A_380 : i32 to vector<16xi32>
      %reduce_max3A_382 = arith.xori %select_n3A_377, %reduce_max3A_381 : vector<16xi32>
      %reduce_max3A_383 = tpu.scan <max>, %reduce_max3A_382 masked %reduce_max3A_379 : vector<16xi32>, vector<16xi1> -> vector<16xi32>
      %reduce_max3A_384 = arith.xori %reduce_max3A_383, %reduce_max3A_381 : vector<16xi32>
      %reduce_max3A_385 = vector.extract %reduce_max3A_384[15] : i32 from vector<16xi32>
      %convert_element_type3A_386 = arith.extui %eq3A_371 : vector<16xi1> to vector<16xi32>
      %broadcast_in_dim3A_387 = arith.constant true
      %broadcast_in_dim3A_388 = vector.broadcast %broadcast_in_dim3A_387 : i1 to vector<16xi1>
      %masked_cumsum3A_389 = tpu.scan <sum>, %convert_element_type3A_386 masked %broadcast_in_dim3A_388 : vector<16xi32>, vector<16xi1> -> vector<16xi32>
      %add3A_390 = vector.broadcast %reduce_max3A_385 : i32 to vector<16xi32>
      %add3A_391 = arith.addi %add3A_390, %masked_cumsum3A_389 : vector<16xi32>
      %sub3A_392 = arith.constant 1 : i32
      %sub3A_393 = vector.broadcast %sub3A_392 : i32 to vector<16xi32>
      %sub3A_394 = arith.subi %add3A_391, %sub3A_393 : vector<16xi32>
      tpu.vector_store_idx %arg9[%sub3A_394], %get3A_106 masked %eq3A_371 : memref<14336xi32, #tpu.memory_space<vmem>>[vector<16xi32>], vector<16xi32>, vector<16xi1>
      tpu.vector_store_idx %arg10[%sub3A_394], %sub3A_113 masked %eq3A_371 : memref<14336xi32, #tpu.memory_space<vmem>>[vector<16xi32>], vector<16xi32>, vector<16xi1>
      %all_reduce_population_count3A_395 = tpu.all_reduce %eq3A_371 {dim = 0 : i64, kind = #tpu.reduction_kind<sum>} : vector<16xi1> -> vector<16xi32>
      %eq3A_396 = arith.constant 8 : i32
      %eq3A_397 = vector.broadcast %eq3A_396 : i32 to vector<16xi32>
      %eq3A_398 = arith.cmpi eq, %iota3A, %eq3A_397 : vector<16xi32>
      %add3A_399 = arith.addi %select_n3A_368, %all_reduce_population_count3A_395 : vector<16xi32>
      %select_n3A_400 = arith.select %eq3A_398, %add3A_399, %select_n3A_368 : vector<16xi1>, vector<16xi32>
      %eq3A_401 = arith.constant 9 : i32
      %eq3A_402 = vector.broadcast %eq3A_401 : i32 to vector<16xi32>
      %eq3A_403 = arith.cmpi eq, %shift_right_logical3A_109, %eq3A_402 : vector<16xi32>
      %eq3A_404 = arith.constant 9 : i32
      %eq3A_405 = vector.broadcast %eq3A_404 : i32 to vector<16xi32>
      %eq3A_406 = arith.cmpi eq, %iota3A, %eq3A_405 : vector<16xi32>
      %jit3A_407 = arith.constant 0 : i32
      %broadcast_in_dim3A_408 = vector.broadcast %jit3A_407 : i32 to vector<16xi32>
      %select_n3A_409 = arith.select %eq3A_406, %select_n3A_400, %broadcast_in_dim3A_408 : vector<16xi1>, vector<16xi32>
      %reduce_max3A_410 = arith.constant true
      %reduce_max3A_411 = vector.broadcast %reduce_max3A_410 : i1 to vector<16xi1>
      %reduce_max3A_412 = arith.constant -2147483648 : i32
      %reduce_max3A_413 = vector.broadcast %reduce_max3A_412 : i32 to vector<16xi32>
      %reduce_max3A_414 = arith.xori %select_n3A_409, %reduce_max3A_413 : vector<16xi32>
      %reduce_max3A_415 = tpu.scan <max>, %reduce_max3A_414 masked %reduce_max3A_411 : vector<16xi32>, vector<16xi1> -> vector<16xi32>
      %reduce_max3A_416 = arith.xori %reduce_max3A_415, %reduce_max3A_413 : vector<16xi32>
      %reduce_max3A_417 = vector.extract %reduce_max3A_416[15] : i32 from vector<16xi32>
      %convert_element_type3A_418 = arith.extui %eq3A_403 : vector<16xi1> to vector<16xi32>
      %broadcast_in_dim3A_419 = arith.constant true
      %broadcast_in_dim3A_420 = vector.broadcast %broadcast_in_dim3A_419 : i1 to vector<16xi1>
      %masked_cumsum3A_421 = tpu.scan <sum>, %convert_element_type3A_418 masked %broadcast_in_dim3A_420 : vector<16xi32>, vector<16xi1> -> vector<16xi32>
      %add3A_422 = vector.broadcast %reduce_max3A_417 : i32 to vector<16xi32>
      %add3A_423 = arith.addi %add3A_422, %masked_cumsum3A_421 : vector<16xi32>
      %sub3A_424 = arith.constant 1 : i32
      %sub3A_425 = vector.broadcast %sub3A_424 : i32 to vector<16xi32>
      %sub3A_426 = arith.subi %add3A_423, %sub3A_425 : vector<16xi32>
      tpu.vector_store_idx %arg9[%sub3A_426], %get3A_106 masked %eq3A_403 : memref<14336xi32, #tpu.memory_space<vmem>>[vector<16xi32>], vector<16xi32>, vector<16xi1>
      tpu.vector_store_idx %arg10[%sub3A_426], %sub3A_113 masked %eq3A_403 : memref<14336xi32, #tpu.memory_space<vmem>>[vector<16xi32>], vector<16xi32>, vector<16xi1>
      %all_reduce_population_count3A_427 = tpu.all_reduce %eq3A_403 {dim = 0 : i64, kind = #tpu.reduction_kind<sum>} : vector<16xi1> -> vector<16xi32>
      %eq3A_428 = arith.constant 9 : i32
      %eq3A_429 = vector.broadcast %eq3A_428 : i32 to vector<16xi32>
      %eq3A_430 = arith.cmpi eq, %iota3A, %eq3A_429 : vector<16xi32>
      %add3A_431 = arith.addi %select_n3A_400, %all_reduce_population_count3A_427 : vector<16xi32>
      %select_n3A_432 = arith.select %eq3A_430, %add3A_431, %select_n3A_400 : vector<16xi1>, vector<16xi32>
      %swap3A_433 = arith.constant 0 : index
      %swap3A_434 = tpu.vector_load %arg14[%swap3A_433] {strides = array<i32>} : memref<16xi32, #tpu.memory_space<vmem>>, vector<16xi32>,
      tpu.vector_store %arg14[%swap3A_433], %select_n3A_432 {strides = array<i32>} : memref<16xi32, #tpu.memory_space<vmem>>, vector<16xi32>,
    }
    %scan3A_54 = arith.constant 320 : i32
    %scan3A_55 = arith.constant 0 : i32
    %scan3A_56 = arith.constant 896 : i32
    %scan3A_57 = arith.addi %scan3A_55, %scan3A_56 : i32
    %scan3A_58 = arith.constant 1 : i32
    scf.for %scan3A_60 = %scan3A_55 to %scan3A_57 step %scan3A_58  : i32 {
      %mul3A_61 = arith.constant 1 : i32
      %mul3A_62 = arith.muli %scan3A_60, %mul3A_61 : i32
      %add3A_63 = arith.constant 0 : i32
      %add3A_64 = arith.addi %add3A_63, %mul3A_62 : i32
      %jit3A_65 = arith.constant 8 : i32
      %div3A = arith.divsi %add3A_64, %jit3A_65 : i32
      %sign3A = arith.constant 0 : i32
      %sign3A_66 = arith.cmpi sgt, %add3A_64, %sign3A : i32
      %sign3A_67 = arith.extui %sign3A_66 : i1 to i32
      %sign3A_68 = arith.constant 0 : i32
      %sign3A_69 = arith.cmpi slt, %add3A_64, %sign3A_68 : i32
      %sign3A_70 = arith.extui %sign3A_69 : i1 to i32
      %sign3A_71 = arith.subi %sign3A_67, %sign3A_70 : i32
      %sign3A_72 = arith.constant 0 : i32
      %sign3A_73 = arith.cmpi sgt, %jit3A_65, %sign3A_72 : i32
      %sign3A_74 = arith.extui %sign3A_73 : i1 to i32
      %sign3A_75 = arith.constant 0 : i32
      %sign3A_76 = arith.cmpi slt, %jit3A_65, %sign3A_75 : i32
      %sign3A_77 = arith.extui %sign3A_76 : i1 to i32
      %sign3A_78 = arith.subi %sign3A_74, %sign3A_77 : i32
      %ne3A = arith.cmpi ne, %sign3A_71, %sign3A_78 : i32
      %rem3A = arith.remsi %add3A_64, %jit3A_65 : i32
      %ne3A_79 = arith.constant 0 : i32
      %ne3A_80 = arith.cmpi ne, %rem3A, %ne3A_79 : i32
      %and3A = arith.andi %ne3A, %ne3A_80 : i1
      %sub3A_81 = arith.constant 1 : i32
      %sub3A_82 = arith.subi %div3A, %sub3A_81 : i32
      %select_n3A_83 = arith.select %and3A, %sub3A_82, %div3A : i32
      %jit3A_84 = arith.constant 8 : i32
      %eq3A = arith.constant 0 : i32
      %eq3A_85 = arith.cmpi eq, %jit3A_84, %eq3A : i32
      %jit3A_86 = arith.constant 1 : i32
      %select_n3A_87 = arith.select %eq3A_85, %jit3A_86, %jit3A_84 : i32
      %rem3A_88 = arith.remsi %add3A_64, %select_n3A_87 : i32
      %ne3A_89 = arith.constant 0 : i32
      %ne3A_90 = arith.cmpi ne, %rem3A_88, %ne3A_89 : i32
      %lt3A_91 = arith.constant 0 : i32
      %lt3A_92 = arith.cmpi slt, %rem3A_88, %lt3A_91 : i32
      %lt3A_93 = arith.constant 0 : i32
      %lt3A_94 = arith.cmpi slt, %select_n3A_87, %lt3A_93 : i32
      %ne3A_95 = arith.xori %lt3A_92, %lt3A_94 : i1
      %and3A_96 = arith.andi %ne3A_95, %ne3A_90 : i1
      %add3A_97 = arith.addi %rem3A_88, %select_n3A_87 : i32
      %select_n3A_98 = arith.select %and3A_96, %add3A_97, %rem3A_88 : i32
      %mul3A_99 = arith.constant 16 : i32
      %mul3A_100 = arith.muli %select_n3A_98, %mul3A_99 : i32
      %mul3A_101 = arith.constant 16 : i32
      %mul3A_102 = arith.muli %add3A_64, %mul3A_101 : i32
      %get3A_103 = arith.index_cast %mul3A_102 : i32 to index
      %get3A_104 = tpu.vector_load %arg10[%get3A_103] {strides = array<i32>} : memref<14336xi32, #tpu.memory_space<vmem>>, vector<16xi32>,
      %swap3A_105 = arith.index_cast %select_n3A_83 : i32 to index
      %swap3A_106 = arith.index_cast %mul3A_100 : i32 to index
      %swap3A_107 = tpu.vector_load %arg11[%swap3A_105, %swap3A_106] {strides = array<i32>} : memref<112x128xi32, #tpu.memory_space<vmem>>, vector<16xi32>,
      tpu.vector_store %arg11[%swap3A_105, %swap3A_106], %get3A_104 {strides = array<i32>} : memref<112x128xi32, #tpu.memory_space<vmem>>, vector<16xi32>,
    }
    %scan3A_59 = arith.constant 896 : i32
    "tpu.region"() ({
      %run_scoped3A = tpu.sem_alloc : memref<!tpu.dma_semaphore, #tpu.memory_space<semaphore_mem>>
      %dma_start3A = arith.constant 0 : i32
      %dma_start3A_60 = tpu.memref_slice %arg4[%add3A, %dma_start3A] : memref<32x14336xi32, #tpu.memory_space<hbm>> -> memref<1x14336xi32, #tpu.memory_space<hbm>>
      %dma_start3A_61 = tpu.memref_squeeze %dma_start3A_60 : memref<1x14336xi32, #tpu.memory_space<hbm>> -> memref<14336xi32, #tpu.memory_space<hbm>>
      %dma_start3A_62 = arith.constant 0 : i32
      %dma_start3A_63 = tpu.memref_slice %arg4[%add3A, %dma_start3A_62] : memref<32x14336xi32, #tpu.memory_space<hbm>> -> memref<1x14336xi32, #tpu.memory_space<hbm>>
      %dma_start3A_64 = tpu.memref_squeeze %dma_start3A_63 : memref<1x14336xi32, #tpu.memory_space<hbm>> -> memref<14336xi32, #tpu.memory_space<hbm>>
      tpu.enqueue_dma source(%arg9 : memref<14336xi32, #tpu.memory_space<vmem>>) target(%dma_start3A_64 : memref<14336xi32, #tpu.memory_space<hbm>>) target_semaphore(%run_scoped3A : memref<!tpu.dma_semaphore, #tpu.memory_space<semaphore_mem>>)
      %dma_wait3A = arith.constant 0 : i32
      %dma_wait3A_65 = tpu.memref_slice %arg4[%add3A, %dma_wait3A] : memref<32x14336xi32, #tpu.memory_space<hbm>> -> memref<1x14336xi32, #tpu.memory_space<hbm>>
      %dma_wait3A_66 = tpu.memref_squeeze %dma_wait3A_65 : memref<1x14336xi32, #tpu.memory_space<hbm>> -> memref<14336xi32, #tpu.memory_space<hbm>>
      %dma_wait3A_67 = arith.constant 0 : i32
      %dma_wait3A_68 = tpu.memref_slice %arg4[%add3A, %dma_wait3A_67] : memref<32x14336xi32, #tpu.memory_space<hbm>> -> memref<1x14336xi32, #tpu.memory_space<hbm>>
      %dma_wait3A_69 = tpu.memref_squeeze %dma_wait3A_68 : memref<1x14336xi32, #tpu.memory_space<hbm>> -> memref<14336xi32, #tpu.memory_space<hbm>>
      tpu.wait_dma2 semaphore(%run_scoped3A : memref<!tpu.dma_semaphore, #tpu.memory_space<semaphore_mem>>) src(%arg9 : memref<14336xi32, #tpu.memory_space<vmem>>) dst(%dma_wait3A_69 : memref<14336xi32, #tpu.memory_space<hbm>>)
      tpu.yield
    }) : () -> ()
    "tpu.region"() ({
      %run_scoped3A = tpu.sem_alloc : memref<!tpu.dma_semaphore, #tpu.memory_space<semaphore_mem>>
      %dma_start3A = arith.constant 0 : i32
      %dma_start3A_60 = arith.constant 0 : i32
      %dma_start3A_61 = tpu.memref_slice %arg5[%add3A, %dma_start3A, %dma_start3A_60] : memref<32x112x128xi32, #tpu.memory_space<hbm>> -> memref<1x112x128xi32, #tpu.memory_space<hbm>>
      %dma_start3A_62 = tpu.memref_squeeze %dma_start3A_61 : memref<1x112x128xi32, #tpu.memory_space<hbm>> -> memref<112x128xi32, #tpu.memory_space<hbm>>
      %dma_start3A_63 = arith.constant 0 : i32
      %dma_start3A_64 = arith.constant 0 : i32
      %dma_start3A_65 = tpu.memref_slice %arg5[%add3A, %dma_start3A_63, %dma_start3A_64] : memref<32x112x128xi32, #tpu.memory_space<hbm>> -> memref<1x112x128xi32, #tpu.memory_space<hbm>>
      %dma_start3A_66 = tpu.memref_squeeze %dma_start3A_65 : memref<1x112x128xi32, #tpu.memory_space<hbm>> -> memref<112x128xi32, #tpu.memory_space<hbm>>
      tpu.enqueue_dma source(%arg11 : memref<112x128xi32, #tpu.memory_space<vmem>>) target(%dma_start3A_66 : memref<112x128xi32, #tpu.memory_space<hbm>>) target_semaphore(%run_scoped3A : memref<!tpu.dma_semaphore, #tpu.memory_space<semaphore_mem>>)
      %dma_wait3A = arith.constant 0 : i32
      %dma_wait3A_67 = arith.constant 0 : i32
      %dma_wait3A_68 = tpu.memref_slice %arg5[%add3A, %dma_wait3A, %dma_wait3A_67] : memref<32x112x128xi32, #tpu.memory_space<hbm>> -> memref<1x112x128xi32, #tpu.memory_space<hbm>>
      %dma_wait3A_69 = tpu.memref_squeeze %dma_wait3A_68 : memref<1x112x128xi32, #tpu.memory_space<hbm>> -> memref<112x128xi32, #tpu.memory_space<hbm>>
      %dma_wait3A_70 = arith.constant 0 : i32
      %dma_wait3A_71 = arith.constant 0 : i32
      %dma_wait3A_72 = tpu.memref_slice %arg5[%add3A, %dma_wait3A_70, %dma_wait3A_71] : memref<32x112x128xi32, #tpu.memory_space<hbm>> -> memref<1x112x128xi32, #tpu.memory_space<hbm>>
      %dma_wait3A_73 = tpu.memref_squeeze %dma_wait3A_72 : memref<1x112x128xi32, #tpu.memory_space<hbm>> -> memref<112x128xi32, #tpu.memory_space<hbm>>
      tpu.wait_dma2 semaphore(%run_scoped3A : memref<!tpu.dma_semaphore, #tpu.memory_space<semaphore_mem>>) src(%arg11 : memref<112x128xi32, #tpu.memory_space<vmem>>) dst(%dma_wait3A_73 : memref<112x128xi32, #tpu.memory_space<hbm>>)
      tpu.yield
    }) : () -> ()
    "tpu.region"() ({
      %run_scoped3A = tpu.sem_alloc : memref<!tpu.dma_semaphore, #tpu.memory_space<semaphore_mem>>
      %dma_start3A = arith.constant 0 : i32
      %dma_start3A_60 = arith.constant 0 : i32
      %dma_start3A_61 = tpu.memref_slice %arg6[%add3A, %dma_start3A, %dma_start3A_60] : memref<32x2x16xi32, #tpu.memory_space<hbm>> -> memref<1x2x16xi32, #tpu.memory_space<hbm>>
      %dma_start3A_62 = tpu.memref_squeeze %dma_start3A_61 : memref<1x2x16xi32, #tpu.memory_space<hbm>> -> memref<2x16xi32, #tpu.memory_space<hbm>>
      %dma_start3A_63 = arith.constant 0 : i32
      %dma_start3A_64 = arith.constant 0 : i32
      %dma_start3A_65 = tpu.memref_slice %arg6[%add3A, %dma_start3A_63, %dma_start3A_64] : memref<32x2x16xi32, #tpu.memory_space<hbm>> -> memref<1x2x16xi32, #tpu.memory_space<hbm>>
      %dma_start3A_66 = tpu.memref_squeeze %dma_start3A_65 : memref<1x2x16xi32, #tpu.memory_space<hbm>> -> memref<2x16xi32, #tpu.memory_space<hbm>>
      tpu.enqueue_dma source(%arg12 : memref<2x16xi32, #tpu.memory_space<vmem>>) target(%dma_start3A_66 : memref<2x16xi32, #tpu.memory_space<hbm>>) target_semaphore(%run_scoped3A : memref<!tpu.dma_semaphore, #tpu.memory_space<semaphore_mem>>)
      %dma_wait3A = arith.constant 0 : i32
      %dma_wait3A_67 = arith.constant 0 : i32
      %dma_wait3A_68 = tpu.memref_slice %arg6[%add3A, %dma_wait3A, %dma_wait3A_67] : memref<32x2x16xi32, #tpu.memory_space<hbm>> -> memref<1x2x16xi32, #tpu.memory_space<hbm>>
      %dma_wait3A_69 = tpu.memref_squeeze %dma_wait3A_68 : memref<1x2x16xi32, #tpu.memory_space<hbm>> -> memref<2x16xi32, #tpu.memory_space<hbm>>
      %dma_wait3A_70 = arith.constant 0 : i32
      %dma_wait3A_71 = arith.constant 0 : i32
      %dma_wait3A_72 = tpu.memref_slice %arg6[%add3A, %dma_wait3A_70, %dma_wait3A_71] : memref<32x2x16xi32, #tpu.memory_space<hbm>> -> memref<1x2x16xi32, #tpu.memory_space<hbm>>
      %dma_wait3A_73 = tpu.memref_squeeze %dma_wait3A_72 : memref<1x2x16xi32, #tpu.memory_space<hbm>> -> memref<2x16xi32, #tpu.memory_space<hbm>>
      tpu.wait_dma2 semaphore(%run_scoped3A : memref<!tpu.dma_semaphore, #tpu.memory_space<semaphore_mem>>) src(%arg12 : memref<2x16xi32, #tpu.memory_space<vmem>>) dst(%dma_wait3A_73 : memref<2x16xi32, #tpu.memory_space<hbm>>)
      tpu.yield
    }) : () -> ()
    return
  }
}

module attributes {stable_mosaic.version = 14 : i64} {
  func.func @_tc_scale_body(%arg0: i32, %arg1: memref<2x1024x128xf32, #tpu.memory_space<vmem>>, %arg2: memref<1024x256xf32, #tpu.memory_space<vmem>>, %arg3: memref<2x1024x128xf32, #tpu.memory_space<vmem>>) attributes {dimension_semantics = [#tpu.dimension_semantics<arbitrary>], iteration_bounds = array<i64: 10>, scalar_prefetch = 0 : i64, scratch_operands = 0 : i64, tpu.core_type = #tpu.core_type<tc>, window_params = [{transform_indices = @transform_0, window_bounds = array<i64: 2, 1024, 128>}, {transform_indices = @transform_1, window_bounds = array<i64: 1024, 256>}, {transform_indices = @transform_2, window_bounds = array<i64: 2, 1024, 128>}]} {
    %get3A = arith.constant 0 : index
    %get3A_0 = arith.constant 0 : index
    %get3A_1 = arith.constant 0 : index
    %get3A_2 = vector.load %arg1[%get3A, %get3A_0, %get3A_1] : memref<2x1024x128xf32, #tpu.memory_space<vmem>>, vector<1x1024x1xf32>
    %get3A_3 = vector.shape_cast %get3A_2 : vector<1x1024x1xf32> to vector<1024xf32>
    %get3A_4 = arith.constant 1 : index
    %get3A_5 = arith.constant 0 : index
    %get3A_6 = arith.constant 0 : index
    %get3A_7 = vector.load %arg1[%get3A_4, %get3A_5, %get3A_6] : memref<2x1024x128xf32, #tpu.memory_space<vmem>>, vector<1x1024x1xf32>
    %get3A_8 = vector.shape_cast %get3A_7 : vector<1x1024x1xf32> to vector<1024xf32>
    %add3A = arith.addf %get3A_3, %get3A_8 : vector<1024xf32>
    %add3A_9 = arith.constant 2.000000e+00 : f32
    %add3A_10 = vector.broadcast %add3A_9 : f32 to vector<1024xf32>
    %add3A_11 = arith.addf %add3A, %add3A_10 : vector<1024xf32>
    %rsqrt3A = math.rsqrt %add3A_11 : vector<1024xf32>
    %broadcast_in_dim3A = vector.shape_cast %rsqrt3A : vector<1024xf32> to vector<1024x1xf32>
    %get3A_12 = arith.constant 0 : index
    %get3A_13 = arith.constant 0 : index
    %get3A_14 = vector.load %arg2[%get3A_12, %get3A_13] : memref<1024x256xf32, #tpu.memory_space<vmem>>, vector<1024x128xf32>
    %mul3A = vector.broadcast %broadcast_in_dim3A : vector<1024x1xf32> to vector<1024x128xf32>
    %mul3A_15 = arith.mulf %mul3A, %get3A_14 : vector<1024x128xf32>
    %swap3A = arith.constant 0 : index
    %swap3A_16 = arith.constant 0 : index
    %swap3A_17 = arith.constant 0 : index
    %swap3A_18 = vector.load %arg3[%swap3A, %swap3A_16, %swap3A_17] : memref<2x1024x128xf32, #tpu.memory_space<vmem>>, vector<1x1024x128xf32>
    %swap3A_19 = vector.shape_cast %swap3A_18 : vector<1x1024x128xf32> to vector<1024x128xf32>
    %swap3A_20 = vector.shape_cast %mul3A_15 : vector<1024x128xf32> to vector<1x1024x128xf32>
    tpu.vector_store %arg3[%swap3A, %swap3A_16, %swap3A_17], %swap3A_20 {strides = array<i32>} : memref<2x1024x128xf32, #tpu.memory_space<vmem>>, vector<1x1024x128xf32>,
    %get3A_21 = arith.constant 0 : index
    %get3A_22 = arith.constant 128 : index
    %get3A_23 = vector.load %arg2[%get3A_21, %get3A_22] : memref<1024x256xf32, #tpu.memory_space<vmem>>, vector<1024x128xf32>
    %mul3A_24 = vector.broadcast %broadcast_in_dim3A : vector<1024x1xf32> to vector<1024x128xf32>
    %mul3A_25 = arith.mulf %mul3A_24, %get3A_23 : vector<1024x128xf32>
    %swap3A_26 = arith.constant 1 : index
    %swap3A_27 = arith.constant 0 : index
    %swap3A_28 = arith.constant 0 : index
    %swap3A_29 = vector.load %arg3[%swap3A_26, %swap3A_27, %swap3A_28] : memref<2x1024x128xf32, #tpu.memory_space<vmem>>, vector<1x1024x128xf32>
    %swap3A_30 = vector.shape_cast %swap3A_29 : vector<1x1024x128xf32> to vector<1024x128xf32>
    %swap3A_31 = vector.shape_cast %mul3A_25 : vector<1024x128xf32> to vector<1x1024x128xf32>
    tpu.vector_store %arg3[%swap3A_26, %swap3A_27, %swap3A_28], %swap3A_31 {strides = array<i32>} : memref<2x1024x128xf32, #tpu.memory_space<vmem>>, vector<1x1024x128xf32>,
    return
  }
  func.func @transform_0(%arg0: i32) -> (i32, i32, i32) {
    %c0_i32 = arith.constant 0 : i32
    %c0_i32_0 = arith.constant 0 : i32
    %c0_i32_1 = arith.constant 0 : i32
    return %c0_i32, %arg0, %c0_i32_0 : i32, i32, i32
  }
  func.func @transform_1(%arg0: i32) -> (i32, i32) {
    %c0_i32 = arith.constant 0 : i32
    %c0_i32_0 = arith.constant 0 : i32
    return %arg0, %c0_i32 : i32, i32
  }
  func.func @transform_2(%arg0: i32) -> (i32, i32, i32) {
    %c0_i32 = arith.constant 0 : i32
    %c0_i32_0 = arith.constant 0 : i32
    %c0_i32_1 = arith.constant 0 : i32
    return %c0_i32, %arg0, %c0_i32_0 : i32, i32, i32
  }
}

module attributes {stable_mosaic.version = 14 : i64} {
  func.func @_tc_mid_body(%arg0: i32, %arg1: memref<2x1024x128xf32, #tpu.memory_space<vmem>>, %arg2: memref<2x1024x128xf32, #tpu.memory_space<vmem>>, %arg3: memref<1024x256xf32, #tpu.memory_space<vmem>>, %arg4: memref<256x512xf32, #tpu.memory_space<vmem>>, %arg5: memref<1x512xf32, #tpu.memory_space<vmem>>, %arg6: memref<512x256xf32, #tpu.memory_space<vmem>>, %arg7: memref<2x1024x128xf32, #tpu.memory_space<vmem>>, %arg8: memref<1024x256xf32, #tpu.memory_space<vmem>>) attributes {dimension_semantics = [#tpu.dimension_semantics<arbitrary>], iteration_bounds = array<i64: 10>, scalar_prefetch = 0 : i64, scratch_operands = 0 : i64, tpu.core_type = #tpu.core_type<tc>, window_params = [{transform_indices = @transform_0, window_bounds = array<i64: 2, 1024, 128>}, {transform_indices = @transform_1, window_bounds = array<i64: 2, 1024, 128>}, {transform_indices = @transform_2, window_bounds = array<i64: 1024, 256>}, {pipeline_mode = #tpu.pipeline_mode<synchronous>, transform_indices = @transform_3, window_bounds = array<i64: 256, 512>}, {pipeline_mode = #tpu.pipeline_mode<synchronous>, transform_indices = @transform_4, window_bounds = array<i64: 1, 512>}, {pipeline_mode = #tpu.pipeline_mode<synchronous>, transform_indices = @transform_5, window_bounds = array<i64: 512, 256>}, {transform_indices = @transform_6, window_bounds = array<i64: 2, 1024, 128>}, {transform_indices = @transform_7, window_bounds = array<i64: 1024, 256>}]} {
    %get3A = arith.constant 0 : index
    %get3A_0 = arith.constant 0 : index
    %get3A_1 = arith.constant 0 : index
    %get3A_2 = vector.load %arg1[%get3A, %get3A_0, %get3A_1] : memref<2x1024x128xf32, #tpu.memory_space<vmem>>, vector<1x1024x1xf32>
    %get3A_3 = vector.shape_cast %get3A_2 : vector<1x1024x1xf32> to vector<1024xf32>
    %get3A_4 = arith.constant 1 : index
    %get3A_5 = arith.constant 0 : index
    %get3A_6 = arith.constant 0 : index
    %get3A_7 = vector.load %arg1[%get3A_4, %get3A_5, %get3A_6] : memref<2x1024x128xf32, #tpu.memory_space<vmem>>, vector<1x1024x1xf32>
    %get3A_8 = vector.shape_cast %get3A_7 : vector<1x1024x1xf32> to vector<1024xf32>
    %add3A = arith.addf %get3A_3, %get3A_8 : vector<1024xf32>
    %add3A_9 = arith.constant 2.000000e+00 : f32
    %add3A_10 = vector.broadcast %add3A_9 : f32 to vector<1024xf32>
    %add3A_11 = arith.addf %add3A, %add3A_10 : vector<1024xf32>
    %rsqrt3A = math.rsqrt %add3A_11 : vector<1024xf32>
    %broadcast_in_dim3A = vector.shape_cast %rsqrt3A : vector<1024xf32> to vector<1024x1xf32>
    %get3A_12 = arith.constant 0 : index
    %get3A_13 = arith.constant 0 : index
    %get3A_14 = arith.constant 0 : index
    %get3A_15 = vector.load %arg2[%get3A_12, %get3A_13, %get3A_14] : memref<2x1024x128xf32, #tpu.memory_space<vmem>>, vector<1x1024x128xf32>
    %get3A_16 = vector.shape_cast %get3A_15 : vector<1x1024x128xf32> to vector<1024x128xf32>
    %get3A_17 = arith.constant 1 : index
    %get3A_18 = arith.constant 0 : index
    %get3A_19 = arith.constant 0 : index
    %get3A_20 = vector.load %arg2[%get3A_17, %get3A_18, %get3A_19] : memref<2x1024x128xf32, #tpu.memory_space<vmem>>, vector<1x1024x128xf32>
    %get3A_21 = vector.shape_cast %get3A_20 : vector<1x1024x128xf32> to vector<1024x128xf32>
    %concatenate3A = tpu.concatenate %get3A_16, %get3A_21 in 1 : vector<1024x128xf32>, vector<1024x128xf32> -> vector<1024x256xf32>
    %mul3A = vector.broadcast %broadcast_in_dim3A : vector<1024x1xf32> to vector<1024x256xf32>
    %mul3A_22 = arith.mulf %mul3A, %concatenate3A : vector<1024x256xf32>
    %mul3A_23 = arith.constant 2.000000e+00 : f32
    %mul3A_24 = vector.broadcast %mul3A_23 : f32 to vector<1024x1xf32>
    %mul3A_25 = arith.mulf %mul3A_24, %broadcast_in_dim3A : vector<1024x1xf32>
    %mul3A_26 = arith.mulf %mul3A_25, %broadcast_in_dim3A : vector<1024x1xf32>
    %get3A_27 = arith.constant 0 : index
    %get3A_28 = arith.constant 0 : index
    %get3A_29 = vector.load %arg3[%get3A_27, %get3A_28] : memref<1024x256xf32, #tpu.memory_space<vmem>>, vector<1024x256xf32>
    %mul3A_30 = vector.broadcast %mul3A_26 : vector<1024x1xf32> to vector<1024x256xf32>
    %mul3A_31 = arith.mulf %mul3A_30, %get3A_29 : vector<1024x256xf32>
    %add3A_32 = arith.addf %mul3A_22, %mul3A_31 : vector<1024x256xf32>
    %convert_element_type3A = arith.truncf %add3A_32 : vector<1024x256xf32> to vector<1024x256xbf16>
    %get3A_33 = arith.constant 0 : index
    %get3A_34 = arith.constant 0 : index
    %get3A_35 = vector.load %arg4[%get3A_33, %get3A_34] : memref<256x512xf32, #tpu.memory_space<vmem>>, vector<256x512xf32>
    %convert_element_type3A_36 = arith.truncf %get3A_35 : vector<256x512xf32> to vector<256x512xbf16>
    %dot_general3A = arith.constant dense<0.000000e+00> : vector<1024x512xf32>
    %dot_general3A_37 = tpu.matmul %convert_element_type3A, %convert_element_type3A_36, %dot_general3A {dimension_numbers = #tpu.dot_dimension_numbers<[1], [0], [0], [1], [0, 0, 1, 1], [], []>, transpose_lhs_hint = false} : vector<1024x256xbf16>, vector<256x512xbf16>, vector<1024x512xf32> -> vector<1024x512xf32>
    %get3A_38 = arith.constant 0 : index
    %get3A_39 = arith.constant 0 : index
    %get3A_40 = vector.load %arg5[%get3A_38, %get3A_39] : memref<1x512xf32, #tpu.memory_space<vmem>>, vector<1x512xf32>
    %add3A_41 = vector.broadcast %get3A_40 : vector<1x512xf32> to vector<1024x512xf32>
    %add3A_42 = arith.addf %dot_general3A_37, %add3A_41 : vector<1024x512xf32>
    %gt3A = arith.constant 0.000000e+00 : f32
    %gt3A_43 = vector.broadcast %gt3A : f32 to vector<1024x512xf32>
    %gt3A_44 = arith.cmpf ogt, %add3A_42, %gt3A_43 : vector<1024x512xf32>
    %min3A = arith.constant 0.000000e+00 : f32
    %min3A_45 = vector.broadcast %min3A : f32 to vector<1024x512xf32>
    %min3A_46 = arith.minimumf %add3A_42, %min3A_45 : vector<1024x512xf32>
    %exp3A = math.exp %min3A_46 : vector<1024x512xf32>
    %sub3A = arith.constant 1.000000e+00 : f32
    %sub3A_47 = vector.broadcast %sub3A : f32 to vector<1024x512xf32>
    %sub3A_48 = arith.subf %exp3A, %sub3A_47 : vector<1024x512xf32>
    %select_n3A = arith.select %gt3A_44, %add3A_42, %sub3A_48 : vector<1024x512xi1>, vector<1024x512xf32>
    %convert_element_type3A_49 = arith.truncf %select_n3A : vector<1024x512xf32> to vector<1024x512xbf16>
    %get3A_50 = arith.constant 0 : index
    %get3A_51 = arith.constant 0 : index
    %get3A_52 = vector.load %arg6[%get3A_50, %get3A_51] : memref<512x256xf32, #tpu.memory_space<vmem>>, vector<512x256xf32>
    %convert_element_type3A_53 = arith.truncf %get3A_52 : vector<512x256xf32> to vector<512x256xbf16>
    %dot_general3A_54 = arith.constant dense<0.000000e+00> : vector<1024x256xf32>
    %dot_general3A_55 = tpu.matmul %convert_element_type3A_49, %convert_element_type3A_53, %dot_general3A_54 {dimension_numbers = #tpu.dot_dimension_numbers<[1], [0], [0], [1], [0, 0, 1, 1], [], []>, transpose_lhs_hint = false} : vector<1024x512xbf16>, vector<512x256xbf16>, vector<1024x256xf32> -> vector<1024x256xf32>
    %swap3A = arith.constant 0 : index
    %swap3A_56 = arith.constant 0 : index
    %swap3A_57 = vector.load %arg8[%swap3A, %swap3A_56] : memref<1024x256xf32, #tpu.memory_space<vmem>>, vector<1024x256xf32>
    tpu.vector_store %arg8[%swap3A, %swap3A_56], %dot_general3A_55 {strides = array<i32>} : memref<1024x256xf32, #tpu.memory_space<vmem>>, vector<1024x256xf32>,
    %mul3A_58 = vector.broadcast %broadcast_in_dim3A : vector<1024x1xf32> to vector<1024x256xf32>
    %mul3A_59 = arith.mulf %mul3A_58, %dot_general3A_55 : vector<1024x256xf32>
    %slice3A = vector.extract_strided_slice %mul3A_59 {offsets = [0, 0], sizes = [1024, 128], strides = [1, 1]} : vector<1024x256xf32> to vector<1024x128xf32>
    %swap3A_60 = arith.constant 0 : index
    %swap3A_61 = arith.constant 0 : index
    %swap3A_62 = arith.constant 0 : index
    %swap3A_63 = vector.load %arg7[%swap3A_60, %swap3A_61, %swap3A_62] : memref<2x1024x128xf32, #tpu.memory_space<vmem>>, vector<1x1024x128xf32>
    %swap3A_64 = vector.shape_cast %swap3A_63 : vector<1x1024x128xf32> to vector<1024x128xf32>
    %swap3A_65 = vector.shape_cast %slice3A : vector<1024x128xf32> to vector<1x1024x128xf32>
    tpu.vector_store %arg7[%swap3A_60, %swap3A_61, %swap3A_62], %swap3A_65 {strides = array<i32>} : memref<2x1024x128xf32, #tpu.memory_space<vmem>>, vector<1x1024x128xf32>,
    %slice3A_66 = vector.extract_strided_slice %mul3A_59 {offsets = [0, 128], sizes = [1024, 128], strides = [1, 1]} : vector<1024x256xf32> to vector<1024x128xf32>
    %swap3A_67 = arith.constant 1 : index
    %swap3A_68 = arith.constant 0 : index
    %swap3A_69 = arith.constant 0 : index
    %swap3A_70 = vector.load %arg7[%swap3A_67, %swap3A_68, %swap3A_69] : memref<2x1024x128xf32, #tpu.memory_space<vmem>>, vector<1x1024x128xf32>
    %swap3A_71 = vector.shape_cast %swap3A_70 : vector<1x1024x128xf32> to vector<1024x128xf32>
    %swap3A_72 = vector.shape_cast %slice3A_66 : vector<1024x128xf32> to vector<1x1024x128xf32>
    tpu.vector_store %arg7[%swap3A_67, %swap3A_68, %swap3A_69], %swap3A_72 {strides = array<i32>} : memref<2x1024x128xf32, #tpu.memory_space<vmem>>, vector<1x1024x128xf32>,
    return
  }
  func.func @transform_0(%arg0: i32) -> (i32, i32, i32) {
    %c0_i32 = arith.constant 0 : i32
    %c0_i32_0 = arith.constant 0 : i32
    %c0_i32_1 = arith.constant 0 : i32
    return %c0_i32, %arg0, %c0_i32_0 : i32, i32, i32
  }
  func.func @transform_1(%arg0: i32) -> (i32, i32, i32) {
    %c0_i32 = arith.constant 0 : i32
    %c0_i32_0 = arith.constant 0 : i32
    %c0_i32_1 = arith.constant 0 : i32
    return %c0_i32, %arg0, %c0_i32_0 : i32, i32, i32
  }
  func.func @transform_2(%arg0: i32) -> (i32, i32) {
    %c0_i32 = arith.constant 0 : i32
    %c0_i32_0 = arith.constant 0 : i32
    return %arg0, %c0_i32 : i32, i32
  }
  func.func @transform_3(%arg0: i32) -> (i32, i32) {
    %c0_i32 = arith.constant 0 : i32
    %c0_i32_0 = arith.constant 0 : i32
    %c0_i32_1 = arith.constant 0 : i32
    return %c0_i32, %c0_i32_0 : i32, i32
  }
  func.func @transform_4(%arg0: i32) -> (i32, i32) {
    %c0_i32 = arith.constant 0 : i32
    %c0_i32_0 = arith.constant 0 : i32
    %c0_i32_1 = arith.constant 0 : i32
    return %c0_i32, %c0_i32_0 : i32, i32
  }
  func.func @transform_5(%arg0: i32) -> (i32, i32) {
    %c0_i32 = arith.constant 0 : i32
    %c0_i32_0 = arith.constant 0 : i32
    %c0_i32_1 = arith.constant 0 : i32
    return %c0_i32, %c0_i32_0 : i32, i32
  }
  func.func @transform_6(%arg0: i32) -> (i32, i32, i32) {
    %c0_i32 = arith.constant 0 : i32
    %c0_i32_0 = arith.constant 0 : i32
    %c0_i32_1 = arith.constant 0 : i32
    return %c0_i32, %arg0, %c0_i32_0 : i32, i32, i32
  }
  func.func @transform_7(%arg0: i32) -> (i32, i32) {
    %c0_i32 = arith.constant 0 : i32
    %c0_i32_0 = arith.constant 0 : i32
    return %arg0, %c0_i32 : i32, i32
  }
}

module attributes {stable_mosaic.version = 14 : i64} {
  func.func @_tc_final_body(%arg0: i32, %arg1: memref<2x1024x128xf32, #tpu.memory_space<vmem>>, %arg2: memref<2x1024x128xf32, #tpu.memory_space<vmem>>, %arg3: memref<1024x256xf32, #tpu.memory_space<vmem>>, %arg4: memref<1x256xf32, #tpu.memory_space<vmem>>, %arg5: memref<1024x256xf32, #tpu.memory_space<vmem>>) attributes {dimension_semantics = [#tpu.dimension_semantics<arbitrary>], iteration_bounds = array<i64: 10>, scalar_prefetch = 0 : i64, scratch_operands = 0 : i64, tpu.core_type = #tpu.core_type<tc>, window_params = [{transform_indices = @transform_0, window_bounds = array<i64: 2, 1024, 128>}, {transform_indices = @transform_1, window_bounds = array<i64: 2, 1024, 128>}, {transform_indices = @transform_2, window_bounds = array<i64: 1024, 256>}, {pipeline_mode = #tpu.pipeline_mode<synchronous>, transform_indices = @transform_3, window_bounds = array<i64: 1, 256>}, {transform_indices = @transform_4, window_bounds = array<i64: 1024, 256>}]} {
    %get3A = arith.constant 0 : index
    %get3A_0 = arith.constant 0 : index
    %get3A_1 = arith.constant 0 : index
    %get3A_2 = vector.load %arg1[%get3A, %get3A_0, %get3A_1] : memref<2x1024x128xf32, #tpu.memory_space<vmem>>, vector<1x1024x1xf32>
    %get3A_3 = vector.shape_cast %get3A_2 : vector<1x1024x1xf32> to vector<1024xf32>
    %get3A_4 = arith.constant 1 : index
    %get3A_5 = arith.constant 0 : index
    %get3A_6 = arith.constant 0 : index
    %get3A_7 = vector.load %arg1[%get3A_4, %get3A_5, %get3A_6] : memref<2x1024x128xf32, #tpu.memory_space<vmem>>, vector<1x1024x1xf32>
    %get3A_8 = vector.shape_cast %get3A_7 : vector<1x1024x1xf32> to vector<1024xf32>
    %add3A = arith.addf %get3A_3, %get3A_8 : vector<1024xf32>
    %add3A_9 = arith.constant 2.000000e+00 : f32
    %add3A_10 = vector.broadcast %add3A_9 : f32 to vector<1024xf32>
    %add3A_11 = arith.addf %add3A, %add3A_10 : vector<1024xf32>
    %rsqrt3A = math.rsqrt %add3A_11 : vector<1024xf32>
    %broadcast_in_dim3A = vector.shape_cast %rsqrt3A : vector<1024xf32> to vector<1024x1xf32>
    %get3A_12 = arith.constant 0 : index
    %get3A_13 = arith.constant 0 : index
    %get3A_14 = arith.constant 0 : index
    %get3A_15 = vector.load %arg2[%get3A_12, %get3A_13, %get3A_14] : memref<2x1024x128xf32, #tpu.memory_space<vmem>>, vector<1x1024x128xf32>
    %get3A_16 = vector.shape_cast %get3A_15 : vector<1x1024x128xf32> to vector<1024x128xf32>
    %get3A_17 = arith.constant 1 : index
    %get3A_18 = arith.constant 0 : index
    %get3A_19 = arith.constant 0 : index
    %get3A_20 = vector.load %arg2[%get3A_17, %get3A_18, %get3A_19] : memref<2x1024x128xf32, #tpu.memory_space<vmem>>, vector<1x1024x128xf32>
    %get3A_21 = vector.shape_cast %get3A_20 : vector<1x1024x128xf32> to vector<1024x128xf32>
    %concatenate3A = tpu.concatenate %get3A_16, %get3A_21 in 1 : vector<1024x128xf32>, vector<1024x128xf32> -> vector<1024x256xf32>
    %mul3A = vector.broadcast %broadcast_in_dim3A : vector<1024x1xf32> to vector<1024x256xf32>
    %mul3A_22 = arith.mulf %mul3A, %concatenate3A : vector<1024x256xf32>
    %mul3A_23 = arith.constant 2.000000e+00 : f32
    %mul3A_24 = vector.broadcast %mul3A_23 : f32 to vector<1024x1xf32>
    %mul3A_25 = arith.mulf %mul3A_24, %broadcast_in_dim3A : vector<1024x1xf32>
    %mul3A_26 = arith.mulf %mul3A_25, %broadcast_in_dim3A : vector<1024x1xf32>
    %get3A_27 = arith.constant 0 : index
    %get3A_28 = arith.constant 0 : index
    %get3A_29 = vector.load %arg3[%get3A_27, %get3A_28] : memref<1024x256xf32, #tpu.memory_space<vmem>>, vector<1024x256xf32>
    %mul3A_30 = vector.broadcast %mul3A_26 : vector<1024x1xf32> to vector<1024x256xf32>
    %mul3A_31 = arith.mulf %mul3A_30, %get3A_29 : vector<1024x256xf32>
    %add3A_32 = arith.addf %mul3A_22, %mul3A_31 : vector<1024x256xf32>
    %get3A_33 = arith.constant 0 : index
    %get3A_34 = arith.constant 0 : index
    %get3A_35 = vector.load %arg4[%get3A_33, %get3A_34] : memref<1x256xf32, #tpu.memory_space<vmem>>, vector<1x256xf32>
    %add3A_36 = vector.broadcast %get3A_35 : vector<1x256xf32> to vector<1024x256xf32>
    %add3A_37 = arith.addf %add3A_32, %add3A_36 : vector<1024x256xf32>
    %swap3A = arith.constant 0 : index
    %swap3A_38 = arith.constant 0 : index
    %swap3A_39 = vector.load %arg5[%swap3A, %swap3A_38] : memref<1024x256xf32, #tpu.memory_space<vmem>>, vector<1024x256xf32>
    tpu.vector_store %arg5[%swap3A, %swap3A_38], %add3A_37 {strides = array<i32>} : memref<1024x256xf32, #tpu.memory_space<vmem>>, vector<1024x256xf32>,
    return
  }
  func.func @transform_0(%arg0: i32) -> (i32, i32, i32) {
    %c0_i32 = arith.constant 0 : i32
    %c0_i32_0 = arith.constant 0 : i32
    %c0_i32_1 = arith.constant 0 : i32
    return %c0_i32, %arg0, %c0_i32_0 : i32, i32, i32
  }
  func.func @transform_1(%arg0: i32) -> (i32, i32, i32) {
    %c0_i32 = arith.constant 0 : i32
    %c0_i32_0 = arith.constant 0 : i32
    %c0_i32_1 = arith.constant 0 : i32
    return %c0_i32, %arg0, %c0_i32_0 : i32, i32, i32
  }
  func.func @transform_2(%arg0: i32) -> (i32, i32) {
    %c0_i32 = arith.constant 0 : i32
    %c0_i32_0 = arith.constant 0 : i32
    return %arg0, %c0_i32 : i32, i32
  }
  func.func @transform_3(%arg0: i32) -> (i32, i32) {
    %c0_i32 = arith.constant 0 : i32
    %c0_i32_0 = arith.constant 0 : i32
    %c0_i32_1 = arith.constant 0 : i32
    return %c0_i32, %c0_i32_0 : i32, i32
  }
  func.func @transform_4(%arg0: i32) -> (i32, i32) {
    %c0_i32 = arith.constant 0 : i32
    %c0_i32_0 = arith.constant 0 : i32
    return %arg0, %c0_i32 : i32, i32
  }
}

</mosaic_0001>

<sc_bundles>
// kernel: kernel.12.cloned.1.call-start
scs
__scs_entry_jumppad:
0x0: {  	(pc) =	sbr.rel $0x88, $3  }
0x1: {  	(tag) =	ssettag $0x0;
	lr =	simm.s32 $0x1  }
0x2: {  	[smem:$0x3F9B] =	sst lr;
	_ =	strace $0xD0000000  }
0x3: {  	_ = 	snop  }
0x4: {  	_ = 	snop  }
0x5: {  	_ = 	snop  }
0x6: {  	_ = 	snop  }
0x7: {  	_ = 	snop  }
__scs_overlays_trampoline_lowered:
0x8: {  	[smem:$0x3FAA] =	sst s0  }
0x9: {  	[smem:$0x3FAB] =	sst s1  }
0xa: {  	[smem:$0x3FAC] =	sst s2  }
0xb: {  	[smem:$0x3FAD] =	sst s3  }
0xc: {  	[smem:$0x3FAE] =	sst s4  }
0xd: {  	[smem:$0x3FAF] =	sst s5  }
0xe: {  	[smem:$0x3FB0] =	sst s6  }
0xf: {  	[smem:$0x3FB1] =	sst s7  }
0x10: {  	[smem:$0x3FB2] =	sst s8  }
0x11: {  	[smem:$0x3FB3] =	sst s9;
	s0 =	simm.s32 @!p0 $0x0  }
0x12: {  	s1 =	sld [smem:$0x3F99];
	s0 =	simm.s32 @p0 $0x1  }
0x13: {  	[smem:$0x3FB4] =	sst s0;
	s0 =	simm.s32 @!p1 $0x0  }
0x14: {  	s2 =	sld [smem:$0x3F98];
	s0 =	simm.s32 @p1 $0x1  }
0x15: {  	[smem:$0x3FB5] =	sst s0;
	s0 =	simm.s32 @!p2 $0x0  }
0x16: {  	s3 =	sld [smem:$0x3FDB];
	s0 =	simm.s32 @p2 $0x1  }
0x17: {  	s4 =	simm.s32 $0x1BF5;
	[smem:$0x3FB7] =	sst s0  }
0x18: {  	s0 =	sld [smem:$0x3F9A];
	_ =	swait.ge [sflag:s4], $0x0  }
0x19: {  	s7 =	sld [smem:$0x3F9B]  }
0x1a: {  	s8 =	sadd.s32 $0xFFFFE003, lr  }
0x1b: {  	s9 =	sadd.s32 $0xFFFFFEF7, lr;
	s5 =	simm.s32 $0xFFFFFFFF;
	p2 =	slt.u32 s8, $0xFFFFF086  }
0x1c: {  	p1 =	slt.u32 s9, $0xF7A;
	s5 =	simm.s32 @!p2 $0x0  }
0x1d: {  	s5 =	simm.s32 @p1 $0x1;
	p0 =	seq.s32 s7, s2  }
0x1e: {  	s7 =	smul.u32 @!p0 $0xF7A, s2;
	p2 =	seq.s32 @!p0 s5, $0x0  }
0x1f: {  	s9 =	smul.u32 $0xF7A, s1;
	s8 =	simm.s32 @!p0 $0x1BF5;
	p2 =	por !p2, p0  }
0x20: {  	[sflag:s8] =	ssyncset.s32 @!p0 $0xFFFFF086;
	s6 =	sadd.s32 @!p0 s3, s7;
	s7 =	simm.s32 @!p0 $0x108  }
0x21: {  	s3 =	sadd.s32 s3, s9;
	s6 =	sadd.s32 @!p0 $0x88, s6;
	s7 =	simm.s32 @p2 $0x1082  }
0x22: {  	[simem:s7], [sflag:s8] =	dma.local @!p0 [hbm:s6], $0xF7A  }
0x23: {  	s9 =	sor.u32 $0xD0000000, s2;
	s6 =	simm.s32 $0x108;
	_ =	swait.ge @!p0 [sflag:s8], $0x0  }
0x24: {  	s3 =	sadd.s32 $0x88, s3;
	s6 =	simm.s32 @!p1 $0x1082;
	[sflag:s4] =	ssyncset.s32 $0xFFFFF086  }
0x25: {  	[simem:s6], [sflag:s4] =	dma.local [hbm:s3], $0xF7A  }
0x26: {  	[smem:$0x3F9B] =	sst s1;
	(tag) =	ssettag s2;
	_ =	strace s9  }
0x27: {  	s1 =	sld [smem:$0x3FAB]  }
0x28: {  	s2 =	sld [smem:$0x3FAC]  }
0x29: {  	s4 =	sld [smem:$0x3FAE]  }
0x2a: {  	p0 =	seq.s32 s5, $0x0;
	s5 =	sld [smem:$0x3FAF]  }
0x2b: {  	s6 =	sld [smem:$0x3FB0]  }
0x2c: {  	s7 =	sld [smem:$0x3FB1]  }
0x2d: {  	s3 =	simm.s32 $0x108;
	s8 =	sld [smem:$0x3FB2]  }
0x2e: {  	s3 =	simm.s32 @!p0 $0x1082;
	s9 =	sld [smem:$0x3FB3]  }
0x2f: {  	lr =	sadd.s32 s0, s3;
	s0 =	sld [smem:$0x3FAA]  }
0x30: {  	s3 =	sld [smem:$0x3FAD]  }
0x31: {  	[smem:$0x3FB6] =	sst s10  }
0x32: {  	s10 =	sld [smem:$0x3FB4];
	_ =	sdelay $0x3  }
0x33: {  	p0 =	seq.s32 s10, $0x1;
	s10 =	sld [smem:$0x3FB6];
	_ =	sdelay $0x3  }
0x34: {  	[smem:$0x3FB6] =	sst s10  }
0x35: {  	s10 =	sld [smem:$0x3FB5];
	_ =	sdelay $0x3  }
0x36: {  	p1 =	seq.s32 s10, $0x1;
	s10 =	sld [smem:$0x3FB6];
	_ =	sdelay $0x3  }
0x37: {  	[smem:$0x3FB6] =	sst s10  }
0x38: {  	s10 =	sld [smem:$0x3FB7]  }
0x39: {  	_ = 	snop;
	(pc) =	sbr.ind lr, $3  }
0x3a: {  	_ = 	snop  }
0x3b: {  	_ = 	snop  }
0x3c: {  	p2 =	seq.s32 s10, $0x1;
	s10 =	sld [smem:$0x3FB6]  }
0x3d: {  	_ =	shalt  }
0x3e: {  	_ =	shalt  }
0x3f: {  	_ =	shalt  }
0x40: {  	_ =	shalt  }
0x41: {  	_ =	shalt  }
0x42: {  	_ =	shalt  }
0x43: {  	_ =	shalt  }
0x44: {  	_ =	shalt  }
0x45: {  	_ =	shalt  }
0x46: {  	_ =	shalt  }
0x47: {  	_ =	shalt  }
0x48: {  	_ =	shalt  }
0x49: {  	_ =	shalt  }
0x4a: {  	_ =	shalt  }
0x4b: {  	_ =	shalt  }
0x4c: {  	_ =	shalt  }
0x4d: {  	_ =	shalt  }
0x4e: {  	_ =	shalt  }
0x4f: {  	_ =	shalt  }
0x50: {  	_ =	shalt  }
0x51: {  	_ =	shalt  }
0x52: {  	_ =	shalt  }
0x53: {  	_ =	shalt  }
0x54: {  	_ =	shalt  }
0x55: {  	_ =	shalt  }
0x56: {  	_ =	shalt  }
0x57: {  	_ =	shalt  }
0x58: {  	_ =	shalt  }
0x59: {  	_ =	shalt  }
0x5a: {  	_ =	shalt  }
0x5b: {  	_ =	shalt  }
0x5c: {  	_ =	shalt  }
0x5d: {  	_ =	shalt  }
0x5e: {  	_ =	shalt  }
0x5f: {  	_ =	shalt  }
0x60: {  	_ =	shalt  }
0x61: {  	_ =	shalt  }
0x62: {  	_ =	shalt  }
0x63: {  	_ =	shalt  }
0x64: {  	_ =	shalt  }
0x65: {  	_ =	shalt  }
0x66: {  	_ =	shalt  }
0x67: {  	_ =	shalt  }
0x68: {  	_ =	shalt  }
0x69: {  	_ =	shalt  }
0x6a: {  	_ =	shalt  }
0x6b: {  	_ =	shalt  }
0x6c: {  	_ =	shalt  }
0x6d: {  	_ =	shalt  }
0x6e: {  	_ =	shalt  }
0x6f: {  	_ =	shalt  }
0x70: {  	_ =	shalt  }
0x71: {  	_ =	shalt  }
0x72: {  	_ =	shalt  }
0x73: {  	_ =	shalt  }
0x74: {  	_ =	shalt  }
0x75: {  	_ =	shalt  }
0x76: {  	_ =	shalt  }
0x77: {  	_ =	shalt  }
0x78: {  	_ =	shalt  }
0x79: {  	_ =	shalt  }
0x7a: {  	_ =	shalt  }
0x7b: {  	_ =	shalt  }
0x7c: {  	_ =	shalt  }
0x7d: {  	_ =	shalt  }
0x7e: {  	_ =	shalt  }
0x7f: {  	_ =	shalt  }
0x80: {  	_ =	shalt  }
0x81: {  	_ =	shalt  }
0x82: {  	_ =	shalt  }
0x83: {  	_ =	shalt  }
0x84: {  	_ =	shalt  }
0x85: {  	_ =	shalt  }
0x86: {  	_ =	shalt  }
0x87: {  	_ =	shalt  }
.Lfunc_end0:
.L_simem_size_0:
called_computation.1_lowered:
.L_overlay_start_0:
0x88: {  	s2 =	sld [smem:$0x3FD9]  }
0x89: {  	s3 =	sld [smem:$0x3FFE];
	_ =	sdelay $0x1  }
0x8a: {  	s1 =	srdreg.scid  }
0x8b: {  	s0 =	sand.u32 $0x1, s1  }
0x8c: {  	s17 =	sshll.u32 s0, $0xA;
	s2 =	sadd.s32 s3, s2  }
0x8d: {  	s2 =	sadd.s32 s2, s17  }
0x8e: {  	[smem:$0x3FC2] =	sst s2  }
0x8f: {  	_ = 	snop  }
0x90: {  	s18 =	sld [smem:$0x3FD0];
	(tm) =	ssettm $0x1  }
0x91: {  	s19 =	sld [smem:$0x3FFB];
	_ =	sdelay $0x3  }
0x92: {  	_ =	strace s19  }
0x93: {  	s2 =	sld [smem:$0x3FFC];
	_ =	sdelay $0x3  }
0x94: {  	_ =	strace s2  }
0x95: {  	s2 =	sld [smem:$0x3FFD];
	_ =	sdelay $0x3  }
0x96: {  	_ =	strace s2  }
0x97: {  	_ =	strace $0x8FFFFFFF  }
0x98: {  	s20 =	sld [smem:$0x3FDB];
	_ =	sdelay $0x1  }
0x99: {  	s4 =	simm.s32 $_scs_section_size  }
0x9a: {  	s5 =	simm.s32 $_size__tile_overlayer_lowered;
	s6 =	simm.s32 $_tile_overlayer_lowered  }
0x9b: {  	s7 =	simm.s32 $0x1BFF;
	s21 =	sshll.u32 s6, $0x1;
	s4 =	sadd.s32 s4, s20  }
0x9c: {  	s22 =	simm.s32 $0x0;
	s5 =	sshll.u32 s5, $0x1;
	s6 =	sadd.s32 s21, s4  }
0x9d: {  	[timem:s22], [sflag:s7] =	dma.local [hbm:s6], s5  }
0x9e: {  	_ =	swait.ge [sflag:s7], s5  }
0x9f: {  	s5 =	ssub.s32 $0x0, s5;
	[sflag:s7] =	ssyncset.done $0x0  }
0xa0: {  	[sflag:s7] =	ssyncadd.s32 s5;
	_ =	sdelay $0x1  }
0xa1: {  	s23 =	simm.s32 $0x1B8B  }
0xa2: {  	_ =	swait.ge [sflag:s23], $0x1  }
0xa3: {  	[sflag:s23] =	ssyncset.done $0x0  }
0xa4: {  	[sflag:s23] =	ssyncadd.s32 $0xFFFFFFFF  }
0xa5: {  	s5 =	sld [smem:$0x0]  }
0xa6: {  	s6 =	sand.u32 $0xFFFFFFFE, s1  }
0xa7: {  	p0 =	sne.s32 s1, s6  }
0xa8: {  	s6 =	sshll.u32 @p0 s6, $0xE  }
0xa9: {  	s6 =	sadd.s32 @p0 $0x11B8D, s6;
	s7 =	sshll.u32 @p0 s5, $0x11  }
0xaa: {  	s6 =	sor.u32 @p0 s7, s6  }
0xab: {  	[sflag:s6] =	ssyncadd.remote.s32 @p0 $0x1;
	_ =	sdelay $0x1  }
0xac: {  	s6 =	simm.s32 @p0 $0x1B8D  }
0xad: {  	_ =	swait.eq @p0 [sflag:s6], $0x1  }
0xae: {  	[sflag:s6] =	ssyncadd.s32 @p0 $0xFFFFFFFF  }
0xaf: {  	s7 =	sshll.u32 @!p0 s1, $0xE  }
0xb0: {  	s7 =	sor.u32 @!p0 $0x4000, s7;
	s6 =	simm.s32 @!p0 $0x1B8D  }
0xb1: {  	s5 =	sshll.u32 @!p0 s5, $0x11;
	s7 =	sadd.s32 @!p0 $0x11B8D, s7;
	_ =	swait.eq @!p0 [sflag:s6], $0x1  }
0xb2: {  	s5 =	sor.u32 @!p0 s5, s7;
	[sflag:s6] =	ssyncadd.s32 @!p0 $0xFFFFFFFF  }
0xb3: {  	s25 =	simm.s32 $0x1B8E;
	s24 =	sld [smem:$0x3FFE];
	[sflag:s5] =	ssyncadd.remote.s32 @!p0 $0x1  }
0xb4: {  	s26 =	simm.s32 $execute0_lowered;
	[smem:$0x3FD2] =	sst s25  }
0xb5: {  	s6 =	sshll.u32 s26, $0x1;
	_ =	strace $0x80000049;
	[dreg:$0x1] =	wrdreg $0xFFFFFFFF  }
0xb6: {  	s28 =	simm.s32 $_size_execute0_lowered;
	s4 =	sadd.s32 s4, s6;
	[dreg:$0x0] =	wrdreg $0x0  }
0xb7: {  	s6 =	sshll.u32 s28, $0x1;
	[dreg:$0x2] =	wrdreg s4  }
0xb8: {  	[dreg:$0x3] =	wrdreg s6  }
0xb9: {  	[dreg:$0x4] =	wrdreg $0xC0  }
0xba: {  	_ =	task [dreg:s22], $0x5FFFF  }
0xbb: {  	[dreg:$0x1] =	wrdreg $0xFFFFFFFF  }
0xbc: {  	[dreg:$0x0] =	wrdreg $0x60  }
0xbd: {  	[dreg:$0x2] =	wrdreg s24  }
0xbe: {  	[dreg:$0x3] =	wrdreg s18  }
0xbf: {  	[dreg:$0x4] =	wrdreg $0xA  }
0xc0: {  	_ =	task.clear_ibuf [dreg:s22], $0x5FFFF;
	_ =	strace $0x90000049  }
0xc1: {  	s29 =	simm.s32 $0xA;
	_ =	strace $0x8000004B  }
0xc2: {  	_ =	swait.ge [sflag:s29], $0x1  }
0xc3: {  	[sflag:s29] =	ssyncadd.s32 $0xFFFFFFFF  }
0xc4: {  	_ =	strace $0x9000004B  }
0xc5: {  	_ =	sfence  }
0xc6: {  	s30 =	sld [smem:$0x0];
	_ =	sdelay $0x2  }
0xc7: {  	s31 =	sshll.u32 s1, $0xD;
	s1 =	sshrl.u32 s1, $0x2  }
0xc8: {  	s4 =	sand.u32 $0x4000, s31;
	s1 =	sadd.s32 s1, s30  }
0xc9: {  	s0 =	sor.u32 s4, s0;
	s1 =	sshll.u32 s1, $0x11  }
0xca: {  	s0 =	sor.u32 s1, s0  }
0xcb: {  	s0 =	sadd.s32 $0x8F2B, s0  }
0xcc: {  	[sflag:s0] =	ssyncadd.remote.s32 $0x1  }
0xcd: {  	_ =	sfence.sel $0xFFFF  }
0xce: {  	[dreg:$0x0] =	wrdreg $0xFFFFFFFF;
	(pc) =	sbr.abs _section_cstart, $3  }
0xcf: {  	[dreg:$0x1] =	wrdreg $0xFFFFFFFF  }
0xd0: {  	_ =	task.clear_ibuf [dreg:s22], $0x2FFFF;
	_ =	strace $0x9FFFFFFF  }
0xd1: {  	(tm) =	ssettm $0x7FFFFFFF  }
tec
execute0_lowered:
.L_overlay_start_1:
0x0: {  	(tag) =	ssettag $0x1  }
0x1: {  	s0 =	srdreg.scid;
	s3 =	rddreg [dreg:$0x0]  }
0x2: {  	s5 =	rddreg [dreg:$0x1];
	s1 =	stileid.u32;
	s2 =	simm.s32 $0x0  }
0x3: {  	s12 =	simm.s32 $0x6000;
	s13 =	simm.s32 $0x80;
	s14 =	simm.s32 $0x400  }
0x4: {  	s15 =	simm.s32 $0x9800;
	s16 =	simm.s32 $0xD000;
	s4 =	sand.u32 $0x1, s0  }
0x5: {  	s17 =	simm.s32 $0x0;
	s0 =	rddreg [dreg:$0x2];
	s6 =	sshll.u32 s4, $0x4  }
0x6: {  	[smem:$0x7FF] =	sst s2;
	s10 =	sshll.u32 s1, $0x7;
	s6 =	sor.u32 s1, s6  }
0x7: {  	_ =	strace $0x8000004A;
	s4 =	ssub.s32 $0x2, s4;
	s7 =	smul.u32 $0x280, s6  }
0x8: {  	v1 =	vlaneseq.u32;
	s10 =	sand.u32 $0x380, s10;
	s8 =	smul.u32 $0x700, s6;
	s9 =	sshrl.u32 s6, $0x3  }
0x9: {  	v0 =	vimm.s32 $0x0;
	vm1 =	vcmask $0x1714;
	vm0 =	vcmask $0xF1C;
	s11 =	sshrl.u32 s4, $0x1;
	s6 =	sshll.u32 s6, $0x5;
	s9 =	smul.u32 $0x1C000, s9  }
0xa: {  	v2 =	vimm.s32 $0x0;
	vm13 =	vmor vm0, vm1;
	vm1 =	vmmov $0x3ff;
	s11 =	ssub.s32 s4, s11;
	s30 =	sadd.s32 s6, s3;
	s7 =	sadd.s32 s7, s3  }
0xb: {  	vm10 =	vmmov $0x1;
	vm8 =	vcmask $0x314;
	v2 =	vsel vm1, $0xFFFFFFFF, v2;
	s8 =	sadd.s32 s8, s3;
	s9 =	sor.u32 s10, s9;
	s3 =	sadd.s32 $0x5B600, s7  }
0xc: {  	vm11 =	vcmask $0x714;
	vm12 =	vcmask $0xB14;
	[tilespmem:$0x1FFE0] =	vst v2;
	v2 =	vimm.s32 $0x0;
	s4 =	sadd.s32 $0x3600, s7;
	s6 =	sadd.s32 $0x60600, s8;
	s7 =	sadd.s32 $0x6E600, s30  }
0xd: {  	vm14 =	vcmask $0x131C;
	vm3 =	vcmask $0x1B24;
	v2 =	vsel vm13, $0xFFFFFFFF, v2;
	s8 =	smax.u32 s11, $0x1;
	s10 =	simm.s32 $0x1400;
	s31 =	sshrl.u32 s9, $0x3  }
0xe: {  	vm9 =	vcmask $0xB10;
	v1 =	vor.u32 $0x400, v1;
	vm0 =	vcmask $0x2328;
	[tilespmem:$0x1FFF0] =	vst v2;
	s11 =	simm.s32 $0x2800;
	s9 =	simm.s32 $0x1;
	s5 =	sadd.s32 s5, s31  }
.LBB2_1:
0xf: {  	[tilespmem:s2], [sflag:$0x1] =	stream.linear.gather [hbm4b:s3+s2], $0x1400, $0x38;
	[tilespmem:$0xD200] =	vst v63  }
0x10: {  	_ =	swait.ge [sflag:s9], $0x1400  }
0x11: {  	[sflag:s9] =	ssyncset.done $0x0  }
0x12: {  	[sflag:s9] =	ssyncadd.s32 $0xFFFFEC00  }
0x13: {  	[tilespmem:s10], [sflag:$0x1] =	stream.linear.gather [hbm4b:s4+s2], $0x1400, $0x38;
	[tilespmem:$0xD200] =	vst v63  }
0x14: {  	_ =	swait.ge [sflag:s9], $0x1400  }
0x15: {  	[sflag:s9] =	ssyncset.done $0x0  }
0x16: {  	vm1 =	vmmov vm3;
	s18 =	simm.s32 $0x40;
	s19 =	simm.s32 $0x0;
	[sflag:s9] =	ssyncadd.s32 $0xFFFFEC00  }
.LBB2_2:
0x17: {  	p0 =	sne.s32 s18, $0xDFC0;
	[tilespmem:s19+$0x2800] =	vst v0;
	s20 =	smov.u32 s18;
	s18 =	sadd.s32 $0x40, s18  }
.Ltmp0:
0x18: {  	[tilespmem:s19+$0x6000] =	vst v1;
	(pc) =	sbr.rel @p0 .LBB2_2-.Ltmp0, $2  }
0x19: {  	_ =	sdelay $0x2  }
0x1a: {  	s19 =	sshra.s32 s20, $0x2  }
0x1b: {  	s18 =	simm.s32 $0x0  }
0x1c: {  	[tilespmem:s19+$0x2800] =	vst v0;
	s20 =	sand.u32 $0x7E00, s18  }
0x1d: {  	[tilespmem:s19+$0x6000] =	vst v1;
	v2 =	vimm.s32 $0x0;
	s18 =	sand.u32 $0x70, s18;
	s29 =	sshrl.u32 s20, $0x2  }
0x1e: {  	[tilespmem:$0xD100] =	vst v2;
	s18 =	sor.u32 s18, s29  }
0x1f: {  	v3 =	vld [tilespmem:s18+$0x1400];
	_ =	sdelay $0x4  }
0x20: {  	vm15 =	vcmask $0x1720;
	v3 =	vshrl.u32 v3, $0xA  }
0x21: {  	vm2 =	vmmov vm1;
	vm3 =	veq.s32 v3, $0x0;
	vm4 =	veq.s32 v3, $0x1  }
0x22: {  	vm5 =	veq.s32 v3, $0x4;
	vm6 =	veq.s32 v3, $0x7;
	vm7 =	veq.s32 v3, $0x9  }
0x23: {  	v4 =	vmpcnt.ones.xlane vm4;
	vm4 =	veq.s32 v3, $0x3;
	v5 =	vmpcnt.ones.xlane vm3  }
0x24: {  	vm3 =	veq.s32 v3, $0x2;
	v7 =	vmpcnt.ones.xlane vm5;
	vm5 =	veq.s32 v3, $0x5  }
0x25: {  	v6 =	vmpcnt.ones.xlane vm4;
	v8 =	vmpcnt.ones.xlane vm3;
	v5 =	vadd.s32 v2, v5  }
0x26: {  	vm4 =	veq.s32 v3, $0x8;
	v4 =	vadd.s32 v4, v2;
	v5 =	vsel vm10, v5, v2  }
0x27: {  	vm3 =	veq.s32 v3, $0x6;
	v3 =	vsel vm8, v5, v4;
	v4 =	vadd.s32 v8, v2  }
0x28: {  	v5 =	vmpcnt.ones.xlane vm5;
	v3 =	vsel vm11, v3, v4;
	v4 =	vadd.s32 v6, v2  }
0x29: {  	v62 =	vmpcnt.ones.xlane vm3;
	v2 =	vadd.s32 v7, v2;
	v3 =	vsel vm12, v3, v4  }
0x2a: {  	v4 =	vmpcnt.ones.xlane vm6;
	v2 =	vsel vm13, v3, v2;
	v5 =	vadd.s32 v5, v3  }
0x2b: {  	v3 =	vadd.s32 v62, v3;
	v2 =	vsel vm14, v2, v5;
	v5 =	vmpcnt.ones.xlane vm4  }
0x2c: {  	v3 =	vsel vm15, v2, v3;
	v2 =	vadd.s32 v4, v2;
	v4 =	vmpcnt.ones.xlane vm7  }
0x2d: {  	s30 =	simm.s32 $0x10;
	s31 =	simm.s32 $0x40;
	s22 =	simm.s32 $0x80;
	v63 =	vsel vm1, v3, v2;
	v2 =	vadd.s32 v5, v3;
	vm1 =	vcmask $0x1F28  }
0x2e: {  	s19 =	simm.s32 $0x20;
	s21 =	sand.u32 $0x7E00, s31;
	s18 =	sand.u32 $0x70, s30;
	v2 =	vsel vm1, v63, v2;
	v3 =	vadd.s32 v4, v63  }
.LBB2_4:
0x2f: {  	s23 =	sand.u32 $0x70, s19  }
0x30: {  	s24 =	sshrl.u32 s21, $0x2;
	v2 =	vsel vm0, v2, v3;
	s21 =	smov.u32 s22;
	s20 =	sadd.s32 $0x40, s22  }
0x31: {  	p0 =	sne.s32 s22, $0x4FC0;
	s22 =	sor.u32 s18, s24;
	[tilespmem:$0xD100] =	vst v2;
	s18 =	smov.u32 s23  }
0x32: {  	v3 =	vld [tilespmem:s22+$0x1400];
	_ =	sdelay $0x4  }
0x33: {  	v3 =	vshrl.u32 v3, $0xA  }
0x34: {  	vm3 =	veq.s32 v3, $0x0;
	vm4 =	veq.s32 v3, $0x1;
	vm5 =	veq.s32 v3, $0x4  }
0x35: {  	v4 =	vmpcnt.ones.xlane vm3;
	v5 =	vmpcnt.ones.xlane vm4;
	vm3 =	veq.s32 v3, $0x3  }
0x36: {  	vm4 =	veq.s32 v3, $0x2;
	v6 =	vmpcnt.ones.xlane vm3;
	vm3 =	veq.s32 v3, $0x8  }
0x37: {  	v7 =	vmpcnt.ones.xlane vm5;
	vm5 =	veq.s32 v3, $0x5;
	v5 =	vadd.s32 v5, v2  }
0x38: {  	v8 =	vmpcnt.ones.xlane vm4;
	vm4 =	veq.s32 v3, $0x6;
	v4 =	vadd.s32 v2, v4  }
0x39: {  	vm6 =	veq.s32 v3, $0x7;
	vm7 =	veq.s32 v3, $0x9;
	v4 =	vsel vm10, v4, v2  }
0x3a: {  	v3 =	vsel vm8, v4, v5;
	v4 =	vadd.s32 v8, v2;
	v5 =	vmpcnt.ones.xlane vm5  }
0x3b: {  	v3 =	vsel vm11, v3, v4;
	v4 =	vadd.s32 v6, v2;
	v6 =	vmpcnt.ones.xlane vm4  }
0x3c: {  	v2 =	vadd.s32 v7, v2;
	v3 =	vsel vm12, v3, v4;
	v4 =	vmpcnt.ones.xlane vm6  }
.Ltmp1:
0x3d: {  	v2 =	vsel vm13, v3, v2;
	v5 =	vadd.s32 v5, v3;
	v3 =	vadd.s32 v6, v3;
	(pc) =	sbr.rel @p0 .LBB2_4-.Ltmp1, $4  }
0x3e: {  	v2 =	vsel vm14, v2, v5;
	v5 =	vmpcnt.ones.xlane vm3  }
0x3f: {  	v3 =	vsel vm15, v2, v3;
	v2 =	vadd.s32 v4, v2;
	v4 =	vmpcnt.ones.xlane vm7  }
0x40: {  	v6 =	vsel vm2, v3, v2;
	v2 =	vadd.s32 v5, v3  }
0x41: {  	s19 =	sadd.s32 $0x10, s19;
	s21 =	sand.u32 $0x7E00, s21;
	s22 =	smov.u32 s20;
	v2 =	vsel vm1, v6, v2;
	v3 =	vadd.s32 v4, v6  }
0x42: {  	s19 =	sshrl.u32 s21, $0x2;
	v2 =	vsel vm0, v2, v3  }
0x43: {  	s18 =	sor.u32 s18, s19;
	[tilespmem:$0xD100] =	vst v2  }
0x44: {  	v3 =	vld [tilespmem:s18+$0x1400];
	_ =	sdelay $0x4  }
0x45: {  	v3 =	vshrl.u32 v3, $0xA  }
0x46: {  	vm3 =	veq.s32 v3, $0x0;
	vm4 =	veq.s32 v3, $0x1  }
0x47: {  	vm5 =	veq.s32 v3, $0x4;
	vm6 =	veq.s32 v3, $0x7;
	vm7 =	veq.s32 v3, $0x9  }
0x48: {  	v4 =	vmpcnt.ones.xlane vm4;
	vm4 =	veq.s32 v3, $0x3;
	v5 =	vmpcnt.ones.xlane vm3  }
0x49: {  	vm3 =	veq.s32 v3, $0x2;
	v7 =	vmpcnt.ones.xlane vm5;
	vm5 =	veq.s32 v3, $0x5  }
0x4a: {  	v6 =	vmpcnt.ones.xlane vm4;
	v8 =	vmpcnt.ones.xlane vm3;
	v5 =	vadd.s32 v2, v5  }
0x4b: {  	vm4 =	veq.s32 v3, $0x8;
	v4 =	vadd.s32 v4, v2;
	v5 =	vsel vm10, v5, v2  }
0x4c: {  	vm3 =	veq.s32 v3, $0x6;
	v3 =	vsel vm8, v5, v4;
	v4 =	vadd.s32 v8, v2  }
0x4d: {  	v5 =	vmpcnt.ones.xlane vm5;
	v3 =	vsel vm11, v3, v4;
	v4 =	vadd.s32 v6, v2  }
0x4e: {  	v6 =	vmpcnt.ones.xlane vm3;
	v2 =	vadd.s32 v7, v2;
	v3 =	vsel vm12, v3, v4  }
0x4f: {  	v4 =	vmpcnt.ones.xlane vm6;
	v2 =	vsel vm13, v3, v2;
	v5 =	vadd.s32 v5, v3  }
0x50: {  	v3 =	vadd.s32 v6, v3;
	v2 =	vsel vm14, v2, v5;
	v5 =	vmpcnt.ones.xlane vm4  }
0x51: {  	v3 =	vsel vm15, v2, v3;
	v2 =	vadd.s32 v4, v2;
	v4 =	vmpcnt.ones.xlane vm7  }
0x52: {  	v2 =	vsel vm2, v3, v2;
	v3 =	vadd.s32 v5, v3  }
0x53: {  	v5 =	vld [tilespmem:$0x1FFE0];
	v3 =	vsel vm1, v2, v3;
	v2 =	vadd.s32 v4, v2  }
0x54: {  	v2 =	vsel vm0, v3, v2  }
0x55: {  	v3 =	vadd.s32 $0x7F, v2  }
0x56: {  	v3 =	vshrl.u32 v3, $0x7  }
0x57: {  	v4 =	vadd.s32 $0x7, v3  }
0x58: {  	vm1 =	vnez.u8 v5;
	v4 =	vand.u32 $0x3FFFFF8, v4  }
0x59: {  	v4 =	vnsel vm1, $0x0, v4  }
0x5a: {  	(xrf0) =	vadd.scan.msk.s32 $0xffff, v4;
	_ =	sdelay $0x5  }
0x5b: {  	v5, _, _ =	vpop (xrf0)  }
0x5c: {  	[tilespmem:$0xD100] =	vst v2;
	v2 =	vsub.s32 v5, v4  }
0x5d: {  	[tilespmem:$0xD000] =	vst v3;
	v3 =	vshll.u32 v2, $0x7  }
0x5e: {  	[tilespmem:$0xD080] =	vst v2;
	v2 =	vnsel vm1, $0x0, v3  }
0x5f: {  	s20 =	simm.s32 $0x0;
	[tilespmem:$0xD180] =	vst v2;
	v3 =	vnsel vm10, $0x0, v2  }
0x60: {  	v3 =	vxor.u32 $0x80000000, v3;
	v4 =	vld [tilespmem:s20+$0x1400]  }
0x61: {  	(xrf0) =	vmax.scan.msk.u32 $0xffff, v3  }
0x62: {  	vm1 =	vcmask $0x308  }
0x63: {  	v3 =	vsel vm1, $0x0, v2  }
0x64: {  	v3 =	vxor.u32 $0x80000000, v3  }
0x65: {  	v7 =	vshrl.u32 v4, $0xA  }
0x66: {  	vm12 =	veq.s32 v7, $0x0;
	vm11 =	veq.s32 v7, $0x1  }
0x67: {  	(xrf0) =	vmax.scan.msk.u32 $0xffff, v3;
	vm8 =	veq.s32 v7, $0x2;
	vm6 =	veq.s32 v7, $0x3;
	v3, _, _ =	vpop (xrf0);
	v5 =	vmpcnt.ones.xlane vm12  }
0x68: {  	v6 =	vmpcnt.ones.xlane vm8;
	(v2sf) =	vpush v3, $0xF;
	v3 =	vmpcnt.ones.xlane vm11  }
0x69: {  	vm2 =	vcmask $0x70C;
	v8 =	vmpcnt.ones.xlane vm6;
	v5 =	vadd.s32 v2, v5  }
0x6a: {  	v6 =	vadd.s32 v2, v6;
	v5 =	vsel vm10, v5, v2;
	v3 =	vadd.s32 v2, v3  }
0x6b: {  	v9 =	vsel vm2, $0x0, v5;
	v3 =	vsel vm1, v5, v3;
	vm1 =	vmmov vm9  }
0x6c: {  	v5 =	vxor.u32 $0x80000000, v9;
	v6 =	vsel vm2, v3, v6;
	v3 =	vsel vm9, $0x0, v3  }
0x6d: {  	vm9 =	vcmask $0xF14;
	vm2 =	vcmask $0x1318;
	(xrf0) =	vmax.scan.msk.u32 $0xffff, v5;
	v5 =	vadd.s32 v2, v8  }
0x6e: {  	v3 =	vxor.u32 $0x80000000, v3;
	v8 =	vsel vm9, $0x0, v6;
	v5 =	vsel vm1, v6, v5  }
0x6f: {  	v6 =	vxor.u32 $0x80000000, v8;
	(xrf0) =	vmax.scan.msk.u32 $0xffff, v3;
	v3 =	vsel vm2, $0x0, v5  }
0x70: {  	(xrf0) =	vmax.scan.msk.u32 $0xffff, v6;
	v3 =	vxor.u32 $0x80000000, v3  }
0x71: {  	vm4 =	veq.s32 v7, $0x4  }
0x72: {  	vm3 =	veq.s32 v7, $0x5;
	vm7 =	veq.s32 v7, $0x6;
	v10, _, _ =	vpop (xrf0);
	v6 =	vmpcnt.ones.xlane vm4  }
0x73: {  	vm5 =	veq.s32 v7, $0x7;
	(v2sf) =	vpush v10, $0xF;
	v9 =	vmpcnt.ones.xlane vm7;
	(xrf0) =	vmax.scan.msk.u32 $0xffff, v3;
	v3, _, _ =	vpop (xrf0)  }
0x74: {  	v6 =	vadd.s32 v2, v6;
	(v2sf) =	vpush v3, $0xF;
	v3 =	vmpcnt.ones.xlane vm3  }
0x75: {  	vm1 =	vcmask $0x171C;
	v5 =	vsel vm9, v5, v6;
	vm9 =	vcmask $0x1B20;
	v8, _, _ =	vpop (xrf0)  }
0x76: {  	v6 =	vsel vm1, $0x0, v5;
	(v2sf) =	vpush v8, $0xF;
	v8, _, _ =	vpop (xrf0);
	v3 =	vadd.s32 v2, v3  }
0x77: {  	(v2sf) =	vpush v8, $0xF;
	v8 =	vadd.s32 v2, v9;
	v9 =	vmpcnt.ones.xlane vm5  }
0x78: {  	v3 =	vsel vm2, v5, v3;
	v5 =	vxor.u32 $0x80000000, v6;
	vm2 =	vcmask $0x1F24  }
0x79: {  	v6 =	vsel vm1, v3, v8;
	v3 =	vsel vm9, $0x0, v3;
	(xrf0) =	vmax.scan.msk.u32 $0xffff, v5;
	v5 =	vadd.s32 v2, v9  }
0x7a: {  	s25 =	spop (v2sf);
	v3 =	vxor.u32 $0x80000000, v3;
	v8 =	vsel vm2, $0x0, v6;
	v5 =	vsel vm9, v6, v5  }
0x7b: {  	v10, _, _ =	vpop (xrf0);
	s18 =	sxor.u32 $0x80000000, s25;
	v6 =	vxor.u32 $0x80000000, v8;
	(xrf0) =	vmax.scan.msk.u32 $0xffff, v3;
	v3 =	vsel vm0, $0x0, v5  }
0x7c: {  	(xrf0) =	vmax.scan.msk.u32 $0xffff, v6;
	v3 =	vxor.u32 $0x80000000, v3;
	v6 =	vmov s18  }
0x7d: {  	(xrf0) =	vmax.scan.msk.u32 $0xffff, v3;
	v3 =	vadd.s32 $0xFFFFFFFF, v6;
	_ =	sdelay $0x1  }
0x7e: {  	(v2sf) =	vpush v10, $0xF;
	v6 =	vsel vm11, $0x1, v0  }
0x7f: {  	v8 =	vsel vm12, $0x1, v0;
	v10 =	vbroadcast v3, $0x0;
	v3, _, _ =	vpop (xrf0)  }
0x80: {  	(xrf0) =	vadd.scan.msk.s32 $0xffff, v8;
	(v2sf) =	vpush v3, $0xF  }
0x81: {  	(xrf0) =	vadd.scan.msk.s32 $0xffff, v6;
	v6, _, _ =	vpop (xrf0)  }
0x82: {  	(v2sf) =	vpush v6, $0xF;
	v6, _, _ =	vpop (xrf0)  }
0x83: {  	s26 =	spop (v2sf);
	(v2sf) =	vpush v6, $0xF;
	_ =	sdelay $0x1  }
0x84: {  	vm13 =	veq.s32 v7, $0x9;
	v11 =	vsel vm8, $0x1, v0;
	v16, _, _ =	vpop (xrf0)  }
0x85: {  	v3 =	vand.u32 $0x3FF, v4;
	v4 =	vsel vm6, $0x1, v0;
	(v2sf) =	vpush v16, $0xF  }
0x86: {  	vm14 =	veq.s32 v7, $0x8;
	v13 =	vmpcnt.ones.xlane vm13;
	s19 =	sxor.u32 $0x80000000, s26;
	(xrf0) =	vadd.scan.msk.s32 $0xffff, v11;
	s28 =	spop (v2sf)  }
0x87: {  	v12 =	vsel vm4, $0x1, v0;
	v14 =	vsel vm5, $0x1, v0;
	v9 =	vmov s19;
	s18 =	sxor.u32 $0x80000000, s28  }
0x88: {  	v9 =	vadd.s32 $0xFFFFFFFF, v9;
	(xrf0) =	vadd.scan.msk.s32 $0xffff, v4;
	v6 =	vadd.s32 v2, v13;
	v4, _, _ =	vpop (xrf0);
	v13 =	vmov s18  }
0x89: {  	v9 =	vbroadcast v9, $0x0;
	(xrf0) =	vadd.scan.msk.s32 $0xffff, v14;
	s29 =	spop (v2sf);
	v10 =	vadd.s32 v4, v10;
	v4 =	vadd.s32 $0xFFFFFFFF, v13  }
0x8a: {  	v15 =	vsel vm13, $0x1, v0;
	v11 =	vsel vm3, $0x1, v0;
	v7, _, _ =	vpop (xrf0);
	(xrf0) =	vadd.scan.msk.s32 $0xffff, v12;
	s30 =	sxor.u32 $0x80000000, s29;
	s22 =	spop (v2sf);
	v12 =	vbroadcast v4, $0x0;
	v4 =	vld [tilespmem:s20+$0x0]  }
0x8b: {  	s24 =	simm.s32 $0x80;
	s19 =	simm.s32 $0x0;
	v8 =	vsel vm7, $0x1, v0;
	v9 =	vadd.s32 v7, v9;
	(xrf0) =	vadd.scan.msk.s32 $0xffff, v11;
	v7 =	vmov s30;
	s31 =	sxor.u32 $0x80000000, s22  }
0x8c: {  	s18 =	simm.s32 $0x40;
	v14, _, _ =	vpop (xrf0);
	(xrf0) =	vadd.scan.msk.s32 $0xffff, v15;
	v13 =	vadd.s32 $0xFFFFFFFF, v7;
	v11 =	vmov s31;
	v7 =	vmpcnt.ones.xlane vm14;
	s23 =	spop (v2sf);
	s20 =	simm.s32 $0x40  }
.LBB2_6:
0x8d: {  	s22 =	sshra.s32 s20, $0x2;
	v12 =	vadd.s32 v14, v12  }
0x8e: {  	v13 =	vbroadcast v13, $0x0;
	v14 =	vsel vm14, $0x1, v0;
	s25 =	spop (v2sf);
	(xrf0) =	vadd.scan.msk.s32 $0xffff, v8;
	s20 =	smov.u32 s24;
	s21 =	sadd.s32 $0x40, s24;
	v8 =	vadd.s32 $0xFFFFFFFF, v11  }
0x8f: {  	p0 =	sne.s32 s24, $0x4FC0;
	s23 =	sxor.u32 $0x80000000, s23;
	vm15 =	vcmask $0x308;
	[tilespmem:v10+s11+$0x0] =	vst.idx.msk vm12, v4;
	s24 =	sxor.u32 $0x80000000, s25;
	v2 =	vadd.s32 v2, v7;
	v7, _, _ =	vpop (xrf0);
	(xrf0) =	vadd.scan.msk.s32 $0xffff, v14  }
0x90: {  	v8 =	vbroadcast v8, $0x0;
	v15 =	vmov s23;
	[tilespmem:v10+s12+$0x0] =	vst.idx.msk vm12, v3;
	v7 =	vadd.s32 v7, v13;
	s23 =	spop (v2sf);
	v11, _, _ =	vpop (xrf0)  }
0x91: {  	v14 =	vadd.s32 $0xFFFFFFFF, v15;
	v13 =	vmov s24;
	v2 =	vsel vm2, v5, v2;
	[tilespmem:v9+s11+$0x0] =	vst.idx.msk vm11, v4;
	s23 =	sxor.u32 $0x80000000, s23;
	v5, _, _ =	vpop (xrf0);
	s24 =	spop (v2sf)  }
0x92: {  	[tilespmem:v9+s12+$0x0] =	vst.idx.msk vm11, v3;
	v5 =	vadd.s32 v5, v8;
	v8 =	vbroadcast v14, $0x0;
	v9 =	vadd.s32 $0xFFFFFFFF, v13;
	s24 =	sxor.u32 $0x80000000, s24;
	v10, _, _ =	vpop (xrf0)  }
0x93: {  	v16 =	vmov s23;
	[tilespmem:v12+s11+$0x0] =	vst.idx.msk vm8, v4;
	v9 =	vbroadcast v9, $0x0;
	v14 =	vmov s24;
	v15, _, _ =	vpop (xrf0)  }
0x94: {  	[tilespmem:v12+s12+$0x0] =	vst.idx.msk vm8, v3;
	v8 =	vadd.s32 v10, v8;
	v10 =	vadd.s32 $0xFFFFFFFF, v16;
	v12 =	vadd.s32 $0xFFFFFFFF, v14;
	v13, _, _ =	vpop (xrf0);
	s23 =	spop (v2sf)  }
0x95: {  	v2 =	vsel vm0, v2, v6;
	[tilespmem:v7+s11+$0x0] =	vst.idx.msk vm6, v4;
	v10 =	vbroadcast v10, $0x0;
	v12 =	vbroadcast v12, $0x0;
	s23 =	sxor.u32 $0x80000000, s23;
	v6, _, _ =	vpop (xrf0)  }
0x96: {  	v14 =	vnsel vm10, $0x0, v2;
	v16 =	vsel vm15, $0x0, v2;
	[tilespmem:v7+s12+$0x0] =	vst.idx.msk vm6, v3;
	v7 =	vadd.s32 v13, v9  }
0x97: {  	v9 =	vxor.u32 $0x80000000, v14;
	v13 =	vxor.u32 $0x80000000, v16;
	v14 =	vmov s23;
	[tilespmem:v5+s11+$0x0] =	vst.idx.msk vm4, v4  }
0x98: {  	(xrf0) =	vmax.scan.msk.u32 $0xffff, v9;
	[tilespmem:v5+s12+$0x0] =	vst.idx.msk vm4, v3;
	v5 =	vadd.s32 v11, v10;
	v9 =	vadd.s32 $0xFFFFFFFF, v14  }
0x99: {  	(xrf0) =	vmax.scan.msk.u32 $0xffff, v13;
	[tilespmem:v8+s11+$0x0] =	vst.idx.msk vm3, v4;
	v9 =	vbroadcast v9, $0x0  }
0x9a: {  	v6 =	vadd.s32 v6, v12;
	[tilespmem:v8+s12+$0x0] =	vst.idx.msk vm3, v3  }
0x9b: {  	[tilespmem:v7+s11+$0x0] =	vst.idx.msk vm7, v4  }
0x9c: {  	[tilespmem:v7+s12+$0x0] =	vst.idx.msk vm7, v3;
	v7 =	vadd.s32 v15, v9  }
0x9d: {  	[tilespmem:v5+s11+$0x0] =	vst.idx.msk vm5, v4  }
0x9e: {  	v8, _, _ =	vpop (xrf0);
	[tilespmem:v5+s12+$0x0] =	vst.idx.msk vm5, v3  }
0x9f: {  	(v2sf) =	vpush v8, $0xF;
	v5, _, _ =	vpop (xrf0);
	[tilespmem:v6+s11+$0x0] =	vst.idx.msk vm14, v4  }
0xa0: {  	(v2sf) =	vpush v5, $0xF;
	[tilespmem:v6+s12+$0x0] =	vst.idx.msk vm14, v3  }
0xa1: {  	[tilespmem:v7+s11+$0x0] =	vst.idx.msk vm13, v4  }
0xa2: {  	[tilespmem:v7+s12+$0x0] =	vst.idx.msk vm13, v3  }
0xa3: {  	[tilespmem:$0xD180] =	vst v2  }
0xa4: {  	v3 =	vld [tilespmem:s22+$0x1400];
	_ =	sdelay $0x4  }
0xa5: {  	vm7 =	vcmask $0x70C;
	v7 =	vshrl.u32 v3, $0xA  }
0xa6: {  	vm14 =	vcmask $0xF14;
	vm12 =	veq.s32 v7, $0x0;
	vm11 =	veq.s32 v7, $0x1  }
0xa7: {  	vm3 =	veq.s32 v7, $0x5;
	vm8 =	veq.s32 v7, $0x2;
	vm6 =	veq.s32 v7, $0x3  }
0xa8: {  	vm5 =	veq.s32 v7, $0x7;
	v4 =	vmpcnt.ones.xlane vm12;
	v5 =	vmpcnt.ones.xlane vm11  }
0xa9: {  	vm4 =	veq.s32 v7, $0x4;
	v6 =	vmpcnt.ones.xlane vm8;
	v8 =	vmpcnt.ones.xlane vm3  }
0xaa: {  	v9 =	vmpcnt.ones.xlane vm6;
	v4 =	vadd.s32 v2, v4;
	v5 =	vadd.s32 v2, v5  }
0xab: {  	v10 =	vmpcnt.ones.xlane vm4;
	v6 =	vadd.s32 v2, v6;
	v4 =	vsel vm10, v4, v2;
	s23 =	spop (v2sf)  }
0xac: {  	vm13 =	vcmask $0xB10;
	s23 =	sxor.u32 $0x80000000, s23;
	v5 =	vsel vm15, v4, v5;
	v4 =	vsel vm7, $0x0, v4;
	s24 =	spop (v2sf)  }
0xad: {  	v9 =	vadd.s32 v2, v9;
	v10 =	vadd.s32 v2, v10;
	s24 =	sxor.u32 $0x80000000, s24;
	v4 =	vxor.u32 $0x80000000, v4  }
0xae: {  	v6 =	vsel vm7, v5, v6;
	v5 =	vsel vm13, $0x0, v5;
	vm7 =	veq.s32 v7, $0x6;
	(xrf0) =	vmax.scan.msk.u32 $0xffff, v4  }
0xaf: {  	v4 =	vxor.u32 $0x80000000, v5;
	v5 =	vsel vm14, $0x0, v6;
	v6 =	vsel vm13, v6, v9  }
0xb0: {  	v9 =	vmpcnt.ones.xlane vm7;
	vm13 =	vcmask $0x1318;
	v5 =	vxor.u32 $0x80000000, v5;
	(xrf0) =	vmax.scan.msk.u32 $0xffff, v4  }
0xb1: {  	v8 =	vadd.s32 v2, v8;
	v4 =	vsel vm14, v6, v10;
	v6 =	vsel vm13, $0x0, v6;
	(xrf0) =	vmax.scan.msk.u32 $0xffff, v5  }
0xb2: {  	v9 =	vadd.s32 v2, v9;
	v5 =	vxor.u32 $0x80000000, v6;
	v6 =	vsel vm1, $0x0, v4  }
0xb3: {  	v4 =	vsel vm13, v4, v8;
	v8 =	vmpcnt.ones.xlane vm5;
	v6 =	vxor.u32 $0x80000000, v6;
	(xrf0) =	vmax.scan.msk.u32 $0xffff, v5  }
0xb4: {  	v9 =	vsel vm1, v4, v9;
	v4 =	vsel vm9, $0x0, v4;
	v5 =	vmov s23;
	v10, _, _ =	vpop (xrf0);
	(xrf0) =	vmax.scan.msk.u32 $0xffff, v6  }
0xb5: {  	v4 =	vxor.u32 $0x80000000, v4;
	v6 =	vsel vm2, $0x0, v9;
	(v2sf) =	vpush v10, $0xF  }
0xb6: {  	v12 =	vadd.s32 v2, v8;
	v5 =	vadd.s32 $0xFFFFFFFF, v5;
	v6 =	vxor.u32 $0x80000000, v6;
	v10, _, _ =	vpop (xrf0);
	(xrf0) =	vmax.scan.msk.u32 $0xffff, v4  }
0xb7: {  	v11 =	vbroadcast v5, $0x0;
	v5 =	vsel vm9, v9, v12;
	v4 =	vld [tilespmem:s22+$0x0];
	(v2sf) =	vpush v10, $0xF;
	v8, _, _ =	vpop (xrf0);
	(xrf0) =	vmax.scan.msk.u32 $0xffff, v6  }
0xb8: {  	v9 =	vsel vm0, $0x0, v5;
	v6 =	vsel vm12, $0x1, v0;
	(v2sf) =	vpush v8, $0xF  }
0xb9: {  	v10 =	vsel vm11, $0x1, v0;
	v9 =	vxor.u32 $0x80000000, v9;
	v8 =	vmov s24;
	v12, _, _ =	vpop (xrf0)  }
0xba: {  	v13 =	vsel vm8, $0x1, v0;
	v8 =	vadd.s32 $0xFFFFFFFF, v8;
	(v2sf) =	vpush v12, $0xF;
	v12, _, _ =	vpop (xrf0);
	(xrf0) =	vmax.scan.msk.u32 $0xffff, v9  }
0xbb: {  	v14 =	vsel vm4, $0x1, v0;
	v9 =	vbroadcast v8, $0x0;
	(v2sf) =	vpush v12, $0xF  }
0xbc: {  	v3 =	vand.u32 $0x3FF, v3;
	v8 =	vsel vm7, $0x1, v0;
	v12 =	vsel vm6, $0x1, v0;
	v15, _, _ =	vpop (xrf0)  }
0xbd: {  	v16 =	vsel vm3, $0x1, v0;
	vm13 =	veq.s32 v7, $0x9;
	(v2sf) =	vpush v15, $0xF;
	v15, _, _ =	vpop (xrf0)  }
0xbe: {  	v17 =	vsel vm13, $0x1, v0;
	v19 =	vmpcnt.ones.xlane vm13;
	(v2sf) =	vpush v15, $0xF  }
0xbf: {  	v15 =	vsel vm5, $0x1, v0;
	(xrf0) =	vadd.scan.msk.s32 $0xffff, v6  }
0xc0: {  	v6 =	vadd.s32 v2, v19;
	v18, _, _ =	vpop (xrf0)  }
0xc1: {  	(xrf0) =	vadd.scan.msk.s32 $0xffff, v10;
	(v2sf) =	vpush v18, $0xF;
	_ =	sdelay $0x1  }
0xc2: {  	(xrf0) =	vadd.scan.msk.s32 $0xffff, v13  }
0xc3: {  	s22 =	spop (v2sf)  }
.Ltmp2:
0xc4: {  	s22 =	sxor.u32 $0x80000000, s22;
	v10, _, _ =	vpop (xrf0);
	(xrf0) =	vadd.scan.msk.s32 $0xffff, v12;
	(pc) =	sbr.rel @p0 .LBB2_6-.Ltmp2, $4  }
0xc5: {  	v10 =	vadd.s32 v10, v11;
	v11 =	vmov s22;
	s22 =	spop (v2sf);
	(xrf0) =	vadd.scan.msk.s32 $0xffff, v15  }
0xc6: {  	vm14 =	veq.s32 v7, $0x8;
	v11 =	vadd.s32 $0xFFFFFFFF, v11;
	s22 =	sxor.u32 $0x80000000, s22;
	v7, _, _ =	vpop (xrf0);
	s23 =	spop (v2sf);
	(xrf0) =	vadd.scan.msk.s32 $0xffff, v14  }
0xc7: {  	v9 =	vadd.s32 v7, v9;
	v12 =	vbroadcast v11, $0x0;
	v7 =	vmov s22;
	s22 =	sxor.u32 $0x80000000, s23;
	(xrf0) =	vadd.scan.msk.s32 $0xffff, v16  }
0xc8: {  	s24 =	smov.u32 s21;
	v13 =	vadd.s32 $0xFFFFFFFF, v7;
	v11 =	vmov s22;
	v7 =	vmpcnt.ones.xlane vm14;
	v14, _, _ =	vpop (xrf0);
	s23 =	spop (v2sf);
	(xrf0) =	vadd.scan.msk.s32 $0xffff, v17  }
0xc9: {  	_ =	sdelay $0x3  }
0xca: {  	v12 =	vadd.s32 v14, v12;
	v13 =	vbroadcast v13, $0x0  }
0xcb: {  	(xrf0) =	vadd.scan.msk.s32 $0xffff, v8;
	[tilespmem:v10+s11+$0x0] =	vst.idx.msk vm12, v4;
	v21 =	vadd.s32 $0xFFFFFFFF, v11;
	s21 =	sxor.u32 $0x80000000, s23;
	v22, _, _ =	vpop (xrf0)  }
0xcc: {  	s22 =	spop (v2sf);
	[tilespmem:v10+s12+$0x0] =	vst.idx.msk vm12, v3;
	v8 =	vbroadcast v21, $0x0;
	v24 =	vmov s21;
	v23 =	vadd.s32 v22, v13;
	v25, _, _ =	vpop (xrf0)  }
0xcd: {  	v26 =	vsel vm14, $0x1, v0;
	s26 =	sxor.u32 $0x80000000, s22;
	[tilespmem:v9+s11+$0x0] =	vst.idx.msk vm11, v4;
	v11 =	vadd.s32 $0xFFFFFFFF, v24;
	v15, _, _ =	vpop (xrf0)  }
0xce: {  	s28 =	spop (v2sf);
	v16 =	vmov s26;
	[tilespmem:v9+s12+$0x0] =	vst.idx.msk vm11, v3;
	v27 =	vbroadcast v11, $0x0;
	v8 =	vadd.s32 v15, v8  }
0xcf: {  	(xrf0) =	vadd.scan.msk.s32 $0xffff, v26;
	s29 =	sxor.u32 $0x80000000, s28;
	v28 =	vadd.s32 $0xFFFFFFFF, v16;
	v29, _, _ =	vpop (xrf0);
	[tilespmem:v12+s11+$0x0] =	vst.idx.msk vm8, v4  }
0xd0: {  	s30 =	spop (v2sf);
	v11 =	vbroadcast v28, $0x0;
	v30 =	vmov s29;
	v31, _, _ =	vpop (xrf0);
	v9 =	vadd.s32 v29, v27;
	[tilespmem:v12+s12+$0x0] =	vst.idx.msk vm8, v3  }
0xd1: {  	s31 =	sxor.u32 $0x80000000, s30;
	v32 =	vadd.s32 $0xFFFFFFFF, v30;
	v33, _, _ =	vpop (xrf0);
	[tilespmem:v23+s11+$0x0] =	vst.idx.msk vm6, v4  }
0xd2: {  	v34 =	vmov s31;
	s22 =	spop (v2sf);
	v12 =	vbroadcast v32, $0x0;
	v35 =	vadd.s32 v33, v11;
	[tilespmem:v23+s12+$0x0] =	vst.idx.msk vm6, v3  }
0xd3: {  	v36 =	vadd.s32 $0xFFFFFFFF, v34;
	s21 =	sxor.u32 $0x80000000, s22;
	[tilespmem:v8+s11+$0x0] =	vst.idx.msk vm4, v4  }
0xd4: {  	v11 =	vbroadcast v36, $0x0;
	v37 =	vmov s21;
	v38 =	vadd.s32 v25, v12;
	[tilespmem:v8+s12+$0x0] =	vst.idx.msk vm4, v3  }
0xd5: {  	v39, _, _ =	vpop (xrf0);
	v40 =	vadd.s32 $0xFFFFFFFF, v37;
	[tilespmem:v9+s11+$0x0] =	vst.idx.msk vm3, v4  }
0xd6: {  	v13 =	vbroadcast v40, $0x0;
	v41 =	vadd.s32 v39, v11;
	[tilespmem:v9+s12+$0x0] =	vst.idx.msk vm3, v3  }
0xd7: {  	[tilespmem:v35+s11+$0x0] =	vst.idx.msk vm7, v4  }
0xd8: {  	v42 =	vadd.s32 v31, v13;
	[tilespmem:v35+s12+$0x0] =	vst.idx.msk vm7, v3  }
0xd9: {  	[tilespmem:v38+s11+$0x0] =	vst.idx.msk vm5, v4  }
0xda: {  	[tilespmem:v38+s12+$0x0] =	vst.idx.msk vm5, v3  }
0xdb: {  	[tilespmem:v41+s11+$0x0] =	vst.idx.msk vm14, v4  }
0xdc: {  	v2 =	vadd.s32 v2, v7;
	[tilespmem:v41+s12+$0x0] =	vst.idx.msk vm14, v3  }
0xdd: {  	v2 =	vsel vm2, v5, v2;
	[tilespmem:v42+s11+$0x0] =	vst.idx.msk vm13, v4  }
0xde: {  	v2 =	vsel vm0, v2, v6;
	[tilespmem:v42+s12+$0x0] =	vst.idx.msk vm13, v3  }
0xdf: {  	s20 =	sshra.s32 s20, $0x2;
	vm4 =	vcmask $0x308;
	v3 =	vnsel vm10, $0x0, v2;
	[tilespmem:$0xD180] =	vst v2  }
0xe0: {  	v43 =	vsel vm4, $0x0, v2;
	v3 =	vxor.u32 $0x80000000, v3;
	v44 =	vld [tilespmem:s20+$0x1400]  }
0xe1: {  	v4 =	vxor.u32 $0x80000000, v43;
	(xrf0) =	vmax.scan.msk.u32 $0xffff, v3  }
0xe2: {  	(xrf0) =	vmax.scan.msk.u32 $0xffff, v4;
	_ =	sdelay $0x2  }
0xe3: {  	vm15 =	vmmov vm2;
	v4 =	vshrl.u32 v44, $0xA  }
0xe4: {  	vm2 =	vmmov vm10;
	vm14 =	vcmask $0x70C;
	vm12 =	veq.s32 v4, $0x0  }
0xe5: {  	vm13 =	vcmask $0xF14;
	v3, _, _ =	vpop (xrf0);
	vm11 =	veq.s32 v4, $0x1;
	v45 =	vmpcnt.ones.xlane vm12  }
0xe6: {  	vm3 =	veq.s32 v4, $0x5;
	vm8 =	veq.s32 v4, $0x2;
	(v2sf) =	vpush v3, $0xF;
	v3, _, _ =	vpop (xrf0)  }
0xe7: {  	(v2sf) =	vpush v3, $0xF;
	v3 =	vmpcnt.ones.xlane vm11;
	v6 =	vadd.s32 v2, v45  }
0xe8: {  	vm6 =	veq.s32 v4, $0x3;
	vm5 =	veq.s32 v4, $0x4;
	v6 =	vsel vm10, v6, v2  }
0xe9: {  	v46 =	vmpcnt.ones.xlane vm8;
	v3 =	vadd.s32 v2, v3;
	v47 =	vsel vm14, $0x0, v6  }
0xea: {  	vm10 =	vcmask $0xB10;
	v3 =	vsel vm4, v6, v3;
	v48 =	vxor.u32 $0x80000000, v47  }
0xeb: {  	v49 =	vmpcnt.ones.xlane vm6;
	v7 =	vadd.s32 v2, v46;
	v50 =	vsel vm10, $0x0, v3;
	(xrf0) =	vmax.scan.msk.u32 $0xffff, v48  }
0xec: {  	vm7 =	veq.s32 v4, $0x6;
	v3 =	vsel vm14, v3, v7;
	v51 =	vxor.u32 $0x80000000, v50  }
0xed: {  	v53 =	vmpcnt.ones.xlane vm5;
	v52 =	vadd.s32 v2, v49;
	v54 =	vsel vm13, $0x0, v3;
	(xrf0) =	vmax.scan.msk.u32 $0xffff, v51  }
0xee: {  	vm14 =	vcmask $0x1318;
	v3 =	vsel vm10, v3, v52;
	v56 =	vxor.u32 $0x80000000, v54  }
0xef: {  	v55 =	vmpcnt.ones.xlane vm3;
	v8 =	vadd.s32 v2, v53;
	v57 =	vsel vm14, $0x0, v3;
	(xrf0) =	vmax.scan.msk.u32 $0xffff, v56  }
0xf0: {  	v59 =	vmpcnt.ones.xlane vm7;
	v3 =	vsel vm13, v3, v8;
	v58 =	vxor.u32 $0x80000000, v57  }
0xf1: {  	vm4 =	veq.s32 v4, $0x7;
	v6 =	vadd.s32 v2, v55;
	v60 =	vsel vm1, $0x0, v3;
	(xrf0) =	vmax.scan.msk.u32 $0xffff, v58;
	v61, _, _ =	vpop (xrf0)  }
0xf2: {  	v3 =	vsel vm14, v3, v6;
	v62 =	vxor.u32 $0x80000000, v60;
	(v2sf) =	vpush v61, $0xF  }
0xf3: {  	v63 =	vadd.s32 v2, v59;
	v12 =	vmpcnt.ones.xlane vm4;
	v13 =	vsel vm9, $0x0, v3;
	(xrf0) =	vmax.scan.msk.u32 $0xffff, v62;
	v14, _, _ =	vpop (xrf0)  }
0xf4: {  	v3 =	vsel vm1, v3, v63;
	v15 =	vxor.u32 $0x80000000, v13;
	(v2sf) =	vpush v14, $0xF  }
0xf5: {  	v8 =	vadd.s32 v2, v12;
	v16 =	vsel vm15, $0x0, v3;
	(xrf0) =	vmax.scan.msk.u32 $0xffff, v15;
	v17, _, _ =	vpop (xrf0)  }
0xf6: {  	v3 =	vsel vm9, v3, v8;
	v6 =	vxor.u32 $0x80000000, v16;
	(v2sf) =	vpush v17, $0xF  }
0xf7: {  	v18 =	vsel vm0, $0x0, v3;
	(xrf0) =	vmax.scan.msk.u32 $0xffff, v6;
	v19, _, _ =	vpop (xrf0)  }
0xf8: {  	v6 =	vxor.u32 $0x80000000, v18;
	(v2sf) =	vpush v19, $0xF  }
0xf9: {  	v20, _, _ =	vpop (xrf0);
	(xrf0) =	vmax.scan.msk.u32 $0xffff, v6  }
0xfa: {  	(v2sf) =	vpush v20, $0xF  }
0xfb: {  	v21 =	vsel vm12, $0x1, v0;
	v22, _, _ =	vpop (xrf0)  }
0xfc: {  	(xrf0) =	vadd.scan.msk.s32 $0xffff, v21;
	(v2sf) =	vpush v22, $0xF  }
0xfd: {  	v23 =	vsel vm11, $0x1, v0;
	s23 =	spop (v2sf);
	v24, _, _ =	vpop (xrf0)  }
0xfe: {  	s21 =	sxor.u32 $0x80000000, s23;
	(xrf0) =	vadd.scan.msk.s32 $0xffff, v23;
	(v2sf) =	vpush v24, $0xF  }
0xff: {  	v26 =	vsel vm8, $0x1, v0;
	s24 =	spop (v2sf);
	v25 =	vmov s21;
	v27, _, _ =	vpop (xrf0)  }
0x100: {  	v5 =	vand.u32 $0x3FF, v44;
	s22 =	sxor.u32 $0x80000000, s24;
	v6 =	vadd.s32 $0xFFFFFFFF, v25;
	(xrf0) =	vadd.scan.msk.s32 $0xffff, v26;
	(v2sf) =	vpush v27, $0xF  }
0x101: {  	v30 =	vsel vm6, $0x1, v0;
	v28 =	vmov s22;
	v6 =	vbroadcast v6, $0x0;
	s25 =	spop (v2sf)  }
0x102: {  	v31 =	vsel vm5, $0x1, v0;
	v32 =	vsel vm4, $0x1, v0;
	v29 =	vadd.s32 $0xFFFFFFFF, v28;
	v33, _, _ =	vpop (xrf0);
	(xrf0) =	vadd.scan.msk.s32 $0xffff, v30;
	s21 =	sxor.u32 $0x80000000, s25  }
0x103: {  	v34 =	vld [tilespmem:s20+$0x0];
	v7 =	vbroadcast v29, $0x0;
	v6 =	vadd.s32 v33, v6;
	(xrf0) =	vadd.scan.msk.s32 $0xffff, v32;
	s26 =	spop (v2sf);
	v35 =	vmov s21  }
0x104: {  	v36 =	vsel vm3, $0x1, v0;
	vm13 =	veq.s32 v4, $0x9;
	(xrf0) =	vadd.scan.msk.s32 $0xffff, v31;
	v37, _, _ =	vpop (xrf0);
	s20 =	sxor.u32 $0x80000000, s26;
	v11 =	vadd.s32 $0xFFFFFFFF, v35  }
0x105: {  	v7 =	vadd.s32 v37, v7;
	s28 =	spop (v2sf);
	v39 =	vmov s20;
	v38 =	vbroadcast v11, $0x0  }
0x106: {  	v40 =	vsel vm7, $0x1, v0;
	v41 =	vsel vm13, $0x1, v0;
	(xrf0) =	vadd.scan.msk.s32 $0xffff, v36;
	v43, _, _ =	vpop (xrf0);
	s29 =	sxor.u32 $0x80000000, s28;
	v42 =	vadd.s32 $0xFFFFFFFF, v39  }
0x107: {  	(xrf0) =	vadd.scan.msk.s32 $0xffff, v41;
	s30 =	spop (v2sf);
	v44 =	vmov s29;
	v10 =	vbroadcast v42, $0x0;
	v9 =	vadd.s32 v43, v38  }
0x108: {  	vm14 =	veq.s32 v4, $0x8;
	(xrf0) =	vadd.scan.msk.s32 $0xffff, v40;
	[tilespmem:v6+s11+$0x0] =	vst.idx.msk vm12, v34;
	v46, _, _ =	vpop (xrf0);
	s20 =	sxor.u32 $0x80000000, s30;
	v45 =	vadd.s32 $0xFFFFFFFF, v44  }
0x109: {  	[tilespmem:v6+s12+$0x0] =	vst.idx.msk vm12, v5;
	v49, _, _ =	vpop (xrf0);
	s31 =	spop (v2sf);
	v48 =	vmov s20;
	v4 =	vbroadcast v45, $0x0;
	v47 =	vadd.s32 v46, v10  }
0x10a: {  	v50 =	vsel vm14, $0x1, v0;
	v51, _, _ =	vpop (xrf0);
	[tilespmem:v7+s11+$0x0] =	vst.idx.msk vm11, v34;
	s22 =	sxor.u32 $0x80000000, s31;
	v10 =	vadd.s32 $0xFFFFFFFF, v48  }
0x10b: {  	[tilespmem:v7+s12+$0x0] =	vst.idx.msk vm11, v5;
	s23 =	spop (v2sf);
	v52 =	vmov s22;
	v4 =	vadd.s32 v51, v4;
	v10 =	vbroadcast v10, $0x0  }
0x10c: {  	(xrf0) =	vadd.scan.msk.s32 $0xffff, v50;
	v53, _, _ =	vpop (xrf0);
	s24 =	sxor.u32 $0x80000000, s23;
	v7 =	vadd.s32 $0xFFFFFFFF, v52;
	[tilespmem:v9+s11+$0x0] =	vst.idx.msk vm8, v34  }
0x10d: {  	v55, _, _ =	vpop (xrf0);
	s25 =	spop (v2sf);
	v7 =	vbroadcast v7, $0x0;
	v54 =	vmov s24;
	v10 =	vadd.s32 v53, v10;
	[tilespmem:v9+s12+$0x0] =	vst.idx.msk vm8, v5  }
0x10e: {  	v56, _, _ =	vpop (xrf0);
	s26 =	sxor.u32 $0x80000000, s25;
	v9 =	vadd.s32 $0xFFFFFFFF, v54;
	[tilespmem:v47+s11+$0x0] =	vst.idx.msk vm6, v34  }
0x10f: {  	v57 =	vmov s26;
	s28 =	spop (v2sf);
	v7 =	vadd.s32 v56, v7;
	v9 =	vbroadcast v9, $0x0;
	[tilespmem:v47+s12+$0x0] =	vst.idx.msk vm6, v5  }
0x110: {  	v6 =	vadd.s32 $0xFFFFFFFF, v57;
	s20 =	sxor.u32 $0x80000000, s28;
	[tilespmem:v4+s11+$0x0] =	vst.idx.msk vm5, v34  }
0x111: {  	v58 =	vbroadcast v6, $0x0;
	v59 =	vmov s20;
	v9 =	vadd.s32 v49, v9;
	[tilespmem:v4+s12+$0x0] =	vst.idx.msk vm5, v5  }
0x112: {  	v60, _, _ =	vpop (xrf0);
	v6 =	vadd.s32 $0xFFFFFFFF, v59;
	[tilespmem:v10+s11+$0x0] =	vst.idx.msk vm3, v34  }
0x113: {  	v6 =	vbroadcast v6, $0x0;
	v4 =	vadd.s32 v60, v58;
	[tilespmem:v10+s12+$0x0] =	vst.idx.msk vm3, v5  }
0x114: {  	[tilespmem:v7+s11+$0x0] =	vst.idx.msk vm7, v34  }
0x115: {  	v6 =	vadd.s32 v55, v6;
	[tilespmem:v7+s12+$0x0] =	vst.idx.msk vm7, v5  }
0x116: {  	[tilespmem:v9+s11+$0x0] =	vst.idx.msk vm4, v34  }
0x117: {  	v61 =	vmpcnt.ones.xlane vm14;
	[tilespmem:v9+s12+$0x0] =	vst.idx.msk vm4, v5  }
0x118: {  	v62 =	vmpcnt.ones.xlane vm13;
	[tilespmem:v4+s11+$0x0] =	vst.idx.msk vm14, v34  }
0x119: {  	v63 =	vadd.s32 v2, v61;
	[tilespmem:v4+s12+$0x0] =	vst.idx.msk vm14, v5  }
0x11a: {  	v2 =	vadd.s32 v2, v62;
	v3 =	vsel vm15, v3, v63;
	[tilespmem:v6+s11+$0x0] =	vst.idx.msk vm13, v34  }
0x11b: {  	v2 =	vsel vm0, v3, v2;
	[tilespmem:v6+s12+$0x0] =	vst.idx.msk vm13, v5  }
0x11c: {  	s30 =	simm.s32 $0x0;
	[tilespmem:$0xD180] =	vst v2  }
0x11d: {  	v2 =	vld [tilespmem:s30+$0x6000]  }
0x11e: {  	s29 =	sand.u32 $0xFE00, s19  }
0x11f: {  	s31 =	sand.u32 $0x70, s19;
	s20 =	sshrl.u32 s29, $0x2  }
0x120: {  	vm9 =	vmmov vm10;
	s19 =	simm.s32 $0x10;
	s20 =	sor.u32 s31, s20  }
.LBB2_8:
0x121: {  	s21 =	sshra.s32 s18, $0x2  }
0x122: {  	p0 =	sne.s32 s19, $0x37F0;
	[tilespmem:s20+$0x9800] =	vst v2;
	s20 =	smov.u32 s19;
	s19 =	sadd.s32 $0x10, s19  }
.Ltmp3:
0x123: {  	v2 =	vld [tilespmem:s21+$0x6000];
	(pc) =	sbr.rel @p0 .LBB2_8-.Ltmp3, $4  }
0x124: {  	_ = 	snop  }
0x125: {  	s21 =	sand.u32 $0xFE00, s18  }
0x126: {  	s20 =	sand.u32 $0x70, s20;
	s21 =	sshrl.u32 s21, $0x2  }
0x127: {  	s18 =	sadd.s32 $0x40, s18;
	s20 =	sor.u32 s20, s21  }
0x128: {  	[tilespmem:s20+$0x9800] =	vst v2  }
0x129: {  	[hbm4b:s5+s13] =	stream.strided.scatter [tilespmem:s11], [sflag:$0x1], $0x3800, s14, s13, $0x38;
	[tilespmem:$0xD200] =	vst v63  }
0x12a: {  	_ =	swait.ge [sflag:s9], $0x3800  }
0x12b: {  	[sflag:s9] =	ssyncset.done $0x0  }
0x12c: {  	[sflag:s9] =	ssyncadd.s32 $0xFFFFC800  }
0x12d: {  	[hbm4b:s6+s2] =	stream.linear.scatter [tilespmem:s15], [sflag:$0x1], $0x3800, $0x38;
	[tilespmem:$0xD200] =	vst v63  }
0x12e: {  	_ =	swait.ge [sflag:s9], $0x3800  }
0x12f: {  	[sflag:s9] =	ssyncset.done $0x0  }
0x130: {  	[sflag:s9] =	ssyncadd.s32 $0xFFFFC800  }
0x131: {  	[hbm4b:s7+s2] =	stream.linear.scatter [tilespmem:s16], [sflag:$0x1], $0x100, $0x38;
	[tilespmem:$0xD200] =	vst v63  }
0x132: {  	s17 =	sadd.s32 $0x1, s17;
	_ =	swait.ge [sflag:s9], $0x100  }
0x133: {  	p0 =	sne.s32 s17, s8;
	v2 =	vld [tilespmem:$0x1FFF0]  }
.Ltmp4:
0x134: {  	_ = 	snop;
	(pc) =	sbr.rel @p0 .LBB2_1-.Ltmp4, $4  }
0x135: {  	_ = 	snop  }
0x136: {  	vm8 =	vcmask $0x314  }
0x137: {  	vm11 =	vcmask $0x714;
	vm12 =	vcmask $0xB14;
	vm14 =	vcmask $0x131C;
	[sflag:s9] =	ssyncset.done $0x0  }
0x138: {  	vm10 =	vmmov vm2;
	vm3 =	vcmask $0x1B24;
	[sflag:s9] =	ssyncadd.s32 $0xFFFFFF00;
	vm13 =	vnez.u8 v2  }
0x139: {  	_ =	sfence.sel $0x180000  }
0x13a: {  	[bflag:$0x0] =	sbarrier.arrive $0xFFFF  }
0x13b: {  	p0 =	sne.s32 s1, $0x0;
	_ =	strace $0x9000004A  }
0x13c: {  	s0 =	sadd.s32 @!p0 $0x100000, s0;
	[bflag:$0x2] =	sbarrier.arrive $0xFFFF  }
0x13d: {  	[sflag:s0] =	ssyncadd.tile.s32 @!p0 $0x1;
	_ =	shalt  }
.Lfunc_end2:
_tile_overlayer_lowered:
.L_overlay_start_2:
0x13e: {  	(tag) =	ssettag $0x2  }
0x13f: {  	s0 =	rddreg [dreg:$0x0];
	s2 =	stileid.u32  }
0x140: {  	s1 =	rddreg [dreg:$0x1];
	p0 =	sne.s32 s2, $0x0  }
0x141: {  	s3 =	rddreg [dreg:$0x2];
	[bflag:$0x3] =	sbarrier.arrive $0xFFFF;
	s2 =	simm.s32 @!p0 $0x1C01  }
0x142: {  	[timem:s3], [sflag:s2] =	dma.local @!p0 [hbm:s0], s1  }
0x143: {  	s0 =	simm.s32 @!p0 $0x1  }
0x144: {  	_ =	swait.ge @!p0 [sflag:s0], s1  }
0x145: {  	s1 =	ssub.s32 @!p0 $0x0, s1;
	[sflag:s0] =	ssyncset.done @!p0 $0x0  }
0x146: {  	[sflag:s0] =	ssyncadd.s32 @!p0 s1  }
0x147: {  	[bflag:$0x3] =	sbarrier.arrive $0xFFFF  }
0x148: {  	_ =	shalt  }

// kernel: kernel.15.cloned.1.call-start
scs
__scs_entry_jumppad:
0x0: {  	(pc) =	sbr.rel $0x88, $3  }
0x1: {  	(tag) =	ssettag $0x0;
	lr =	simm.s32 $0x1  }
0x2: {  	[smem:$0x3F9B] =	sst lr;
	_ =	strace $0xD0000000  }
0x3: {  	_ = 	snop  }
0x4: {  	_ = 	snop  }
0x5: {  	_ = 	snop  }
0x6: {  	_ = 	snop  }
0x7: {  	_ = 	snop  }
__scs_overlays_trampoline_lowered:
0x8: {  	[smem:$0x3FAA] =	sst s0  }
0x9: {  	[smem:$0x3FAB] =	sst s1  }
0xa: {  	[smem:$0x3FAC] =	sst s2  }
0xb: {  	[smem:$0x3FAD] =	sst s3  }
0xc: {  	[smem:$0x3FAE] =	sst s4  }
0xd: {  	[smem:$0x3FAF] =	sst s5  }
0xe: {  	[smem:$0x3FB0] =	sst s6  }
0xf: {  	[smem:$0x3FB1] =	sst s7  }
0x10: {  	[smem:$0x3FB2] =	sst s8  }
0x11: {  	[smem:$0x3FB3] =	sst s9;
	s0 =	simm.s32 @!p0 $0x0  }
0x12: {  	s1 =	sld [smem:$0x3F99];
	s0 =	simm.s32 @p0 $0x1  }
0x13: {  	[smem:$0x3FB4] =	sst s0;
	s0 =	simm.s32 @!p1 $0x0  }
0x14: {  	s2 =	sld [smem:$0x3F98];
	s0 =	simm.s32 @p1 $0x1  }
0x15: {  	[smem:$0x3FB5] =	sst s0;
	s0 =	simm.s32 @!p2 $0x0  }
0x16: {  	s3 =	sld [smem:$0x3FDB];
	s0 =	simm.s32 @p2 $0x1  }
0x17: {  	s4 =	simm.s32 $0x1BF5;
	[smem:$0x3FB7] =	sst s0  }
0x18: {  	s0 =	sld [smem:$0x3F9A];
	_ =	swait.ge [sflag:s4], $0x0  }
0x19: {  	s7 =	sld [smem:$0x3F9B]  }
0x1a: {  	s8 =	sadd.s32 $0xFFFFE003, lr  }
0x1b: {  	s9 =	sadd.s32 $0xFFFFFEF7, lr;
	s5 =	simm.s32 $0xFFFFFFFF;
	p2 =	slt.u32 s8, $0xFFFFF086  }
0x1c: {  	p1 =	slt.u32 s9, $0xF7A;
	s5 =	simm.s32 @!p2 $0x0  }
0x1d: {  	s5 =	simm.s32 @p1 $0x1;
	p0 =	seq.s32 s7, s2  }
0x1e: {  	s7 =	smul.u32 @!p0 $0xF7A, s2;
	p2 =	seq.s32 @!p0 s5, $0x0  }
0x1f: {  	s9 =	smul.u32 $0xF7A, s1;
	s8 =	simm.s32 @!p0 $0x1BF5;
	p2 =	por !p2, p0  }
0x20: {  	[sflag:s8] =	ssyncset.s32 @!p0 $0xFFFFF086;
	s6 =	sadd.s32 @!p0 s3, s7;
	s7 =	simm.s32 @!p0 $0x108  }
0x21: {  	s3 =	sadd.s32 s3, s9;
	s6 =	sadd.s32 @!p0 $0x88, s6;
	s7 =	simm.s32 @p2 $0x1082  }
0x22: {  	[simem:s7], [sflag:s8] =	dma.local @!p0 [hbm:s6], $0xF7A  }
0x23: {  	s9 =	sor.u32 $0xD0000000, s2;
	s6 =	simm.s32 $0x108;
	_ =	swait.ge @!p0 [sflag:s8], $0x0  }
0x24: {  	s3 =	sadd.s32 $0x88, s3;
	s6 =	simm.s32 @!p1 $0x1082;
	[sflag:s4] =	ssyncset.s32 $0xFFFFF086  }
0x25: {  	[simem:s6], [sflag:s4] =	dma.local [hbm:s3], $0xF7A  }
0x26: {  	[smem:$0x3F9B] =	sst s1;
	(tag) =	ssettag s2;
	_ =	strace s9  }
0x27: {  	s1 =	sld [smem:$0x3FAB]  }
0x28: {  	s2 =	sld [smem:$0x3FAC]  }
0x29: {  	s4 =	sld [smem:$0x3FAE]  }
0x2a: {  	p0 =	seq.s32 s5, $0x0;
	s5 =	sld [smem:$0x3FAF]  }
0x2b: {  	s6 =	sld [smem:$0x3FB0]  }
0x2c: {  	s7 =	sld [smem:$0x3FB1]  }
0x2d: {  	s3 =	simm.s32 $0x108;
	s8 =	sld [smem:$0x3FB2]  }
0x2e: {  	s3 =	simm.s32 @!p0 $0x1082;
	s9 =	sld [smem:$0x3FB3]  }
0x2f: {  	lr =	sadd.s32 s0, s3;
	s0 =	sld [smem:$0x3FAA]  }
0x30: {  	s3 =	sld [smem:$0x3FAD]  }
0x31: {  	[smem:$0x3FB6] =	sst s10  }
0x32: {  	s10 =	sld [smem:$0x3FB4];
	_ =	sdelay $0x3  }
0x33: {  	p0 =	seq.s32 s10, $0x1;
	s10 =	sld [smem:$0x3FB6];
	_ =	sdelay $0x3  }
0x34: {  	[smem:$0x3FB6] =	sst s10  }
0x35: {  	s10 =	sld [smem:$0x3FB5];
	_ =	sdelay $0x3  }
0x36: {  	p1 =	seq.s32 s10, $0x1;
	s10 =	sld [smem:$0x3FB6];
	_ =	sdelay $0x3  }
0x37: {  	[smem:$0x3FB6] =	sst s10  }
0x38: {  	s10 =	sld [smem:$0x3FB7]  }
0x39: {  	_ = 	snop;
	(pc) =	sbr.ind lr, $3  }
0x3a: {  	_ = 	snop  }
0x3b: {  	_ = 	snop  }
0x3c: {  	p2 =	seq.s32 s10, $0x1;
	s10 =	sld [smem:$0x3FB6]  }
0x3d: {  	_ =	shalt  }
0x3e: {  	_ =	shalt  }
0x3f: {  	_ =	shalt  }
0x40: {  	_ =	shalt  }
0x41: {  	_ =	shalt  }
0x42: {  	_ =	shalt  }
0x43: {  	_ =	shalt  }
0x44: {  	_ =	shalt  }
0x45: {  	_ =	shalt  }
0x46: {  	_ =	shalt  }
0x47: {  	_ =	shalt  }
0x48: {  	_ =	shalt  }
0x49: {  	_ =	shalt  }
0x4a: {  	_ =	shalt  }
0x4b: {  	_ =	shalt  }
0x4c: {  	_ =	shalt  }
0x4d: {  	_ =	shalt  }
0x4e: {  	_ =	shalt  }
0x4f: {  	_ =	shalt  }
0x50: {  	_ =	shalt  }
0x51: {  	_ =	shalt  }
0x52: {  	_ =	shalt  }
0x53: {  	_ =	shalt  }
0x54: {  	_ =	shalt  }
0x55: {  	_ =	shalt  }
0x56: {  	_ =	shalt  }
0x57: {  	_ =	shalt  }
0x58: {  	_ =	shalt  }
0x59: {  	_ =	shalt  }
0x5a: {  	_ =	shalt  }
0x5b: {  	_ =	shalt  }
0x5c: {  	_ =	shalt  }
0x5d: {  	_ =	shalt  }
0x5e: {  	_ =	shalt  }
0x5f: {  	_ =	shalt  }
0x60: {  	_ =	shalt  }
0x61: {  	_ =	shalt  }
0x62: {  	_ =	shalt  }
0x63: {  	_ =	shalt  }
0x64: {  	_ =	shalt  }
0x65: {  	_ =	shalt  }
0x66: {  	_ =	shalt  }
0x67: {  	_ =	shalt  }
0x68: {  	_ =	shalt  }
0x69: {  	_ =	shalt  }
0x6a: {  	_ =	shalt  }
0x6b: {  	_ =	shalt  }
0x6c: {  	_ =	shalt  }
0x6d: {  	_ =	shalt  }
0x6e: {  	_ =	shalt  }
0x6f: {  	_ =	shalt  }
0x70: {  	_ =	shalt  }
0x71: {  	_ =	shalt  }
0x72: {  	_ =	shalt  }
0x73: {  	_ =	shalt  }
0x74: {  	_ =	shalt  }
0x75: {  	_ =	shalt  }
0x76: {  	_ =	shalt  }
0x77: {  	_ =	shalt  }
0x78: {  	_ =	shalt  }
0x79: {  	_ =	shalt  }
0x7a: {  	_ =	shalt  }
0x7b: {  	_ =	shalt  }
0x7c: {  	_ =	shalt  }
0x7d: {  	_ =	shalt  }
0x7e: {  	_ =	shalt  }
0x7f: {  	_ =	shalt  }
0x80: {  	_ =	shalt  }
0x81: {  	_ =	shalt  }
0x82: {  	_ =	shalt  }
0x83: {  	_ =	shalt  }
0x84: {  	_ =	shalt  }
0x85: {  	_ =	shalt  }
0x86: {  	_ =	shalt  }
0x87: {  	_ =	shalt  }
.Lfunc_end0:
.L_simem_size_0:
called_computation.2_lowered:
.L_overlay_start_0:
0x88: {  	s2 =	sld [smem:$0x3FD9]  }
0x89: {  	s3 =	sld [smem:$0x3FFE];
	_ =	sdelay $0x1  }
0x8a: {  	s1 =	srdreg.scid  }
0x8b: {  	s0 =	sand.u32 $0x1, s1  }
0x8c: {  	s17 =	sshll.u32 s0, $0xA;
	s2 =	sadd.s32 s3, s2  }
0x8d: {  	s2 =	sadd.s32 s2, s17  }
0x8e: {  	[smem:$0x3FC2] =	sst s2  }
0x8f: {  	_ = 	snop  }
0x90: {  	s2 =	sld [smem:$0x3FD0];
	(tm) =	ssettm $0x1  }
0x91: {  	s18 =	sld [smem:$0x3FFB];
	_ =	sdelay $0x3  }
0x92: {  	_ =	strace s18  }
0x93: {  	s3 =	sld [smem:$0x3FFC];
	_ =	sdelay $0x3  }
0x94: {  	_ =	strace s3  }
0x95: {  	s3 =	sld [smem:$0x3FFD];
	_ =	sdelay $0x3  }
0x96: {  	_ =	strace s3  }
0x97: {  	_ =	strace $0x8FFFFFFF  }
0x98: {  	s19 =	sld [smem:$0x3FDB];
	_ =	sdelay $0x1  }
0x99: {  	s4 =	simm.s32 $_scs_section_size  }
0x9a: {  	s5 =	simm.s32 $_size__tile_overlayer_lowered;
	s6 =	simm.s32 $_tile_overlayer_lowered  }
0x9b: {  	s22 =	simm.s32 $0x1BFF;
	s21 =	sshll.u32 s6, $0x1;
	s3 =	sadd.s32 s4, s19  }
0x9c: {  	s7 =	simm.s32 $0x0;
	s20 =	sshll.u32 s5, $0x1;
	s5 =	sadd.s32 s21, s3  }
0x9d: {  	[timem:s7], [sflag:s22] =	dma.local [hbm:s5], s20  }
0x9e: {  	_ =	swait.ge [sflag:s22], s20  }
0x9f: {  	s4 =	ssub.s32 $0x0, s20;
	[sflag:s22] =	ssyncset.done $0x0  }
0xa0: {  	[sflag:s22] =	ssyncadd.s32 s4;
	_ =	sdelay $0x1  }
0xa1: {  	s23 =	simm.s32 $0x1B8B  }
0xa2: {  	_ =	swait.ge [sflag:s23], $0x1  }
0xa3: {  	[sflag:s23] =	ssyncset.done $0x0  }
0xa4: {  	s25 =	simm.s32 $0x1B8E;
	s24 =	sld [smem:$0x3FFE];
	[sflag:s23] =	ssyncadd.s32 $0xFFFFFFFF  }
0xa5: {  	s26 =	simm.s32 $execute0_lowered;
	[smem:$0x3FD2] =	sst s25  }
0xa6: {  	s5 =	sshll.u32 s26, $0x1;
	_ =	strace $0x8000004C;
	[dreg:$0x1] =	wrdreg $0xFFFFFFFF  }
0xa7: {  	s28 =	simm.s32 $_size_execute0_lowered;
	s3 =	sadd.s32 s3, s5;
	[dreg:$0x0] =	wrdreg $0x0  }
0xa8: {  	s5 =	sshll.u32 s28, $0x1;
	[dreg:$0x2] =	wrdreg s3  }
0xa9: {  	[dreg:$0x3] =	wrdreg s5  }
0xaa: {  	[dreg:$0x4] =	wrdreg $0xC0  }
0xab: {  	_ =	task [dreg:s7], $0x5FFFF  }
0xac: {  	[dreg:$0x1] =	wrdreg $0xFFFFFFFF  }
0xad: {  	[dreg:$0x0] =	wrdreg $0x60  }
0xae: {  	[dreg:$0x2] =	wrdreg s24  }
0xaf: {  	[dreg:$0x3] =	wrdreg s2  }
0xb0: {  	[dreg:$0x4] =	wrdreg $0x8A000  }
0xb1: {  	[dreg:$0x5] =	wrdreg $0x1CA000  }
0xb2: {  	[dreg:$0x6] =	wrdreg $0x9  }
0xb3: {  	_ =	task.clear_ibuf [dreg:s7], $0x7FFFF;
	_ =	strace $0x9000004C  }
0xb4: {  	s29 =	simm.s32 $0x9;
	_ =	strace $0x8000004E  }
0xb5: {  	_ =	swait.ge [sflag:s29], $0x1  }
0xb6: {  	[sflag:s29] =	ssyncadd.s32 $0xFFFFFFFF  }
0xb7: {  	_ =	strace $0x9000004E  }
0xb8: {  	_ =	sfence  }
0xb9: {  	s30 =	sld [smem:$0x0];
	_ =	sdelay $0x2  }
0xba: {  	s31 =	sshll.u32 s1, $0xD;
	s1 =	sshrl.u32 s1, $0x2  }
0xbb: {  	s3 =	sand.u32 $0x4000, s31;
	s1 =	sadd.s32 s1, s30  }
0xbc: {  	s0 =	sor.u32 s3, s0;
	s1 =	sshll.u32 s1, $0x11  }
0xbd: {  	s0 =	sor.u32 s1, s0  }
0xbe: {  	s0 =	sadd.s32 $0x8F2B, s0  }
0xbf: {  	[sflag:s0] =	ssyncadd.remote.s32 $0x1  }
0xc0: {  	_ =	sfence.sel $0xFFFF  }
0xc1: {  	[dreg:$0x0] =	wrdreg $0xFFFFFFFF;
	(pc) =	sbr.abs _section_cstart, $3  }
0xc2: {  	[dreg:$0x1] =	wrdreg $0xFFFFFFFF  }
0xc3: {  	_ =	task.clear_ibuf [dreg:s7], $0x2FFFF;
	_ =	strace $0x9FFFFFFF  }
0xc4: {  	(tm) =	ssettm $0x7FFFFFFF  }
0xc5: {  	_ =	shalt  }
tec
execute0_lowered:
.L_overlay_start_1:
0x0: {  	(tag) =	ssettag $0x1  }
0x1: {  	s0 =	rddreg [dreg:$0x0]  }
0x2: {  	s3 =	rddreg [dreg:$0x1]  }
0x3: {  	s1 =	rddreg [dreg:$0x2]  }
0x4: {  	s2 =	rddreg [dreg:$0x3]  }
0x5: {  	s4 =	simm.s32 $0x0;
	s25 =	srdreg.scid;
	s15 =	stileid.u32  }
0x6: {  	s28 =	simm.s32 $0x2;
	s29 =	simm.s32 $0x580;
	s30 =	simm.s32 $0x4A00  }
0x7: {  	s31 =	simm.s32 $0x600;
	[smem:$0x7FF] =	sst s4;
	s9 =	smul.u32 $0x50000, s15  }
0x8: {  	s4 =	sand.u32 $0x1, s25;
	s5 =	sadd.s32 $0x60600, s0;
	s11 =	smul.u32 $0x2800, s15  }
0x9: {  	s6 =	sshll.u32 s15, $0x6;
	s10 =	sadd.s32 $0x5B600, s0;
	s14 =	smul.u32 $0x9000, s15  }
0xa: {  	s18 =	sshrl.u32 s15, $0x2;
	s19 =	sshllo.u32 s15, $0x1;
	s20 =	sshll.u32 s15, $0x8  }
0xb: {  	s22 =	sshll.u32 s15, $0xD;
	s23 =	sshll.u32 s15, $0xA;
	_ =	strace $0x8000004D  }
0xc: {  	s7 =	smul.u32 $0x28000, s4;
	s8 =	sadd.s32 s6, s0;
	[dreg:$0x5] =	wrdreg s10  }
0xd: {  	s4 =	ssub.s32 $0x2, s4;
	s21 =	sshll.u32 s19, $0x7;
	[dreg:$0xa] =	wrdreg s23  }
0xe: {  	s23 =	simm.s32 $0xA00;
	s26 =	sshrl.u32 s4, $0x1;
	s10 =	sshrl.u32 s9, $0x2  }
0xf: {  	s16 =	sadd.s32 $0x6E600, s8;
	s17 =	sshrl.u32 s14, $0x2;
	s8 =	smul.u32 $0x1C000, s18  }
0x10: {  	s14 =	smul.u32 $0x700, s19;
	s0 =	sadd.s32 s7, s0;
	s4 =	ssub.s32 s4, s26  }
0x11: {  	s13 =	sadd.s32 s10, s1;
	[dreg:$0x8] =	wrdreg s16;
	s10 =	sand.u32 $0x300, s20  }
0x12: {  	s20 =	simm.s32 $0x1;
	s12 =	sadd.s32 s11, s0;
	s11 =	sand.u32 $0x380, s21  }
0x13: {  	s10 =	sor.u32 s10, s8;
	s0 =	sadd.s32 $0x10EA00, s0;
	s24 =	smax.u32 s4, $0x1  }
0x14: {  	s25 =	sshrl.u32 s13, $0x3;
	s21 =	simm.s32 $0x80;
	s4 =	simm.s32 $0x0  }
0x15: {  	s7 =	sadd.s32 $0xBEA00, s12;
	s12 =	smul.u32 $0xE00, s15;
	[dreg:$0x9] =	wrdreg s0  }
0x16: {  	s8 =	sor.u32 s8, s11;
	s10 =	sshrl.u32 s10, $0x3;
	[dreg:$0xb] =	wrdreg s24  }
0x17: {  	s0 =	sadd.s32 s22, s2;
	[dreg:$0xc] =	wrdreg s25;
	s22 =	simm.s32 $0x500  }
0x18: {  	s24 =	simm.s32 $0x4;
	[dreg:$0x6] =	wrdreg s7;
	s7 =	sor.u32 $0x1C03, s6  }
.Ltmp0:
0x19: {  	s6 =	sadd.s32 s17, s2;
	s8 =	sshrl.u32 s8, $0x3;
	(pc) =	sbr.rel .LBB2_1-.Ltmp0, $4  }
0x1a: {  	s9 =	sadd.s32 s3, s10;
	s17 =	simm.s32 $0x3;
	s0 =	sshrl.u32 s0, $0x3  }
0x1b: {  	s10 =	sadd.s32 s5, s12;
	s11 =	sadd.s32 s3, s8;
	[dreg:$0xe] =	wrdreg s0  }
0x1c: {  	s12 =	sadd.s32 s5, s14;
	s26 =	sshrl.u32 s6, $0x3;
	[dreg:$0x7] =	wrdreg s7  }
0x1d: {  	v0 =	vlaneseq.u32;
	s3 =	simm.s32 $0x680;
	[dreg:$0xd] =	wrdreg s26;
	s26 =	simm.s32 $0x200  }
.LBB2_25:
0x1e: {  	s4 =	rddreg [dreg:$0xf]  }
0x1f: {  	s0 =	rddreg [dreg:$0xb];
	s4 =	sadd.s32 $0x1, s4  }
0x20: {  	p0 =	sne.s32 s4, s0  }
.Ltmp1:
0x21: {  	_ = 	snop;
	(pc) =	sbr.rel @!p0 .LBB2_26-.Ltmp1, $1  }
0x22: {  	_ =	sdelay $0x3  }
.LBB2_1:
0x23: {  	[dreg:$0xf] =	wrdreg s4  }
0x24: {  	s0 =	rddreg [dreg:$0x6]  }
0x25: {  	s18 =	rddreg [dreg:$0xc]  }
0x26: {  	[spmem:s18], [sflag:s7] =	dma.local [hbm:s0], $0x2800  }
0x27: {  	_ =	swait.ge [sflag:s17], $0x2800  }
0x28: {  	s19 =	simm.s32 $0x0;
	s5 =	simm.s32 $0x800;
	[sflag:s17] =	ssyncset.done $0x0  }
.Ltmp2:
0x29: {  	s25 =	rddreg [dreg:$0x8];
	[sflag:s17] =	ssyncadd.s32 $0xFFFFD800;
	(pc) =	sbr.rel .LBB2_2-.Ltmp2, $4  }
0x2a: {  	[tilespmem:s5], [sflag:$0x3] =	stream.linear.gather [hbm4b:s25+s19], $0x200, $0x38;
	[tilespmem:$0x1EE00] =	vst v63  }
0x2b: {  	_ =	swait.ge [sflag:s17], $0x200  }
0x2c: {  	[sflag:s17] =	ssyncset.done $0x0  }
0x2d: {  	s18 =	simm.s32 $0x0;
	[sflag:s17] =	ssyncadd.s32 $0xFFFFFE00  }
.LBB2_24:
0x2e: {  	s4 =	rddreg [dreg:$0xa];
	[bflag:$0x0] =	sbarrier.arrive $0xFFFF  }
0x2f: {  	s0 =	sshll.u32 s18, $0xE;
	s19 =	rddreg [dreg:$0x9]  }
0x30: {  	s18 =	sadd.s32 $0x1, s18;
	s0 =	sor.u32 s4, s0;
	s7 =	rddreg [dreg:$0x7]  }
0x31: {  	s25 =	rddreg [dreg:$0xe];
	p0 =	sne.s32 s18, $0xA;
	s0 =	sadd.s32 s19, s0  }
0x32: {  	[hbm:s0], [sflag:s7] =	dma.local [spmem:s25], $0x400  }
.Ltmp3:
0x33: {  	_ =	swait.ge [sflag:s17], $0x400;
	(pc) =	sbr.rel @!p0 .LBB2_25-.Ltmp3, $3  }
0x34: {  	[sflag:s17] =	ssyncset.done $0x0  }
0x35: {  	[sflag:s17] =	ssyncadd.s32 $0xFFFFFC00  }
0x36: {  	[bflag:$0x0] =	sbarrier.arrive $0xFFFF;
	_ =	sdelay $0x1  }
.LBB2_2:
0x37: {  	s0 =	rddreg [dreg:$0x5]  }
0x38: {  	s4 =	rddreg [dreg:$0xd]  }
0x39: {  	[spmem:s4], [sflag:s7] =	dma.local [hbm:s0], $0x480  }
0x3a: {  	_ =	swait.ge [sflag:s17], $0x480  }
0x3b: {  	[sflag:s17] =	ssyncset.done $0x0  }
0x3c: {  	[sflag:s17] =	ssyncadd.s32 $0xFFFFFB80  }
0x3d: {  	[bflag:$0x0] =	sbarrier.arrive $0xFFFF  }
0x3e: {  	v1 =	vld [tilespmem:$0x800]  }
0x3f: {  	v2 =	vld [tilespmem:$0x880];
	_ =	sdelay $0x2  }
0x40: {  	v3 =	vmov s18  }
0x41: {  	vm0 =	veq.s32 v3, v0;
	v1 =	vxor.u32 $0x80000000, v1  }
0x42: {  	v2 =	vxor.u32 $0x80000000, v2;
	v1 =	vnsel vm0, $0x80000000, v1  }
0x43: {  	(xrf0) =	vmax.scan.msk.u32 $0xffff, v1;
	v1 =	vnsel vm0, $0x80000000, v2  }
0x44: {  	(xrf0) =	vmax.scan.msk.u32 $0xffff, v1;
	_ =	sdelay $0x4  }
0x45: {  	v1, _, _ =	vpop (xrf0)  }
0x46: {  	(v2sf) =	vpush v1, $0xF;
	v1, _, _ =	vpop (xrf0)  }
0x47: {  	(v2sf) =	vpush v1, $0xF;
	_ =	sdelay $0xb  }
.Ltmp4:
0x48: {  	_ = 	snop;
	(pc) =	sbr.rel .LBB2_3-.Ltmp4, $4  }
0x49: {  	_ = 	snop  }
0x4a: {  	s4 =	simm.s32 $0x0;
	s25 =	spop (v2sf)  }
0x4b: {  	s6 =	spop (v2sf);
	s5 =	sxor.u32 $0x80000000, s25;
	s16 =	ssub.s32 $0x0, s25  }
0x4c: {  	s8 =	sshll.u32 s6, $0x4;
	s15 =	sshll.u32 s6, $0x7;
	s6 =	smov.u32 s5  }
.LBB2_9:
0x4d: {  	s0 =	simm.s32 $0x300  }
0x4e: {  	[tilespmem:s23], [sflag:$0x1] =	stream.indirect.gather [spmem:s1], $0x80, s0, s21, $0xb8;
	[tilespmem:$0x1EE00] =	vst v63  }
.LBB2_11:
0x4f: {  	_ =	swait.ge [sflag:s28], $0x4000  }
0x50: {  	[sflag:s28] =	ssyncset.done $0x0  }
0x51: {  	s0 =	sadd.s32 @!p0 $0x80000007, s13;
	[sflag:s28] =	ssyncadd.s32 $0xFFFFC000  }
0x52: {  	[spmem:s2] =	stream.indirect.scatter.add.f32 [tilespmem:s30], [sflag:$0x3], $0x80, s3, s21, $0xb8;
	[tilespmem:$0x1EE00] =	vst v63  }
0x53: {  	p2 =	seq.s32 @!p1 s0, $0x0;
	_ =	swait.ge [sflag:s17], $0x4000  }
0x54: {  	p0 =	por !p2, p1;
	[sflag:s17] =	ssyncset.done $0x0  }
0x55: {  	s0 =	simm.s32 @!p0 $0x1;
	[sflag:s17] =	ssyncadd.s32 $0xFFFFC000  }
0x56: {  	_ =	swait.ge @!p0 [sflag:s0], $0x4000  }
0x57: {  	p2 =	por p2, p1;
	s7 =	simm.s32 @!p0 $0x700;
	[sflag:s0] =	ssyncset.done @!p0 $0x0  }
0x58: {  	s13 =	simm.s32 @!p0 $0xA00;
	[sflag:s0] =	ssyncadd.s32 @!p0 $0xFFFFC000;
	s0 =	simm.s32 @!p0 $0x80  }
0x59: {  	[spmem:s2] =	stream.indirect.scatter.add.f32 @!p0 [tilespmem:s13], [sflag:$0x4], $0x80, s7, s0, $0xb8;
	[tilespmem:$0x1EE00] =	vst v63  }
0x5a: {  	s0 =	simm.s32 @!p2 $0x80;
	s7 =	simm.s32 @!p2 $0x380;
	s13 =	simm.s32 @!p2 $0x4A00  }
0x5b: {  	[tilespmem:s13], [sflag:$0x2] =	stream.indirect.gather @!p2 [spmem:s1], $0x80, s7, s0, $0xb8;
	[tilespmem:$0x1EE00] =	vst v63  }
0x5c: {  	s7 =	simm.s32 @!p2 $0x1  }
0x5d: {  	_ =	swait.ge @!p2 [sflag:s7], $0x4000  }
0x5e: {  	[sflag:s7] =	ssyncset.done @!p2 $0x0  }
0x5f: {  	s14 =	simm.s32 @!p2 $0xA00;
	[sflag:s7] =	ssyncadd.s32 @!p2 $0xFFFFC000;
	s7 =	simm.s32 @!p2 $0x700  }
0x60: {  	[spmem:s2] =	stream.indirect.scatter.add.f32 @!p2 [tilespmem:s14], [sflag:$0x4], $0x80, s7, s0, $0xb8;
	[tilespmem:$0x1EE00] =	vst v63  }
0x61: {  	s7 =	simm.s32 @!p2 $0x4  }
0x62: {  	_ =	swait.ge @!p2 [sflag:s7], $0x4000  }
0x63: {  	[sflag:s7] =	ssyncset.done @!p2 $0x0  }
0x64: {  	[sflag:s7] =	ssyncadd.s32 @!p2 $0xFFFFC000;
	s7 =	simm.s32 @!p2 $0x2  }
0x65: {  	_ =	swait.ge @!p2 [sflag:s7], $0x4000  }
0x66: {  	s14 =	simm.s32 @!p0 $0x4;
	[sflag:s7] =	ssyncset.done @!p2 $0x0  }
0x67: {  	s14 =	simm.s32 @p0 $0x3;
	[sflag:s7] =	ssyncadd.s32 @!p2 $0xFFFFC000;
	s7 =	simm.s32 @!p2 $0x780  }
0x68: {  	[spmem:s2] =	stream.indirect.scatter.add.f32 @!p2 [tilespmem:s13], [sflag:$0x3], $0x80, s7, s0, $0xb8;
	[tilespmem:$0x1EE00] =	vst v63  }
0x69: {  	_ =	swait.ge @!p1 [sflag:s14], $0x4000  }
0x6a: {  	[sflag:s14] =	ssyncset.done @!p1 $0x0  }
0x6b: {  	[sflag:s14] =	ssyncadd.s32 @!p1 $0xFFFFC000  }
.LBB2_12:
0x6c: {  	s4 =	sadd.s32 $0x8, s4  }
0x6d: {  	p0 =	sne.s32 s4, $0x28  }
.Ltmp5:
0x6e: {  	_ = 	snop;
	(pc) =	sbr.rel @!p0 .LBB2_13-.Ltmp5, $2  }
0x6f: {  	_ =	sdelay $0x2  }
0x70: {  	s8 =	sadd.s32 $0x80, s8;
	s15 =	sadd.s32 $0x400, s15;
	s6 =	sadd.s32 $0xFFFFFFF8, s6  }
.LBB2_3:
0x71: {  	p0 =	sle.s32 s5, s4  }
0x72: {  	s13 =	sand.u32 @!p0 $0x1FFFFC00, s15;
	s14 =	simm.s32 @!p0 $0x80  }
0x73: {  	s19 =	simm.s32 @!p0 $0x400;
	s25 =	simm.s32 @!p0 $0x0;
	s13 =	sadd.s32 @!p0 s13, s9  }
0x74: {  	[tilespmem:s25], [sflag:$0x3] =	stream.strided.gather @!p0 [hbm4b:s13+s14], $0x400, s19, s14, $0x38;
	[tilespmem:$0x1EE00] =	vst v63  }
0x75: {  	s13 =	simm.s32 @!p0 $0x3  }
0x76: {  	_ =	swait.ge @!p0 [sflag:s13], $0x400  }
0x77: {  	[sflag:s13] =	ssyncset.done @!p0 $0x0  }
0x78: {  	s7 =	sadd.s32 @!p0 s8, s10;
	[sflag:s13] =	ssyncadd.s32 @!p0 $0xFFFFFC00  }
0x79: {  	[tilespmem:s19], [sflag:$0x3] =	stream.linear.gather @!p0 [hbm4b:s7+s25], $0x400, $0x38;
	[tilespmem:$0x1EE00] =	vst v63  }
0x7a: {  	_ =	swait.ge @!p0 [sflag:s13], $0x400  }
0x7b: {  	p1 =	slt.s32 @!p0 s6, $0x2;
	[sflag:s13] =	ssyncset.done @!p0 $0x0  }
0x7c: {  	p1 =	por p1, p0;
	s7 =	simm.s32 @!p0 $0xA00;
	[sflag:s13] =	ssyncadd.s32 @!p0 $0xFFFFFC00  }
0x7d: {  	[tilespmem:s7], [sflag:$0x1] =	stream.indirect.gather @!p0 [spmem:s1], $0x80, s25, s14, $0xb8;
	[tilespmem:$0x1EE00] =	vst v63  }
0x7e: {  	s0 =	simm.s32 @!p0 $0x1;
	s13 =	simm.s32 @!p1 $0x80;
	s25 =	simm.s32 @!p1 $0x4A00  }
0x7f: {  	[tilespmem:s25], [sflag:$0x2] =	stream.indirect.gather @!p1 [spmem:s1], $0x80, s13, s13, $0xb8;
	[tilespmem:$0x1EE00] =	vst v63  }
0x80: {  	_ =	swait.ge @!p0 [sflag:s0], $0x4000  }
0x81: {  	[sflag:s0] =	ssyncset.done @!p0 $0x0  }
0x82: {  	p2 =	slt.s32 @!p0 s6, $0x8;
	[sflag:s0] =	ssyncadd.s32 @!p0 $0xFFFFC000  }
0x83: {  	[spmem:s2] =	stream.indirect.scatter.add.f32 @!p0 [tilespmem:s7], [sflag:$0x4], $0x80, s19, s14, $0xb8;
	[tilespmem:$0x1EE00] =	vst v63  }
0x84: {  	p2 =	por !p2, p0;
	s0 =	smov.u32 s6;
	s7 =	simm.s32 @!p0 $0x4  }
0x85: {  	s0 =	simm.s32 @p2 $0x8;
	_ =	swait.ge @!p0 [sflag:s7], $0x4000  }
0x86: {  	p2 =	slt.u32 @!p0 s0, $0x3;
	[sflag:s7] =	ssyncset.done @!p0 $0x0  }
0x87: {  	p2 =	por p2, p0;
	[sflag:s7] =	ssyncadd.s32 @!p0 $0xFFFFC000  }
0x88: {  	s0 =	simm.s32 @!p2 $0x80;
	s7 =	simm.s32 @!p2 $0x100;
	s14 =	simm.s32 @!p2 $0xA00  }
0x89: {  	[tilespmem:s14], [sflag:$0x1] =	stream.indirect.gather @!p2 [spmem:s1], $0x80, s7, s0, $0xb8;
	[tilespmem:$0x1EE00] =	vst v63  }
0x8a: {  	s0 =	simm.s32 @!p1 $0x2  }
0x8b: {  	_ =	swait.ge @!p1 [sflag:s0], $0x4000  }
0x8c: {  	p2 =	slt.s32 @!p0 s6, $0x3;
	[sflag:s0] =	ssyncset.done @!p1 $0x0  }
0x8d: {  	p2 =	por p0, p2;
	[sflag:s0] =	ssyncadd.s32 @!p1 $0xFFFFC000;
	s0 =	simm.s32 @!p1 $0x480  }
0x8e: {  	[spmem:s2] =	stream.indirect.scatter.add.f32 @!p1 [tilespmem:s25], [sflag:$0x3], $0x80, s0, s13, $0xb8;
	[tilespmem:$0x1EE00] =	vst v63  }
.Ltmp6:
0x8f: {  	_ = 	snop;
	(pc) =	sbr.rel @p2 .LBB2_12-.Ltmp6, $4  }
0x90: {  	s0 =	simm.s32 @!p1 $0x3  }
0x91: {  	_ =	swait.ge @!p1 [sflag:s0], $0x4000  }
0x92: {  	[sflag:s0] =	ssyncset.done @!p1 $0x0  }
0x93: {  	[sflag:s0] =	ssyncadd.s32 @!p1 $0xFFFFC000  }
0x94: {  	s13 =	sadd.s32 @!p0 s4, s16  }
0x95: {  	s0 =	sadd.s32 @!p0 $0x80000003, s13  }
0x96: {  	p2 =	seq.s32 s0, $0x0  }
0x97: {  	s0 =	simm.s32 @!p2 $0x80;
	s7 =	simm.s32 @!p2 $0x180;
	s14 =	simm.s32 @!p2 $0x4A00  }
0x98: {  	[tilespmem:s14], [sflag:$0x2] =	stream.indirect.gather @!p2 [spmem:s1], $0x80, s7, s0, $0xb8;
	[tilespmem:$0x1EE00] =	vst v63  }
0x99: {  	_ =	swait.ge [sflag:s20], $0x4000  }
0x9a: {  	p1 =	slt.u32 s6, $0x5;
	[sflag:s20] =	ssyncset.done $0x0  }
.Ltmp7:
0x9b: {  	[sflag:s20] =	ssyncadd.s32 $0xFFFFC000;
	(pc) =	sbr.rel @p1 .LBB2_6-.Ltmp7, $4  }
0x9c: {  	[spmem:s2] =	stream.indirect.scatter.add.f32 [tilespmem:s23], [sflag:$0x4], $0x80, s22, s21, $0xb8;
	[tilespmem:$0x1EE00] =	vst v63  }
0x9d: {  	_ =	swait.ge [sflag:s24], $0x4000  }
0x9e: {  	[sflag:s24] =	ssyncset.done $0x0  }
0x9f: {  	[sflag:s24] =	ssyncadd.s32 $0xFFFFC000  }
.Ltmp8:
0xa0: {  	(pc) =	sbr.rel .LBB2_7-.Ltmp8, $2  }
0xa1: {  	_ =	sdelay $0x2  }
0xa2: {  	[tilespmem:s23], [sflag:$0x1] =	stream.indirect.gather [spmem:s1], $0x80, s26, s21, $0xb8;
	[tilespmem:$0x1EE00] =	vst v63  }
.LBB2_6:
.Ltmp9:
0xa3: {  	(pc) =	sbr.rel @p2 .LBB2_12-.Ltmp9, $1  }
0xa4: {  	_ =	sdelay $0x3  }
.LBB2_7:
0xa5: {  	_ =	swait.ge [sflag:s28], $0x4000  }
0xa6: {  	[sflag:s28] =	ssyncset.done $0x0  }
.Ltmp10:
0xa7: {  	[sflag:s28] =	ssyncadd.s32 $0xFFFFC000;
	(pc) =	sbr.rel @p1 .LBB2_12-.Ltmp10, $4  }
0xa8: {  	[spmem:s2] =	stream.indirect.scatter.add.f32 [tilespmem:s30], [sflag:$0x3], $0x80, s29, s21, $0xb8;
	[tilespmem:$0x1EE00] =	vst v63  }
0xa9: {  	_ =	swait.ge [sflag:s17], $0x4000  }
0xaa: {  	[sflag:s17] =	ssyncset.done $0x0  }
0xab: {  	[sflag:s17] =	ssyncadd.s32 $0xFFFFC000  }
0xac: {  	s0 =	sadd.s32 @!p0 $0x80000005, s13  }
0xad: {  	p2 =	seq.s32 s0, $0x0  }
0xae: {  	s0 =	simm.s32 @!p2 $0x80;
	s7 =	simm.s32 @!p2 $0x280;
	s14 =	simm.s32 @!p2 $0x4A00  }
0xaf: {  	[tilespmem:s14], [sflag:$0x2] =	stream.indirect.gather @!p2 [spmem:s1], $0x80, s7, s0, $0xb8;
	[tilespmem:$0x1EE00] =	vst v63  }
0xb0: {  	_ =	swait.ge [sflag:s20], $0x4000  }
0xb1: {  	p1 =	slt.u32 s6, $0x7;
	[sflag:s20] =	ssyncset.done $0x0  }
.Ltmp11:
0xb2: {  	[sflag:s20] =	ssyncadd.s32 $0xFFFFC000;
	(pc) =	sbr.rel @!p1 .LBB2_9-.Ltmp11, $4  }
0xb3: {  	[spmem:s2] =	stream.indirect.scatter.add.f32 [tilespmem:s23], [sflag:$0x4], $0x80, s31, s21, $0xb8;
	[tilespmem:$0x1EE00] =	vst v63  }
0xb4: {  	_ =	swait.ge [sflag:s24], $0x4000  }
0xb5: {  	[sflag:s24] =	ssyncset.done $0x0  }
0xb6: {  	[sflag:s24] =	ssyncadd.s32 $0xFFFFC000  }
.Ltmp12:
0xb7: {  	(pc) =	sbr.rel @!p2 .LBB2_11-.Ltmp12, $4  }
.Ltmp13:
0xb8: {  	(pc) =	sbr.rel @p2 .LBB2_12-.Ltmp13, $4  }
0xb9: {  	_ = 	snop  }
0xba: {  	_ = 	snop  }
0xbb: {  	_ = 	snop  }
0xbc: {  	_ = 	snop  }
.LBB2_13:
0xbd: {  	v1 =	vld [tilespmem:$0x900]  }
0xbe: {  	v2 =	vld [tilespmem:$0x980];
	_ =	sdelay $0x3  }
0xbf: {  	v1 =	vxor.u32 $0x80000000, v1  }
0xc0: {  	v2 =	vxor.u32 $0x80000000, v2;
	v1 =	vnsel vm0, $0x80000000, v1  }
0xc1: {  	(xrf0) =	vmax.scan.msk.u32 $0xffff, v1;
	v1 =	vnsel vm0, $0x80000000, v2  }
0xc2: {  	(xrf0) =	vmax.scan.msk.u32 $0xffff, v1;
	_ =	sdelay $0x4  }
0xc3: {  	v1, _, _ =	vpop (xrf0)  }
0xc4: {  	(v2sf) =	vpush v1, $0xF;
	v1, _, _ =	vpop (xrf0)  }
0xc5: {  	(v2sf) =	vpush v1, $0xF;
	_ =	sdelay $0xc  }
.Ltmp14:
0xc6: {  	_ = 	snop;
	(pc) =	sbr.rel .LBB2_14-.Ltmp14, $4  }
0xc7: {  	s0 =	spop (v2sf)  }
0xc8: {  	s4 =	spop (v2sf)  }
0xc9: {  	s6 =	sxor.u32 $0x80000000, s0;
	s16 =	ssub.s32 $0x0, s0;
	s8 =	sshll.u32 s4, $0x4  }
0xca: {  	s15 =	sshll.u32 s4, $0x7;
	s4 =	simm.s32 $0x0;
	s5 =	smov.u32 s6  }
.LBB2_20:
0xcb: {  	s0 =	simm.s32 $0x300  }
0xcc: {  	[tilespmem:s23], [sflag:$0x1] =	stream.indirect.gather [spmem:s1], $0x80, s0, s21, $0xb8;
	[tilespmem:$0x1EE00] =	vst v63  }
.LBB2_22:
0xcd: {  	_ =	swait.ge [sflag:s28], $0x4000  }
0xce: {  	[sflag:s28] =	ssyncset.done $0x0  }
0xcf: {  	s0 =	sadd.s32 @!p0 $0x80000007, s13;
	[sflag:s28] =	ssyncadd.s32 $0xFFFFC000  }
0xd0: {  	[spmem:s2] =	stream.indirect.scatter.add.f32 [tilespmem:s30], [sflag:$0x3], $0x80, s3, s21, $0xb8;
	[tilespmem:$0x1EE00] =	vst v63  }
0xd1: {  	p2 =	seq.s32 @!p1 s0, $0x0;
	_ =	swait.ge [sflag:s17], $0x4000  }
0xd2: {  	p0 =	por !p2, p1;
	[sflag:s17] =	ssyncset.done $0x0  }
0xd3: {  	s0 =	simm.s32 @!p0 $0x1;
	[sflag:s17] =	ssyncadd.s32 $0xFFFFC000  }
0xd4: {  	_ =	swait.ge @!p0 [sflag:s0], $0x4000  }
0xd5: {  	p2 =	por p2, p1;
	s7 =	simm.s32 @!p0 $0x700;
	[sflag:s0] =	ssyncset.done @!p0 $0x0  }
0xd6: {  	s13 =	simm.s32 @!p0 $0xA00;
	[sflag:s0] =	ssyncadd.s32 @!p0 $0xFFFFC000;
	s0 =	simm.s32 @!p0 $0x80  }
0xd7: {  	[spmem:s2] =	stream.indirect.scatter.add.f32 @!p0 [tilespmem:s13], [sflag:$0x4], $0x80, s7, s0, $0xb8;
	[tilespmem:$0x1EE00] =	vst v63  }
0xd8: {  	s0 =	simm.s32 @!p2 $0x80;
	s7 =	simm.s32 @!p2 $0x380;
	s13 =	simm.s32 @!p2 $0x4A00  }
0xd9: {  	[tilespmem:s13], [sflag:$0x2] =	stream.indirect.gather @!p2 [spmem:s1], $0x80, s7, s0, $0xb8;
	[tilespmem:$0x1EE00] =	vst v63  }
0xda: {  	s7 =	simm.s32 @!p2 $0x1  }
0xdb: {  	_ =	swait.ge @!p2 [sflag:s7], $0x4000  }
0xdc: {  	[sflag:s7] =	ssyncset.done @!p2 $0x0  }
0xdd: {  	s14 =	simm.s32 @!p2 $0xA00;
	[sflag:s7] =	ssyncadd.s32 @!p2 $0xFFFFC000;
	s7 =	simm.s32 @!p2 $0x700  }
0xde: {  	[spmem:s2] =	stream.indirect.scatter.add.f32 @!p2 [tilespmem:s14], [sflag:$0x4], $0x80, s7, s0, $0xb8;
	[tilespmem:$0x1EE00] =	vst v63  }
0xdf: {  	s7 =	simm.s32 @!p2 $0x4  }
0xe0: {  	_ =	swait.ge @!p2 [sflag:s7], $0x4000  }
0xe1: {  	[sflag:s7] =	ssyncset.done @!p2 $0x0  }
0xe2: {  	[sflag:s7] =	ssyncadd.s32 @!p2 $0xFFFFC000;
	s7 =	simm.s32 @!p2 $0x2  }
0xe3: {  	_ =	swait.ge @!p2 [sflag:s7], $0x4000  }
0xe4: {  	s14 =	simm.s32 @!p0 $0x4;
	[sflag:s7] =	ssyncset.done @!p2 $0x0  }
0xe5: {  	s14 =	simm.s32 @p0 $0x3;
	[sflag:s7] =	ssyncadd.s32 @!p2 $0xFFFFC000;
	s7 =	simm.s32 @!p2 $0x780  }
0xe6: {  	[spmem:s2] =	stream.indirect.scatter.add.f32 @!p2 [tilespmem:s13], [sflag:$0x3], $0x80, s7, s0, $0xb8;
	[tilespmem:$0x1EE00] =	vst v63  }
0xe7: {  	_ =	swait.ge @!p1 [sflag:s14], $0x4000  }
0xe8: {  	[sflag:s14] =	ssyncset.done @!p1 $0x0  }
0xe9: {  	[sflag:s14] =	ssyncadd.s32 @!p1 $0xFFFFC000  }
.LBB2_23:
0xea: {  	s4 =	sadd.s32 $0x8, s4  }
0xeb: {  	p0 =	sne.s32 s4, $0x28  }
.Ltmp15:
0xec: {  	_ = 	snop;
	(pc) =	sbr.rel @!p0 .LBB2_24-.Ltmp15, $2  }
0xed: {  	_ =	sdelay $0x2  }
0xee: {  	s8 =	sadd.s32 $0x80, s8;
	s15 =	sadd.s32 $0x400, s15;
	s5 =	sadd.s32 $0xFFFFFFF8, s5  }
.LBB2_14:
0xef: {  	p0 =	sle.s32 s6, s4  }
0xf0: {  	s0 =	sand.u32 @!p0 $0x1FFFFC00, s15;
	s7 =	simm.s32 @!p0 $0x80  }
0xf1: {  	s13 =	simm.s32 @!p0 $0x400;
	s14 =	simm.s32 @!p0 $0x0;
	s0 =	sadd.s32 @!p0 s0, s11  }
0xf2: {  	[tilespmem:s14], [sflag:$0x3] =	stream.strided.gather @!p0 [hbm4b:s0+s7], $0x400, s13, s7, $0x38;
	[tilespmem:$0x1EE00] =	vst v63  }
0xf3: {  	s0 =	simm.s32 @!p0 $0x3  }
0xf4: {  	_ =	swait.ge @!p0 [sflag:s0], $0x400  }
0xf5: {  	[sflag:s0] =	ssyncset.done @!p0 $0x0  }
0xf6: {  	s19 =	sadd.s32 @!p0 s8, s12;
	[sflag:s0] =	ssyncadd.s32 @!p0 $0xFFFFFC00  }
0xf7: {  	[tilespmem:s13], [sflag:$0x3] =	stream.linear.gather @!p0 [hbm4b:s19+s14], $0x400, $0x38;
	[tilespmem:$0x1EE00] =	vst v63  }
0xf8: {  	_ =	swait.ge @!p0 [sflag:s0], $0x400  }
0xf9: {  	p1 =	slt.s32 @!p0 s5, $0x2;
	[sflag:s0] =	ssyncset.done @!p0 $0x0  }
0xfa: {  	p1 =	por p1, p0;
	[sflag:s0] =	ssyncadd.s32 @!p0 $0xFFFFFC00;
	s0 =	simm.s32 @!p0 $0xA00  }
0xfb: {  	[tilespmem:s0], [sflag:$0x1] =	stream.indirect.gather @!p0 [spmem:s1], $0x80, s14, s7, $0xb8;
	[tilespmem:$0x1EE00] =	vst v63  }
0xfc: {  	s25 =	simm.s32 @!p0 $0x1;
	s19 =	simm.s32 @!p1 $0x4A00;
	s14 =	simm.s32 @!p1 $0x80  }
0xfd: {  	[tilespmem:s19], [sflag:$0x2] =	stream.indirect.gather @!p1 [spmem:s1], $0x80, s14, s14, $0xb8;
	[tilespmem:$0x1EE00] =	vst v63  }
0xfe: {  	_ =	swait.ge @!p0 [sflag:s25], $0x4000  }
0xff: {  	[sflag:s25] =	ssyncset.done @!p0 $0x0  }
0x100: {  	p2 =	slt.s32 @!p0 s5, $0x8;
	[sflag:s25] =	ssyncadd.s32 @!p0 $0xFFFFC000  }
0x101: {  	[spmem:s2] =	stream.indirect.scatter.add.f32 @!p0 [tilespmem:s0], [sflag:$0x4], $0x80, s13, s7, $0xb8;
	[tilespmem:$0x1EE00] =	vst v63  }
0x102: {  	p2 =	por !p2, p0;
	s0 =	smov.u32 s5;
	s7 =	simm.s32 @!p0 $0x4  }
0x103: {  	s0 =	simm.s32 @p2 $0x8;
	_ =	swait.ge @!p0 [sflag:s7], $0x4000  }
0x104: {  	[sflag:s7] =	ssyncset.done @!p0 $0x0;
	p2 =	slt.u32 @!p0 s0, $0x3  }
0x105: {  	[sflag:s7] =	ssyncadd.s32 @!p0 $0xFFFFC000;
	p2 =	por p2, p0  }
0x106: {  	s0 =	simm.s32 @!p2 $0x80;
	s7 =	simm.s32 @!p2 $0x100;
	s13 =	simm.s32 @!p2 $0xA00  }
0x107: {  	[tilespmem:s13], [sflag:$0x1] =	stream.indirect.gather @!p2 [spmem:s1], $0x80, s7, s0, $0xb8;
	[tilespmem:$0x1EE00] =	vst v63  }
0x108: {  	s0 =	simm.s32 @!p1 $0x2  }
0x109: {  	_ =	swait.ge @!p1 [sflag:s0], $0x4000  }
0x10a: {  	p2 =	slt.s32 @!p0 s5, $0x3;
	[sflag:s0] =	ssyncset.done @!p1 $0x0  }
0x10b: {  	p2 =	por p0, p2;
	[sflag:s0] =	ssyncadd.s32 @!p1 $0xFFFFC000;
	s0 =	simm.s32 @!p1 $0x480  }
0x10c: {  	[spmem:s2] =	stream.indirect.scatter.add.f32 @!p1 [tilespmem:s19], [sflag:$0x3], $0x80, s0, s14, $0xb8;
	[tilespmem:$0x1EE00] =	vst v63  }
.Ltmp16:
0x10d: {  	_ = 	snop;
	(pc) =	sbr.rel @p2 .LBB2_23-.Ltmp16, $4  }
0x10e: {  	s0 =	simm.s32 @!p1 $0x3  }
0x10f: {  	_ =	swait.ge @!p1 [sflag:s0], $0x4000  }
0x110: {  	[sflag:s0] =	ssyncset.done @!p1 $0x0  }
0x111: {  	[sflag:s0] =	ssyncadd.s32 @!p1 $0xFFFFC000  }
0x112: {  	s13 =	sadd.s32 @!p0 s4, s16  }
0x113: {  	s0 =	sadd.s32 @!p0 $0x80000003, s13  }
0x114: {  	p2 =	seq.s32 s0, $0x0  }
0x115: {  	s0 =	simm.s32 @!p2 $0x80;
	s7 =	simm.s32 @!p2 $0x180;
	s14 =	simm.s32 @!p2 $0x4A00  }
0x116: {  	[tilespmem:s14], [sflag:$0x2] =	stream.indirect.gather @!p2 [spmem:s1], $0x80, s7, s0, $0xb8;
	[tilespmem:$0x1EE00] =	vst v63  }
0x117: {  	_ =	swait.ge [sflag:s20], $0x4000  }
0x118: {  	p1 =	slt.u32 s5, $0x5;
	[sflag:s20] =	ssyncset.done $0x0  }
.Ltmp17:
0x119: {  	[sflag:s20] =	ssyncadd.s32 $0xFFFFC000;
	(pc) =	sbr.rel @p1 .LBB2_17-.Ltmp17, $4  }
0x11a: {  	[spmem:s2] =	stream.indirect.scatter.add.f32 [tilespmem:s23], [sflag:$0x4], $0x80, s22, s21, $0xb8;
	[tilespmem:$0x1EE00] =	vst v63  }
0x11b: {  	_ =	swait.ge [sflag:s24], $0x4000  }
0x11c: {  	[sflag:s24] =	ssyncset.done $0x0  }
0x11d: {  	[sflag:s24] =	ssyncadd.s32 $0xFFFFC000  }
.Ltmp18:
0x11e: {  	(pc) =	sbr.rel .LBB2_18-.Ltmp18, $2  }
0x11f: {  	_ =	sdelay $0x2  }
0x120: {  	[tilespmem:s23], [sflag:$0x1] =	stream.indirect.gather [spmem:s1], $0x80, s26, s21, $0xb8;
	[tilespmem:$0x1EE00] =	vst v63  }
.LBB2_17:
.Ltmp19:
0x121: {  	(pc) =	sbr.rel @p2 .LBB2_23-.Ltmp19, $1  }
0x122: {  	_ =	sdelay $0x3  }
.LBB2_18:
0x123: {  	_ =	swait.ge [sflag:s28], $0x4000  }
0x124: {  	[sflag:s28] =	ssyncset.done $0x0  }
.Ltmp20:
0x125: {  	[sflag:s28] =	ssyncadd.s32 $0xFFFFC000;
	(pc) =	sbr.rel @p1 .LBB2_23-.Ltmp20, $4  }
0x126: {  	[spmem:s2] =	stream.indirect.scatter.add.f32 [tilespmem:s30], [sflag:$0x3], $0x80, s29, s21, $0xb8;
	[tilespmem:$0x1EE00] =	vst v63  }
0x127: {  	_ =	swait.ge [sflag:s17], $0x4000  }
0x128: {  	[sflag:s17] =	ssyncset.done $0x0  }
0x129: {  	[sflag:s17] =	ssyncadd.s32 $0xFFFFC000  }
0x12a: {  	s0 =	sadd.s32 @!p0 $0x80000005, s13  }
0x12b: {  	p2 =	seq.s32 s0, $0x0  }
0x12c: {  	s0 =	simm.s32 @!p2 $0x80;
	s7 =	simm.s32 @!p2 $0x280;
	s14 =	simm.s32 @!p2 $0x4A00  }
0x12d: {  	[tilespmem:s14], [sflag:$0x2] =	stream.indirect.gather @!p2 [spmem:s1], $0x80, s7, s0, $0xb8;
	[tilespmem:$0x1EE00] =	vst v63  }
0x12e: {  	_ =	swait.ge [sflag:s20], $0x4000  }
0x12f: {  	p1 =	slt.u32 s5, $0x7;
	[sflag:s20] =	ssyncset.done $0x0  }
.Ltmp21:
0x130: {  	[sflag:s20] =	ssyncadd.s32 $0xFFFFC000;
	(pc) =	sbr.rel @!p1 .LBB2_20-.Ltmp21, $4  }
0x131: {  	[spmem:s2] =	stream.indirect.scatter.add.f32 [tilespmem:s23], [sflag:$0x4], $0x80, s31, s21, $0xb8;
	[tilespmem:$0x1EE00] =	vst v63  }
0x132: {  	_ =	swait.ge [sflag:s24], $0x4000  }
0x133: {  	[sflag:s24] =	ssyncset.done $0x0  }
0x134: {  	[sflag:s24] =	ssyncadd.s32 $0xFFFFC000  }
.Ltmp22:
0x135: {  	(pc) =	sbr.rel @!p2 .LBB2_22-.Ltmp22, $4  }
.Ltmp23:
0x136: {  	(pc) =	sbr.rel @p2 .LBB2_23-.Ltmp23, $4  }
0x137: {  	_ = 	snop  }
0x138: {  	_ = 	snop  }
0x139: {  	_ = 	snop  }
0x13a: {  	_ = 	snop  }
.LBB2_26:
0x13b: {  	_ =	sfence.sel $0x180000  }
0x13c: {  	[bflag:$0x0] =	sbarrier.arrive $0xFFFF  }
0x13d: {  	_ =	strace $0x9000004D  }
0x13e: {  	s0 =	stileid.u32;
	[bflag:$0x2] =	sbarrier.arrive $0xFFFF  }
0x13f: {  	p0 =	sne.s32 s0, $0x0;
	s0 =	rddreg [dreg:$0x4]  }
0x140: {  	s0 =	sadd.s32 @!p0 $0x100000, s0  }
0x141: {  	[sflag:s0] =	ssyncadd.tile.s32 @!p0 $0x1;
	_ =	shalt  }
.Lfunc_end2:
_tile_overlayer_lowered:
.L_overlay_start_2:
0x142: {  	(tag) =	ssettag $0x2  }
0x143: {  	s0 =	rddreg [dreg:$0x0];
	s2 =	stileid.u32  }
0x144: {  	s1 =	rddreg [dreg:$0x1];
	p0 =	sne.s32 s2, $0x0  }
0x145: {  	s3 =	rddreg [dreg:$0x2];
	[bflag:$0x3] =	sbarrier.arrive $0xFFFF;
	s2 =	simm.s32 @!p0 $0x1C03  }
0x146: {  	[timem:s3], [sflag:s2] =	dma.local @!p0 [hbm:s0], s1  }
0x147: {  	s0 =	simm.s32 @!p0 $0x3  }
0x148: {  	_ =	swait.ge @!p0 [sflag:s0], s1  }
0x149: {  	s1 =	ssub.s32 @!p0 $0x0, s1;
	[sflag:s0] =	ssyncset.done @!p0 $0x0  }
0x14a: {  	[sflag:s0] =	ssyncadd.s32 @!p0 s1  }
0x14b: {  	[bflag:$0x3] =	sbarrier.arrive $0xFFFF  }
0x14c: {  	_ =	shalt  }

// kernel: kernel.18.cloned.1.call-start
scs
__scs_entry_jumppad:
0x0: {  	(pc) =	sbr.rel $0x88, $3  }
0x1: {  	(tag) =	ssettag $0x0;
	lr =	simm.s32 $0x1  }
0x2: {  	[smem:$0x3F9B] =	sst lr;
	_ =	strace $0xD0000000  }
0x3: {  	_ = 	snop  }
0x4: {  	_ = 	snop  }
0x5: {  	_ = 	snop  }
0x6: {  	_ = 	snop  }
0x7: {  	_ = 	snop  }
__scs_overlays_trampoline_lowered:
0x8: {  	[smem:$0x3FAA] =	sst s0  }
0x9: {  	[smem:$0x3FAB] =	sst s1  }
0xa: {  	[smem:$0x3FAC] =	sst s2  }
0xb: {  	[smem:$0x3FAD] =	sst s3  }
0xc: {  	[smem:$0x3FAE] =	sst s4  }
0xd: {  	[smem:$0x3FAF] =	sst s5  }
0xe: {  	[smem:$0x3FB0] =	sst s6  }
0xf: {  	[smem:$0x3FB1] =	sst s7  }
0x10: {  	[smem:$0x3FB2] =	sst s8  }
0x11: {  	[smem:$0x3FB3] =	sst s9;
	s0 =	simm.s32 @!p0 $0x0  }
0x12: {  	s1 =	sld [smem:$0x3F99];
	s0 =	simm.s32 @p0 $0x1  }
0x13: {  	[smem:$0x3FB4] =	sst s0;
	s0 =	simm.s32 @!p1 $0x0  }
0x14: {  	s2 =	sld [smem:$0x3F98];
	s0 =	simm.s32 @p1 $0x1  }
0x15: {  	[smem:$0x3FB5] =	sst s0;
	s0 =	simm.s32 @!p2 $0x0  }
0x16: {  	s3 =	sld [smem:$0x3FDB];
	s0 =	simm.s32 @p2 $0x1  }
0x17: {  	s4 =	simm.s32 $0x1BF5;
	[smem:$0x3FB7] =	sst s0  }
0x18: {  	s0 =	sld [smem:$0x3F9A];
	_ =	swait.ge [sflag:s4], $0x0  }
0x19: {  	s7 =	sld [smem:$0x3F9B]  }
0x1a: {  	s8 =	sadd.s32 $0xFFFFE003, lr  }
0x1b: {  	s9 =	sadd.s32 $0xFFFFFEF7, lr;
	s5 =	simm.s32 $0xFFFFFFFF;
	p2 =	slt.u32 s8, $0xFFFFF086  }
0x1c: {  	p1 =	slt.u32 s9, $0xF7A;
	s5 =	simm.s32 @!p2 $0x0  }
0x1d: {  	s5 =	simm.s32 @p1 $0x1;
	p0 =	seq.s32 s7, s2  }
0x1e: {  	s7 =	smul.u32 @!p0 $0xF7A, s2;
	p2 =	seq.s32 @!p0 s5, $0x0  }
0x1f: {  	s9 =	smul.u32 $0xF7A, s1;
	s8 =	simm.s32 @!p0 $0x1BF5;
	p2 =	por !p2, p0  }
0x20: {  	[sflag:s8] =	ssyncset.s32 @!p0 $0xFFFFF086;
	s6 =	sadd.s32 @!p0 s3, s7;
	s7 =	simm.s32 @!p0 $0x108  }
0x21: {  	s3 =	sadd.s32 s3, s9;
	s6 =	sadd.s32 @!p0 $0x88, s6;
	s7 =	simm.s32 @p2 $0x1082  }
0x22: {  	[simem:s7], [sflag:s8] =	dma.local @!p0 [hbm:s6], $0xF7A  }
0x23: {  	s9 =	sor.u32 $0xD0000000, s2;
	s6 =	simm.s32 $0x108;
	_ =	swait.ge @!p0 [sflag:s8], $0x0  }
0x24: {  	s3 =	sadd.s32 $0x88, s3;
	s6 =	simm.s32 @!p1 $0x1082;
	[sflag:s4] =	ssyncset.s32 $0xFFFFF086  }
0x25: {  	[simem:s6], [sflag:s4] =	dma.local [hbm:s3], $0xF7A  }
0x26: {  	[smem:$0x3F9B] =	sst s1;
	(tag) =	ssettag s2;
	_ =	strace s9  }
0x27: {  	s1 =	sld [smem:$0x3FAB]  }
0x28: {  	s2 =	sld [smem:$0x3FAC]  }
0x29: {  	s4 =	sld [smem:$0x3FAE]  }
0x2a: {  	p0 =	seq.s32 s5, $0x0;
	s5 =	sld [smem:$0x3FAF]  }
0x2b: {  	s6 =	sld [smem:$0x3FB0]  }
0x2c: {  	s7 =	sld [smem:$0x3FB1]  }
0x2d: {  	s3 =	simm.s32 $0x108;
	s8 =	sld [smem:$0x3FB2]  }
0x2e: {  	s3 =	simm.s32 @!p0 $0x1082;
	s9 =	sld [smem:$0x3FB3]  }
0x2f: {  	lr =	sadd.s32 s0, s3;
	s0 =	sld [smem:$0x3FAA]  }
0x30: {  	s3 =	sld [smem:$0x3FAD]  }
0x31: {  	[smem:$0x3FB6] =	sst s10  }
0x32: {  	s10 =	sld [smem:$0x3FB4];
	_ =	sdelay $0x3  }
0x33: {  	p0 =	seq.s32 s10, $0x1;
	s10 =	sld [smem:$0x3FB6];
	_ =	sdelay $0x3  }
0x34: {  	[smem:$0x3FB6] =	sst s10  }
0x35: {  	s10 =	sld [smem:$0x3FB5];
	_ =	sdelay $0x3  }
0x36: {  	p1 =	seq.s32 s10, $0x1;
	s10 =	sld [smem:$0x3FB6];
	_ =	sdelay $0x3  }
0x37: {  	[smem:$0x3FB6] =	sst s10  }
0x38: {  	s10 =	sld [smem:$0x3FB7]  }
0x39: {  	_ = 	snop;
	(pc) =	sbr.ind lr, $3  }
0x3a: {  	_ = 	snop  }
0x3b: {  	_ = 	snop  }
0x3c: {  	p2 =	seq.s32 s10, $0x1;
	s10 =	sld [smem:$0x3FB6]  }
0x3d: {  	_ =	shalt  }
0x3e: {  	_ =	shalt  }
0x3f: {  	_ =	shalt  }
0x40: {  	_ =	shalt  }
0x41: {  	_ =	shalt  }
0x42: {  	_ =	shalt  }
0x43: {  	_ =	shalt  }
0x44: {  	_ =	shalt  }
0x45: {  	_ =	shalt  }
0x46: {  	_ =	shalt  }
0x47: {  	_ =	shalt  }
0x48: {  	_ =	shalt  }
0x49: {  	_ =	shalt  }
0x4a: {  	_ =	shalt  }
0x4b: {  	_ =	shalt  }
0x4c: {  	_ =	shalt  }
0x4d: {  	_ =	shalt  }
0x4e: {  	_ =	shalt  }
0x4f: {  	_ =	shalt  }
0x50: {  	_ =	shalt  }
0x51: {  	_ =	shalt  }
0x52: {  	_ =	shalt  }
0x53: {  	_ =	shalt  }
0x54: {  	_ =	shalt  }
0x55: {  	_ =	shalt  }
0x56: {  	_ =	shalt  }
0x57: {  	_ =	shalt  }
0x58: {  	_ =	shalt  }
0x59: {  	_ =	shalt  }
0x5a: {  	_ =	shalt  }
0x5b: {  	_ =	shalt  }
0x5c: {  	_ =	shalt  }
0x5d: {  	_ =	shalt  }
0x5e: {  	_ =	shalt  }
0x5f: {  	_ =	shalt  }
0x60: {  	_ =	shalt  }
0x61: {  	_ =	shalt  }
0x62: {  	_ =	shalt  }
0x63: {  	_ =	shalt  }
0x64: {  	_ =	shalt  }
0x65: {  	_ =	shalt  }
0x66: {  	_ =	shalt  }
0x67: {  	_ =	shalt  }
0x68: {  	_ =	shalt  }
0x69: {  	_ =	shalt  }
0x6a: {  	_ =	shalt  }
0x6b: {  	_ =	shalt  }
0x6c: {  	_ =	shalt  }
0x6d: {  	_ =	shalt  }
0x6e: {  	_ =	shalt  }
0x6f: {  	_ =	shalt  }
0x70: {  	_ =	shalt  }
0x71: {  	_ =	shalt  }
0x72: {  	_ =	shalt  }
0x73: {  	_ =	shalt  }
0x74: {  	_ =	shalt  }
0x75: {  	_ =	shalt  }
0x76: {  	_ =	shalt  }
0x77: {  	_ =	shalt  }
0x78: {  	_ =	shalt  }
0x79: {  	_ =	shalt  }
0x7a: {  	_ =	shalt  }
0x7b: {  	_ =	shalt  }
0x7c: {  	_ =	shalt  }
0x7d: {  	_ =	shalt  }
0x7e: {  	_ =	shalt  }
0x7f: {  	_ =	shalt  }
0x80: {  	_ =	shalt  }
0x81: {  	_ =	shalt  }
0x82: {  	_ =	shalt  }
0x83: {  	_ =	shalt  }
0x84: {  	_ =	shalt  }
0x85: {  	_ =	shalt  }
0x86: {  	_ =	shalt  }
0x87: {  	_ =	shalt  }
.Lfunc_end0:
.L_simem_size_0:
called_computation.3_lowered:
.L_overlay_start_0:
0x88: {  	s2 =	sld [smem:$0x3FD9]  }
0x89: {  	s3 =	sld [smem:$0x3FFE];
	_ =	sdelay $0x1  }
0x8a: {  	s1 =	srdreg.scid  }
0x8b: {  	s0 =	sand.u32 $0x1, s1  }
0x8c: {  	s17 =	sshll.u32 s0, $0xA;
	s2 =	sadd.s32 s3, s2  }
0x8d: {  	s2 =	sadd.s32 s2, s17  }
0x8e: {  	[smem:$0x3FC2] =	sst s2  }
0x8f: {  	_ = 	snop  }
0x90: {  	s2 =	sld [smem:$0x3FD0];
	(tm) =	ssettm $0x1  }
0x91: {  	s18 =	sld [smem:$0x3FFB];
	_ =	sdelay $0x3  }
0x92: {  	_ =	strace s18  }
0x93: {  	s3 =	sld [smem:$0x3FFC];
	_ =	sdelay $0x3  }
0x94: {  	_ =	strace s3  }
0x95: {  	s3 =	sld [smem:$0x3FFD];
	_ =	sdelay $0x3  }
0x96: {  	_ =	strace s3  }
0x97: {  	_ =	strace $0x8FFFFFFF  }
0x98: {  	s19 =	sld [smem:$0x3FDB];
	_ =	sdelay $0x1  }
0x99: {  	s4 =	simm.s32 $_scs_section_size  }
0x9a: {  	s5 =	simm.s32 $_size__tile_overlayer_lowered;
	s6 =	simm.s32 $_tile_overlayer_lowered  }
0x9b: {  	s22 =	simm.s32 $0x1BFF;
	s21 =	sshll.u32 s6, $0x1;
	s3 =	sadd.s32 s4, s19  }
0x9c: {  	s7 =	simm.s32 $0x0;
	s20 =	sshll.u32 s5, $0x1;
	s5 =	sadd.s32 s21, s3  }
0x9d: {  	[timem:s7], [sflag:s22] =	dma.local [hbm:s5], s20  }
0x9e: {  	_ =	swait.ge [sflag:s22], s20  }
0x9f: {  	s4 =	ssub.s32 $0x0, s20;
	[sflag:s22] =	ssyncset.done $0x0  }
0xa0: {  	[sflag:s22] =	ssyncadd.s32 s4;
	_ =	sdelay $0x1  }
0xa1: {  	s23 =	simm.s32 $0x1B8B  }
0xa2: {  	_ =	swait.ge [sflag:s23], $0x1  }
0xa3: {  	[sflag:s23] =	ssyncset.done $0x0  }
0xa4: {  	s25 =	simm.s32 $0x1B8E;
	s24 =	sld [smem:$0x3FFE];
	[sflag:s23] =	ssyncadd.s32 $0xFFFFFFFF  }
0xa5: {  	s26 =	simm.s32 $execute0_lowered;
	[smem:$0x3FD2] =	sst s25  }
0xa6: {  	s5 =	sshll.u32 s26, $0x1;
	_ =	strace $0x8000004F;
	[dreg:$0x1] =	wrdreg $0xFFFFFFFF  }
0xa7: {  	s28 =	simm.s32 $_size_execute0_lowered;
	s3 =	sadd.s32 s3, s5;
	[dreg:$0x0] =	wrdreg $0x0  }
0xa8: {  	s5 =	sshll.u32 s28, $0x1;
	[dreg:$0x2] =	wrdreg s3  }
0xa9: {  	[dreg:$0x3] =	wrdreg s5  }
0xaa: {  	[dreg:$0x4] =	wrdreg $0xC0  }
0xab: {  	_ =	task [dreg:s7], $0x5FFFF  }
0xac: {  	[dreg:$0x1] =	wrdreg $0xFFFFFFFF  }
0xad: {  	[dreg:$0x0] =	wrdreg $0x60  }
0xae: {  	[dreg:$0x2] =	wrdreg s24  }
0xaf: {  	[dreg:$0x3] =	wrdreg s2  }
0xb0: {  	[dreg:$0x4] =	wrdreg $0x8A000  }
0xb1: {  	[dreg:$0x5] =	wrdreg $0x1CA000  }
0xb2: {  	[dreg:$0x6] =	wrdreg $0x9  }
0xb3: {  	_ =	task.clear_ibuf [dreg:s7], $0x7FFFF;
	_ =	strace $0x9000004F  }
0xb4: {  	s29 =	simm.s32 $0x9;
	_ =	strace $0x80000051  }
0xb5: {  	_ =	swait.ge [sflag:s29], $0x1  }
0xb6: {  	[sflag:s29] =	ssyncadd.s32 $0xFFFFFFFF  }
0xb7: {  	_ =	strace $0x90000051  }
0xb8: {  	_ =	sfence  }
0xb9: {  	s30 =	sld [smem:$0x0];
	_ =	sdelay $0x2  }
0xba: {  	s31 =	sshll.u32 s1, $0xD;
	s1 =	sshrl.u32 s1, $0x2  }
0xbb: {  	s3 =	sand.u32 $0x4000, s31;
	s1 =	sadd.s32 s1, s30  }
0xbc: {  	s0 =	sor.u32 s3, s0;
	s1 =	sshll.u32 s1, $0x11  }
0xbd: {  	s0 =	sor.u32 s1, s0  }
0xbe: {  	s0 =	sadd.s32 $0x8F2B, s0  }
0xbf: {  	[sflag:s0] =	ssyncadd.remote.s32 $0x1  }
0xc0: {  	_ =	sfence.sel $0xFFFF  }
0xc1: {  	[dreg:$0x0] =	wrdreg $0xFFFFFFFF;
	(pc) =	sbr.abs _section_cstart, $3  }
0xc2: {  	[dreg:$0x1] =	wrdreg $0xFFFFFFFF  }
0xc3: {  	_ =	task.clear_ibuf [dreg:s7], $0x2FFFF;
	_ =	strace $0x9FFFFFFF  }
0xc4: {  	(tm) =	ssettm $0x7FFFFFFF  }
0xc5: {  	_ =	shalt  }
tec
execute0_lowered:
.L_overlay_start_1:
0x0: {  	(tag) =	ssettag $0x1  }
0x1: {  	s0 =	rddreg [dreg:$0x0]  }
0x2: {  	s3 =	rddreg [dreg:$0x1]  }
0x3: {  	s1 =	rddreg [dreg:$0x2]  }
0x4: {  	s2 =	rddreg [dreg:$0x3]  }
0x5: {  	s4 =	simm.s32 $0x0;
	s25 =	srdreg.scid;
	s15 =	stileid.u32  }
0x6: {  	s28 =	simm.s32 $0x2;
	s29 =	simm.s32 $0x580;
	s30 =	simm.s32 $0x4A00  }
0x7: {  	s31 =	simm.s32 $0x600;
	[smem:$0x7FF] =	sst s4;
	s9 =	smul.u32 $0x50000, s15  }
0x8: {  	s4 =	sand.u32 $0x1, s25;
	s5 =	sadd.s32 $0x60600, s0;
	s11 =	smul.u32 $0x2800, s15  }
0x9: {  	s6 =	sshll.u32 s15, $0x6;
	s10 =	sadd.s32 $0x5B600, s0;
	s14 =	smul.u32 $0x9000, s15  }
0xa: {  	s18 =	sshrl.u32 s15, $0x2;
	s19 =	sshllo.u32 s15, $0x1;
	s20 =	sshll.u32 s15, $0x8  }
0xb: {  	s22 =	sshll.u32 s15, $0xD;
	s23 =	sshll.u32 s15, $0xA;
	_ =	strace $0x80000050  }
0xc: {  	s7 =	smul.u32 $0x28000, s4;
	s8 =	sadd.s32 s6, s0;
	[dreg:$0x5] =	wrdreg s10  }
0xd: {  	s4 =	ssub.s32 $0x2, s4;
	s21 =	sshll.u32 s19, $0x7;
	[dreg:$0xa] =	wrdreg s23  }
0xe: {  	s23 =	simm.s32 $0xA00;
	s26 =	sshrl.u32 s4, $0x1;
	s10 =	sshrl.u32 s9, $0x2  }
0xf: {  	s16 =	sadd.s32 $0x6E600, s8;
	s17 =	sshrl.u32 s14, $0x2;
	s8 =	smul.u32 $0x1C000, s18  }
0x10: {  	s14 =	smul.u32 $0x700, s19;
	s0 =	sadd.s32 s7, s0;
	s4 =	ssub.s32 s4, s26  }
0x11: {  	s13 =	sadd.s32 s10, s1;
	[dreg:$0x8] =	wrdreg s16;
	s10 =	sand.u32 $0x300, s20  }
0x12: {  	s20 =	simm.s32 $0x1;
	s12 =	sadd.s32 s11, s0;
	s11 =	sand.u32 $0x380, s21  }
0x13: {  	s10 =	sor.u32 s10, s8;
	s0 =	sadd.s32 $0x10EA00, s0;
	s24 =	smax.u32 s4, $0x1  }
0x14: {  	s25 =	sshrl.u32 s13, $0x3;
	s21 =	simm.s32 $0x80;
	s4 =	simm.s32 $0x0  }
0x15: {  	s7 =	sadd.s32 $0x6EA00, s12;
	s12 =	smul.u32 $0xE00, s15;
	[dreg:$0x9] =	wrdreg s0  }
0x16: {  	s8 =	sor.u32 s8, s11;
	s10 =	sshrl.u32 s10, $0x3;
	[dreg:$0xb] =	wrdreg s24  }
0x17: {  	s0 =	sadd.s32 s22, s2;
	[dreg:$0xc] =	wrdreg s25;
	s22 =	simm.s32 $0x500  }
0x18: {  	s24 =	simm.s32 $0x4;
	[dreg:$0x6] =	wrdreg s7;
	s7 =	sor.u32 $0x1C03, s6  }
.Ltmp0:
0x19: {  	s6 =	sadd.s32 s17, s2;
	s8 =	sshrl.u32 s8, $0x3;
	(pc) =	sbr.rel .LBB2_1-.Ltmp0, $4  }
0x1a: {  	s9 =	sadd.s32 s3, s10;
	s17 =	simm.s32 $0x3;
	s0 =	sshrl.u32 s0, $0x3  }
0x1b: {  	s10 =	sadd.s32 s5, s12;
	s11 =	sadd.s32 s3, s8;
	[dreg:$0xe] =	wrdreg s0  }
0x1c: {  	s12 =	sadd.s32 s5, s14;
	s26 =	sshrl.u32 s6, $0x3;
	[dreg:$0x7] =	wrdreg s7  }
0x1d: {  	v0 =	vlaneseq.u32;
	s3 =	simm.s32 $0x680;
	[dreg:$0xd] =	wrdreg s26;
	s26 =	simm.s32 $0x200  }
.LBB2_25:
0x1e: {  	s4 =	rddreg [dreg:$0xf]  }
0x1f: {  	s0 =	rddreg [dreg:$0xb];
	s4 =	sadd.s32 $0x1, s4  }
0x20: {  	p0 =	sne.s32 s4, s0  }
.Ltmp1:
0x21: {  	_ = 	snop;
	(pc) =	sbr.rel @!p0 .LBB2_26-.Ltmp1, $1  }
0x22: {  	_ =	sdelay $0x3  }
.LBB2_1:
0x23: {  	[dreg:$0xf] =	wrdreg s4  }
0x24: {  	s0 =	rddreg [dreg:$0x6]  }
0x25: {  	s18 =	rddreg [dreg:$0xc]  }
0x26: {  	[spmem:s18], [sflag:s7] =	dma.local [hbm:s0], $0x2800  }
0x27: {  	_ =	swait.ge [sflag:s17], $0x2800  }
0x28: {  	s19 =	simm.s32 $0x0;
	s5 =	simm.s32 $0x800;
	[sflag:s17] =	ssyncset.done $0x0  }
.Ltmp2:
0x29: {  	s25 =	rddreg [dreg:$0x8];
	[sflag:s17] =	ssyncadd.s32 $0xFFFFD800;
	(pc) =	sbr.rel .LBB2_2-.Ltmp2, $4  }
0x2a: {  	[tilespmem:s5], [sflag:$0x3] =	stream.linear.gather [hbm4b:s25+s19], $0x200, $0x38;
	[tilespmem:$0x1EE00] =	vst v63  }
0x2b: {  	_ =	swait.ge [sflag:s17], $0x200  }
0x2c: {  	[sflag:s17] =	ssyncset.done $0x0  }
0x2d: {  	s18 =	simm.s32 $0x0;
	[sflag:s17] =	ssyncadd.s32 $0xFFFFFE00  }
.LBB2_24:
0x2e: {  	s4 =	rddreg [dreg:$0xa];
	[bflag:$0x0] =	sbarrier.arrive $0xFFFF  }
0x2f: {  	s0 =	sshll.u32 s18, $0xE;
	s19 =	rddreg [dreg:$0x9]  }
0x30: {  	s18 =	sadd.s32 $0x1, s18;
	s0 =	sor.u32 s4, s0;
	s7 =	rddreg [dreg:$0x7]  }
0x31: {  	s25 =	rddreg [dreg:$0xe];
	p0 =	sne.s32 s18, $0xA;
	s0 =	sadd.s32 s19, s0  }
0x32: {  	[hbm:s0], [sflag:s7] =	dma.local [spmem:s25], $0x400  }
.Ltmp3:
0x33: {  	_ =	swait.ge [sflag:s17], $0x400;
	(pc) =	sbr.rel @!p0 .LBB2_25-.Ltmp3, $3  }
0x34: {  	[sflag:s17] =	ssyncset.done $0x0  }
0x35: {  	[sflag:s17] =	ssyncadd.s32 $0xFFFFFC00  }
0x36: {  	[bflag:$0x0] =	sbarrier.arrive $0xFFFF;
	_ =	sdelay $0x1  }
.LBB2_2:
0x37: {  	s0 =	rddreg [dreg:$0x5]  }
0x38: {  	s4 =	rddreg [dreg:$0xd]  }
0x39: {  	[spmem:s4], [sflag:s7] =	dma.local [hbm:s0], $0x480  }
0x3a: {  	_ =	swait.ge [sflag:s17], $0x480  }
0x3b: {  	[sflag:s17] =	ssyncset.done $0x0  }
0x3c: {  	[sflag:s17] =	ssyncadd.s32 $0xFFFFFB80  }
0x3d: {  	[bflag:$0x0] =	sbarrier.arrive $0xFFFF  }
0x3e: {  	v1 =	vld [tilespmem:$0x800]  }
0x3f: {  	v2 =	vld [tilespmem:$0x880];
	_ =	sdelay $0x2  }
0x40: {  	v3 =	vmov s18  }
0x41: {  	vm0 =	veq.s32 v3, v0;
	v1 =	vxor.u32 $0x80000000, v1  }
0x42: {  	v2 =	vxor.u32 $0x80000000, v2;
	v1 =	vnsel vm0, $0x80000000, v1  }
0x43: {  	(xrf0) =	vmax.scan.msk.u32 $0xffff, v1;
	v1 =	vnsel vm0, $0x80000000, v2  }
0x44: {  	(xrf0) =	vmax.scan.msk.u32 $0xffff, v1;
	_ =	sdelay $0x4  }
0x45: {  	v1, _, _ =	vpop (xrf0)  }
0x46: {  	(v2sf) =	vpush v1, $0xF;
	v1, _, _ =	vpop (xrf0)  }
0x47: {  	(v2sf) =	vpush v1, $0xF;
	_ =	sdelay $0xb  }
.Ltmp4:
0x48: {  	_ = 	snop;
	(pc) =	sbr.rel .LBB2_3-.Ltmp4, $4  }
0x49: {  	_ = 	snop  }
0x4a: {  	s4 =	simm.s32 $0x0;
	s25 =	spop (v2sf)  }
0x4b: {  	s6 =	spop (v2sf);
	s5 =	sxor.u32 $0x80000000, s25;
	s16 =	ssub.s32 $0x0, s25  }
0x4c: {  	s8 =	sshll.u32 s6, $0x4;
	s15 =	sshll.u32 s6, $0x7;
	s6 =	smov.u32 s5  }
.LBB2_9:
0x4d: {  	s0 =	simm.s32 $0x300  }
0x4e: {  	[tilespmem:s23], [sflag:$0x1] =	stream.indirect.gather [spmem:s1], $0x80, s0, s21, $0xb8;
	[tilespmem:$0x1EE00] =	vst v63  }
.LBB2_11:
0x4f: {  	_ =	swait.ge [sflag:s28], $0x4000  }
0x50: {  	[sflag:s28] =	ssyncset.done $0x0  }
0x51: {  	s0 =	sadd.s32 @!p0 $0x80000007, s13;
	[sflag:s28] =	ssyncadd.s32 $0xFFFFC000  }
0x52: {  	[spmem:s2] =	stream.indirect.scatter.add.f32 [tilespmem:s30], [sflag:$0x3], $0x80, s3, s21, $0xb8;
	[tilespmem:$0x1EE00] =	vst v63  }
0x53: {  	p2 =	seq.s32 @!p1 s0, $0x0;
	_ =	swait.ge [sflag:s17], $0x4000  }
0x54: {  	p0 =	por !p2, p1;
	[sflag:s17] =	ssyncset.done $0x0  }
0x55: {  	s0 =	simm.s32 @!p0 $0x1;
	[sflag:s17] =	ssyncadd.s32 $0xFFFFC000  }
0x56: {  	_ =	swait.ge @!p0 [sflag:s0], $0x4000  }
0x57: {  	p2 =	por p2, p1;
	s7 =	simm.s32 @!p0 $0x700;
	[sflag:s0] =	ssyncset.done @!p0 $0x0  }
0x58: {  	s13 =	simm.s32 @!p0 $0xA00;
	[sflag:s0] =	ssyncadd.s32 @!p0 $0xFFFFC000;
	s0 =	simm.s32 @!p0 $0x80  }
0x59: {  	[spmem:s2] =	stream.indirect.scatter.add.f32 @!p0 [tilespmem:s13], [sflag:$0x4], $0x80, s7, s0, $0xb8;
	[tilespmem:$0x1EE00] =	vst v63  }
0x5a: {  	s0 =	simm.s32 @!p2 $0x80;
	s7 =	simm.s32 @!p2 $0x380;
	s13 =	simm.s32 @!p2 $0x4A00  }
0x5b: {  	[tilespmem:s13], [sflag:$0x2] =	stream.indirect.gather @!p2 [spmem:s1], $0x80, s7, s0, $0xb8;
	[tilespmem:$0x1EE00] =	vst v63  }
0x5c: {  	s7 =	simm.s32 @!p2 $0x1  }
0x5d: {  	_ =	swait.ge @!p2 [sflag:s7], $0x4000  }
0x5e: {  	[sflag:s7] =	ssyncset.done @!p2 $0x0  }
0x5f: {  	s14 =	simm.s32 @!p2 $0xA00;
	[sflag:s7] =	ssyncadd.s32 @!p2 $0xFFFFC000;
	s7 =	simm.s32 @!p2 $0x700  }
0x60: {  	[spmem:s2] =	stream.indirect.scatter.add.f32 @!p2 [tilespmem:s14], [sflag:$0x4], $0x80, s7, s0, $0xb8;
	[tilespmem:$0x1EE00] =	vst v63  }
0x61: {  	s7 =	simm.s32 @!p2 $0x4  }
0x62: {  	_ =	swait.ge @!p2 [sflag:s7], $0x4000  }
0x63: {  	[sflag:s7] =	ssyncset.done @!p2 $0x0  }
0x64: {  	[sflag:s7] =	ssyncadd.s32 @!p2 $0xFFFFC000;
	s7 =	simm.s32 @!p2 $0x2  }
0x65: {  	_ =	swait.ge @!p2 [sflag:s7], $0x4000  }
0x66: {  	s14 =	simm.s32 @!p0 $0x4;
	[sflag:s7] =	ssyncset.done @!p2 $0x0  }
0x67: {  	s14 =	simm.s32 @p0 $0x3;
	[sflag:s7] =	ssyncadd.s32 @!p2 $0xFFFFC000;
	s7 =	simm.s32 @!p2 $0x780  }
0x68: {  	[spmem:s2] =	stream.indirect.scatter.add.f32 @!p2 [tilespmem:s13], [sflag:$0x3], $0x80, s7, s0, $0xb8;
	[tilespmem:$0x1EE00] =	vst v63  }
0x69: {  	_ =	swait.ge @!p1 [sflag:s14], $0x4000  }
0x6a: {  	[sflag:s14] =	ssyncset.done @!p1 $0x0  }
0x6b: {  	[sflag:s14] =	ssyncadd.s32 @!p1 $0xFFFFC000  }
.LBB2_12:
0x6c: {  	s4 =	sadd.s32 $0x8, s4  }
0x6d: {  	p0 =	sne.s32 s4, $0x28  }
.Ltmp5:
0x6e: {  	_ = 	snop;
	(pc) =	sbr.rel @!p0 .LBB2_13-.Ltmp5, $2  }
0x6f: {  	_ =	sdelay $0x2  }
0x70: {  	s8 =	sadd.s32 $0x80, s8;
	s15 =	sadd.s32 $0x400, s15;
	s6 =	sadd.s32 $0xFFFFFFF8, s6  }
.LBB2_3:
0x71: {  	p0 =	sle.s32 s5, s4  }
0x72: {  	s13 =	sand.u32 @!p0 $0x1FFFFC00, s15;
	s14 =	simm.s32 @!p0 $0x80  }
0x73: {  	s19 =	simm.s32 @!p0 $0x400;
	s25 =	simm.s32 @!p0 $0x0;
	s13 =	sadd.s32 @!p0 s13, s9  }
0x74: {  	[tilespmem:s25], [sflag:$0x3] =	stream.strided.gather @!p0 [hbm4b:s13+s14], $0x400, s19, s14, $0x38;
	[tilespmem:$0x1EE00] =	vst v63  }
0x75: {  	s13 =	simm.s32 @!p0 $0x3  }
0x76: {  	_ =	swait.ge @!p0 [sflag:s13], $0x400  }
0x77: {  	[sflag:s13] =	ssyncset.done @!p0 $0x0  }
0x78: {  	s7 =	sadd.s32 @!p0 s8, s10;
	[sflag:s13] =	ssyncadd.s32 @!p0 $0xFFFFFC00  }
0x79: {  	[tilespmem:s19], [sflag:$0x3] =	stream.linear.gather @!p0 [hbm4b:s7+s25], $0x400, $0x38;
	[tilespmem:$0x1EE00] =	vst v63  }
0x7a: {  	_ =	swait.ge @!p0 [sflag:s13], $0x400  }
0x7b: {  	p1 =	slt.s32 @!p0 s6, $0x2;
	[sflag:s13] =	ssyncset.done @!p0 $0x0  }
0x7c: {  	p1 =	por p1, p0;
	s7 =	simm.s32 @!p0 $0xA00;
	[sflag:s13] =	ssyncadd.s32 @!p0 $0xFFFFFC00  }
0x7d: {  	[tilespmem:s7], [sflag:$0x1] =	stream.indirect.gather @!p0 [spmem:s1], $0x80, s25, s14, $0xb8;
	[tilespmem:$0x1EE00] =	vst v63  }
0x7e: {  	s0 =	simm.s32 @!p0 $0x1;
	s13 =	simm.s32 @!p1 $0x80;
	s25 =	simm.s32 @!p1 $0x4A00  }
0x7f: {  	[tilespmem:s25], [sflag:$0x2] =	stream.indirect.gather @!p1 [spmem:s1], $0x80, s13, s13, $0xb8;
	[tilespmem:$0x1EE00] =	vst v63  }
0x80: {  	_ =	swait.ge @!p0 [sflag:s0], $0x4000  }
0x81: {  	[sflag:s0] =	ssyncset.done @!p0 $0x0  }
0x82: {  	p2 =	slt.s32 @!p0 s6, $0x8;
	[sflag:s0] =	ssyncadd.s32 @!p0 $0xFFFFC000  }
0x83: {  	[spmem:s2] =	stream.indirect.scatter.add.f32 @!p0 [tilespmem:s7], [sflag:$0x4], $0x80, s19, s14, $0xb8;
	[tilespmem:$0x1EE00] =	vst v63  }
0x84: {  	p2 =	por !p2, p0;
	s0 =	smov.u32 s6;
	s7 =	simm.s32 @!p0 $0x4  }
0x85: {  	s0 =	simm.s32 @p2 $0x8;
	_ =	swait.ge @!p0 [sflag:s7], $0x4000  }
0x86: {  	p2 =	slt.u32 @!p0 s0, $0x3;
	[sflag:s7] =	ssyncset.done @!p0 $0x0  }
0x87: {  	p2 =	por p2, p0;
	[sflag:s7] =	ssyncadd.s32 @!p0 $0xFFFFC000  }
0x88: {  	s0 =	simm.s32 @!p2 $0x80;
	s7 =	simm.s32 @!p2 $0x100;
	s14 =	simm.s32 @!p2 $0xA00  }
0x89: {  	[tilespmem:s14], [sflag:$0x1] =	stream.indirect.gather @!p2 [spmem:s1], $0x80, s7, s0, $0xb8;
	[tilespmem:$0x1EE00] =	vst v63  }
0x8a: {  	s0 =	simm.s32 @!p1 $0x2  }
0x8b: {  	_ =	swait.ge @!p1 [sflag:s0], $0x4000  }
0x8c: {  	p2 =	slt.s32 @!p0 s6, $0x3;
	[sflag:s0] =	ssyncset.done @!p1 $0x0  }
0x8d: {  	p2 =	por p0, p2;
	[sflag:s0] =	ssyncadd.s32 @!p1 $0xFFFFC000;
	s0 =	simm.s32 @!p1 $0x480  }
0x8e: {  	[spmem:s2] =	stream.indirect.scatter.add.f32 @!p1 [tilespmem:s25], [sflag:$0x3], $0x80, s0, s13, $0xb8;
	[tilespmem:$0x1EE00] =	vst v63  }
.Ltmp6:
0x8f: {  	_ = 	snop;
	(pc) =	sbr.rel @p2 .LBB2_12-.Ltmp6, $4  }
0x90: {  	s0 =	simm.s32 @!p1 $0x3  }
0x91: {  	_ =	swait.ge @!p1 [sflag:s0], $0x4000  }
0x92: {  	[sflag:s0] =	ssyncset.done @!p1 $0x0  }
0x93: {  	[sflag:s0] =	ssyncadd.s32 @!p1 $0xFFFFC000  }
0x94: {  	s13 =	sadd.s32 @!p0 s4, s16  }
0x95: {  	s0 =	sadd.s32 @!p0 $0x80000003, s13  }
0x96: {  	p2 =	seq.s32 s0, $0x0  }
0x97: {  	s0 =	simm.s32 @!p2 $0x80;
	s7 =	simm.s32 @!p2 $0x180;
	s14 =	simm.s32 @!p2 $0x4A00  }
0x98: {  	[tilespmem:s14], [sflag:$0x2] =	stream.indirect.gather @!p2 [spmem:s1], $0x80, s7, s0, $0xb8;
	[tilespmem:$0x1EE00] =	vst v63  }
0x99: {  	_ =	swait.ge [sflag:s20], $0x4000  }
0x9a: {  	p1 =	slt.u32 s6, $0x5;
	[sflag:s20] =	ssyncset.done $0x0  }
.Ltmp7:
0x9b: {  	[sflag:s20] =	ssyncadd.s32 $0xFFFFC000;
	(pc) =	sbr.rel @p1 .LBB2_6-.Ltmp7, $4  }
0x9c: {  	[spmem:s2] =	stream.indirect.scatter.add.f32 [tilespmem:s23], [sflag:$0x4], $0x80, s22, s21, $0xb8;
	[tilespmem:$0x1EE00] =	vst v63  }
0x9d: {  	_ =	swait.ge [sflag:s24], $0x4000  }
0x9e: {  	[sflag:s24] =	ssyncset.done $0x0  }
0x9f: {  	[sflag:s24] =	ssyncadd.s32 $0xFFFFC000  }
.Ltmp8:
0xa0: {  	(pc) =	sbr.rel .LBB2_7-.Ltmp8, $2  }
0xa1: {  	_ =	sdelay $0x2  }
0xa2: {  	[tilespmem:s23], [sflag:$0x1] =	stream.indirect.gather [spmem:s1], $0x80, s26, s21, $0xb8;
	[tilespmem:$0x1EE00] =	vst v63  }
.LBB2_6:
.Ltmp9:
0xa3: {  	(pc) =	sbr.rel @p2 .LBB2_12-.Ltmp9, $1  }
0xa4: {  	_ =	sdelay $0x3  }
.LBB2_7:
0xa5: {  	_ =	swait.ge [sflag:s28], $0x4000  }
0xa6: {  	[sflag:s28] =	ssyncset.done $0x0  }
.Ltmp10:
0xa7: {  	[sflag:s28] =	ssyncadd.s32 $0xFFFFC000;
	(pc) =	sbr.rel @p1 .LBB2_12-.Ltmp10, $4  }
0xa8: {  	[spmem:s2] =	stream.indirect.scatter.add.f32 [tilespmem:s30], [sflag:$0x3], $0x80, s29, s21, $0xb8;
	[tilespmem:$0x1EE00] =	vst v63  }
0xa9: {  	_ =	swait.ge [sflag:s17], $0x4000  }
0xaa: {  	[sflag:s17] =	ssyncset.done $0x0  }
0xab: {  	[sflag:s17] =	ssyncadd.s32 $0xFFFFC000  }
0xac: {  	s0 =	sadd.s32 @!p0 $0x80000005, s13  }
0xad: {  	p2 =	seq.s32 s0, $0x0  }
0xae: {  	s0 =	simm.s32 @!p2 $0x80;
	s7 =	simm.s32 @!p2 $0x280;
	s14 =	simm.s32 @!p2 $0x4A00  }
0xaf: {  	[tilespmem:s14], [sflag:$0x2] =	stream.indirect.gather @!p2 [spmem:s1], $0x80, s7, s0, $0xb8;
	[tilespmem:$0x1EE00] =	vst v63  }
0xb0: {  	_ =	swait.ge [sflag:s20], $0x4000  }
0xb1: {  	p1 =	slt.u32 s6, $0x7;
	[sflag:s20] =	ssyncset.done $0x0  }
.Ltmp11:
0xb2: {  	[sflag:s20] =	ssyncadd.s32 $0xFFFFC000;
	(pc) =	sbr.rel @!p1 .LBB2_9-.Ltmp11, $4  }
0xb3: {  	[spmem:s2] =	stream.indirect.scatter.add.f32 [tilespmem:s23], [sflag:$0x4], $0x80, s31, s21, $0xb8;
	[tilespmem:$0x1EE00] =	vst v63  }
0xb4: {  	_ =	swait.ge [sflag:s24], $0x4000  }
0xb5: {  	[sflag:s24] =	ssyncset.done $0x0  }
0xb6: {  	[sflag:s24] =	ssyncadd.s32 $0xFFFFC000  }
.Ltmp12:
0xb7: {  	(pc) =	sbr.rel @!p2 .LBB2_11-.Ltmp12, $4  }
.Ltmp13:
0xb8: {  	(pc) =	sbr.rel @p2 .LBB2_12-.Ltmp13, $4  }
0xb9: {  	_ = 	snop  }
0xba: {  	_ = 	snop  }
0xbb: {  	_ = 	snop  }
0xbc: {  	_ = 	snop  }
.LBB2_13:
0xbd: {  	v1 =	vld [tilespmem:$0x900]  }
0xbe: {  	v2 =	vld [tilespmem:$0x980];
	_ =	sdelay $0x3  }
0xbf: {  	v1 =	vxor.u32 $0x80000000, v1  }
0xc0: {  	v2 =	vxor.u32 $0x80000000, v2;
	v1 =	vnsel vm0, $0x80000000, v1  }
0xc1: {  	(xrf0) =	vmax.scan.msk.u32 $0xffff, v1;
	v1 =	vnsel vm0, $0x80000000, v2  }
0xc2: {  	(xrf0) =	vmax.scan.msk.u32 $0xffff, v1;
	_ =	sdelay $0x4  }
0xc3: {  	v1, _, _ =	vpop (xrf0)  }
0xc4: {  	(v2sf) =	vpush v1, $0xF;
	v1, _, _ =	vpop (xrf0)  }
0xc5: {  	(v2sf) =	vpush v1, $0xF;
	_ =	sdelay $0xc  }
.Ltmp14:
0xc6: {  	_ = 	snop;
	(pc) =	sbr.rel .LBB2_14-.Ltmp14, $4  }
0xc7: {  	s0 =	spop (v2sf)  }
0xc8: {  	s4 =	spop (v2sf)  }
0xc9: {  	s6 =	sxor.u32 $0x80000000, s0;
	s16 =	ssub.s32 $0x0, s0;
	s8 =	sshll.u32 s4, $0x4  }
0xca: {  	s15 =	sshll.u32 s4, $0x7;
	s4 =	simm.s32 $0x0;
	s5 =	smov.u32 s6  }
.LBB2_20:
0xcb: {  	s0 =	simm.s32 $0x300  }
0xcc: {  	[tilespmem:s23], [sflag:$0x1] =	stream.indirect.gather [spmem:s1], $0x80, s0, s21, $0xb8;
	[tilespmem:$0x1EE00] =	vst v63  }
.LBB2_22:
0xcd: {  	_ =	swait.ge [sflag:s28], $0x4000  }
0xce: {  	[sflag:s28] =	ssyncset.done $0x0  }
0xcf: {  	s0 =	sadd.s32 @!p0 $0x80000007, s13;
	[sflag:s28] =	ssyncadd.s32 $0xFFFFC000  }
0xd0: {  	[spmem:s2] =	stream.indirect.scatter.add.f32 [tilespmem:s30], [sflag:$0x3], $0x80, s3, s21, $0xb8;
	[tilespmem:$0x1EE00] =	vst v63  }
0xd1: {  	p2 =	seq.s32 @!p1 s0, $0x0;
	_ =	swait.ge [sflag:s17], $0x4000  }
0xd2: {  	p0 =	por !p2, p1;
	[sflag:s17] =	ssyncset.done $0x0  }
0xd3: {  	s0 =	simm.s32 @!p0 $0x1;
	[sflag:s17] =	ssyncadd.s32 $0xFFFFC000  }
0xd4: {  	_ =	swait.ge @!p0 [sflag:s0], $0x4000  }
0xd5: {  	p2 =	por p2, p1;
	s7 =	simm.s32 @!p0 $0x700;
	[sflag:s0] =	ssyncset.done @!p0 $0x0  }
0xd6: {  	s13 =	simm.s32 @!p0 $0xA00;
	[sflag:s0] =	ssyncadd.s32 @!p0 $0xFFFFC000;
	s0 =	simm.s32 @!p0 $0x80  }
0xd7: {  	[spmem:s2] =	stream.indirect.scatter.add.f32 @!p0 [tilespmem:s13], [sflag:$0x4], $0x80, s7, s0, $0xb8;
	[tilespmem:$0x1EE00] =	vst v63  }
0xd8: {  	s0 =	simm.s32 @!p2 $0x80;
	s7 =	simm.s32 @!p2 $0x380;
	s13 =	simm.s32 @!p2 $0x4A00  }
0xd9: {  	[tilespmem:s13], [sflag:$0x2] =	stream.indirect.gather @!p2 [spmem:s1], $0x80, s7, s0, $0xb8;
	[tilespmem:$0x1EE00] =	vst v63  }
0xda: {  	s7 =	simm.s32 @!p2 $0x1  }
0xdb: {  	_ =	swait.ge @!p2 [sflag:s7], $0x4000  }
0xdc: {  	[sflag:s7] =	ssyncset.done @!p2 $0x0  }
0xdd: {  	s14 =	simm.s32 @!p2 $0xA00;
	[sflag:s7] =	ssyncadd.s32 @!p2 $0xFFFFC000;
	s7 =	simm.s32 @!p2 $0x700  }
0xde: {  	[spmem:s2] =	stream.indirect.scatter.add.f32 @!p2 [tilespmem:s14], [sflag:$0x4], $0x80, s7, s0, $0xb8;
	[tilespmem:$0x1EE00] =	vst v63  }
0xdf: {  	s7 =	simm.s32 @!p2 $0x4  }
0xe0: {  	_ =	swait.ge @!p2 [sflag:s7], $0x4000  }
0xe1: {  	[sflag:s7] =	ssyncset.done @!p2 $0x0  }
0xe2: {  	[sflag:s7] =	ssyncadd.s32 @!p2 $0xFFFFC000;
	s7 =	simm.s32 @!p2 $0x2  }
0xe3: {  	_ =	swait.ge @!p2 [sflag:s7], $0x4000  }
0xe4: {  	s14 =	simm.s32 @!p0 $0x4;
	[sflag:s7] =	ssyncset.done @!p2 $0x0  }
0xe5: {  	s14 =	simm.s32 @p0 $0x3;
	[sflag:s7] =	ssyncadd.s32 @!p2 $0xFFFFC000;
	s7 =	simm.s32 @!p2 $0x780  }
0xe6: {  	[spmem:s2] =	stream.indirect.scatter.add.f32 @!p2 [tilespmem:s13], [sflag:$0x3], $0x80, s7, s0, $0xb8;
	[tilespmem:$0x1EE00] =	vst v63  }
0xe7: {  	_ =	swait.ge @!p1 [sflag:s14], $0x4000  }
0xe8: {  	[sflag:s14] =	ssyncset.done @!p1 $0x0  }
0xe9: {  	[sflag:s14] =	ssyncadd.s32 @!p1 $0xFFFFC000  }
.LBB2_23:
0xea: {  	s4 =	sadd.s32 $0x8, s4  }
0xeb: {  	p0 =	sne.s32 s4, $0x28  }
.Ltmp15:
0xec: {  	_ = 	snop;
	(pc) =	sbr.rel @!p0 .LBB2_24-.Ltmp15, $2  }
0xed: {  	_ =	sdelay $0x2  }
0xee: {  	s8 =	sadd.s32 $0x80, s8;
	s15 =	sadd.s32 $0x400, s15;
	s5 =	sadd.s32 $0xFFFFFFF8, s5  }
.LBB2_14:
0xef: {  	p0 =	sle.s32 s6, s4  }
0xf0: {  	s0 =	sand.u32 @!p0 $0x1FFFFC00, s15;
	s7 =	simm.s32 @!p0 $0x80  }
0xf1: {  	s13 =	simm.s32 @!p0 $0x400;
	s14 =	simm.s32 @!p0 $0x0;
	s0 =	sadd.s32 @!p0 s0, s11  }
0xf2: {  	[tilespmem:s14], [sflag:$0x3] =	stream.strided.gather @!p0 [hbm4b:s0+s7], $0x400, s13, s7, $0x38;
	[tilespmem:$0x1EE00] =	vst v63  }
0xf3: {  	s0 =	simm.s32 @!p0 $0x3  }
0xf4: {  	_ =	swait.ge @!p0 [sflag:s0], $0x400  }
0xf5: {  	[sflag:s0] =	ssyncset.done @!p0 $0x0  }
0xf6: {  	s19 =	sadd.s32 @!p0 s8, s12;
	[sflag:s0] =	ssyncadd.s32 @!p0 $0xFFFFFC00  }
0xf7: {  	[tilespmem:s13], [sflag:$0x3] =	stream.linear.gather @!p0 [hbm4b:s19+s14], $0x400, $0x38;
	[tilespmem:$0x1EE00] =	vst v63  }
0xf8: {  	_ =	swait.ge @!p0 [sflag:s0], $0x400  }
0xf9: {  	p1 =	slt.s32 @!p0 s5, $0x2;
	[sflag:s0] =	ssyncset.done @!p0 $0x0  }
0xfa: {  	p1 =	por p1, p0;
	[sflag:s0] =	ssyncadd.s32 @!p0 $0xFFFFFC00;
	s0 =	simm.s32 @!p0 $0xA00  }
0xfb: {  	[tilespmem:s0], [sflag:$0x1] =	stream.indirect.gather @!p0 [spmem:s1], $0x80, s14, s7, $0xb8;
	[tilespmem:$0x1EE00] =	vst v63  }
0xfc: {  	s25 =	simm.s32 @!p0 $0x1;
	s19 =	simm.s32 @!p1 $0x4A00;
	s14 =	simm.s32 @!p1 $0x80  }
0xfd: {  	[tilespmem:s19], [sflag:$0x2] =	stream.indirect.gather @!p1 [spmem:s1], $0x80, s14, s14, $0xb8;
	[tilespmem:$0x1EE00] =	vst v63  }
0xfe: {  	_ =	swait.ge @!p0 [sflag:s25], $0x4000  }
0xff: {  	[sflag:s25] =	ssyncset.done @!p0 $0x0  }
0x100: {  	p2 =	slt.s32 @!p0 s5, $0x8;
	[sflag:s25] =	ssyncadd.s32 @!p0 $0xFFFFC000  }
0x101: {  	[spmem:s2] =	stream.indirect.scatter.add.f32 @!p0 [tilespmem:s0], [sflag:$0x4], $0x80, s13, s7, $0xb8;
	[tilespmem:$0x1EE00] =	vst v63  }
0x102: {  	p2 =	por !p2, p0;
	s0 =	smov.u32 s5;
	s7 =	simm.s32 @!p0 $0x4  }
0x103: {  	s0 =	simm.s32 @p2 $0x8;
	_ =	swait.ge @!p0 [sflag:s7], $0x4000  }
0x104: {  	[sflag:s7] =	ssyncset.done @!p0 $0x0;
	p2 =	slt.u32 @!p0 s0, $0x3  }
0x105: {  	[sflag:s7] =	ssyncadd.s32 @!p0 $0xFFFFC000;
	p2 =	por p2, p0  }
0x106: {  	s0 =	simm.s32 @!p2 $0x80;
	s7 =	simm.s32 @!p2 $0x100;
	s13 =	simm.s32 @!p2 $0xA00  }
0x107: {  	[tilespmem:s13], [sflag:$0x1] =	stream.indirect.gather @!p2 [spmem:s1], $0x80, s7, s0, $0xb8;
	[tilespmem:$0x1EE00] =	vst v63  }
0x108: {  	s0 =	simm.s32 @!p1 $0x2  }
0x109: {  	_ =	swait.ge @!p1 [sflag:s0], $0x4000  }
0x10a: {  	p2 =	slt.s32 @!p0 s5, $0x3;
	[sflag:s0] =	ssyncset.done @!p1 $0x0  }
0x10b: {  	p2 =	por p0, p2;
	[sflag:s0] =	ssyncadd.s32 @!p1 $0xFFFFC000;
	s0 =	simm.s32 @!p1 $0x480  }
0x10c: {  	[spmem:s2] =	stream.indirect.scatter.add.f32 @!p1 [tilespmem:s19], [sflag:$0x3], $0x80, s0, s14, $0xb8;
	[tilespmem:$0x1EE00] =	vst v63  }
.Ltmp16:
0x10d: {  	_ = 	snop;
	(pc) =	sbr.rel @p2 .LBB2_23-.Ltmp16, $4  }
0x10e: {  	s0 =	simm.s32 @!p1 $0x3  }
0x10f: {  	_ =	swait.ge @!p1 [sflag:s0], $0x4000  }
0x110: {  	[sflag:s0] =	ssyncset.done @!p1 $0x0  }
0x111: {  	[sflag:s0] =	ssyncadd.s32 @!p1 $0xFFFFC000  }
0x112: {  	s13 =	sadd.s32 @!p0 s4, s16  }
0x113: {  	s0 =	sadd.s32 @!p0 $0x80000003, s13  }
0x114: {  	p2 =	seq.s32 s0, $0x0  }
0x115: {  	s0 =	simm.s32 @!p2 $0x80;
	s7 =	simm.s32 @!p2 $0x180;
	s14 =	simm.s32 @!p2 $0x4A00  }
0x116: {  	[tilespmem:s14], [sflag:$0x2] =	stream.indirect.gather @!p2 [spmem:s1], $0x80, s7, s0, $0xb8;
	[tilespmem:$0x1EE00] =	vst v63  }
0x117: {  	_ =	swait.ge [sflag:s20], $0x4000  }
0x118: {  	p1 =	slt.u32 s5, $0x5;
	[sflag:s20] =	ssyncset.done $0x0  }
.Ltmp17:
0x119: {  	[sflag:s20] =	ssyncadd.s32 $0xFFFFC000;
	(pc) =	sbr.rel @p1 .LBB2_17-.Ltmp17, $4  }
0x11a: {  	[spmem:s2] =	stream.indirect.scatter.add.f32 [tilespmem:s23], [sflag:$0x4], $0x80, s22, s21, $0xb8;
	[tilespmem:$0x1EE00] =	vst v63  }
0x11b: {  	_ =	swait.ge [sflag:s24], $0x4000  }
0x11c: {  	[sflag:s24] =	ssyncset.done $0x0  }
0x11d: {  	[sflag:s24] =	ssyncadd.s32 $0xFFFFC000  }
.Ltmp18:
0x11e: {  	(pc) =	sbr.rel .LBB2_18-.Ltmp18, $2  }
0x11f: {  	_ =	sdelay $0x2  }
0x120: {  	[tilespmem:s23], [sflag:$0x1] =	stream.indirect.gather [spmem:s1], $0x80, s26, s21, $0xb8;
	[tilespmem:$0x1EE00] =	vst v63  }
.LBB2_17:
.Ltmp19:
0x121: {  	(pc) =	sbr.rel @p2 .LBB2_23-.Ltmp19, $1  }
0x122: {  	_ =	sdelay $0x3  }
.LBB2_18:
0x123: {  	_ =	swait.ge [sflag:s28], $0x4000  }
0x124: {  	[sflag:s28] =	ssyncset.done $0x0  }
.Ltmp20:
0x125: {  	[sflag:s28] =	ssyncadd.s32 $0xFFFFC000;
	(pc) =	sbr.rel @p1 .LBB2_23-.Ltmp20, $4  }
0x126: {  	[spmem:s2] =	stream.indirect.scatter.add.f32 [tilespmem:s30], [sflag:$0x3], $0x80, s29, s21, $0xb8;
	[tilespmem:$0x1EE00] =	vst v63  }
0x127: {  	_ =	swait.ge [sflag:s17], $0x4000  }
0x128: {  	[sflag:s17] =	ssyncset.done $0x0  }
0x129: {  	[sflag:s17] =	ssyncadd.s32 $0xFFFFC000  }
0x12a: {  	s0 =	sadd.s32 @!p0 $0x80000005, s13  }
0x12b: {  	p2 =	seq.s32 s0, $0x0  }
0x12c: {  	s0 =	simm.s32 @!p2 $0x80;
	s7 =	simm.s32 @!p2 $0x280;
	s14 =	simm.s32 @!p2 $0x4A00  }
0x12d: {  	[tilespmem:s14], [sflag:$0x2] =	stream.indirect.gather @!p2 [spmem:s1], $0x80, s7, s0, $0xb8;
	[tilespmem:$0x1EE00] =	vst v63  }
0x12e: {  	_ =	swait.ge [sflag:s20], $0x4000  }
0x12f: {  	p1 =	slt.u32 s5, $0x7;
	[sflag:s20] =	ssyncset.done $0x0  }
.Ltmp21:
0x130: {  	[sflag:s20] =	ssyncadd.s32 $0xFFFFC000;
	(pc) =	sbr.rel @!p1 .LBB2_20-.Ltmp21, $4  }
0x131: {  	[spmem:s2] =	stream.indirect.scatter.add.f32 [tilespmem:s23], [sflag:$0x4], $0x80, s31, s21, $0xb8;
	[tilespmem:$0x1EE00] =	vst v63  }
0x132: {  	_ =	swait.ge [sflag:s24], $0x4000  }
0x133: {  	[sflag:s24] =	ssyncset.done $0x0  }
0x134: {  	[sflag:s24] =	ssyncadd.s32 $0xFFFFC000  }
.Ltmp22:
0x135: {  	(pc) =	sbr.rel @!p2 .LBB2_22-.Ltmp22, $4  }
.Ltmp23:
0x136: {  	(pc) =	sbr.rel @p2 .LBB2_23-.Ltmp23, $4  }
0x137: {  	_ = 	snop  }
0x138: {  	_ = 	snop  }
0x139: {  	_ = 	snop  }
0x13a: {  	_ = 	snop  }
.LBB2_26:
0x13b: {  	_ =	sfence.sel $0x180000  }
0x13c: {  	[bflag:$0x0] =	sbarrier.arrive $0xFFFF  }
0x13d: {  	_ =	strace $0x90000050  }
0x13e: {  	s0 =	stileid.u32;
	[bflag:$0x2] =	sbarrier.arrive $0xFFFF  }
0x13f: {  	p0 =	sne.s32 s0, $0x0;
	s0 =	rddreg [dreg:$0x4]  }
0x140: {  	s0 =	sadd.s32 @!p0 $0x100000, s0  }
0x141: {  	[sflag:s0] =	ssyncadd.tile.s32 @!p0 $0x1;
	_ =	shalt  }
.Lfunc_end2:
_tile_overlayer_lowered:
.L_overlay_start_2:
0x142: {  	(tag) =	ssettag $0x2  }
0x143: {  	s0 =	rddreg [dreg:$0x0];
	s2 =	stileid.u32  }
0x144: {  	s1 =	rddreg [dreg:$0x1];
	p0 =	sne.s32 s2, $0x0  }
0x145: {  	s3 =	rddreg [dreg:$0x2];
	[bflag:$0x3] =	sbarrier.arrive $0xFFFF;
	s2 =	simm.s32 @!p0 $0x1C03  }
0x146: {  	[timem:s3], [sflag:s2] =	dma.local @!p0 [hbm:s0], s1  }
0x147: {  	s0 =	simm.s32 @!p0 $0x3  }
0x148: {  	_ =	swait.ge @!p0 [sflag:s0], s1  }
0x149: {  	s1 =	ssub.s32 @!p0 $0x0, s1;
	[sflag:s0] =	ssyncset.done @!p0 $0x0  }
0x14a: {  	[sflag:s0] =	ssyncadd.s32 @!p0 s1  }
0x14b: {  	[bflag:$0x3] =	sbarrier.arrive $0xFFFF  }
0x14c: {  	_ =	shalt  }

// kernel: kernel.9.cloned.1.call-start
scs
__scs_entry_jumppad:
0x0: {  	(pc) =	sbr.rel $0x88, $3  }
0x1: {  	(tag) =	ssettag $0x0;
	lr =	simm.s32 $0x1  }
0x2: {  	[smem:$0x3F9B] =	sst lr;
	_ =	strace $0xD0000000  }
0x3: {  	_ = 	snop  }
0x4: {  	_ = 	snop  }
0x5: {  	_ = 	snop  }
0x6: {  	_ = 	snop  }
0x7: {  	_ = 	snop  }
__scs_overlays_trampoline_lowered:
0x8: {  	[smem:$0x3FAA] =	sst s0  }
0x9: {  	[smem:$0x3FAB] =	sst s1  }
0xa: {  	[smem:$0x3FAC] =	sst s2  }
0xb: {  	[smem:$0x3FAD] =	sst s3  }
0xc: {  	[smem:$0x3FAE] =	sst s4  }
0xd: {  	[smem:$0x3FAF] =	sst s5  }
0xe: {  	[smem:$0x3FB0] =	sst s6  }
0xf: {  	[smem:$0x3FB1] =	sst s7  }
0x10: {  	[smem:$0x3FB2] =	sst s8  }
0x11: {  	[smem:$0x3FB3] =	sst s9;
	s0 =	simm.s32 @!p0 $0x0  }
0x12: {  	s1 =	sld [smem:$0x3F99];
	s0 =	simm.s32 @p0 $0x1  }
0x13: {  	[smem:$0x3FB4] =	sst s0;
	s0 =	simm.s32 @!p1 $0x0  }
0x14: {  	s2 =	sld [smem:$0x3F98];
	s0 =	simm.s32 @p1 $0x1  }
0x15: {  	[smem:$0x3FB5] =	sst s0;
	s0 =	simm.s32 @!p2 $0x0  }
0x16: {  	s3 =	sld [smem:$0x3FDB];
	s0 =	simm.s32 @p2 $0x1  }
0x17: {  	s4 =	simm.s32 $0x1BF5;
	[smem:$0x3FB7] =	sst s0  }
0x18: {  	s0 =	sld [smem:$0x3F9A];
	_ =	swait.ge [sflag:s4], $0x0  }
0x19: {  	s7 =	sld [smem:$0x3F9B]  }
0x1a: {  	s8 =	sadd.s32 $0xFFFFE003, lr  }
0x1b: {  	s9 =	sadd.s32 $0xFFFFFEF7, lr;
	s5 =	simm.s32 $0xFFFFFFFF;
	p2 =	slt.u32 s8, $0xFFFFF086  }
0x1c: {  	p1 =	slt.u32 s9, $0xF7A;
	s5 =	simm.s32 @!p2 $0x0  }
0x1d: {  	s5 =	simm.s32 @p1 $0x1;
	p0 =	seq.s32 s7, s2  }
0x1e: {  	s7 =	smul.u32 @!p0 $0xF7A, s2;
	p2 =	seq.s32 @!p0 s5, $0x0  }
0x1f: {  	s9 =	smul.u32 $0xF7A, s1;
	s8 =	simm.s32 @!p0 $0x1BF5;
	p2 =	por !p2, p0  }
0x20: {  	[sflag:s8] =	ssyncset.s32 @!p0 $0xFFFFF086;
	s6 =	sadd.s32 @!p0 s3, s7;
	s7 =	simm.s32 @!p0 $0x108  }
0x21: {  	s3 =	sadd.s32 s3, s9;
	s6 =	sadd.s32 @!p0 $0x88, s6;
	s7 =	simm.s32 @p2 $0x1082  }
0x22: {  	[simem:s7], [sflag:s8] =	dma.local @!p0 [hbm:s6], $0xF7A  }
0x23: {  	s9 =	sor.u32 $0xD0000000, s2;
	s6 =	simm.s32 $0x108;
	_ =	swait.ge @!p0 [sflag:s8], $0x0  }
0x24: {  	s3 =	sadd.s32 $0x88, s3;
	s6 =	simm.s32 @!p1 $0x1082;
	[sflag:s4] =	ssyncset.s32 $0xFFFFF086  }
0x25: {  	[simem:s6], [sflag:s4] =	dma.local [hbm:s3], $0xF7A  }
0x26: {  	[smem:$0x3F9B] =	sst s1;
	(tag) =	ssettag s2;
	_ =	strace s9  }
0x27: {  	s1 =	sld [smem:$0x3FAB]  }
0x28: {  	s2 =	sld [smem:$0x3FAC]  }
0x29: {  	s4 =	sld [smem:$0x3FAE]  }
0x2a: {  	p0 =	seq.s32 s5, $0x0;
	s5 =	sld [smem:$0x3FAF]  }
0x2b: {  	s6 =	sld [smem:$0x3FB0]  }
0x2c: {  	s7 =	sld [smem:$0x3FB1]  }
0x2d: {  	s3 =	simm.s32 $0x108;
	s8 =	sld [smem:$0x3FB2]  }
0x2e: {  	s3 =	simm.s32 @!p0 $0x1082;
	s9 =	sld [smem:$0x3FB3]  }
0x2f: {  	lr =	sadd.s32 s0, s3;
	s0 =	sld [smem:$0x3FAA]  }
0x30: {  	s3 =	sld [smem:$0x3FAD]  }
0x31: {  	[smem:$0x3FB6] =	sst s10  }
0x32: {  	s10 =	sld [smem:$0x3FB4];
	_ =	sdelay $0x3  }
0x33: {  	p0 =	seq.s32 s10, $0x1;
	s10 =	sld [smem:$0x3FB6];
	_ =	sdelay $0x3  }
0x34: {  	[smem:$0x3FB6] =	sst s10  }
0x35: {  	s10 =	sld [smem:$0x3FB5];
	_ =	sdelay $0x3  }
0x36: {  	p1 =	seq.s32 s10, $0x1;
	s10 =	sld [smem:$0x3FB6];
	_ =	sdelay $0x3  }
0x37: {  	[smem:$0x3FB6] =	sst s10  }
0x38: {  	s10 =	sld [smem:$0x3FB7]  }
0x39: {  	_ = 	snop;
	(pc) =	sbr.ind lr, $3  }
0x3a: {  	_ = 	snop  }
0x3b: {  	_ = 	snop  }
0x3c: {  	p2 =	seq.s32 s10, $0x1;
	s10 =	sld [smem:$0x3FB6]  }
0x3d: {  	_ =	shalt  }
0x3e: {  	_ =	shalt  }
0x3f: {  	_ =	shalt  }
0x40: {  	_ =	shalt  }
0x41: {  	_ =	shalt  }
0x42: {  	_ =	shalt  }
0x43: {  	_ =	shalt  }
0x44: {  	_ =	shalt  }
0x45: {  	_ =	shalt  }
0x46: {  	_ =	shalt  }
0x47: {  	_ =	shalt  }
0x48: {  	_ =	shalt  }
0x49: {  	_ =	shalt  }
0x4a: {  	_ =	shalt  }
0x4b: {  	_ =	shalt  }
0x4c: {  	_ =	shalt  }
0x4d: {  	_ =	shalt  }
0x4e: {  	_ =	shalt  }
0x4f: {  	_ =	shalt  }
0x50: {  	_ =	shalt  }
0x51: {  	_ =	shalt  }
0x52: {  	_ =	shalt  }
0x53: {  	_ =	shalt  }
0x54: {  	_ =	shalt  }
0x55: {  	_ =	shalt  }
0x56: {  	_ =	shalt  }
0x57: {  	_ =	shalt  }
0x58: {  	_ =	shalt  }
0x59: {  	_ =	shalt  }
0x5a: {  	_ =	shalt  }
0x5b: {  	_ =	shalt  }
0x5c: {  	_ =	shalt  }
0x5d: {  	_ =	shalt  }
0x5e: {  	_ =	shalt  }
0x5f: {  	_ =	shalt  }
0x60: {  	_ =	shalt  }
0x61: {  	_ =	shalt  }
0x62: {  	_ =	shalt  }
0x63: {  	_ =	shalt  }
0x64: {  	_ =	shalt  }
0x65: {  	_ =	shalt  }
0x66: {  	_ =	shalt  }
0x67: {  	_ =	shalt  }
0x68: {  	_ =	shalt  }
0x69: {  	_ =	shalt  }
0x6a: {  	_ =	shalt  }
0x6b: {  	_ =	shalt  }
0x6c: {  	_ =	shalt  }
0x6d: {  	_ =	shalt  }
0x6e: {  	_ =	shalt  }
0x6f: {  	_ =	shalt  }
0x70: {  	_ =	shalt  }
0x71: {  	_ =	shalt  }
0x72: {  	_ =	shalt  }
0x73: {  	_ =	shalt  }
0x74: {  	_ =	shalt  }
0x75: {  	_ =	shalt  }
0x76: {  	_ =	shalt  }
0x77: {  	_ =	shalt  }
0x78: {  	_ =	shalt  }
0x79: {  	_ =	shalt  }
0x7a: {  	_ =	shalt  }
0x7b: {  	_ =	shalt  }
0x7c: {  	_ =	shalt  }
0x7d: {  	_ =	shalt  }
0x7e: {  	_ =	shalt  }
0x7f: {  	_ =	shalt  }
0x80: {  	_ =	shalt  }
0x81: {  	_ =	shalt  }
0x82: {  	_ =	shalt  }
0x83: {  	_ =	shalt  }
0x84: {  	_ =	shalt  }
0x85: {  	_ =	shalt  }
0x86: {  	_ =	shalt  }
0x87: {  	_ =	shalt  }
.Lfunc_end0:
.L_simem_size_0:
called_computation_lowered:
.L_overlay_start_0:
0x88: {  	s2 =	sld [smem:$0x3FD9]  }
0x89: {  	s3 =	sld [smem:$0x3FFE];
	_ =	sdelay $0x1  }
0x8a: {  	s1 =	srdreg.scid  }
0x8b: {  	s0 =	sand.u32 $0x1, s1  }
0x8c: {  	s16 =	sshll.u32 s0, $0xA;
	s2 =	sadd.s32 s3, s2  }
0x8d: {  	s2 =	sadd.s32 s2, s16  }
0x8e: {  	[smem:$0x3FC2] =	sst s2  }
0x8f: {  	_ = 	snop  }
0x90: {  	(tm) =	ssettm $0x1  }
0x91: {  	s17 =	sld [smem:$0x3FFB];
	_ =	sdelay $0x3  }
0x92: {  	_ =	strace s17  }
0x93: {  	s2 =	sld [smem:$0x3FFC];
	_ =	sdelay $0x3  }
0x94: {  	_ =	strace s2  }
0x95: {  	s2 =	sld [smem:$0x3FFD];
	_ =	sdelay $0x3  }
0x96: {  	_ =	strace s2  }
0x97: {  	_ =	strace $0x8FFFFFFF  }
0x98: {  	s18 =	sld [smem:$0x3FDB];
	_ =	sdelay $0x1  }
0x99: {  	s19 =	simm.s32 $_scs_section_size  }
0x9a: {  	s4 =	simm.s32 $_size__tile_overlayer_lowered;
	s5 =	simm.s32 $_tile_overlayer_lowered  }
0x9b: {  	s22 =	simm.s32 $0x1BFF;
	s21 =	sshll.u32 s5, $0x1;
	s2 =	sadd.s32 s19, s18  }
0x9c: {  	s6 =	simm.s32 $0x0;
	s20 =	sshll.u32 s4, $0x1;
	s4 =	sadd.s32 s21, s2  }
0x9d: {  	[timem:s6], [sflag:s22] =	dma.local [hbm:s4], s20  }
0x9e: {  	_ =	swait.ge [sflag:s22], s20  }
0x9f: {  	s3 =	ssub.s32 $0x0, s20;
	[sflag:s22] =	ssyncset.done $0x0  }
0xa0: {  	[sflag:s22] =	ssyncadd.s32 s3;
	_ =	sdelay $0x1  }
0xa1: {  	s23 =	simm.s32 $0x1B8B  }
0xa2: {  	_ =	swait.ge [sflag:s23], $0x1  }
0xa3: {  	[sflag:s23] =	ssyncset.done $0x0  }
0xa4: {  	s25 =	simm.s32 $0x1B8E;
	s24 =	sld [smem:$0x3FFE];
	[sflag:s23] =	ssyncadd.s32 $0xFFFFFFFF  }
0xa5: {  	s26 =	simm.s32 $execute0_lowered;
	[smem:$0x3FD2] =	sst s25  }
0xa6: {  	s4 =	sshll.u32 s26, $0x1;
	_ =	strace $0x80000046;
	[dreg:$0x1] =	wrdreg $0xFFFFFFFF  }
0xa7: {  	s28 =	simm.s32 $_size_execute0_lowered;
	s2 =	sadd.s32 s2, s4;
	[dreg:$0x0] =	wrdreg $0x0  }
0xa8: {  	s4 =	sshll.u32 s28, $0x1;
	[dreg:$0x2] =	wrdreg s2  }
0xa9: {  	[dreg:$0x3] =	wrdreg s4  }
0xaa: {  	[dreg:$0x4] =	wrdreg $0xC0  }
0xab: {  	_ =	task [dreg:s6], $0x5FFFF  }
0xac: {  	[dreg:$0x1] =	wrdreg $0xFFFFFFFF  }
0xad: {  	[dreg:$0x0] =	wrdreg $0x60  }
0xae: {  	[dreg:$0x2] =	wrdreg s24  }
0xaf: {  	[dreg:$0x3] =	wrdreg $0x54000  }
0xb0: {  	[dreg:$0x4] =	wrdreg $0x9  }
0xb1: {  	_ =	task.clear_ibuf [dreg:s6], $0x5FFFF;
	_ =	strace $0x90000046  }
0xb2: {  	s29 =	simm.s32 $0x9;
	_ =	strace $0x80000048  }
0xb3: {  	_ =	swait.ge [sflag:s29], $0x1  }
0xb4: {  	[sflag:s29] =	ssyncadd.s32 $0xFFFFFFFF  }
0xb5: {  	_ =	strace $0x90000048  }
0xb6: {  	_ =	sfence  }
0xb7: {  	s30 =	sld [smem:$0x0];
	_ =	sdelay $0x2  }
0xb8: {  	s31 =	sshll.u32 s1, $0xD;
	s1 =	sshrl.u32 s1, $0x2  }
0xb9: {  	s3 =	sand.u32 $0x4000, s31;
	s1 =	sadd.s32 s1, s30  }
0xba: {  	s0 =	sor.u32 s3, s0;
	s1 =	sshll.u32 s1, $0x11  }
0xbb: {  	s0 =	sor.u32 s1, s0  }
0xbc: {  	s0 =	sadd.s32 $0x8F2B, s0  }
0xbd: {  	[sflag:s0] =	ssyncadd.remote.s32 $0x1  }
0xbe: {  	_ =	sfence.sel $0xFFFF  }
0xbf: {  	[dreg:$0x0] =	wrdreg $0xFFFFFFFF;
	(pc) =	sbr.abs _section_cstart, $3  }
0xc0: {  	[dreg:$0x1] =	wrdreg $0xFFFFFFFF  }
0xc1: {  	_ =	task.clear_ibuf [dreg:s6], $0x2FFFF;
	_ =	strace $0x9FFFFFFF  }
0xc2: {  	(tm) =	ssettm $0x7FFFFFFF  }
0xc3: {  	_ =	shalt  }
tec
execute0_lowered:
.L_overlay_start_1:
0x0: {  	(tag) =	ssettag $0x1  }
0x1: {  	s0 =	srdreg.scid  }
0x2: {  	s1 =	rddreg [dreg:$0x0];
	s10 =	stileid.u32  }
0x3: {  	s2 =	rddreg [dreg:$0x1];
	s11 =	simm.s32 $0x1400;
	s12 =	simm.s32 $0x80  }
0x4: {  	s16 =	simm.s32 $0xC00;
	s17 =	simm.s32 $0xC80;
	s18 =	simm.s32 $0xD00  }
0x5: {  	s19 =	simm.s32 $0xD80;
	s20 =	simm.s32 $0xE00;
	s21 =	simm.s32 $0xE80  }
0x6: {  	s22 =	simm.s32 $0xF00;
	s23 =	simm.s32 $0xF80;
	s28 =	simm.s32 $0x1100  }
0x7: {  	s29 =	simm.s32 $0x1180;
	s30 =	simm.s32 $0x1200;
	s31 =	simm.s32 $0x1280  }
0x8: {  	s14 =	simm.s32 $0x0;
	s0 =	sand.u32 $0x1, s0;
	s8 =	smul.u32 $0x50000, s10  }
0x9: {  	s5 =	sadd.s32 $0x8E00, s1;
	s26 =	sshll.u32 s10, $0x6;
	s13 =	smul.u32 $0x2800, s10  }
0xa: {  	s3 =	sshll.u32 s0, $0x4;
	s6 =	smul.u32 $0x28000, s0;
	s0 =	ssub.s32 $0x2, s0  }
0xb: {  	s4 =	sor.u32 s10, s3;
	s3 =	simm.s32 $0x0;
	s24 =	sshrl.u32 s0, $0x1  }
0xc: {  	s25 =	sshrl.u32 s8, $0x2;
	s10 =	simm.s32 $0x2;
	s4 =	smul.u32 $0x280, s4  }
0xd: {  	[smem:$0x7FF] =	sst s3;
	s0 =	ssub.s32 s0, s24;
	s9 =	sadd.s32 s25, s2  }
0xe: {  	s25 =	simm.s32 $0x1000;
	_ =	strace $0x80000047;
	s8 =	smax.u32 s0, $0x1  }
0xf: {  	s9 =	sshrl.u32 s9, $0x3;
	s0 =	simm.s32 $0x1380;
	s7 =	sadd.s32 s4, s1  }
0x10: {  	s4 =	sadd.s32 $0x8600, s1;
	s1 =	sadd.s32 s6, s1;
	s6 =	sor.u32 $0x1C02, s26  }
0x11: {  	s26 =	simm.s32 $0x1080;
	s7 =	sadd.s32 $0x3600, s7;
	s1 =	sadd.s32 $0xB600, s1  }
0x12: {  	s24 =	sadd.s32 s13, s1;
	s1 =	simm.s32 $0x1300;
	s13 =	simm.s32 $0x1  }
.LBB2_1:
0x13: {  	[spmem:s9], [sflag:s6] =	dma.local [hbm:s5], $0x2800  }
0x14: {  	_ =	swait.ge [sflag:s10], $0x2800  }
0x15: {  	[sflag:s10] =	ssyncset.done $0x0  }
0x16: {  	[sflag:s10] =	ssyncadd.s32 $0xFFFFD800  }
0x17: {  	[tilespmem:s11], [sflag:$0x2] =	stream.linear.gather [hbm4b:s4+s3], $0x4000, $0x38;
	[tilespmem:$0x19400] =	vst v63  }
0x18: {  	_ =	swait.ge [sflag:s10], $0x4000  }
0x19: {  	[sflag:s10] =	ssyncset.done $0x0  }
0x1a: {  	[sflag:s10] =	ssyncadd.s32 $0xFFFFC000  }
0x1b: {  	[tilespmem:s3], [sflag:$0x2] =	stream.linear.gather [hbm4b:s7+s3], $0x1400, $0x38;
	[tilespmem:$0x19400] =	vst v63  }
0x1c: {  	_ =	swait.ge [sflag:s10], $0x1400  }
0x1d: {  	[sflag:s10] =	ssyncset.done $0x0  }
0x1e: {  	[sflag:s10] =	ssyncadd.s32 $0xFFFFEC00  }
0x1f: {  	[bflag:$0x0] =	sbarrier.arrive $0xFFFF  }
0x20: {  	[spmem:s2] =	stream.indirect.scatter.add.f32 [tilespmem:s11], [sflag:$0x1], $0x80, s3, s12, $0xb8;
	[tilespmem:$0x19400] =	vst v63  }
0x21: {  	_ = 	snop  }
0x22: {  	[spmem:s2] =	stream.indirect.scatter.add.f32 [tilespmem:s11], [sflag:$0x1], $0x80, s12, s12, $0xb8;
	[tilespmem:$0x19400] =	vst v63  }
0x23: {  	s15 =	simm.s32 $0x100  }
0x24: {  	[spmem:s2] =	stream.indirect.scatter.add.f32 [tilespmem:s11], [sflag:$0x1], $0x80, s15, s12, $0xb8;
	[tilespmem:$0x19400] =	vst v63  }
0x25: {  	s15 =	simm.s32 $0x180  }
0x26: {  	[spmem:s2] =	stream.indirect.scatter.add.f32 [tilespmem:s11], [sflag:$0x1], $0x80, s15, s12, $0xb8;
	[tilespmem:$0x19400] =	vst v63  }
0x27: {  	s15 =	simm.s32 $0x200  }
0x28: {  	[spmem:s2] =	stream.indirect.scatter.add.f32 [tilespmem:s11], [sflag:$0x1], $0x80, s15, s12, $0xb8;
	[tilespmem:$0x19400] =	vst v63  }
0x29: {  	s15 =	simm.s32 $0x280  }
0x2a: {  	[spmem:s2] =	stream.indirect.scatter.add.f32 [tilespmem:s11], [sflag:$0x1], $0x80, s15, s12, $0xb8;
	[tilespmem:$0x19400] =	vst v63  }
0x2b: {  	s15 =	simm.s32 $0x300  }
0x2c: {  	[spmem:s2] =	stream.indirect.scatter.add.f32 [tilespmem:s11], [sflag:$0x1], $0x80, s15, s12, $0xb8;
	[tilespmem:$0x19400] =	vst v63  }
0x2d: {  	s15 =	simm.s32 $0x380  }
0x2e: {  	[spmem:s2] =	stream.indirect.scatter.add.f32 [tilespmem:s11], [sflag:$0x1], $0x80, s15, s12, $0xb8;
	[tilespmem:$0x19400] =	vst v63  }
0x2f: {  	s15 =	simm.s32 $0x400  }
0x30: {  	[spmem:s2] =	stream.indirect.scatter.add.f32 [tilespmem:s11], [sflag:$0x1], $0x80, s15, s12, $0xb8;
	[tilespmem:$0x19400] =	vst v63  }
0x31: {  	s15 =	simm.s32 $0x480  }
0x32: {  	[spmem:s2] =	stream.indirect.scatter.add.f32 [tilespmem:s11], [sflag:$0x1], $0x80, s15, s12, $0xb8;
	[tilespmem:$0x19400] =	vst v63  }
0x33: {  	s15 =	simm.s32 $0x500  }
0x34: {  	[spmem:s2] =	stream.indirect.scatter.add.f32 [tilespmem:s11], [sflag:$0x1], $0x80, s15, s12, $0xb8;
	[tilespmem:$0x19400] =	vst v63  }
0x35: {  	s15 =	simm.s32 $0x580  }
0x36: {  	[spmem:s2] =	stream.indirect.scatter.add.f32 [tilespmem:s11], [sflag:$0x1], $0x80, s15, s12, $0xb8;
	[tilespmem:$0x19400] =	vst v63  }
0x37: {  	s15 =	simm.s32 $0x600  }
0x38: {  	[spmem:s2] =	stream.indirect.scatter.add.f32 [tilespmem:s11], [sflag:$0x1], $0x80, s15, s12, $0xb8;
	[tilespmem:$0x19400] =	vst v63  }
0x39: {  	s15 =	simm.s32 $0x680  }
0x3a: {  	[spmem:s2] =	stream.indirect.scatter.add.f32 [tilespmem:s11], [sflag:$0x1], $0x80, s15, s12, $0xb8;
	[tilespmem:$0x19400] =	vst v63  }
0x3b: {  	s15 =	simm.s32 $0x700  }
0x3c: {  	[spmem:s2] =	stream.indirect.scatter.add.f32 [tilespmem:s11], [sflag:$0x1], $0x80, s15, s12, $0xb8;
	[tilespmem:$0x19400] =	vst v63  }
0x3d: {  	s15 =	simm.s32 $0x780  }
0x3e: {  	[spmem:s2] =	stream.indirect.scatter.add.f32 [tilespmem:s11], [sflag:$0x1], $0x80, s15, s12, $0xb8;
	[tilespmem:$0x19400] =	vst v63  }
0x3f: {  	s15 =	simm.s32 $0x800  }
0x40: {  	[spmem:s2] =	stream.indirect.scatter.add.f32 [tilespmem:s11], [sflag:$0x1], $0x80, s15, s12, $0xb8;
	[tilespmem:$0x19400] =	vst v63  }
0x41: {  	s15 =	simm.s32 $0x880  }
0x42: {  	[spmem:s2] =	stream.indirect.scatter.add.f32 [tilespmem:s11], [sflag:$0x1], $0x80, s15, s12, $0xb8;
	[tilespmem:$0x19400] =	vst v63  }
0x43: {  	s15 =	simm.s32 $0x900  }
0x44: {  	[spmem:s2] =	stream.indirect.scatter.add.f32 [tilespmem:s11], [sflag:$0x1], $0x80, s15, s12, $0xb8;
	[tilespmem:$0x19400] =	vst v63  }
0x45: {  	s15 =	simm.s32 $0x980  }
0x46: {  	[spmem:s2] =	stream.indirect.scatter.add.f32 [tilespmem:s11], [sflag:$0x1], $0x80, s15, s12, $0xb8;
	[tilespmem:$0x19400] =	vst v63  }
0x47: {  	s15 =	simm.s32 $0xA00  }
0x48: {  	[spmem:s2] =	stream.indirect.scatter.add.f32 [tilespmem:s11], [sflag:$0x1], $0x80, s15, s12, $0xb8;
	[tilespmem:$0x19400] =	vst v63  }
0x49: {  	s15 =	simm.s32 $0xA80  }
0x4a: {  	[spmem:s2] =	stream.indirect.scatter.add.f32 [tilespmem:s11], [sflag:$0x1], $0x80, s15, s12, $0xb8;
	[tilespmem:$0x19400] =	vst v63  }
0x4b: {  	s15 =	simm.s32 $0xB00  }
0x4c: {  	[spmem:s2] =	stream.indirect.scatter.add.f32 [tilespmem:s11], [sflag:$0x1], $0x80, s15, s12, $0xb8;
	[tilespmem:$0x19400] =	vst v63  }
0x4d: {  	s15 =	simm.s32 $0xB80  }
0x4e: {  	[spmem:s2] =	stream.indirect.scatter.add.f32 [tilespmem:s11], [sflag:$0x1], $0x80, s15, s12, $0xb8;
	[tilespmem:$0x19400] =	vst v63  }
0x4f: {  	_ = 	snop  }
0x50: {  	[spmem:s2] =	stream.indirect.scatter.add.f32 [tilespmem:s11], [sflag:$0x1], $0x80, s16, s12, $0xb8;
	[tilespmem:$0x19400] =	vst v63  }
0x51: {  	_ = 	snop  }
0x52: {  	[spmem:s2] =	stream.indirect.scatter.add.f32 [tilespmem:s11], [sflag:$0x1], $0x80, s17, s12, $0xb8;
	[tilespmem:$0x19400] =	vst v63  }
0x53: {  	_ = 	snop  }
0x54: {  	[spmem:s2] =	stream.indirect.scatter.add.f32 [tilespmem:s11], [sflag:$0x1], $0x80, s18, s12, $0xb8;
	[tilespmem:$0x19400] =	vst v63  }
0x55: {  	_ = 	snop  }
0x56: {  	[spmem:s2] =	stream.indirect.scatter.add.f32 [tilespmem:s11], [sflag:$0x1], $0x80, s19, s12, $0xb8;
	[tilespmem:$0x19400] =	vst v63  }
0x57: {  	_ = 	snop  }
0x58: {  	[spmem:s2] =	stream.indirect.scatter.add.f32 [tilespmem:s11], [sflag:$0x1], $0x80, s20, s12, $0xb8;
	[tilespmem:$0x19400] =	vst v63  }
0x59: {  	_ = 	snop  }
0x5a: {  	[spmem:s2] =	stream.indirect.scatter.add.f32 [tilespmem:s11], [sflag:$0x1], $0x80, s21, s12, $0xb8;
	[tilespmem:$0x19400] =	vst v63  }
0x5b: {  	_ = 	snop  }
0x5c: {  	[spmem:s2] =	stream.indirect.scatter.add.f32 [tilespmem:s11], [sflag:$0x1], $0x80, s22, s12, $0xb8;
	[tilespmem:$0x19400] =	vst v63  }
0x5d: {  	_ = 	snop  }
0x5e: {  	[spmem:s2] =	stream.indirect.scatter.add.f32 [tilespmem:s11], [sflag:$0x1], $0x80, s23, s12, $0xb8;
	[tilespmem:$0x19400] =	vst v63  }
0x5f: {  	_ = 	snop  }
0x60: {  	[spmem:s2] =	stream.indirect.scatter.add.f32 [tilespmem:s11], [sflag:$0x1], $0x80, s25, s12, $0xb8;
	[tilespmem:$0x19400] =	vst v63  }
0x61: {  	_ = 	snop  }
0x62: {  	[spmem:s2] =	stream.indirect.scatter.add.f32 [tilespmem:s11], [sflag:$0x1], $0x80, s26, s12, $0xb8;
	[tilespmem:$0x19400] =	vst v63  }
0x63: {  	_ = 	snop  }
0x64: {  	[spmem:s2] =	stream.indirect.scatter.add.f32 [tilespmem:s11], [sflag:$0x1], $0x80, s28, s12, $0xb8;
	[tilespmem:$0x19400] =	vst v63  }
0x65: {  	_ = 	snop  }
0x66: {  	[spmem:s2] =	stream.indirect.scatter.add.f32 [tilespmem:s11], [sflag:$0x1], $0x80, s29, s12, $0xb8;
	[tilespmem:$0x19400] =	vst v63  }
0x67: {  	_ = 	snop  }
0x68: {  	[spmem:s2] =	stream.indirect.scatter.add.f32 [tilespmem:s11], [sflag:$0x1], $0x80, s30, s12, $0xb8;
	[tilespmem:$0x19400] =	vst v63  }
0x69: {  	_ = 	snop  }
0x6a: {  	[spmem:s2] =	stream.indirect.scatter.add.f32 [tilespmem:s11], [sflag:$0x1], $0x80, s31, s12, $0xb8;
	[tilespmem:$0x19400] =	vst v63  }
0x6b: {  	_ = 	snop  }
0x6c: {  	[spmem:s2] =	stream.indirect.scatter.add.f32 [tilespmem:s11], [sflag:$0x1], $0x80, s1, s12, $0xb8;
	[tilespmem:$0x19400] =	vst v63  }
0x6d: {  	_ = 	snop  }
0x6e: {  	[spmem:s2] =	stream.indirect.scatter.add.f32 [tilespmem:s11], [sflag:$0x1], $0x80, s0, s12, $0xb8;
	[tilespmem:$0x19400] =	vst v63  }
0x6f: {  	_ =	swait.ge [sflag:s13], $0x4000  }
0x70: {  	s15 =	simm.s32 $0x27;
	[sflag:s13] =	ssyncset.done $0x0  }
.LBB2_2:
0x71: {  	p0 =	sne.s32 s15, $0x1;
	s15 =	sadd.s32 $0xFFFFFFFF, s15;
	[sflag:s13] =	ssyncadd.s32 $0xFFFFC000  }
.Ltmp0:
0x72: {  	(pc) =	sbr.rel @p0 .LBB2_2-.Ltmp0, $3  }
0x73: {  	_ =	sdelay $0x1  }
0x74: {  	_ =	swait.ge [sflag:s13], $0x4000  }
0x75: {  	[sflag:s13] =	ssyncset.done $0x0  }
0x76: {  	s14 =	sadd.s32 $0x1, s14  }
0x77: {  	[sflag:s13] =	ssyncadd.s32 $0xFFFFC000;
	p0 =	sne.s32 s14, s8  }
.Ltmp1:
0x78: {  	[bflag:$0x0] =	sbarrier.arrive $0xFFFF;
	(pc) =	sbr.rel @p0 .LBB2_1-.Ltmp1, $4  }
0x79: {  	[hbm:s24], [sflag:s6] =	dma.local [spmem:s9], $0x2800  }
0x7a: {  	_ =	swait.ge [sflag:s10], $0x2800  }
0x7b: {  	[sflag:s10] =	ssyncset.done $0x0  }
0x7c: {  	[sflag:s10] =	ssyncadd.s32 $0xFFFFD800  }
0x7d: {  	_ =	sfence.sel $0x180000  }
0x7e: {  	[bflag:$0x0] =	sbarrier.arrive $0xFFFF  }
0x7f: {  	_ =	strace $0x90000047  }
0x80: {  	s0 =	stileid.u32;
	[bflag:$0x2] =	sbarrier.arrive $0xFFFF  }
0x81: {  	p0 =	sne.s32 s0, $0x0;
	s0 =	rddreg [dreg:$0x2]  }
0x82: {  	s0 =	sadd.s32 @!p0 $0x100000, s0  }
0x83: {  	[sflag:s0] =	ssyncadd.tile.s32 @!p0 $0x1;
	_ =	shalt  }
.Lfunc_end2:
_tile_overlayer_lowered:
.L_overlay_start_2:
0x84: {  	(tag) =	ssettag $0x2  }
0x85: {  	s0 =	rddreg [dreg:$0x0];
	s2 =	stileid.u32  }
0x86: {  	s1 =	rddreg [dreg:$0x1];
	p0 =	sne.s32 s2, $0x0  }
0x87: {  	s3 =	rddreg [dreg:$0x2];
	[bflag:$0x3] =	sbarrier.arrive $0xFFFF;
	s2 =	simm.s32 @!p0 $0x1C02  }
0x88: {  	[timem:s3], [sflag:s2] =	dma.local @!p0 [hbm:s0], s1  }
0x89: {  	s0 =	simm.s32 @!p0 $0x2  }
0x8a: {  	_ =	swait.ge @!p0 [sflag:s0], s1  }
0x8b: {  	s1 =	ssub.s32 @!p0 $0x0, s1;
	[sflag:s0] =	ssyncset.done @!p0 $0x0  }
0x8c: {  	[sflag:s0] =	ssyncadd.s32 @!p0 s1  }
0x8d: {  	[bflag:$0x3] =	sbarrier.arrive $0xFFFF  }
0x8e: {  	_ =	shalt  }

</sc_bundles>
